<compile_context>
chip_gen: v7x
topology: tpu7x:2x2x1
jax: 0.10.2.dev20260603
libtpu: 0.0.44.dev20260713+nightly
codegen_flags: <defaults>
</compile_context>

<pallas_src>
import functools

import jax
import jax.numpy as jnp
from jax import lax
from jax.experimental import pallas as pl
from jax.experimental.pallas import tpu as pltpu
from jax.experimental.pallas import tpu_sc as plsc

B, T, C = 32, 32768, 64
L = 16
G = C // L
TT = 1024
TT1 = TT + 1
NT = T // TT
NCH = G * NT
SUBV = 64
NSUB = TT // SUBV
NEG = float("-inf")


def _tree_max(vs):
    while len(vs) > 1:
        nxt = [jnp.maximum(vs[2 * i], vs[2 * i + 1]) for i in range(len(vs) // 2)]
        if len(vs) % 2:
            nxt.append(vs[-1])
        vs = nxt
    return vs[0]


def _build():
    mesh = plsc.VectorSubcoreMesh(core_axis_name="c", subcore_axis_name="s")
    nc = mesh.num_cores

    @functools.partial(
        pl.kernel,
        out_type=jax.ShapeDtypeStruct((B, C), jnp.float32),
        mesh=mesh,
        compiler_params=pltpu.CompilerParams(needs_layout_passes=False),
        scratch_types=[
            pltpu.VMEM((2, L, TT1), jnp.float32),
            pltpu.VMEM((5, L), jnp.float32),
            pltpu.VMEM((C,), jnp.float32),
            pltpu.SemaphoreType.DMA,
            pltpu.SemaphoreType.DMA,
        ],
    )
    def k(xt_hbm, out_hbm, buf, state, outbuf, sem0, sem1):
        b = lax.axis_index("s") * nc + lax.axis_index("c")
        sems = (sem0, sem1)
        riota = lax.iota(jnp.int32, L)

        def start(ci, which):
            cg = lax.shift_right_logical(ci, 5)
            t0 = (ci & 31) * TT
            pltpu.async_copy(
                xt_hbm.at[b, pl.ds(cg * L, L), pl.ds(t0, TT)],
                buf.at[which, :, pl.ds(0, TT)], sems[which])

        def wait(which):
            pltpu.make_async_copy(
                xt_hbm.at[b, pl.ds(0, L), pl.ds(0, TT)],
                buf.at[which, :, pl.ds(0, TT)], sems[which]).wait()

        def reset_state():
            for i in range(5):
                state[i] = jnp.full((L,), NEG, jnp.float32)

        def process(which):
            whichv = jnp.full((L,), which, jnp.int32)

            def gather(colv, kk):
                return plsc.load_gather(buf, [whichv, riota, colv + kk])

            def sub_body(s, carry):
                col0 = s * SUBV
                colv = jnp.full((L,), col0, jnp.int32)
                thr = state[4]
                masks = []
                for j in range(4):
                    m16 = _tree_max(
                        [gather(colv, j * 16 + kk) for kk in range(16)])
                    masks.append(m16 > thr)
                any4 = (masks[0] | masks[1]) | (masks[2] | masks[3])
                cnt = plsc.all_reduce_population_count(any4)

                @pl.when(cnt[0] > 0)
                def _():
                    for j in range(4):
                        cj = plsc.all_reduce_population_count(masks[j])

                        @pl.when(cj[0] > 0)
                        def _():
                            m = [state[i] for i in range(5)]
                            for kk in range(16):
                                v = gather(colv, j * 16 + kk)
                                for i in range(5):
                                    hi = jnp.maximum(m[i], v)
                                    v = jnp.minimum(m[i], v)
                                    m[i] = hi
                            for i in range(5):
                                state[i] = m[i]
                return carry

            lax.fori_loop(0, NSUB, sub_body, 0)

        def finalize(ci):
            cg = lax.shift_right_logical(ci, 5)
            acc = state[0]
            for i in range(1, 5):
                acc = acc + state[i]
            outbuf[pl.ds(cg * L, L)] = acc * jnp.float32(0.2)

        def handle(which, ci):
            @pl.when((ci & 31) == 0)
            def _():
                reset_state()

            wait(which)
            process(which)

            @pl.when((ci & 31) == 31)
            def _():
                finalize(ci)

        start(0, 0)

        def pair(p, carry):
            ci0 = 2 * p
            start(ci0 + 1, 1)
            handle(0, ci0)

            @pl.when(ci0 + 2 < NCH)
            def _():
                start(ci0 + 2, 0)

            handle(1, ci0 + 1)
            return carry

        lax.fori_loop(0, NCH // 2, pair, 0)

        pltpu.sync_copy(outbuf, out_hbm.at[b])

    return k


def kernel(inputs):
    xt = jnp.transpose(inputs, (0, 2, 1))
    return _build()(xt)

# --- scband reference (transcript-rebuilt; emitter-appended) ---
"""Pipeline reference for scband-trimmed-average-pool-33895881900216 (READ-ONLY COPY).

The authoritative reference and input builder live on the scoring server;
editing this copy changes nothing except your own understanding.
"""

import jax, jax.numpy as jnp
import numpy as np


def setup_inputs(seed: int = 0) -> dict:
    key = jax.random.key(seed)
    inputs = jax.random.normal(key, (32, 32768, 64), dtype=jnp.float32)
    return {"inputs": inputs}


def reference(inputs):
    # TrimmedAveragePool: transpose (B,T,C)->(B,C,T), top_k(k=5) over T, mean over k
    x = jnp.transpose(inputs, (0, 2, 1))
    top_vals = jax.lax.top_k(x, 5)[0]
    P = jnp.mean(top_vals, axis=-1)
    return P

if __name__ == "__main__":
    import jax
    _d = setup_inputs()
    print(jax.jit(kernel)(*tuple(_d.values())))

</pallas_src>

<mosaic_0001>
#map = affine_map<(d0, d1) -> (0, 0, 0)>
#map1 = affine_map<(d0, d1) -> (0, 0)>
module attributes {stable_mosaic.version = 14 : i64} {
  func.func @k(%arg0: i32, %arg1: i32, %arg2: memref<32x64x32768xf32, #tpu.memory_space<hbm>>, %arg3: memref<32x64xf32, #tpu.memory_space<hbm>>, %arg4: memref<2x16x1025xf32, #tpu.memory_space<vmem>>, %arg5: memref<5x16xf32, #tpu.memory_space<vmem>>, %arg6: memref<64xf32, #tpu.memory_space<vmem>>, %arg7: memref<!tpu.dma_semaphore, #tpu.memory_space<semaphore_mem>>, %arg8: memref<!tpu.dma_semaphore, #tpu.memory_space<semaphore_mem>>) attributes {dimension_semantics = [#tpu.dimension_semantics<core_parallel>, #tpu.dimension_semantics<subcore_parallel>], iteration_bounds = array<i64: 2, 16>, scalar_prefetch = 0 : i64, scratch_operands = 5 : i64, tpu.core_type = #tpu.core_type<sc_vector_subcore>, window_params = [{transform_indices = #map}, {transform_indices = #map1}]} {
    %mul3A = arith.constant 2 : i32
    %mul3A_0 = arith.muli %arg1, %mul3A : i32
    %add3A = arith.addi %mul3A_0, %arg0 : i32
    %iota3A = tpu.iota {dimensions = array<i32: 0>} : vector<16xi32>
    %shift_right_logical3A = arith.constant 0 : i32
    %shift_right_logical3A_1 = arith.constant 5 : i32
    %shift_right_logical3A_2 = arith.shrui %shift_right_logical3A, %shift_right_logical3A_1 : i32
    %mul3A_3 = arith.constant 16 : i32
    %mul3A_4 = arith.muli %shift_right_logical3A_2, %mul3A_3 : i32
    %dma_start3A = arith.constant 0 : i32
    %dma_start3A_5 = arith.constant 0 : i32
    %dma_start3A_6 = arith.constant 0 : i32
    %dma_start3A_7 = tpu.memref_slice %arg4[%dma_start3A, %dma_start3A_5, %dma_start3A_6] : memref<2x16x1025xf32, #tpu.memory_space<vmem>> -> memref<1x16x1024xf32, #tpu.memory_space<vmem>>
    %dma_start3A_8 = tpu.memref_squeeze %dma_start3A_7 : memref<1x16x1024xf32, #tpu.memory_space<vmem>> -> memref<16x1024xf32, #tpu.memory_space<vmem>>
    %dma_start3A_9 = arith.constant 0 : i32
    %dma_start3A_10 = tpu.memref_slice %arg2[%add3A, %mul3A_4, %dma_start3A_9] : memref<32x64x32768xf32, #tpu.memory_space<hbm>> -> memref<1x16x1024xf32, #tpu.memory_space<hbm>>
    %dma_start3A_11 = tpu.memref_squeeze %dma_start3A_10 : memref<1x16x1024xf32, #tpu.memory_space<hbm>> -> memref<16x1024xf32, #tpu.memory_space<hbm>>
    %dma_start3A_12 = arith.constant 0 : i32
    %dma_start3A_13 = arith.constant 0 : i32
    %dma_start3A_14 = tpu.memref_slice %arg4[%dma_start3A, %dma_start3A_12, %dma_start3A_13] : memref<2x16x1025xf32, #tpu.memory_space<vmem>> -> memref<1x16x1024xf32, #tpu.memory_space<vmem>>
    %dma_start3A_15 = tpu.memref_squeeze %dma_start3A_14 : memref<1x16x1024xf32, #tpu.memory_space<vmem>> -> memref<16x1024xf32, #tpu.memory_space<vmem>>
    %dma_start3A_16 = arith.constant 0 : i32
    %dma_start3A_17 = tpu.memref_slice %arg2[%add3A, %mul3A_4, %dma_start3A_16] : memref<32x64x32768xf32, #tpu.memory_space<hbm>> -> memref<1x16x1024xf32, #tpu.memory_space<hbm>>
    %dma_start3A_18 = tpu.memref_squeeze %dma_start3A_17 : memref<1x16x1024xf32, #tpu.memory_space<hbm>> -> memref<16x1024xf32, #tpu.memory_space<hbm>>
    tpu.enqueue_dma source(%dma_start3A_18 : memref<16x1024xf32, #tpu.memory_space<hbm>>) target(%dma_start3A_15 : memref<16x1024xf32, #tpu.memory_space<vmem>>) target_semaphore(%arg7 : memref<!tpu.dma_semaphore, #tpu.memory_space<semaphore_mem>>)
    %scan3A = arith.constant 0 : i32
    %scan3A_19 = arith.constant 0 : i32
    %scan3A_20 = arith.constant 64 : i32
    %scan3A_21 = arith.addi %scan3A_19, %scan3A_20 : i32
    %scan3A_22 = arith.constant 1 : i32
    scf.for %scan3A_24 = %scan3A_19 to %scan3A_21 step %scan3A_22  : i32 {
      %mul3A_25 = arith.constant 2 : i32
      %mul3A_26 = arith.muli %mul3A_25, %scan3A_24 : i32
      %add3A_27 = arith.constant 1 : i32
      %add3A_28 = arith.addi %mul3A_26, %add3A_27 : i32
      %shift_right_logical3A_29 = arith.constant 5 : i32
      %shift_right_logical3A_30 = arith.shrui %add3A_28, %shift_right_logical3A_29 : i32
      %and3A = arith.constant 31 : i32
      %and3A_31 = arith.andi %add3A_28, %and3A : i32
      %mul3A_32 = arith.constant 1024 : i32
      %mul3A_33 = arith.muli %and3A_31, %mul3A_32 : i32
      %mul3A_34 = arith.constant 16 : i32
      %mul3A_35 = arith.muli %shift_right_logical3A_30, %mul3A_34 : i32
      %dma_start3A_36 = arith.constant 1 : i32
      %dma_start3A_37 = arith.constant 0 : i32
      %dma_start3A_38 = arith.constant 0 : i32
      %dma_start3A_39 = tpu.memref_slice %arg4[%dma_start3A_36, %dma_start3A_37, %dma_start3A_38] : memref<2x16x1025xf32, #tpu.memory_space<vmem>> -> memref<1x16x1024xf32, #tpu.memory_space<vmem>>
      %dma_start3A_40 = tpu.memref_squeeze %dma_start3A_39 : memref<1x16x1024xf32, #tpu.memory_space<vmem>> -> memref<16x1024xf32, #tpu.memory_space<vmem>>
      %dma_start3A_41 = tpu.memref_slice %arg2[%add3A, %mul3A_35, %mul3A_33] : memref<32x64x32768xf32, #tpu.memory_space<hbm>> -> memref<1x16x1024xf32, #tpu.memory_space<hbm>>
      %dma_start3A_42 = tpu.memref_squeeze %dma_start3A_41 : memref<1x16x1024xf32, #tpu.memory_space<hbm>> -> memref<16x1024xf32, #tpu.memory_space<hbm>>
      %dma_start3A_43 = arith.constant 0 : i32
      %dma_start3A_44 = arith.constant 0 : i32
      %dma_start3A_45 = tpu.memref_slice %arg4[%dma_start3A_36, %dma_start3A_43, %dma_start3A_44] : memref<2x16x1025xf32, #tpu.memory_space<vmem>> -> memref<1x16x1024xf32, #tpu.memory_space<vmem>>
      %dma_start3A_46 = tpu.memref_squeeze %dma_start3A_45 : memref<1x16x1024xf32, #tpu.memory_space<vmem>> -> memref<16x1024xf32, #tpu.memory_space<vmem>>
      %dma_start3A_47 = tpu.memref_slice %arg2[%add3A, %mul3A_35, %mul3A_33] : memref<32x64x32768xf32, #tpu.memory_space<hbm>> -> memref<1x16x1024xf32, #tpu.memory_space<hbm>>
      %dma_start3A_48 = tpu.memref_squeeze %dma_start3A_47 : memref<1x16x1024xf32, #tpu.memory_space<hbm>> -> memref<16x1024xf32, #tpu.memory_space<hbm>>
      tpu.enqueue_dma source(%dma_start3A_48 : memref<16x1024xf32, #tpu.memory_space<hbm>>) target(%dma_start3A_46 : memref<16x1024xf32, #tpu.memory_space<vmem>>) target_semaphore(%arg8 : memref<!tpu.dma_semaphore, #tpu.memory_space<semaphore_mem>>)
      %and3A_49 = arith.constant 31 : i32
      %and3A_50 = arith.andi %mul3A_26, %and3A_49 : i32
      %eq3A = arith.constant 0 : i32
      %eq3A_51 = arith.cmpi eq, %and3A_50, %eq3A : i32
      %convert_element_type3A = arith.extui %eq3A_51 : i1 to i32
      %cond3A = arith.constant 0 : i32
      %cond3A_52 = arith.cmpi ne, %convert_element_type3A, %cond3A : i32
      scf.if %cond3A_52 {
        %broadcast_in_dim3A_130 = arith.constant 0xFF800000 : f32
        %broadcast_in_dim3A_131 = vector.broadcast %broadcast_in_dim3A_130 : f32 to vector<16xf32>
        %swap3A = arith.constant 0 : i32
        %swap3A_132 = arith.index_cast %swap3A : i32 to index
        %swap3A_133 = arith.constant 0 : index
        %swap3A_134 = tpu.vector_load %arg5[%swap3A_132, %swap3A_133] {strides = array<i32>} : memref<5x16xf32, #tpu.memory_space<vmem>>, vector<16xf32>,
        tpu.vector_store %arg5[%swap3A_132, %swap3A_133], %broadcast_in_dim3A_131 {strides = array<i32>} : memref<5x16xf32, #tpu.memory_space<vmem>>, vector<16xf32>,
        %broadcast_in_dim3A_135 = arith.constant 0xFF800000 : f32
        %broadcast_in_dim3A_136 = vector.broadcast %broadcast_in_dim3A_135 : f32 to vector<16xf32>
        %swap3A_137 = arith.constant 1 : i32
        %swap3A_138 = arith.index_cast %swap3A_137 : i32 to index
        %swap3A_139 = arith.constant 0 : index
        %swap3A_140 = tpu.vector_load %arg5[%swap3A_138, %swap3A_139] {strides = array<i32>} : memref<5x16xf32, #tpu.memory_space<vmem>>, vector<16xf32>,
        tpu.vector_store %arg5[%swap3A_138, %swap3A_139], %broadcast_in_dim3A_136 {strides = array<i32>} : memref<5x16xf32, #tpu.memory_space<vmem>>, vector<16xf32>,
        %broadcast_in_dim3A_141 = arith.constant 0xFF800000 : f32
        %broadcast_in_dim3A_142 = vector.broadcast %broadcast_in_dim3A_141 : f32 to vector<16xf32>
        %swap3A_143 = arith.constant 2 : i32
        %swap3A_144 = arith.index_cast %swap3A_143 : i32 to index
        %swap3A_145 = arith.constant 0 : index
        %swap3A_146 = tpu.vector_load %arg5[%swap3A_144, %swap3A_145] {strides = array<i32>} : memref<5x16xf32, #tpu.memory_space<vmem>>, vector<16xf32>,
        tpu.vector_store %arg5[%swap3A_144, %swap3A_145], %broadcast_in_dim3A_142 {strides = array<i32>} : memref<5x16xf32, #tpu.memory_space<vmem>>, vector<16xf32>,
        %broadcast_in_dim3A_147 = arith.constant 0xFF800000 : f32
        %broadcast_in_dim3A_148 = vector.broadcast %broadcast_in_dim3A_147 : f32 to vector<16xf32>
        %swap3A_149 = arith.constant 3 : i32
        %swap3A_150 = arith.index_cast %swap3A_149 : i32 to index
        %swap3A_151 = arith.constant 0 : index
        %swap3A_152 = tpu.vector_load %arg5[%swap3A_150, %swap3A_151] {strides = array<i32>} : memref<5x16xf32, #tpu.memory_space<vmem>>, vector<16xf32>,
        tpu.vector_store %arg5[%swap3A_150, %swap3A_151], %broadcast_in_dim3A_148 {strides = array<i32>} : memref<5x16xf32, #tpu.memory_space<vmem>>, vector<16xf32>,
        %broadcast_in_dim3A_153 = arith.constant 0xFF800000 : f32
        %broadcast_in_dim3A_154 = vector.broadcast %broadcast_in_dim3A_153 : f32 to vector<16xf32>
        %swap3A_155 = arith.constant 4 : i32
        %swap3A_156 = arith.index_cast %swap3A_155 : i32 to index
        %swap3A_157 = arith.constant 0 : index
        %swap3A_158 = tpu.vector_load %arg5[%swap3A_156, %swap3A_157] {strides = array<i32>} : memref<5x16xf32, #tpu.memory_space<vmem>>, vector<16xf32>,
        tpu.vector_store %arg5[%swap3A_156, %swap3A_157], %broadcast_in_dim3A_154 {strides = array<i32>} : memref<5x16xf32, #tpu.memory_space<vmem>>, vector<16xf32>,
      } else {
      }
      %dma_wait3A = arith.constant 0 : i32
      %dma_wait3A_53 = arith.constant 0 : i32
      %dma_wait3A_54 = arith.constant 0 : i32
      %dma_wait3A_55 = tpu.memref_slice %arg4[%dma_wait3A, %dma_wait3A_53, %dma_wait3A_54] : memref<2x16x1025xf32, #tpu.memory_space<vmem>> -> memref<1x16x1024xf32, #tpu.memory_space<vmem>>
      %dma_wait3A_56 = tpu.memref_squeeze %dma_wait3A_55 : memref<1x16x1024xf32, #tpu.memory_space<vmem>> -> memref<16x1024xf32, #tpu.memory_space<vmem>>
      %dma_wait3A_57 = arith.constant 0 : i32
      %dma_wait3A_58 = arith.constant 0 : i32
      %dma_wait3A_59 = tpu.memref_slice %arg2[%add3A, %dma_wait3A_57, %dma_wait3A_58] : memref<32x64x32768xf32, #tpu.memory_space<hbm>> -> memref<1x16x1024xf32, #tpu.memory_space<hbm>>
      %dma_wait3A_60 = tpu.memref_squeeze %dma_wait3A_59 : memref<1x16x1024xf32, #tpu.memory_space<hbm>> -> memref<16x1024xf32, #tpu.memory_space<hbm>>
      %dma_wait3A_61 = arith.constant 0 : i32
      %dma_wait3A_62 = arith.constant 0 : i32
      %dma_wait3A_63 = tpu.memref_slice %arg4[%dma_wait3A, %dma_wait3A_61, %dma_wait3A_62] : memref<2x16x1025xf32, #tpu.memory_space<vmem>> -> memref<1x16x1024xf32, #tpu.memory_space<vmem>>
      %dma_wait3A_64 = tpu.memref_squeeze %dma_wait3A_63 : memref<1x16x1024xf32, #tpu.memory_space<vmem>> -> memref<16x1024xf32, #tpu.memory_space<vmem>>
      %dma_wait3A_65 = arith.constant 0 : i32
      %dma_wait3A_66 = arith.constant 0 : i32
      %dma_wait3A_67 = tpu.memref_slice %arg2[%add3A, %dma_wait3A_65, %dma_wait3A_66] : memref<32x64x32768xf32, #tpu.memory_space<hbm>> -> memref<1x16x1024xf32, #tpu.memory_space<hbm>>
      %dma_wait3A_68 = tpu.memref_squeeze %dma_wait3A_67 : memref<1x16x1024xf32, #tpu.memory_space<hbm>> -> memref<16x1024xf32, #tpu.memory_space<hbm>>
      tpu.wait_dma2 semaphore(%arg7 : memref<!tpu.dma_semaphore, #tpu.memory_space<semaphore_mem>>) src(%dma_wait3A_68 : memref<16x1024xf32, #tpu.memory_space<hbm>>) dst(%dma_wait3A_64 : memref<16x1024xf32, #tpu.memory_space<vmem>>)
      %broadcast_in_dim3A = arith.constant 0 : i32
      %broadcast_in_dim3A_69 = vector.broadcast %broadcast_in_dim3A : i32 to vector<16xi32>
      %scan3A_70 = arith.constant 0 : i32
      %scan3A_71 = arith.constant 0 : i32
      %scan3A_72 = arith.constant 16 : i32
      %scan3A_73 = arith.addi %scan3A_71, %scan3A_72 : i32
      %scan3A_74 = arith.constant 1 : i32
      scf.for %scan3A_130 = %scan3A_71 to %scan3A_73 step %scan3A_74  : i32 {
        %mul3A_131 = arith.constant 64 : i32
        %mul3A_132 = arith.muli %scan3A_130, %mul3A_131 : i32
        %broadcast_in_dim3A_133 = vector.broadcast %mul3A_132 : i32 to vector<16xi32>
        %get3A = arith.constant 4 : i32
        %get3A_134 = arith.index_cast %get3A : i32 to index
        %get3A_135 = arith.constant 0 : index
        %get3A_136 = tpu.vector_load %arg5[%get3A_134, %get3A_135] {strides = array<i32>} : memref<5x16xf32, #tpu.memory_space<vmem>>, vector<16xf32>,
        %add3A_137 = arith.constant 0 : i32
        %add3A_138 = vector.broadcast %add3A_137 : i32 to vector<16xi32>
        %add3A_139 = arith.addi %broadcast_in_dim3A_133, %add3A_138 : vector<16xi32>
        %gather3A = tpu.vector_load_idx %arg4[%broadcast_in_dim3A_69, %iota3A, %add3A_139] : memref<2x16x1025xf32, #tpu.memory_space<vmem>>[vector<16xi32>, vector<16xi32>, vector<16xi32>], vector<16xf32>,
        %add3A_140 = arith.constant 1 : i32
        %add3A_141 = vector.broadcast %add3A_140 : i32 to vector<16xi32>
        %add3A_142 = arith.addi %broadcast_in_dim3A_133, %add3A_141 : vector<16xi32>
        %gather3A_143 = tpu.vector_load_idx %arg4[%broadcast_in_dim3A_69, %iota3A, %add3A_142] : memref<2x16x1025xf32, #tpu.memory_space<vmem>>[vector<16xi32>, vector<16xi32>, vector<16xi32>], vector<16xf32>,
        %add3A_144 = arith.constant 2 : i32
        %add3A_145 = vector.broadcast %add3A_144 : i32 to vector<16xi32>
        %add3A_146 = arith.addi %broadcast_in_dim3A_133, %add3A_145 : vector<16xi32>
        %gather3A_147 = tpu.vector_load_idx %arg4[%broadcast_in_dim3A_69, %iota3A, %add3A_146] : memref<2x16x1025xf32, #tpu.memory_space<vmem>>[vector<16xi32>, vector<16xi32>, vector<16xi32>], vector<16xf32>,
        %add3A_148 = arith.constant 3 : i32
        %add3A_149 = vector.broadcast %add3A_148 : i32 to vector<16xi32>
        %add3A_150 = arith.addi %broadcast_in_dim3A_133, %add3A_149 : vector<16xi32>
        %gather3A_151 = tpu.vector_load_idx %arg4[%broadcast_in_dim3A_69, %iota3A, %add3A_150] : memref<2x16x1025xf32, #tpu.memory_space<vmem>>[vector<16xi32>, vector<16xi32>, vector<16xi32>], vector<16xf32>,
        %add3A_152 = arith.constant 4 : i32
        %add3A_153 = vector.broadcast %add3A_152 : i32 to vector<16xi32>
        %add3A_154 = arith.addi %broadcast_in_dim3A_133, %add3A_153 : vector<16xi32>
        %gather3A_155 = tpu.vector_load_idx %arg4[%broadcast_in_dim3A_69, %iota3A, %add3A_154] : memref<2x16x1025xf32, #tpu.memory_space<vmem>>[vector<16xi32>, vector<16xi32>, vector<16xi32>], vector<16xf32>,
        %add3A_156 = arith.constant 5 : i32
        %add3A_157 = vector.broadcast %add3A_156 : i32 to vector<16xi32>
        %add3A_158 = arith.addi %broadcast_in_dim3A_133, %add3A_157 : vector<16xi32>
        %gather3A_159 = tpu.vector_load_idx %arg4[%broadcast_in_dim3A_69, %iota3A, %add3A_158] : memref<2x16x1025xf32, #tpu.memory_space<vmem>>[vector<16xi32>, vector<16xi32>, vector<16xi32>], vector<16xf32>,
        %add3A_160 = arith.constant 6 : i32
        %add3A_161 = vector.broadcast %add3A_160 : i32 to vector<16xi32>
        %add3A_162 = arith.addi %broadcast_in_dim3A_133, %add3A_161 : vector<16xi32>
        %gather3A_163 = tpu.vector_load_idx %arg4[%broadcast_in_dim3A_69, %iota3A, %add3A_162] : memref<2x16x1025xf32, #tpu.memory_space<vmem>>[vector<16xi32>, vector<16xi32>, vector<16xi32>], vector<16xf32>,
        %add3A_164 = arith.constant 7 : i32
        %add3A_165 = vector.broadcast %add3A_164 : i32 to vector<16xi32>
        %add3A_166 = arith.addi %broadcast_in_dim3A_133, %add3A_165 : vector<16xi32>
        %gather3A_167 = tpu.vector_load_idx %arg4[%broadcast_in_dim3A_69, %iota3A, %add3A_166] : memref<2x16x1025xf32, #tpu.memory_space<vmem>>[vector<16xi32>, vector<16xi32>, vector<16xi32>], vector<16xf32>,
        %add3A_168 = arith.constant 8 : i32
        %add3A_169 = vector.broadcast %add3A_168 : i32 to vector<16xi32>
        %add3A_170 = arith.addi %broadcast_in_dim3A_133, %add3A_169 : vector<16xi32>
        %gather3A_171 = tpu.vector_load_idx %arg4[%broadcast_in_dim3A_69, %iota3A, %add3A_170] : memref<2x16x1025xf32, #tpu.memory_space<vmem>>[vector<16xi32>, vector<16xi32>, vector<16xi32>], vector<16xf32>,
        %add3A_172 = arith.constant 9 : i32
        %add3A_173 = vector.broadcast %add3A_172 : i32 to vector<16xi32>
        %add3A_174 = arith.addi %broadcast_in_dim3A_133, %add3A_173 : vector<16xi32>
        %gather3A_175 = tpu.vector_load_idx %arg4[%broadcast_in_dim3A_69, %iota3A, %add3A_174] : memref<2x16x1025xf32, #tpu.memory_space<vmem>>[vector<16xi32>, vector<16xi32>, vector<16xi32>], vector<16xf32>,
        %add3A_176 = arith.constant 10 : i32
        %add3A_177 = vector.broadcast %add3A_176 : i32 to vector<16xi32>
        %add3A_178 = arith.addi %broadcast_in_dim3A_133, %add3A_177 : vector<16xi32>
        %gather3A_179 = tpu.vector_load_idx %arg4[%broadcast_in_dim3A_69, %iota3A, %add3A_178] : memref<2x16x1025xf32, #tpu.memory_space<vmem>>[vector<16xi32>, vector<16xi32>, vector<16xi32>], vector<16xf32>,
        %add3A_180 = arith.constant 11 : i32
        %add3A_181 = vector.broadcast %add3A_180 : i32 to vector<16xi32>
        %add3A_182 = arith.addi %broadcast_in_dim3A_133, %add3A_181 : vector<16xi32>
        %gather3A_183 = tpu.vector_load_idx %arg4[%broadcast_in_dim3A_69, %iota3A, %add3A_182] : memref<2x16x1025xf32, #tpu.memory_space<vmem>>[vector<16xi32>, vector<16xi32>, vector<16xi32>], vector<16xf32>,
        %add3A_184 = arith.constant 12 : i32
        %add3A_185 = vector.broadcast %add3A_184 : i32 to vector<16xi32>
        %add3A_186 = arith.addi %broadcast_in_dim3A_133, %add3A_185 : vector<16xi32>
        %gather3A_187 = tpu.vector_load_idx %arg4[%broadcast_in_dim3A_69, %iota3A, %add3A_186] : memref<2x16x1025xf32, #tpu.memory_space<vmem>>[vector<16xi32>, vector<16xi32>, vector<16xi32>], vector<16xf32>,
        %add3A_188 = arith.constant 13 : i32
        %add3A_189 = vector.broadcast %add3A_188 : i32 to vector<16xi32>
        %add3A_190 = arith.addi %broadcast_in_dim3A_133, %add3A_189 : vector<16xi32>
        %gather3A_191 = tpu.vector_load_idx %arg4[%broadcast_in_dim3A_69, %iota3A, %add3A_190] : memref<2x16x1025xf32, #tpu.memory_space<vmem>>[vector<16xi32>, vector<16xi32>, vector<16xi32>], vector<16xf32>,
        %add3A_192 = arith.constant 14 : i32
        %add3A_193 = vector.broadcast %add3A_192 : i32 to vector<16xi32>
        %add3A_194 = arith.addi %broadcast_in_dim3A_133, %add3A_193 : vector<16xi32>
        %gather3A_195 = tpu.vector_load_idx %arg4[%broadcast_in_dim3A_69, %iota3A, %add3A_194] : memref<2x16x1025xf32, #tpu.memory_space<vmem>>[vector<16xi32>, vector<16xi32>, vector<16xi32>], vector<16xf32>,
        %add3A_196 = arith.constant 15 : i32
        %add3A_197 = vector.broadcast %add3A_196 : i32 to vector<16xi32>
        %add3A_198 = arith.addi %broadcast_in_dim3A_133, %add3A_197 : vector<16xi32>
        %gather3A_199 = tpu.vector_load_idx %arg4[%broadcast_in_dim3A_69, %iota3A, %add3A_198] : memref<2x16x1025xf32, #tpu.memory_space<vmem>>[vector<16xi32>, vector<16xi32>, vector<16xi32>], vector<16xf32>,
        %max3A = arith.maximumf %gather3A, %gather3A_143 : vector<16xf32>
        %max3A_200 = arith.maximumf %gather3A_147, %gather3A_151 : vector<16xf32>
        %max3A_201 = arith.maximumf %gather3A_155, %gather3A_159 : vector<16xf32>
        %max3A_202 = arith.maximumf %gather3A_163, %gather3A_167 : vector<16xf32>
        %max3A_203 = arith.maximumf %gather3A_171, %gather3A_175 : vector<16xf32>
        %max3A_204 = arith.maximumf %gather3A_179, %gather3A_183 : vector<16xf32>
        %max3A_205 = arith.maximumf %gather3A_187, %gather3A_191 : vector<16xf32>
        %max3A_206 = arith.maximumf %gather3A_195, %gather3A_199 : vector<16xf32>
        %max3A_207 = arith.maximumf %max3A, %max3A_200 : vector<16xf32>
        %max3A_208 = arith.maximumf %max3A_201, %max3A_202 : vector<16xf32>
        %max3A_209 = arith.maximumf %max3A_203, %max3A_204 : vector<16xf32>
        %max3A_210 = arith.maximumf %max3A_205, %max3A_206 : vector<16xf32>
        %max3A_211 = arith.maximumf %max3A_207, %max3A_208 : vector<16xf32>
        %max3A_212 = arith.maximumf %max3A_209, %max3A_210 : vector<16xf32>
        %max3A_213 = arith.maximumf %max3A_211, %max3A_212 : vector<16xf32>
        %gt3A = arith.cmpf ogt, %max3A_213, %get3A_136 : vector<16xf32>
        %add3A_214 = arith.constant 16 : i32
        %add3A_215 = vector.broadcast %add3A_214 : i32 to vector<16xi32>
        %add3A_216 = arith.addi %broadcast_in_dim3A_133, %add3A_215 : vector<16xi32>
        %gather3A_217 = tpu.vector_load_idx %arg4[%broadcast_in_dim3A_69, %iota3A, %add3A_216] : memref<2x16x1025xf32, #tpu.memory_space<vmem>>[vector<16xi32>, vector<16xi32>, vector<16xi32>], vector<16xf32>,
        %add3A_218 = arith.constant 17 : i32
        %add3A_219 = vector.broadcast %add3A_218 : i32 to vector<16xi32>
        %add3A_220 = arith.addi %broadcast_in_dim3A_133, %add3A_219 : vector<16xi32>
        %gather3A_221 = tpu.vector_load_idx %arg4[%broadcast_in_dim3A_69, %iota3A, %add3A_220] : memref<2x16x1025xf32, #tpu.memory_space<vmem>>[vector<16xi32>, vector<16xi32>, vector<16xi32>], vector<16xf32>,
        %add3A_222 = arith.constant 18 : i32
        %add3A_223 = vector.broadcast %add3A_222 : i32 to vector<16xi32>
        %add3A_224 = arith.addi %broadcast_in_dim3A_133, %add3A_223 : vector<16xi32>
        %gather3A_225 = tpu.vector_load_idx %arg4[%broadcast_in_dim3A_69, %iota3A, %add3A_224] : memref<2x16x1025xf32, #tpu.memory_space<vmem>>[vector<16xi32>, vector<16xi32>, vector<16xi32>], vector<16xf32>,
        %add3A_226 = arith.constant 19 : i32
        %add3A_227 = vector.broadcast %add3A_226 : i32 to vector<16xi32>
        %add3A_228 = arith.addi %broadcast_in_dim3A_133, %add3A_227 : vector<16xi32>
        %gather3A_229 = tpu.vector_load_idx %arg4[%broadcast_in_dim3A_69, %iota3A, %add3A_228] : memref<2x16x1025xf32, #tpu.memory_space<vmem>>[vector<16xi32>, vector<16xi32>, vector<16xi32>], vector<16xf32>,
        %add3A_230 = arith.constant 20 : i32
        %add3A_231 = vector.broadcast %add3A_230 : i32 to vector<16xi32>
        %add3A_232 = arith.addi %broadcast_in_dim3A_133, %add3A_231 : vector<16xi32>
        %gather3A_233 = tpu.vector_load_idx %arg4[%broadcast_in_dim3A_69, %iota3A, %add3A_232] : memref<2x16x1025xf32, #tpu.memory_space<vmem>>[vector<16xi32>, vector<16xi32>, vector<16xi32>], vector<16xf32>,
        %add3A_234 = arith.constant 21 : i32
        %add3A_235 = vector.broadcast %add3A_234 : i32 to vector<16xi32>
        %add3A_236 = arith.addi %broadcast_in_dim3A_133, %add3A_235 : vector<16xi32>
        %gather3A_237 = tpu.vector_load_idx %arg4[%broadcast_in_dim3A_69, %iota3A, %add3A_236] : memref<2x16x1025xf32, #tpu.memory_space<vmem>>[vector<16xi32>, vector<16xi32>, vector<16xi32>], vector<16xf32>,
        %add3A_238 = arith.constant 22 : i32
        %add3A_239 = vector.broadcast %add3A_238 : i32 to vector<16xi32>
        %add3A_240 = arith.addi %broadcast_in_dim3A_133, %add3A_239 : vector<16xi32>
        %gather3A_241 = tpu.vector_load_idx %arg4[%broadcast_in_dim3A_69, %iota3A, %add3A_240] : memref<2x16x1025xf32, #tpu.memory_space<vmem>>[vector<16xi32>, vector<16xi32>, vector<16xi32>], vector<16xf32>,
        %add3A_242 = arith.constant 23 : i32
        %add3A_243 = vector.broadcast %add3A_242 : i32 to vector<16xi32>
        %add3A_244 = arith.addi %broadcast_in_dim3A_133, %add3A_243 : vector<16xi32>
        %gather3A_245 = tpu.vector_load_idx %arg4[%broadcast_in_dim3A_69, %iota3A, %add3A_244] : memref<2x16x1025xf32, #tpu.memory_space<vmem>>[vector<16xi32>, vector<16xi32>, vector<16xi32>], vector<16xf32>,
        %add3A_246 = arith.constant 24 : i32
        %add3A_247 = vector.broadcast %add3A_246 : i32 to vector<16xi32>
        %add3A_248 = arith.addi %broadcast_in_dim3A_133, %add3A_247 : vector<16xi32>
        %gather3A_249 = tpu.vector_load_idx %arg4[%broadcast_in_dim3A_69, %iota3A, %add3A_248] : memref<2x16x1025xf32, #tpu.memory_space<vmem>>[vector<16xi32>, vector<16xi32>, vector<16xi32>], vector<16xf32>,
        %add3A_250 = arith.constant 25 : i32
        %add3A_251 = vector.broadcast %add3A_250 : i32 to vector<16xi32>
        %add3A_252 = arith.addi %broadcast_in_dim3A_133, %add3A_251 : vector<16xi32>
        %gather3A_253 = tpu.vector_load_idx %arg4[%broadcast_in_dim3A_69, %iota3A, %add3A_252] : memref<2x16x1025xf32, #tpu.memory_space<vmem>>[vector<16xi32>, vector<16xi32>, vector<16xi32>], vector<16xf32>,
        %add3A_254 = arith.constant 26 : i32
        %add3A_255 = vector.broadcast %add3A_254 : i32 to vector<16xi32>
        %add3A_256 = arith.addi %broadcast_in_dim3A_133, %add3A_255 : vector<16xi32>
        %gather3A_257 = tpu.vector_load_idx %arg4[%broadcast_in_dim3A_69, %iota3A, %add3A_256] : memref<2x16x1025xf32, #tpu.memory_space<vmem>>[vector<16xi32>, vector<16xi32>, vector<16xi32>], vector<16xf32>,
        %add3A_258 = arith.constant 27 : i32
        %add3A_259 = vector.broadcast %add3A_258 : i32 to vector<16xi32>
        %add3A_260 = arith.addi %broadcast_in_dim3A_133, %add3A_259 : vector<16xi32>
        %gather3A_261 = tpu.vector_load_idx %arg4[%broadcast_in_dim3A_69, %iota3A, %add3A_260] : memref<2x16x1025xf32, #tpu.memory_space<vmem>>[vector<16xi32>, vector<16xi32>, vector<16xi32>], vector<16xf32>,
        %add3A_262 = arith.constant 28 : i32
        %add3A_263 = vector.broadcast %add3A_262 : i32 to vector<16xi32>
        %add3A_264 = arith.addi %broadcast_in_dim3A_133, %add3A_263 : vector<16xi32>
        %gather3A_265 = tpu.vector_load_idx %arg4[%broadcast_in_dim3A_69, %iota3A, %add3A_264] : memref<2x16x1025xf32, #tpu.memory_space<vmem>>[vector<16xi32>, vector<16xi32>, vector<16xi32>], vector<16xf32>,
        %add3A_266 = arith.constant 29 : i32
        %add3A_267 = vector.broadcast %add3A_266 : i32 to vector<16xi32>
        %add3A_268 = arith.addi %broadcast_in_dim3A_133, %add3A_267 : vector<16xi32>
        %gather3A_269 = tpu.vector_load_idx %arg4[%broadcast_in_dim3A_69, %iota3A, %add3A_268] : memref<2x16x1025xf32, #tpu.memory_space<vmem>>[vector<16xi32>, vector<16xi32>, vector<16xi32>], vector<16xf32>,
        %add3A_270 = arith.constant 30 : i32
        %add3A_271 = vector.broadcast %add3A_270 : i32 to vector<16xi32>
        %add3A_272 = arith.addi %broadcast_in_dim3A_133, %add3A_271 : vector<16xi32>
        %gather3A_273 = tpu.vector_load_idx %arg4[%broadcast_in_dim3A_69, %iota3A, %add3A_272] : memref<2x16x1025xf32, #tpu.memory_space<vmem>>[vector<16xi32>, vector<16xi32>, vector<16xi32>], vector<16xf32>,
        %add3A_274 = arith.constant 31 : i32
        %add3A_275 = vector.broadcast %add3A_274 : i32 to vector<16xi32>
        %add3A_276 = arith.addi %broadcast_in_dim3A_133, %add3A_275 : vector<16xi32>
        %gather3A_277 = tpu.vector_load_idx %arg4[%broadcast_in_dim3A_69, %iota3A, %add3A_276] : memref<2x16x1025xf32, #tpu.memory_space<vmem>>[vector<16xi32>, vector<16xi32>, vector<16xi32>], vector<16xf32>,
        %max3A_278 = arith.maximumf %gather3A_217, %gather3A_221 : vector<16xf32>
        %max3A_279 = arith.maximumf %gather3A_225, %gather3A_229 : vector<16xf32>
        %max3A_280 = arith.maximumf %gather3A_233, %gather3A_237 : vector<16xf32>
        %max3A_281 = arith.maximumf %gather3A_241, %gather3A_245 : vector<16xf32>
        %max3A_282 = arith.maximumf %gather3A_249, %gather3A_253 : vector<16xf32>
        %max3A_283 = arith.maximumf %gather3A_257, %gather3A_261 : vector<16xf32>
        %max3A_284 = arith.maximumf %gather3A_265, %gather3A_269 : vector<16xf32>
        %max3A_285 = arith.maximumf %gather3A_273, %gather3A_277 : vector<16xf32>
        %max3A_286 = arith.maximumf %max3A_278, %max3A_279 : vector<16xf32>
        %max3A_287 = arith.maximumf %max3A_280, %max3A_281 : vector<16xf32>
        %max3A_288 = arith.maximumf %max3A_282, %max3A_283 : vector<16xf32>
        %max3A_289 = arith.maximumf %max3A_284, %max3A_285 : vector<16xf32>
        %max3A_290 = arith.maximumf %max3A_286, %max3A_287 : vector<16xf32>
        %max3A_291 = arith.maximumf %max3A_288, %max3A_289 : vector<16xf32>
        %max3A_292 = arith.maximumf %max3A_290, %max3A_291 : vector<16xf32>
        %gt3A_293 = arith.cmpf ogt, %max3A_292, %get3A_136 : vector<16xf32>
        %add3A_294 = arith.constant 32 : i32
        %add3A_295 = vector.broadcast %add3A_294 : i32 to vector<16xi32>
        %add3A_296 = arith.addi %broadcast_in_dim3A_133, %add3A_295 : vector<16xi32>
        %gather3A_297 = tpu.vector_load_idx %arg4[%broadcast_in_dim3A_69, %iota3A, %add3A_296] : memref<2x16x1025xf32, #tpu.memory_space<vmem>>[vector<16xi32>, vector<16xi32>, vector<16xi32>], vector<16xf32>,
        %add3A_298 = arith.constant 33 : i32
        %add3A_299 = vector.broadcast %add3A_298 : i32 to vector<16xi32>
        %add3A_300 = arith.addi %broadcast_in_dim3A_133, %add3A_299 : vector<16xi32>
        %gather3A_301 = tpu.vector_load_idx %arg4[%broadcast_in_dim3A_69, %iota3A, %add3A_300] : memref<2x16x1025xf32, #tpu.memory_space<vmem>>[vector<16xi32>, vector<16xi32>, vector<16xi32>], vector<16xf32>,
        %add3A_302 = arith.constant 34 : i32
        %add3A_303 = vector.broadcast %add3A_302 : i32 to vector<16xi32>
        %add3A_304 = arith.addi %broadcast_in_dim3A_133, %add3A_303 : vector<16xi32>
        %gather3A_305 = tpu.vector_load_idx %arg4[%broadcast_in_dim3A_69, %iota3A, %add3A_304] : memref<2x16x1025xf32, #tpu.memory_space<vmem>>[vector<16xi32>, vector<16xi32>, vector<16xi32>], vector<16xf32>,
        %add3A_306 = arith.constant 35 : i32
        %add3A_307 = vector.broadcast %add3A_306 : i32 to vector<16xi32>
        %add3A_308 = arith.addi %broadcast_in_dim3A_133, %add3A_307 : vector<16xi32>
        %gather3A_309 = tpu.vector_load_idx %arg4[%broadcast_in_dim3A_69, %iota3A, %add3A_308] : memref<2x16x1025xf32, #tpu.memory_space<vmem>>[vector<16xi32>, vector<16xi32>, vector<16xi32>], vector<16xf32>,
        %add3A_310 = arith.constant 36 : i32
        %add3A_311 = vector.broadcast %add3A_310 : i32 to vector<16xi32>
        %add3A_312 = arith.addi %broadcast_in_dim3A_133, %add3A_311 : vector<16xi32>
        %gather3A_313 = tpu.vector_load_idx %arg4[%broadcast_in_dim3A_69, %iota3A, %add3A_312] : memref<2x16x1025xf32, #tpu.memory_space<vmem>>[vector<16xi32>, vector<16xi32>, vector<16xi32>], vector<16xf32>,
        %add3A_314 = arith.constant 37 : i32
        %add3A_315 = vector.broadcast %add3A_314 : i32 to vector<16xi32>
        %add3A_316 = arith.addi %broadcast_in_dim3A_133, %add3A_315 : vector<16xi32>
        %gather3A_317 = tpu.vector_load_idx %arg4[%broadcast_in_dim3A_69, %iota3A, %add3A_316] : memref<2x16x1025xf32, #tpu.memory_space<vmem>>[vector<16xi32>, vector<16xi32>, vector<16xi32>], vector<16xf32>,
        %add3A_318 = arith.constant 38 : i32
        %add3A_319 = vector.broadcast %add3A_318 : i32 to vector<16xi32>
        %add3A_320 = arith.addi %broadcast_in_dim3A_133, %add3A_319 : vector<16xi32>
        %gather3A_321 = tpu.vector_load_idx %arg4[%broadcast_in_dim3A_69, %iota3A, %add3A_320] : memref<2x16x1025xf32, #tpu.memory_space<vmem>>[vector<16xi32>, vector<16xi32>, vector<16xi32>], vector<16xf32>,
        %add3A_322 = arith.constant 39 : i32
        %add3A_323 = vector.broadcast %add3A_322 : i32 to vector<16xi32>
        %add3A_324 = arith.addi %broadcast_in_dim3A_133, %add3A_323 : vector<16xi32>
        %gather3A_325 = tpu.vector_load_idx %arg4[%broadcast_in_dim3A_69, %iota3A, %add3A_324] : memref<2x16x1025xf32, #tpu.memory_space<vmem>>[vector<16xi32>, vector<16xi32>, vector<16xi32>], vector<16xf32>,
        %add3A_326 = arith.constant 40 : i32
        %add3A_327 = vector.broadcast %add3A_326 : i32 to vector<16xi32>
        %add3A_328 = arith.addi %broadcast_in_dim3A_133, %add3A_327 : vector<16xi32>
        %gather3A_329 = tpu.vector_load_idx %arg4[%broadcast_in_dim3A_69, %iota3A, %add3A_328] : memref<2x16x1025xf32, #tpu.memory_space<vmem>>[vector<16xi32>, vector<16xi32>, vector<16xi32>], vector<16xf32>,
        %add3A_330 = arith.constant 41 : i32
        %add3A_331 = vector.broadcast %add3A_330 : i32 to vector<16xi32>
        %add3A_332 = arith.addi %broadcast_in_dim3A_133, %add3A_331 : vector<16xi32>
        %gather3A_333 = tpu.vector_load_idx %arg4[%broadcast_in_dim3A_69, %iota3A, %add3A_332] : memref<2x16x1025xf32, #tpu.memory_space<vmem>>[vector<16xi32>, vector<16xi32>, vector<16xi32>], vector<16xf32>,
        %add3A_334 = arith.constant 42 : i32
        %add3A_335 = vector.broadcast %add3A_334 : i32 to vector<16xi32>
        %add3A_336 = arith.addi %broadcast_in_dim3A_133, %add3A_335 : vector<16xi32>
        %gather3A_337 = tpu.vector_load_idx %arg4[%broadcast_in_dim3A_69, %iota3A, %add3A_336] : memref<2x16x1025xf32, #tpu.memory_space<vmem>>[vector<16xi32>, vector<16xi32>, vector<16xi32>], vector<16xf32>,
        %add3A_338 = arith.constant 43 : i32
        %add3A_339 = vector.broadcast %add3A_338 : i32 to vector<16xi32>
        %add3A_340 = arith.addi %broadcast_in_dim3A_133, %add3A_339 : vector<16xi32>
        %gather3A_341 = tpu.vector_load_idx %arg4[%broadcast_in_dim3A_69, %iota3A, %add3A_340] : memref<2x16x1025xf32, #tpu.memory_space<vmem>>[vector<16xi32>, vector<16xi32>, vector<16xi32>], vector<16xf32>,
        %add3A_342 = arith.constant 44 : i32
        %add3A_343 = vector.broadcast %add3A_342 : i32 to vector<16xi32>
        %add3A_344 = arith.addi %broadcast_in_dim3A_133, %add3A_343 : vector<16xi32>
        %gather3A_345 = tpu.vector_load_idx %arg4[%broadcast_in_dim3A_69, %iota3A, %add3A_344] : memref<2x16x1025xf32, #tpu.memory_space<vmem>>[vector<16xi32>, vector<16xi32>, vector<16xi32>], vector<16xf32>,
        %add3A_346 = arith.constant 45 : i32
        %add3A_347 = vector.broadcast %add3A_346 : i32 to vector<16xi32>
        %add3A_348 = arith.addi %broadcast_in_dim3A_133, %add3A_347 : vector<16xi32>
        %gather3A_349 = tpu.vector_load_idx %arg4[%broadcast_in_dim3A_69, %iota3A, %add3A_348] : memref<2x16x1025xf32, #tpu.memory_space<vmem>>[vector<16xi32>, vector<16xi32>, vector<16xi32>], vector<16xf32>,
        %add3A_350 = arith.constant 46 : i32
        %add3A_351 = vector.broadcast %add3A_350 : i32 to vector<16xi32>
        %add3A_352 = arith.addi %broadcast_in_dim3A_133, %add3A_351 : vector<16xi32>
        %gather3A_353 = tpu.vector_load_idx %arg4[%broadcast_in_dim3A_69, %iota3A, %add3A_352] : memref<2x16x1025xf32, #tpu.memory_space<vmem>>[vector<16xi32>, vector<16xi32>, vector<16xi32>], vector<16xf32>,
        %add3A_354 = arith.constant 47 : i32
        %add3A_355 = vector.broadcast %add3A_354 : i32 to vector<16xi32>
        %add3A_356 = arith.addi %broadcast_in_dim3A_133, %add3A_355 : vector<16xi32>
        %gather3A_357 = tpu.vector_load_idx %arg4[%broadcast_in_dim3A_69, %iota3A, %add3A_356] : memref<2x16x1025xf32, #tpu.memory_space<vmem>>[vector<16xi32>, vector<16xi32>, vector<16xi32>], vector<16xf32>,
        %max3A_358 = arith.maximumf %gather3A_297, %gather3A_301 : vector<16xf32>
        %max3A_359 = arith.maximumf %gather3A_305, %gather3A_309 : vector<16xf32>
        %max3A_360 = arith.maximumf %gather3A_313, %gather3A_317 : vector<16xf32>
        %max3A_361 = arith.maximumf %gather3A_321, %gather3A_325 : vector<16xf32>
        %max3A_362 = arith.maximumf %gather3A_329, %gather3A_333 : vector<16xf32>
        %max3A_363 = arith.maximumf %gather3A_337, %gather3A_341 : vector<16xf32>
        %max3A_364 = arith.maximumf %gather3A_345, %gather3A_349 : vector<16xf32>
        %max3A_365 = arith.maximumf %gather3A_353, %gather3A_357 : vector<16xf32>
        %max3A_366 = arith.maximumf %max3A_358, %max3A_359 : vector<16xf32>
        %max3A_367 = arith.maximumf %max3A_360, %max3A_361 : vector<16xf32>
        %max3A_368 = arith.maximumf %max3A_362, %max3A_363 : vector<16xf32>
        %max3A_369 = arith.maximumf %max3A_364, %max3A_365 : vector<16xf32>
        %max3A_370 = arith.maximumf %max3A_366, %max3A_367 : vector<16xf32>
        %max3A_371 = arith.maximumf %max3A_368, %max3A_369 : vector<16xf32>
        %max3A_372 = arith.maximumf %max3A_370, %max3A_371 : vector<16xf32>
        %gt3A_373 = arith.cmpf ogt, %max3A_372, %get3A_136 : vector<16xf32>
        %add3A_374 = arith.constant 48 : i32
        %add3A_375 = vector.broadcast %add3A_374 : i32 to vector<16xi32>
        %add3A_376 = arith.addi %broadcast_in_dim3A_133, %add3A_375 : vector<16xi32>
        %gather3A_377 = tpu.vector_load_idx %arg4[%broadcast_in_dim3A_69, %iota3A, %add3A_376] : memref<2x16x1025xf32, #tpu.memory_space<vmem>>[vector<16xi32>, vector<16xi32>, vector<16xi32>], vector<16xf32>,
        %add3A_378 = arith.constant 49 : i32
        %add3A_379 = vector.broadcast %add3A_378 : i32 to vector<16xi32>
        %add3A_380 = arith.addi %broadcast_in_dim3A_133, %add3A_379 : vector<16xi32>
        %gather3A_381 = tpu.vector_load_idx %arg4[%broadcast_in_dim3A_69, %iota3A, %add3A_380] : memref<2x16x1025xf32, #tpu.memory_space<vmem>>[vector<16xi32>, vector<16xi32>, vector<16xi32>], vector<16xf32>,
        %add3A_382 = arith.constant 50 : i32
        %add3A_383 = vector.broadcast %add3A_382 : i32 to vector<16xi32>
        %add3A_384 = arith.addi %broadcast_in_dim3A_133, %add3A_383 : vector<16xi32>
        %gather3A_385 = tpu.vector_load_idx %arg4[%broadcast_in_dim3A_69, %iota3A, %add3A_384] : memref<2x16x1025xf32, #tpu.memory_space<vmem>>[vector<16xi32>, vector<16xi32>, vector<16xi32>], vector<16xf32>,
        %add3A_386 = arith.constant 51 : i32
        %add3A_387 = vector.broadcast %add3A_386 : i32 to vector<16xi32>
        %add3A_388 = arith.addi %broadcast_in_dim3A_133, %add3A_387 : vector<16xi32>
        %gather3A_389 = tpu.vector_load_idx %arg4[%broadcast_in_dim3A_69, %iota3A, %add3A_388] : memref<2x16x1025xf32, #tpu.memory_space<vmem>>[vector<16xi32>, vector<16xi32>, vector<16xi32>], vector<16xf32>,
        %add3A_390 = arith.constant 52 : i32
        %add3A_391 = vector.broadcast %add3A_390 : i32 to vector<16xi32>
        %add3A_392 = arith.addi %broadcast_in_dim3A_133, %add3A_391 : vector<16xi32>
        %gather3A_393 = tpu.vector_load_idx %arg4[%broadcast_in_dim3A_69, %iota3A, %add3A_392] : memref<2x16x1025xf32, #tpu.memory_space<vmem>>[vector<16xi32>, vector<16xi32>, vector<16xi32>], vector<16xf32>,
        %add3A_394 = arith.constant 53 : i32
        %add3A_395 = vector.broadcast %add3A_394 : i32 to vector<16xi32>
        %add3A_396 = arith.addi %broadcast_in_dim3A_133, %add3A_395 : vector<16xi32>
        %gather3A_397 = tpu.vector_load_idx %arg4[%broadcast_in_dim3A_69, %iota3A, %add3A_396] : memref<2x16x1025xf32, #tpu.memory_space<vmem>>[vector<16xi32>, vector<16xi32>, vector<16xi32>], vector<16xf32>,
        %add3A_398 = arith.constant 54 : i32
        %add3A_399 = vector.broadcast %add3A_398 : i32 to vector<16xi32>
        %add3A_400 = arith.addi %broadcast_in_dim3A_133, %add3A_399 : vector<16xi32>
        %gather3A_401 = tpu.vector_load_idx %arg4[%broadcast_in_dim3A_69, %iota3A, %add3A_400] : memref<2x16x1025xf32, #tpu.memory_space<vmem>>[vector<16xi32>, vector<16xi32>, vector<16xi32>], vector<16xf32>,
        %add3A_402 = arith.constant 55 : i32
        %add3A_403 = vector.broadcast %add3A_402 : i32 to vector<16xi32>
        %add3A_404 = arith.addi %broadcast_in_dim3A_133, %add3A_403 : vector<16xi32>
        %gather3A_405 = tpu.vector_load_idx %arg4[%broadcast_in_dim3A_69, %iota3A, %add3A_404] : memref<2x16x1025xf32, #tpu.memory_space<vmem>>[vector<16xi32>, vector<16xi32>, vector<16xi32>], vector<16xf32>,
        %add3A_406 = arith.constant 56 : i32
        %add3A_407 = vector.broadcast %add3A_406 : i32 to vector<16xi32>
        %add3A_408 = arith.addi %broadcast_in_dim3A_133, %add3A_407 : vector<16xi32>
        %gather3A_409 = tpu.vector_load_idx %arg4[%broadcast_in_dim3A_69, %iota3A, %add3A_408] : memref<2x16x1025xf32, #tpu.memory_space<vmem>>[vector<16xi32>, vector<16xi32>, vector<16xi32>], vector<16xf32>,
        %add3A_410 = arith.constant 57 : i32
        %add3A_411 = vector.broadcast %add3A_410 : i32 to vector<16xi32>
        %add3A_412 = arith.addi %broadcast_in_dim3A_133, %add3A_411 : vector<16xi32>
        %gather3A_413 = tpu.vector_load_idx %arg4[%broadcast_in_dim3A_69, %iota3A, %add3A_412] : memref<2x16x1025xf32, #tpu.memory_space<vmem>>[vector<16xi32>, vector<16xi32>, vector<16xi32>], vector<16xf32>,
        %add3A_414 = arith.constant 58 : i32
        %add3A_415 = vector.broadcast %add3A_414 : i32 to vector<16xi32>
        %add3A_416 = arith.addi %broadcast_in_dim3A_133, %add3A_415 : vector<16xi32>
        %gather3A_417 = tpu.vector_load_idx %arg4[%broadcast_in_dim3A_69, %iota3A, %add3A_416] : memref<2x16x1025xf32, #tpu.memory_space<vmem>>[vector<16xi32>, vector<16xi32>, vector<16xi32>], vector<16xf32>,
        %add3A_418 = arith.constant 59 : i32
        %add3A_419 = vector.broadcast %add3A_418 : i32 to vector<16xi32>
        %add3A_420 = arith.addi %broadcast_in_dim3A_133, %add3A_419 : vector<16xi32>
        %gather3A_421 = tpu.vector_load_idx %arg4[%broadcast_in_dim3A_69, %iota3A, %add3A_420] : memref<2x16x1025xf32, #tpu.memory_space<vmem>>[vector<16xi32>, vector<16xi32>, vector<16xi32>], vector<16xf32>,
        %add3A_422 = arith.constant 60 : i32
        %add3A_423 = vector.broadcast %add3A_422 : i32 to vector<16xi32>
        %add3A_424 = arith.addi %broadcast_in_dim3A_133, %add3A_423 : vector<16xi32>
        %gather3A_425 = tpu.vector_load_idx %arg4[%broadcast_in_dim3A_69, %iota3A, %add3A_424] : memref<2x16x1025xf32, #tpu.memory_space<vmem>>[vector<16xi32>, vector<16xi32>, vector<16xi32>], vector<16xf32>,
        %add3A_426 = arith.constant 61 : i32
        %add3A_427 = vector.broadcast %add3A_426 : i32 to vector<16xi32>
        %add3A_428 = arith.addi %broadcast_in_dim3A_133, %add3A_427 : vector<16xi32>
        %gather3A_429 = tpu.vector_load_idx %arg4[%broadcast_in_dim3A_69, %iota3A, %add3A_428] : memref<2x16x1025xf32, #tpu.memory_space<vmem>>[vector<16xi32>, vector<16xi32>, vector<16xi32>], vector<16xf32>,
        %add3A_430 = arith.constant 62 : i32
        %add3A_431 = vector.broadcast %add3A_430 : i32 to vector<16xi32>
        %add3A_432 = arith.addi %broadcast_in_dim3A_133, %add3A_431 : vector<16xi32>
        %gather3A_433 = tpu.vector_load_idx %arg4[%broadcast_in_dim3A_69, %iota3A, %add3A_432] : memref<2x16x1025xf32, #tpu.memory_space<vmem>>[vector<16xi32>, vector<16xi32>, vector<16xi32>], vector<16xf32>,
        %add3A_434 = arith.constant 63 : i32
        %add3A_435 = vector.broadcast %add3A_434 : i32 to vector<16xi32>
        %add3A_436 = arith.addi %broadcast_in_dim3A_133, %add3A_435 : vector<16xi32>
        %gather3A_437 = tpu.vector_load_idx %arg4[%broadcast_in_dim3A_69, %iota3A, %add3A_436] : memref<2x16x1025xf32, #tpu.memory_space<vmem>>[vector<16xi32>, vector<16xi32>, vector<16xi32>], vector<16xf32>,
        %max3A_438 = arith.maximumf %gather3A_377, %gather3A_381 : vector<16xf32>
        %max3A_439 = arith.maximumf %gather3A_385, %gather3A_389 : vector<16xf32>
        %max3A_440 = arith.maximumf %gather3A_393, %gather3A_397 : vector<16xf32>
        %max3A_441 = arith.maximumf %gather3A_401, %gather3A_405 : vector<16xf32>
        %max3A_442 = arith.maximumf %gather3A_409, %gather3A_413 : vector<16xf32>
        %max3A_443 = arith.maximumf %gather3A_417, %gather3A_421 : vector<16xf32>
        %max3A_444 = arith.maximumf %gather3A_425, %gather3A_429 : vector<16xf32>
        %max3A_445 = arith.maximumf %gather3A_433, %gather3A_437 : vector<16xf32>
        %max3A_446 = arith.maximumf %max3A_438, %max3A_439 : vector<16xf32>
        %max3A_447 = arith.maximumf %max3A_440, %max3A_441 : vector<16xf32>
        %max3A_448 = arith.maximumf %max3A_442, %max3A_443 : vector<16xf32>
        %max3A_449 = arith.maximumf %max3A_444, %max3A_445 : vector<16xf32>
        %max3A_450 = arith.maximumf %max3A_446, %max3A_447 : vector<16xf32>
        %max3A_451 = arith.maximumf %max3A_448, %max3A_449 : vector<16xf32>
        %max3A_452 = arith.maximumf %max3A_450, %max3A_451 : vector<16xf32>
        %gt3A_453 = arith.cmpf ogt, %max3A_452, %get3A_136 : vector<16xf32>
        %or3A = arith.ori %gt3A, %gt3A_293 : vector<16xi1>
        %or3A_454 = arith.ori %gt3A_373, %gt3A_453 : vector<16xi1>
        %or3A_455 = arith.ori %or3A, %or3A_454 : vector<16xi1>
        %all_reduce_population_count3A = tpu.all_reduce %or3A_455 {dim = 0 : i64, kind = #tpu.reduction_kind<sum>} : vector<16xi1> -> vector<16xi32>
        %slice3A = vector.extract_strided_slice %all_reduce_population_count3A {offsets = [0], sizes = [1], strides = [1]} : vector<16xi32> to vector<1xi32>
        %squeeze3A = vector.extract %slice3A[0] : i32 from vector<1xi32>
        %gt3A_456 = arith.constant 0 : i32
        %gt3A_457 = arith.cmpi sgt, %squeeze3A, %gt3A_456 : i32
        %convert_element_type3A_458 = arith.extui %gt3A_457 : i1 to i32
        %cond3A_459 = arith.constant 0 : i32
        %cond3A_460 = arith.cmpi ne, %convert_element_type3A_458, %cond3A_459 : i32
        scf.if %cond3A_460 {
          %all_reduce_population_count3A_461 = tpu.all_reduce %gt3A {dim = 0 : i64, kind = #tpu.reduction_kind<sum>} : vector<16xi1> -> vector<16xi32>
          %slice3A_462 = vector.extract_strided_slice %all_reduce_population_count3A_461 {offsets = [0], sizes = [1], strides = [1]} : vector<16xi32> to vector<1xi32>
          %squeeze3A_463 = vector.extract %slice3A_462[0] : i32 from vector<1xi32>
          %gt3A_464 = arith.constant 0 : i32
          %gt3A_465 = arith.cmpi sgt, %squeeze3A_463, %gt3A_464 : i32
          %convert_element_type3A_466 = arith.extui %gt3A_465 : i1 to i32
          %cond3A_467 = arith.constant 0 : i32
          %cond3A_468 = arith.cmpi ne, %convert_element_type3A_466, %cond3A_467 : i32
          scf.if %cond3A_468 {
            %get3A_493 = arith.constant 0 : i32
            %get3A_494 = arith.index_cast %get3A_493 : i32 to index
            %get3A_495 = arith.constant 0 : index
            %get3A_496 = tpu.vector_load %arg5[%get3A_494, %get3A_495] {strides = array<i32>} : memref<5x16xf32, #tpu.memory_space<vmem>>, vector<16xf32>,
            %get3A_497 = arith.constant 1 : i32
            %get3A_498 = arith.index_cast %get3A_497 : i32 to index
            %get3A_499 = arith.constant 0 : index
            %get3A_500 = tpu.vector_load %arg5[%get3A_498, %get3A_499] {strides = array<i32>} : memref<5x16xf32, #tpu.memory_space<vmem>>, vector<16xf32>,
            %get3A_501 = arith.constant 2 : i32
            %get3A_502 = arith.index_cast %get3A_501 : i32 to index
            %get3A_503 = arith.constant 0 : index
            %get3A_504 = tpu.vector_load %arg5[%get3A_502, %get3A_503] {strides = array<i32>} : memref<5x16xf32, #tpu.memory_space<vmem>>, vector<16xf32>,
            %get3A_505 = arith.constant 3 : i32
            %get3A_506 = arith.index_cast %get3A_505 : i32 to index
            %get3A_507 = arith.constant 0 : index
            %get3A_508 = tpu.vector_load %arg5[%get3A_506, %get3A_507] {strides = array<i32>} : memref<5x16xf32, #tpu.memory_space<vmem>>, vector<16xf32>,
            %get3A_509 = arith.constant 4 : i32
            %get3A_510 = arith.index_cast %get3A_509 : i32 to index
            %get3A_511 = arith.constant 0 : index
            %get3A_512 = tpu.vector_load %arg5[%get3A_510, %get3A_511] {strides = array<i32>} : memref<5x16xf32, #tpu.memory_space<vmem>>, vector<16xf32>,
            %add3A_513 = arith.constant 0 : i32
            %add3A_514 = vector.broadcast %add3A_513 : i32 to vector<16xi32>
            %add3A_515 = arith.addi %broadcast_in_dim3A_133, %add3A_514 : vector<16xi32>
            %gather3A_516 = tpu.vector_load_idx %arg4[%broadcast_in_dim3A_69, %iota3A, %add3A_515] : memref<2x16x1025xf32, #tpu.memory_space<vmem>>[vector<16xi32>, vector<16xi32>, vector<16xi32>], vector<16xf32>,
            %max3A_517 = arith.maximumf %get3A_496, %gather3A_516 : vector<16xf32>
            %min3A = arith.minimumf %get3A_496, %gather3A_516 : vector<16xf32>
            %max3A_518 = arith.maximumf %get3A_500, %min3A : vector<16xf32>
            %min3A_519 = arith.minimumf %get3A_500, %min3A : vector<16xf32>
            %max3A_520 = arith.maximumf %get3A_504, %min3A_519 : vector<16xf32>
            %min3A_521 = arith.minimumf %get3A_504, %min3A_519 : vector<16xf32>
            %max3A_522 = arith.maximumf %get3A_508, %min3A_521 : vector<16xf32>
            %min3A_523 = arith.minimumf %get3A_508, %min3A_521 : vector<16xf32>
            %max3A_524 = arith.maximumf %get3A_512, %min3A_523 : vector<16xf32>
            %min3A_525 = arith.minimumf %get3A_512, %min3A_523 : vector<16xf32>
            %add3A_526 = arith.constant 1 : i32
            %add3A_527 = vector.broadcast %add3A_526 : i32 to vector<16xi32>
            %add3A_528 = arith.addi %broadcast_in_dim3A_133, %add3A_527 : vector<16xi32>
            %gather3A_529 = tpu.vector_load_idx %arg4[%broadcast_in_dim3A_69, %iota3A, %add3A_528] : memref<2x16x1025xf32, #tpu.memory_space<vmem>>[vector<16xi32>, vector<16xi32>, vector<16xi32>], vector<16xf32>,
            %max3A_530 = arith.maximumf %max3A_517, %gather3A_529 : vector<16xf32>
            %min3A_531 = arith.minimumf %max3A_517, %gather3A_529 : vector<16xf32>
            %max3A_532 = arith.maximumf %max3A_518, %min3A_531 : vector<16xf32>
            %min3A_533 = arith.minimumf %max3A_518, %min3A_531 : vector<16xf32>
            %max3A_534 = arith.maximumf %max3A_520, %min3A_533 : vector<16xf32>
            %min3A_535 = arith.minimumf %max3A_520, %min3A_533 : vector<16xf32>
            %max3A_536 = arith.maximumf %max3A_522, %min3A_535 : vector<16xf32>
            %min3A_537 = arith.minimumf %max3A_522, %min3A_535 : vector<16xf32>
            %max3A_538 = arith.maximumf %max3A_524, %min3A_537 : vector<16xf32>
            %min3A_539 = arith.minimumf %max3A_524, %min3A_537 : vector<16xf32>
            %add3A_540 = arith.constant 2 : i32
            %add3A_541 = vector.broadcast %add3A_540 : i32 to vector<16xi32>
            %add3A_542 = arith.addi %broadcast_in_dim3A_133, %add3A_541 : vector<16xi32>
            %gather3A_543 = tpu.vector_load_idx %arg4[%broadcast_in_dim3A_69, %iota3A, %add3A_542] : memref<2x16x1025xf32, #tpu.memory_space<vmem>>[vector<16xi32>, vector<16xi32>, vector<16xi32>], vector<16xf32>,
            %max3A_544 = arith.maximumf %max3A_530, %gather3A_543 : vector<16xf32>
            %min3A_545 = arith.minimumf %max3A_530, %gather3A_543 : vector<16xf32>
            %max3A_546 = arith.maximumf %max3A_532, %min3A_545 : vector<16xf32>
            %min3A_547 = arith.minimumf %max3A_532, %min3A_545 : vector<16xf32>
            %max3A_548 = arith.maximumf %max3A_534, %min3A_547 : vector<16xf32>
            %min3A_549 = arith.minimumf %max3A_534, %min3A_547 : vector<16xf32>
            %max3A_550 = arith.maximumf %max3A_536, %min3A_549 : vector<16xf32>
            %min3A_551 = arith.minimumf %max3A_536, %min3A_549 : vector<16xf32>
            %max3A_552 = arith.maximumf %max3A_538, %min3A_551 : vector<16xf32>
            %min3A_553 = arith.minimumf %max3A_538, %min3A_551 : vector<16xf32>
            %add3A_554 = arith.constant 3 : i32
            %add3A_555 = vector.broadcast %add3A_554 : i32 to vector<16xi32>
            %add3A_556 = arith.addi %broadcast_in_dim3A_133, %add3A_555 : vector<16xi32>
            %gather3A_557 = tpu.vector_load_idx %arg4[%broadcast_in_dim3A_69, %iota3A, %add3A_556] : memref<2x16x1025xf32, #tpu.memory_space<vmem>>[vector<16xi32>, vector<16xi32>, vector<16xi32>], vector<16xf32>,
            %max3A_558 = arith.maximumf %max3A_544, %gather3A_557 : vector<16xf32>
            %min3A_559 = arith.minimumf %max3A_544, %gather3A_557 : vector<16xf32>
            %max3A_560 = arith.maximumf %max3A_546, %min3A_559 : vector<16xf32>
            %min3A_561 = arith.minimumf %max3A_546, %min3A_559 : vector<16xf32>
            %max3A_562 = arith.maximumf %max3A_548, %min3A_561 : vector<16xf32>
            %min3A_563 = arith.minimumf %max3A_548, %min3A_561 : vector<16xf32>
            %max3A_564 = arith.maximumf %max3A_550, %min3A_563 : vector<16xf32>
            %min3A_565 = arith.minimumf %max3A_550, %min3A_563 : vector<16xf32>
            %max3A_566 = arith.maximumf %max3A_552, %min3A_565 : vector<16xf32>
            %min3A_567 = arith.minimumf %max3A_552, %min3A_565 : vector<16xf32>
            %add3A_568 = arith.constant 4 : i32
            %add3A_569 = vector.broadcast %add3A_568 : i32 to vector<16xi32>
            %add3A_570 = arith.addi %broadcast_in_dim3A_133, %add3A_569 : vector<16xi32>
            %gather3A_571 = tpu.vector_load_idx %arg4[%broadcast_in_dim3A_69, %iota3A, %add3A_570] : memref<2x16x1025xf32, #tpu.memory_space<vmem>>[vector<16xi32>, vector<16xi32>, vector<16xi32>], vector<16xf32>,
            %max3A_572 = arith.maximumf %max3A_558, %gather3A_571 : vector<16xf32>
            %min3A_573 = arith.minimumf %max3A_558, %gather3A_571 : vector<16xf32>
            %max3A_574 = arith.maximumf %max3A_560, %min3A_573 : vector<16xf32>
            %min3A_575 = arith.minimumf %max3A_560, %min3A_573 : vector<16xf32>
            %max3A_576 = arith.maximumf %max3A_562, %min3A_575 : vector<16xf32>
            %min3A_577 = arith.minimumf %max3A_562, %min3A_575 : vector<16xf32>
            %max3A_578 = arith.maximumf %max3A_564, %min3A_577 : vector<16xf32>
            %min3A_579 = arith.minimumf %max3A_564, %min3A_577 : vector<16xf32>
            %max3A_580 = arith.maximumf %max3A_566, %min3A_579 : vector<16xf32>
            %min3A_581 = arith.minimumf %max3A_566, %min3A_579 : vector<16xf32>
            %add3A_582 = arith.constant 5 : i32
            %add3A_583 = vector.broadcast %add3A_582 : i32 to vector<16xi32>
            %add3A_584 = arith.addi %broadcast_in_dim3A_133, %add3A_583 : vector<16xi32>
            %gather3A_585 = tpu.vector_load_idx %arg4[%broadcast_in_dim3A_69, %iota3A, %add3A_584] : memref<2x16x1025xf32, #tpu.memory_space<vmem>>[vector<16xi32>, vector<16xi32>, vector<16xi32>], vector<16xf32>,
            %max3A_586 = arith.maximumf %max3A_572, %gather3A_585 : vector<16xf32>
            %min3A_587 = arith.minimumf %max3A_572, %gather3A_585 : vector<16xf32>
            %max3A_588 = arith.maximumf %max3A_574, %min3A_587 : vector<16xf32>
            %min3A_589 = arith.minimumf %max3A_574, %min3A_587 : vector<16xf32>
            %max3A_590 = arith.maximumf %max3A_576, %min3A_589 : vector<16xf32>
            %min3A_591 = arith.minimumf %max3A_576, %min3A_589 : vector<16xf32>
            %max3A_592 = arith.maximumf %max3A_578, %min3A_591 : vector<16xf32>
            %min3A_593 = arith.minimumf %max3A_578, %min3A_591 : vector<16xf32>
            %max3A_594 = arith.maximumf %max3A_580, %min3A_593 : vector<16xf32>
            %min3A_595 = arith.minimumf %max3A_580, %min3A_593 : vector<16xf32>
            %add3A_596 = arith.constant 6 : i32
            %add3A_597 = vector.broadcast %add3A_596 : i32 to vector<16xi32>
            %add3A_598 = arith.addi %broadcast_in_dim3A_133, %add3A_597 : vector<16xi32>
            %gather3A_599 = tpu.vector_load_idx %arg4[%broadcast_in_dim3A_69, %iota3A, %add3A_598] : memref<2x16x1025xf32, #tpu.memory_space<vmem>>[vector<16xi32>, vector<16xi32>, vector<16xi32>], vector<16xf32>,
            %max3A_600 = arith.maximumf %max3A_586, %gather3A_599 : vector<16xf32>
            %min3A_601 = arith.minimumf %max3A_586, %gather3A_599 : vector<16xf32>
            %max3A_602 = arith.maximumf %max3A_588, %min3A_601 : vector<16xf32>
            %min3A_603 = arith.minimumf %max3A_588, %min3A_601 : vector<16xf32>
            %max3A_604 = arith.maximumf %max3A_590, %min3A_603 : vector<16xf32>
            %min3A_605 = arith.minimumf %max3A_590, %min3A_603 : vector<16xf32>
            %max3A_606 = arith.maximumf %max3A_592, %min3A_605 : vector<16xf32>
            %min3A_607 = arith.minimumf %max3A_592, %min3A_605 : vector<16xf32>
            %max3A_608 = arith.maximumf %max3A_594, %min3A_607 : vector<16xf32>
            %min3A_609 = arith.minimumf %max3A_594, %min3A_607 : vector<16xf32>
            %add3A_610 = arith.constant 7 : i32
            %add3A_611 = vector.broadcast %add3A_610 : i32 to vector<16xi32>
            %add3A_612 = arith.addi %broadcast_in_dim3A_133, %add3A_611 : vector<16xi32>
            %gather3A_613 = tpu.vector_load_idx %arg4[%broadcast_in_dim3A_69, %iota3A, %add3A_612] : memref<2x16x1025xf32, #tpu.memory_space<vmem>>[vector<16xi32>, vector<16xi32>, vector<16xi32>], vector<16xf32>,
            %max3A_614 = arith.maximumf %max3A_600, %gather3A_613 : vector<16xf32>
            %min3A_615 = arith.minimumf %max3A_600, %gather3A_613 : vector<16xf32>
            %max3A_616 = arith.maximumf %max3A_602, %min3A_615 : vector<16xf32>
            %min3A_617 = arith.minimumf %max3A_602, %min3A_615 : vector<16xf32>
            %max3A_618 = arith.maximumf %max3A_604, %min3A_617 : vector<16xf32>
            %min3A_619 = arith.minimumf %max3A_604, %min3A_617 : vector<16xf32>
            %max3A_620 = arith.maximumf %max3A_606, %min3A_619 : vector<16xf32>
            %min3A_621 = arith.minimumf %max3A_606, %min3A_619 : vector<16xf32>
            %max3A_622 = arith.maximumf %max3A_608, %min3A_621 : vector<16xf32>
            %min3A_623 = arith.minimumf %max3A_608, %min3A_621 : vector<16xf32>
            %add3A_624 = arith.constant 8 : i32
            %add3A_625 = vector.broadcast %add3A_624 : i32 to vector<16xi32>
            %add3A_626 = arith.addi %broadcast_in_dim3A_133, %add3A_625 : vector<16xi32>
            %gather3A_627 = tpu.vector_load_idx %arg4[%broadcast_in_dim3A_69, %iota3A, %add3A_626] : memref<2x16x1025xf32, #tpu.memory_space<vmem>>[vector<16xi32>, vector<16xi32>, vector<16xi32>], vector<16xf32>,
            %max3A_628 = arith.maximumf %max3A_614, %gather3A_627 : vector<16xf32>
            %min3A_629 = arith.minimumf %max3A_614, %gather3A_627 : vector<16xf32>
            %max3A_630 = arith.maximumf %max3A_616, %min3A_629 : vector<16xf32>
            %min3A_631 = arith.minimumf %max3A_616, %min3A_629 : vector<16xf32>
            %max3A_632 = arith.maximumf %max3A_618, %min3A_631 : vector<16xf32>
            %min3A_633 = arith.minimumf %max3A_618, %min3A_631 : vector<16xf32>
            %max3A_634 = arith.maximumf %max3A_620, %min3A_633 : vector<16xf32>
            %min3A_635 = arith.minimumf %max3A_620, %min3A_633 : vector<16xf32>
            %max3A_636 = arith.maximumf %max3A_622, %min3A_635 : vector<16xf32>
            %min3A_637 = arith.minimumf %max3A_622, %min3A_635 : vector<16xf32>
            %add3A_638 = arith.constant 9 : i32
            %add3A_639 = vector.broadcast %add3A_638 : i32 to vector<16xi32>
            %add3A_640 = arith.addi %broadcast_in_dim3A_133, %add3A_639 : vector<16xi32>
            %gather3A_641 = tpu.vector_load_idx %arg4[%broadcast_in_dim3A_69, %iota3A, %add3A_640] : memref<2x16x1025xf32, #tpu.memory_space<vmem>>[vector<16xi32>, vector<16xi32>, vector<16xi32>], vector<16xf32>,
            %max3A_642 = arith.maximumf %max3A_628, %gather3A_641 : vector<16xf32>
            %min3A_643 = arith.minimumf %max3A_628, %gather3A_641 : vector<16xf32>
            %max3A_644 = arith.maximumf %max3A_630, %min3A_643 : vector<16xf32>
            %min3A_645 = arith.minimumf %max3A_630, %min3A_643 : vector<16xf32>
            %max3A_646 = arith.maximumf %max3A_632, %min3A_645 : vector<16xf32>
            %min3A_647 = arith.minimumf %max3A_632, %min3A_645 : vector<16xf32>
            %max3A_648 = arith.maximumf %max3A_634, %min3A_647 : vector<16xf32>
            %min3A_649 = arith.minimumf %max3A_634, %min3A_647 : vector<16xf32>
            %max3A_650 = arith.maximumf %max3A_636, %min3A_649 : vector<16xf32>
            %min3A_651 = arith.minimumf %max3A_636, %min3A_649 : vector<16xf32>
            %add3A_652 = arith.constant 10 : i32
            %add3A_653 = vector.broadcast %add3A_652 : i32 to vector<16xi32>
            %add3A_654 = arith.addi %broadcast_in_dim3A_133, %add3A_653 : vector<16xi32>
            %gather3A_655 = tpu.vector_load_idx %arg4[%broadcast_in_dim3A_69, %iota3A, %add3A_654] : memref<2x16x1025xf32, #tpu.memory_space<vmem>>[vector<16xi32>, vector<16xi32>, vector<16xi32>], vector<16xf32>,
            %max3A_656 = arith.maximumf %max3A_642, %gather3A_655 : vector<16xf32>
            %min3A_657 = arith.minimumf %max3A_642, %gather3A_655 : vector<16xf32>
            %max3A_658 = arith.maximumf %max3A_644, %min3A_657 : vector<16xf32>
            %min3A_659 = arith.minimumf %max3A_644, %min3A_657 : vector<16xf32>
            %max3A_660 = arith.maximumf %max3A_646, %min3A_659 : vector<16xf32>
            %min3A_661 = arith.minimumf %max3A_646, %min3A_659 : vector<16xf32>
            %max3A_662 = arith.maximumf %max3A_648, %min3A_661 : vector<16xf32>
            %min3A_663 = arith.minimumf %max3A_648, %min3A_661 : vector<16xf32>
            %max3A_664 = arith.maximumf %max3A_650, %min3A_663 : vector<16xf32>
            %min3A_665 = arith.minimumf %max3A_650, %min3A_663 : vector<16xf32>
            %add3A_666 = arith.constant 11 : i32
            %add3A_667 = vector.broadcast %add3A_666 : i32 to vector<16xi32>
            %add3A_668 = arith.addi %broadcast_in_dim3A_133, %add3A_667 : vector<16xi32>
            %gather3A_669 = tpu.vector_load_idx %arg4[%broadcast_in_dim3A_69, %iota3A, %add3A_668] : memref<2x16x1025xf32, #tpu.memory_space<vmem>>[vector<16xi32>, vector<16xi32>, vector<16xi32>], vector<16xf32>,
            %max3A_670 = arith.maximumf %max3A_656, %gather3A_669 : vector<16xf32>
            %min3A_671 = arith.minimumf %max3A_656, %gather3A_669 : vector<16xf32>
            %max3A_672 = arith.maximumf %max3A_658, %min3A_671 : vector<16xf32>
            %min3A_673 = arith.minimumf %max3A_658, %min3A_671 : vector<16xf32>
            %max3A_674 = arith.maximumf %max3A_660, %min3A_673 : vector<16xf32>
            %min3A_675 = arith.minimumf %max3A_660, %min3A_673 : vector<16xf32>
            %max3A_676 = arith.maximumf %max3A_662, %min3A_675 : vector<16xf32>
            %min3A_677 = arith.minimumf %max3A_662, %min3A_675 : vector<16xf32>
            %max3A_678 = arith.maximumf %max3A_664, %min3A_677 : vector<16xf32>
            %min3A_679 = arith.minimumf %max3A_664, %min3A_677 : vector<16xf32>
            %add3A_680 = arith.constant 12 : i32
            %add3A_681 = vector.broadcast %add3A_680 : i32 to vector<16xi32>
            %add3A_682 = arith.addi %broadcast_in_dim3A_133, %add3A_681 : vector<16xi32>
            %gather3A_683 = tpu.vector_load_idx %arg4[%broadcast_in_dim3A_69, %iota3A, %add3A_682] : memref<2x16x1025xf32, #tpu.memory_space<vmem>>[vector<16xi32>, vector<16xi32>, vector<16xi32>], vector<16xf32>,
            %max3A_684 = arith.maximumf %max3A_670, %gather3A_683 : vector<16xf32>
            %min3A_685 = arith.minimumf %max3A_670, %gather3A_683 : vector<16xf32>
            %max3A_686 = arith.maximumf %max3A_672, %min3A_685 : vector<16xf32>
            %min3A_687 = arith.minimumf %max3A_672, %min3A_685 : vector<16xf32>
            %max3A_688 = arith.maximumf %max3A_674, %min3A_687 : vector<16xf32>
            %min3A_689 = arith.minimumf %max3A_674, %min3A_687 : vector<16xf32>
            %max3A_690 = arith.maximumf %max3A_676, %min3A_689 : vector<16xf32>
            %min3A_691 = arith.minimumf %max3A_676, %min3A_689 : vector<16xf32>
            %max3A_692 = arith.maximumf %max3A_678, %min3A_691 : vector<16xf32>
            %min3A_693 = arith.minimumf %max3A_678, %min3A_691 : vector<16xf32>
            %add3A_694 = arith.constant 13 : i32
            %add3A_695 = vector.broadcast %add3A_694 : i32 to vector<16xi32>
            %add3A_696 = arith.addi %broadcast_in_dim3A_133, %add3A_695 : vector<16xi32>
            %gather3A_697 = tpu.vector_load_idx %arg4[%broadcast_in_dim3A_69, %iota3A, %add3A_696] : memref<2x16x1025xf32, #tpu.memory_space<vmem>>[vector<16xi32>, vector<16xi32>, vector<16xi32>], vector<16xf32>,
            %max3A_698 = arith.maximumf %max3A_684, %gather3A_697 : vector<16xf32>
            %min3A_699 = arith.minimumf %max3A_684, %gather3A_697 : vector<16xf32>
            %max3A_700 = arith.maximumf %max3A_686, %min3A_699 : vector<16xf32>
            %min3A_701 = arith.minimumf %max3A_686, %min3A_699 : vector<16xf32>
            %max3A_702 = arith.maximumf %max3A_688, %min3A_701 : vector<16xf32>
            %min3A_703 = arith.minimumf %max3A_688, %min3A_701 : vector<16xf32>
            %max3A_704 = arith.maximumf %max3A_690, %min3A_703 : vector<16xf32>
            %min3A_705 = arith.minimumf %max3A_690, %min3A_703 : vector<16xf32>
            %max3A_706 = arith.maximumf %max3A_692, %min3A_705 : vector<16xf32>
            %min3A_707 = arith.minimumf %max3A_692, %min3A_705 : vector<16xf32>
            %add3A_708 = arith.constant 14 : i32
            %add3A_709 = vector.broadcast %add3A_708 : i32 to vector<16xi32>
            %add3A_710 = arith.addi %broadcast_in_dim3A_133, %add3A_709 : vector<16xi32>
            %gather3A_711 = tpu.vector_load_idx %arg4[%broadcast_in_dim3A_69, %iota3A, %add3A_710] : memref<2x16x1025xf32, #tpu.memory_space<vmem>>[vector<16xi32>, vector<16xi32>, vector<16xi32>], vector<16xf32>,
            %max3A_712 = arith.maximumf %max3A_698, %gather3A_711 : vector<16xf32>
            %min3A_713 = arith.minimumf %max3A_698, %gather3A_711 : vector<16xf32>
            %max3A_714 = arith.maximumf %max3A_700, %min3A_713 : vector<16xf32>
            %min3A_715 = arith.minimumf %max3A_700, %min3A_713 : vector<16xf32>
            %max3A_716 = arith.maximumf %max3A_702, %min3A_715 : vector<16xf32>
            %min3A_717 = arith.minimumf %max3A_702, %min3A_715 : vector<16xf32>
            %max3A_718 = arith.maximumf %max3A_704, %min3A_717 : vector<16xf32>
            %min3A_719 = arith.minimumf %max3A_704, %min3A_717 : vector<16xf32>
            %max3A_720 = arith.maximumf %max3A_706, %min3A_719 : vector<16xf32>
            %min3A_721 = arith.minimumf %max3A_706, %min3A_719 : vector<16xf32>
            %add3A_722 = arith.constant 15 : i32
            %add3A_723 = vector.broadcast %add3A_722 : i32 to vector<16xi32>
            %add3A_724 = arith.addi %broadcast_in_dim3A_133, %add3A_723 : vector<16xi32>
            %gather3A_725 = tpu.vector_load_idx %arg4[%broadcast_in_dim3A_69, %iota3A, %add3A_724] : memref<2x16x1025xf32, #tpu.memory_space<vmem>>[vector<16xi32>, vector<16xi32>, vector<16xi32>], vector<16xf32>,
            %max3A_726 = arith.maximumf %max3A_712, %gather3A_725 : vector<16xf32>
            %min3A_727 = arith.minimumf %max3A_712, %gather3A_725 : vector<16xf32>
            %max3A_728 = arith.maximumf %max3A_714, %min3A_727 : vector<16xf32>
            %min3A_729 = arith.minimumf %max3A_714, %min3A_727 : vector<16xf32>
            %max3A_730 = arith.maximumf %max3A_716, %min3A_729 : vector<16xf32>
            %min3A_731 = arith.minimumf %max3A_716, %min3A_729 : vector<16xf32>
            %max3A_732 = arith.maximumf %max3A_718, %min3A_731 : vector<16xf32>
            %min3A_733 = arith.minimumf %max3A_718, %min3A_731 : vector<16xf32>
            %max3A_734 = arith.maximumf %max3A_720, %min3A_733 : vector<16xf32>
            %min3A_735 = arith.minimumf %max3A_720, %min3A_733 : vector<16xf32>
            %swap3A = arith.constant 0 : i32
            %swap3A_736 = arith.index_cast %swap3A : i32 to index
            %swap3A_737 = arith.constant 0 : index
            %swap3A_738 = tpu.vector_load %arg5[%swap3A_736, %swap3A_737] {strides = array<i32>} : memref<5x16xf32, #tpu.memory_space<vmem>>, vector<16xf32>,
            tpu.vector_store %arg5[%swap3A_736, %swap3A_737], %max3A_726 {strides = array<i32>} : memref<5x16xf32, #tpu.memory_space<vmem>>, vector<16xf32>,
            %swap3A_739 = arith.constant 1 : i32
            %swap3A_740 = arith.index_cast %swap3A_739 : i32 to index
            %swap3A_741 = arith.constant 0 : index
            %swap3A_742 = tpu.vector_load %arg5[%swap3A_740, %swap3A_741] {strides = array<i32>} : memref<5x16xf32, #tpu.memory_space<vmem>>, vector<16xf32>,
            tpu.vector_store %arg5[%swap3A_740, %swap3A_741], %max3A_728 {strides = array<i32>} : memref<5x16xf32, #tpu.memory_space<vmem>>, vector<16xf32>,
            %swap3A_743 = arith.constant 2 : i32
            %swap3A_744 = arith.index_cast %swap3A_743 : i32 to index
            %swap3A_745 = arith.constant 0 : index
            %swap3A_746 = tpu.vector_load %arg5[%swap3A_744, %swap3A_745] {strides = array<i32>} : memref<5x16xf32, #tpu.memory_space<vmem>>, vector<16xf32>,
            tpu.vector_store %arg5[%swap3A_744, %swap3A_745], %max3A_730 {strides = array<i32>} : memref<5x16xf32, #tpu.memory_space<vmem>>, vector<16xf32>,
            %swap3A_747 = arith.constant 3 : i32
            %swap3A_748 = arith.index_cast %swap3A_747 : i32 to index
            %swap3A_749 = arith.constant 0 : index
            %swap3A_750 = tpu.vector_load %arg5[%swap3A_748, %swap3A_749] {strides = array<i32>} : memref<5x16xf32, #tpu.memory_space<vmem>>, vector<16xf32>,
            tpu.vector_store %arg5[%swap3A_748, %swap3A_749], %max3A_732 {strides = array<i32>} : memref<5x16xf32, #tpu.memory_space<vmem>>, vector<16xf32>,
            %swap3A_751 = arith.constant 4 : i32
            %swap3A_752 = arith.index_cast %swap3A_751 : i32 to index
            %swap3A_753 = arith.constant 0 : index
            %swap3A_754 = tpu.vector_load %arg5[%swap3A_752, %swap3A_753] {strides = array<i32>} : memref<5x16xf32, #tpu.memory_space<vmem>>, vector<16xf32>,
            tpu.vector_store %arg5[%swap3A_752, %swap3A_753], %max3A_734 {strides = array<i32>} : memref<5x16xf32, #tpu.memory_space<vmem>>, vector<16xf32>,
          } else {
          }
          %all_reduce_population_count3A_469 = tpu.all_reduce %gt3A_293 {dim = 0 : i64, kind = #tpu.reduction_kind<sum>} : vector<16xi1> -> vector<16xi32>
          %slice3A_470 = vector.extract_strided_slice %all_reduce_population_count3A_469 {offsets = [0], sizes = [1], strides = [1]} : vector<16xi32> to vector<1xi32>
          %squeeze3A_471 = vector.extract %slice3A_470[0] : i32 from vector<1xi32>
          %gt3A_472 = arith.constant 0 : i32
          %gt3A_473 = arith.cmpi sgt, %squeeze3A_471, %gt3A_472 : i32
          %convert_element_type3A_474 = arith.extui %gt3A_473 : i1 to i32
          %cond3A_475 = arith.constant 0 : i32
          %cond3A_476 = arith.cmpi ne, %convert_element_type3A_474, %cond3A_475 : i32
          scf.if %cond3A_476 {
            %get3A_493 = arith.constant 0 : i32
            %get3A_494 = arith.index_cast %get3A_493 : i32 to index
            %get3A_495 = arith.constant 0 : index
            %get3A_496 = tpu.vector_load %arg5[%get3A_494, %get3A_495] {strides = array<i32>} : memref<5x16xf32, #tpu.memory_space<vmem>>, vector<16xf32>,
            %get3A_497 = arith.constant 1 : i32
            %get3A_498 = arith.index_cast %get3A_497 : i32 to index
            %get3A_499 = arith.constant 0 : index
            %get3A_500 = tpu.vector_load %arg5[%get3A_498, %get3A_499] {strides = array<i32>} : memref<5x16xf32, #tpu.memory_space<vmem>>, vector<16xf32>,
            %get3A_501 = arith.constant 2 : i32
            %get3A_502 = arith.index_cast %get3A_501 : i32 to index
            %get3A_503 = arith.constant 0 : index
            %get3A_504 = tpu.vector_load %arg5[%get3A_502, %get3A_503] {strides = array<i32>} : memref<5x16xf32, #tpu.memory_space<vmem>>, vector<16xf32>,
            %get3A_505 = arith.constant 3 : i32
            %get3A_506 = arith.index_cast %get3A_505 : i32 to index
            %get3A_507 = arith.constant 0 : index
            %get3A_508 = tpu.vector_load %arg5[%get3A_506, %get3A_507] {strides = array<i32>} : memref<5x16xf32, #tpu.memory_space<vmem>>, vector<16xf32>,
            %get3A_509 = arith.constant 4 : i32
            %get3A_510 = arith.index_cast %get3A_509 : i32 to index
            %get3A_511 = arith.constant 0 : index
            %get3A_512 = tpu.vector_load %arg5[%get3A_510, %get3A_511] {strides = array<i32>} : memref<5x16xf32, #tpu.memory_space<vmem>>, vector<16xf32>,
            %add3A_513 = arith.constant 16 : i32
            %add3A_514 = vector.broadcast %add3A_513 : i32 to vector<16xi32>
            %add3A_515 = arith.addi %broadcast_in_dim3A_133, %add3A_514 : vector<16xi32>
            %gather3A_516 = tpu.vector_load_idx %arg4[%broadcast_in_dim3A_69, %iota3A, %add3A_515] : memref<2x16x1025xf32, #tpu.memory_space<vmem>>[vector<16xi32>, vector<16xi32>, vector<16xi32>], vector<16xf32>,
            %max3A_517 = arith.maximumf %get3A_496, %gather3A_516 : vector<16xf32>
            %min3A = arith.minimumf %get3A_496, %gather3A_516 : vector<16xf32>
            %max3A_518 = arith.maximumf %get3A_500, %min3A : vector<16xf32>
            %min3A_519 = arith.minimumf %get3A_500, %min3A : vector<16xf32>
            %max3A_520 = arith.maximumf %get3A_504, %min3A_519 : vector<16xf32>
            %min3A_521 = arith.minimumf %get3A_504, %min3A_519 : vector<16xf32>
            %max3A_522 = arith.maximumf %get3A_508, %min3A_521 : vector<16xf32>
            %min3A_523 = arith.minimumf %get3A_508, %min3A_521 : vector<16xf32>
            %max3A_524 = arith.maximumf %get3A_512, %min3A_523 : vector<16xf32>
            %min3A_525 = arith.minimumf %get3A_512, %min3A_523 : vector<16xf32>
            %add3A_526 = arith.constant 17 : i32
            %add3A_527 = vector.broadcast %add3A_526 : i32 to vector<16xi32>
            %add3A_528 = arith.addi %broadcast_in_dim3A_133, %add3A_527 : vector<16xi32>
            %gather3A_529 = tpu.vector_load_idx %arg4[%broadcast_in_dim3A_69, %iota3A, %add3A_528] : memref<2x16x1025xf32, #tpu.memory_space<vmem>>[vector<16xi32>, vector<16xi32>, vector<16xi32>], vector<16xf32>,
            %max3A_530 = arith.maximumf %max3A_517, %gather3A_529 : vector<16xf32>
            %min3A_531 = arith.minimumf %max3A_517, %gather3A_529 : vector<16xf32>
            %max3A_532 = arith.maximumf %max3A_518, %min3A_531 : vector<16xf32>
            %min3A_533 = arith.minimumf %max3A_518, %min3A_531 : vector<16xf32>
            %max3A_534 = arith.maximumf %max3A_520, %min3A_533 : vector<16xf32>
            %min3A_535 = arith.minimumf %max3A_520, %min3A_533 : vector<16xf32>
            %max3A_536 = arith.maximumf %max3A_522, %min3A_535 : vector<16xf32>
            %min3A_537 = arith.minimumf %max3A_522, %min3A_535 : vector<16xf32>
            %max3A_538 = arith.maximumf %max3A_524, %min3A_537 : vector<16xf32>
            %min3A_539 = arith.minimumf %max3A_524, %min3A_537 : vector<16xf32>
            %add3A_540 = arith.constant 18 : i32
            %add3A_541 = vector.broadcast %add3A_540 : i32 to vector<16xi32>
            %add3A_542 = arith.addi %broadcast_in_dim3A_133, %add3A_541 : vector<16xi32>
            %gather3A_543 = tpu.vector_load_idx %arg4[%broadcast_in_dim3A_69, %iota3A, %add3A_542] : memref<2x16x1025xf32, #tpu.memory_space<vmem>>[vector<16xi32>, vector<16xi32>, vector<16xi32>], vector<16xf32>,
            %max3A_544 = arith.maximumf %max3A_530, %gather3A_543 : vector<16xf32>
            %min3A_545 = arith.minimumf %max3A_530, %gather3A_543 : vector<16xf32>
            %max3A_546 = arith.maximumf %max3A_532, %min3A_545 : vector<16xf32>
            %min3A_547 = arith.minimumf %max3A_532, %min3A_545 : vector<16xf32>
            %max3A_548 = arith.maximumf %max3A_534, %min3A_547 : vector<16xf32>
            %min3A_549 = arith.minimumf %max3A_534, %min3A_547 : vector<16xf32>
            %max3A_550 = arith.maximumf %max3A_536, %min3A_549 : vector<16xf32>
            %min3A_551 = arith.minimumf %max3A_536, %min3A_549 : vector<16xf32>
            %max3A_552 = arith.maximumf %max3A_538, %min3A_551 : vector<16xf32>
            %min3A_553 = arith.minimumf %max3A_538, %min3A_551 : vector<16xf32>
            %add3A_554 = arith.constant 19 : i32
            %add3A_555 = vector.broadcast %add3A_554 : i32 to vector<16xi32>
            %add3A_556 = arith.addi %broadcast_in_dim3A_133, %add3A_555 : vector<16xi32>
            %gather3A_557 = tpu.vector_load_idx %arg4[%broadcast_in_dim3A_69, %iota3A, %add3A_556] : memref<2x16x1025xf32, #tpu.memory_space<vmem>>[vector<16xi32>, vector<16xi32>, vector<16xi32>], vector<16xf32>,
            %max3A_558 = arith.maximumf %max3A_544, %gather3A_557 : vector<16xf32>
            %min3A_559 = arith.minimumf %max3A_544, %gather3A_557 : vector<16xf32>
            %max3A_560 = arith.maximumf %max3A_546, %min3A_559 : vector<16xf32>
            %min3A_561 = arith.minimumf %max3A_546, %min3A_559 : vector<16xf32>
            %max3A_562 = arith.maximumf %max3A_548, %min3A_561 : vector<16xf32>
            %min3A_563 = arith.minimumf %max3A_548, %min3A_561 : vector<16xf32>
            %max3A_564 = arith.maximumf %max3A_550, %min3A_563 : vector<16xf32>
            %min3A_565 = arith.minimumf %max3A_550, %min3A_563 : vector<16xf32>
            %max3A_566 = arith.maximumf %max3A_552, %min3A_565 : vector<16xf32>
            %min3A_567 = arith.minimumf %max3A_552, %min3A_565 : vector<16xf32>
            %add3A_568 = arith.constant 20 : i32
            %add3A_569 = vector.broadcast %add3A_568 : i32 to vector<16xi32>
            %add3A_570 = arith.addi %broadcast_in_dim3A_133, %add3A_569 : vector<16xi32>
            %gather3A_571 = tpu.vector_load_idx %arg4[%broadcast_in_dim3A_69, %iota3A, %add3A_570] : memref<2x16x1025xf32, #tpu.memory_space<vmem>>[vector<16xi32>, vector<16xi32>, vector<16xi32>], vector<16xf32>,
            %max3A_572 = arith.maximumf %max3A_558, %gather3A_571 : vector<16xf32>
            %min3A_573 = arith.minimumf %max3A_558, %gather3A_571 : vector<16xf32>
            %max3A_574 = arith.maximumf %max3A_560, %min3A_573 : vector<16xf32>
            %min3A_575 = arith.minimumf %max3A_560, %min3A_573 : vector<16xf32>
            %max3A_576 = arith.maximumf %max3A_562, %min3A_575 : vector<16xf32>
            %min3A_577 = arith.minimumf %max3A_562, %min3A_575 : vector<16xf32>
            %max3A_578 = arith.maximumf %max3A_564, %min3A_577 : vector<16xf32>
            %min3A_579 = arith.minimumf %max3A_564, %min3A_577 : vector<16xf32>
            %max3A_580 = arith.maximumf %max3A_566, %min3A_579 : vector<16xf32>
            %min3A_581 = arith.minimumf %max3A_566, %min3A_579 : vector<16xf32>
            %add3A_582 = arith.constant 21 : i32
            %add3A_583 = vector.broadcast %add3A_582 : i32 to vector<16xi32>
            %add3A_584 = arith.addi %broadcast_in_dim3A_133, %add3A_583 : vector<16xi32>
            %gather3A_585 = tpu.vector_load_idx %arg4[%broadcast_in_dim3A_69, %iota3A, %add3A_584] : memref<2x16x1025xf32, #tpu.memory_space<vmem>>[vector<16xi32>, vector<16xi32>, vector<16xi32>], vector<16xf32>,
            %max3A_586 = arith.maximumf %max3A_572, %gather3A_585 : vector<16xf32>
            %min3A_587 = arith.minimumf %max3A_572, %gather3A_585 : vector<16xf32>
            %max3A_588 = arith.maximumf %max3A_574, %min3A_587 : vector<16xf32>
            %min3A_589 = arith.minimumf %max3A_574, %min3A_587 : vector<16xf32>
            %max3A_590 = arith.maximumf %max3A_576, %min3A_589 : vector<16xf32>
            %min3A_591 = arith.minimumf %max3A_576, %min3A_589 : vector<16xf32>
            %max3A_592 = arith.maximumf %max3A_578, %min3A_591 : vector<16xf32>
            %min3A_593 = arith.minimumf %max3A_578, %min3A_591 : vector<16xf32>
            %max3A_594 = arith.maximumf %max3A_580, %min3A_593 : vector<16xf32>
            %min3A_595 = arith.minimumf %max3A_580, %min3A_593 : vector<16xf32>
            %add3A_596 = arith.constant 22 : i32
            %add3A_597 = vector.broadcast %add3A_596 : i32 to vector<16xi32>
            %add3A_598 = arith.addi %broadcast_in_dim3A_133, %add3A_597 : vector<16xi32>
            %gather3A_599 = tpu.vector_load_idx %arg4[%broadcast_in_dim3A_69, %iota3A, %add3A_598] : memref<2x16x1025xf32, #tpu.memory_space<vmem>>[vector<16xi32>, vector<16xi32>, vector<16xi32>], vector<16xf32>,
            %max3A_600 = arith.maximumf %max3A_586, %gather3A_599 : vector<16xf32>
            %min3A_601 = arith.minimumf %max3A_586, %gather3A_599 : vector<16xf32>
            %max3A_602 = arith.maximumf %max3A_588, %min3A_601 : vector<16xf32>
            %min3A_603 = arith.minimumf %max3A_588, %min3A_601 : vector<16xf32>
            %max3A_604 = arith.maximumf %max3A_590, %min3A_603 : vector<16xf32>
            %min3A_605 = arith.minimumf %max3A_590, %min3A_603 : vector<16xf32>
            %max3A_606 = arith.maximumf %max3A_592, %min3A_605 : vector<16xf32>
            %min3A_607 = arith.minimumf %max3A_592, %min3A_605 : vector<16xf32>
            %max3A_608 = arith.maximumf %max3A_594, %min3A_607 : vector<16xf32>
            %min3A_609 = arith.minimumf %max3A_594, %min3A_607 : vector<16xf32>
            %add3A_610 = arith.constant 23 : i32
            %add3A_611 = vector.broadcast %add3A_610 : i32 to vector<16xi32>
            %add3A_612 = arith.addi %broadcast_in_dim3A_133, %add3A_611 : vector<16xi32>
            %gather3A_613 = tpu.vector_load_idx %arg4[%broadcast_in_dim3A_69, %iota3A, %add3A_612] : memref<2x16x1025xf32, #tpu.memory_space<vmem>>[vector<16xi32>, vector<16xi32>, vector<16xi32>], vector<16xf32>,
            %max3A_614 = arith.maximumf %max3A_600, %gather3A_613 : vector<16xf32>
            %min3A_615 = arith.minimumf %max3A_600, %gather3A_613 : vector<16xf32>
            %max3A_616 = arith.maximumf %max3A_602, %min3A_615 : vector<16xf32>
            %min3A_617 = arith.minimumf %max3A_602, %min3A_615 : vector<16xf32>
            %max3A_618 = arith.maximumf %max3A_604, %min3A_617 : vector<16xf32>
            %min3A_619 = arith.minimumf %max3A_604, %min3A_617 : vector<16xf32>
            %max3A_620 = arith.maximumf %max3A_606, %min3A_619 : vector<16xf32>
            %min3A_621 = arith.minimumf %max3A_606, %min3A_619 : vector<16xf32>
            %max3A_622 = arith.maximumf %max3A_608, %min3A_621 : vector<16xf32>
            %min3A_623 = arith.minimumf %max3A_608, %min3A_621 : vector<16xf32>
            %add3A_624 = arith.constant 24 : i32
            %add3A_625 = vector.broadcast %add3A_624 : i32 to vector<16xi32>
            %add3A_626 = arith.addi %broadcast_in_dim3A_133, %add3A_625 : vector<16xi32>
            %gather3A_627 = tpu.vector_load_idx %arg4[%broadcast_in_dim3A_69, %iota3A, %add3A_626] : memref<2x16x1025xf32, #tpu.memory_space<vmem>>[vector<16xi32>, vector<16xi32>, vector<16xi32>], vector<16xf32>,
            %max3A_628 = arith.maximumf %max3A_614, %gather3A_627 : vector<16xf32>
            %min3A_629 = arith.minimumf %max3A_614, %gather3A_627 : vector<16xf32>
            %max3A_630 = arith.maximumf %max3A_616, %min3A_629 : vector<16xf32>
            %min3A_631 = arith.minimumf %max3A_616, %min3A_629 : vector<16xf32>
            %max3A_632 = arith.maximumf %max3A_618, %min3A_631 : vector<16xf32>
            %min3A_633 = arith.minimumf %max3A_618, %min3A_631 : vector<16xf32>
            %max3A_634 = arith.maximumf %max3A_620, %min3A_633 : vector<16xf32>
            %min3A_635 = arith.minimumf %max3A_620, %min3A_633 : vector<16xf32>
            %max3A_636 = arith.maximumf %max3A_622, %min3A_635 : vector<16xf32>
            %min3A_637 = arith.minimumf %max3A_622, %min3A_635 : vector<16xf32>
            %add3A_638 = arith.constant 25 : i32
            %add3A_639 = vector.broadcast %add3A_638 : i32 to vector<16xi32>
            %add3A_640 = arith.addi %broadcast_in_dim3A_133, %add3A_639 : vector<16xi32>
            %gather3A_641 = tpu.vector_load_idx %arg4[%broadcast_in_dim3A_69, %iota3A, %add3A_640] : memref<2x16x1025xf32, #tpu.memory_space<vmem>>[vector<16xi32>, vector<16xi32>, vector<16xi32>], vector<16xf32>,
            %max3A_642 = arith.maximumf %max3A_628, %gather3A_641 : vector<16xf32>
            %min3A_643 = arith.minimumf %max3A_628, %gather3A_641 : vector<16xf32>
            %max3A_644 = arith.maximumf %max3A_630, %min3A_643 : vector<16xf32>
            %min3A_645 = arith.minimumf %max3A_630, %min3A_643 : vector<16xf32>
            %max3A_646 = arith.maximumf %max3A_632, %min3A_645 : vector<16xf32>
            %min3A_647 = arith.minimumf %max3A_632, %min3A_645 : vector<16xf32>
            %max3A_648 = arith.maximumf %max3A_634, %min3A_647 : vector<16xf32>
            %min3A_649 = arith.minimumf %max3A_634, %min3A_647 : vector<16xf32>
            %max3A_650 = arith.maximumf %max3A_636, %min3A_649 : vector<16xf32>
            %min3A_651 = arith.minimumf %max3A_636, %min3A_649 : vector<16xf32>
            %add3A_652 = arith.constant 26 : i32
            %add3A_653 = vector.broadcast %add3A_652 : i32 to vector<16xi32>
            %add3A_654 = arith.addi %broadcast_in_dim3A_133, %add3A_653 : vector<16xi32>
            %gather3A_655 = tpu.vector_load_idx %arg4[%broadcast_in_dim3A_69, %iota3A, %add3A_654] : memref<2x16x1025xf32, #tpu.memory_space<vmem>>[vector<16xi32>, vector<16xi32>, vector<16xi32>], vector<16xf32>,
            %max3A_656 = arith.maximumf %max3A_642, %gather3A_655 : vector<16xf32>
            %min3A_657 = arith.minimumf %max3A_642, %gather3A_655 : vector<16xf32>
            %max3A_658 = arith.maximumf %max3A_644, %min3A_657 : vector<16xf32>
            %min3A_659 = arith.minimumf %max3A_644, %min3A_657 : vector<16xf32>
            %max3A_660 = arith.maximumf %max3A_646, %min3A_659 : vector<16xf32>
            %min3A_661 = arith.minimumf %max3A_646, %min3A_659 : vector<16xf32>
            %max3A_662 = arith.maximumf %max3A_648, %min3A_661 : vector<16xf32>
            %min3A_663 = arith.minimumf %max3A_648, %min3A_661 : vector<16xf32>
            %max3A_664 = arith.maximumf %max3A_650, %min3A_663 : vector<16xf32>
            %min3A_665 = arith.minimumf %max3A_650, %min3A_663 : vector<16xf32>
            %add3A_666 = arith.constant 27 : i32
            %add3A_667 = vector.broadcast %add3A_666 : i32 to vector<16xi32>
            %add3A_668 = arith.addi %broadcast_in_dim3A_133, %add3A_667 : vector<16xi32>
            %gather3A_669 = tpu.vector_load_idx %arg4[%broadcast_in_dim3A_69, %iota3A, %add3A_668] : memref<2x16x1025xf32, #tpu.memory_space<vmem>>[vector<16xi32>, vector<16xi32>, vector<16xi32>], vector<16xf32>,
            %max3A_670 = arith.maximumf %max3A_656, %gather3A_669 : vector<16xf32>
            %min3A_671 = arith.minimumf %max3A_656, %gather3A_669 : vector<16xf32>
            %max3A_672 = arith.maximumf %max3A_658, %min3A_671 : vector<16xf32>
            %min3A_673 = arith.minimumf %max3A_658, %min3A_671 : vector<16xf32>
            %max3A_674 = arith.maximumf %max3A_660, %min3A_673 : vector<16xf32>
            %min3A_675 = arith.minimumf %max3A_660, %min3A_673 : vector<16xf32>
            %max3A_676 = arith.maximumf %max3A_662, %min3A_675 : vector<16xf32>
            %min3A_677 = arith.minimumf %max3A_662, %min3A_675 : vector<16xf32>
            %max3A_678 = arith.maximumf %max3A_664, %min3A_677 : vector<16xf32>
            %min3A_679 = arith.minimumf %max3A_664, %min3A_677 : vector<16xf32>
            %add3A_680 = arith.constant 28 : i32
            %add3A_681 = vector.broadcast %add3A_680 : i32 to vector<16xi32>
            %add3A_682 = arith.addi %broadcast_in_dim3A_133, %add3A_681 : vector<16xi32>
            %gather3A_683 = tpu.vector_load_idx %arg4[%broadcast_in_dim3A_69, %iota3A, %add3A_682] : memref<2x16x1025xf32, #tpu.memory_space<vmem>>[vector<16xi32>, vector<16xi32>, vector<16xi32>], vector<16xf32>,
            %max3A_684 = arith.maximumf %max3A_670, %gather3A_683 : vector<16xf32>
            %min3A_685 = arith.minimumf %max3A_670, %gather3A_683 : vector<16xf32>
            %max3A_686 = arith.maximumf %max3A_672, %min3A_685 : vector<16xf32>
            %min3A_687 = arith.minimumf %max3A_672, %min3A_685 : vector<16xf32>
            %max3A_688 = arith.maximumf %max3A_674, %min3A_687 : vector<16xf32>
            %min3A_689 = arith.minimumf %max3A_674, %min3A_687 : vector<16xf32>
            %max3A_690 = arith.maximumf %max3A_676, %min3A_689 : vector<16xf32>
            %min3A_691 = arith.minimumf %max3A_676, %min3A_689 : vector<16xf32>
            %max3A_692 = arith.maximumf %max3A_678, %min3A_691 : vector<16xf32>
            %min3A_693 = arith.minimumf %max3A_678, %min3A_691 : vector<16xf32>
            %add3A_694 = arith.constant 29 : i32
            %add3A_695 = vector.broadcast %add3A_694 : i32 to vector<16xi32>
            %add3A_696 = arith.addi %broadcast_in_dim3A_133, %add3A_695 : vector<16xi32>
            %gather3A_697 = tpu.vector_load_idx %arg4[%broadcast_in_dim3A_69, %iota3A, %add3A_696] : memref<2x16x1025xf32, #tpu.memory_space<vmem>>[vector<16xi32>, vector<16xi32>, vector<16xi32>], vector<16xf32>,
            %max3A_698 = arith.maximumf %max3A_684, %gather3A_697 : vector<16xf32>
            %min3A_699 = arith.minimumf %max3A_684, %gather3A_697 : vector<16xf32>
            %max3A_700 = arith.maximumf %max3A_686, %min3A_699 : vector<16xf32>
            %min3A_701 = arith.minimumf %max3A_686, %min3A_699 : vector<16xf32>
            %max3A_702 = arith.maximumf %max3A_688, %min3A_701 : vector<16xf32>
            %min3A_703 = arith.minimumf %max3A_688, %min3A_701 : vector<16xf32>
            %max3A_704 = arith.maximumf %max3A_690, %min3A_703 : vector<16xf32>
            %min3A_705 = arith.minimumf %max3A_690, %min3A_703 : vector<16xf32>
            %max3A_706 = arith.maximumf %max3A_692, %min3A_705 : vector<16xf32>
            %min3A_707 = arith.minimumf %max3A_692, %min3A_705 : vector<16xf32>
            %add3A_708 = arith.constant 30 : i32
            %add3A_709 = vector.broadcast %add3A_708 : i32 to vector<16xi32>
            %add3A_710 = arith.addi %broadcast_in_dim3A_133, %add3A_709 : vector<16xi32>
            %gather3A_711 = tpu.vector_load_idx %arg4[%broadcast_in_dim3A_69, %iota3A, %add3A_710] : memref<2x16x1025xf32, #tpu.memory_space<vmem>>[vector<16xi32>, vector<16xi32>, vector<16xi32>], vector<16xf32>,
            %max3A_712 = arith.maximumf %max3A_698, %gather3A_711 : vector<16xf32>
            %min3A_713 = arith.minimumf %max3A_698, %gather3A_711 : vector<16xf32>
            %max3A_714 = arith.maximumf %max3A_700, %min3A_713 : vector<16xf32>
            %min3A_715 = arith.minimumf %max3A_700, %min3A_713 : vector<16xf32>
            %max3A_716 = arith.maximumf %max3A_702, %min3A_715 : vector<16xf32>
            %min3A_717 = arith.minimumf %max3A_702, %min3A_715 : vector<16xf32>
            %max3A_718 = arith.maximumf %max3A_704, %min3A_717 : vector<16xf32>
            %min3A_719 = arith.minimumf %max3A_704, %min3A_717 : vector<16xf32>
            %max3A_720 = arith.maximumf %max3A_706, %min3A_719 : vector<16xf32>
            %min3A_721 = arith.minimumf %max3A_706, %min3A_719 : vector<16xf32>
            %add3A_722 = arith.constant 31 : i32
            %add3A_723 = vector.broadcast %add3A_722 : i32 to vector<16xi32>
            %add3A_724 = arith.addi %broadcast_in_dim3A_133, %add3A_723 : vector<16xi32>
            %gather3A_725 = tpu.vector_load_idx %arg4[%broadcast_in_dim3A_69, %iota3A, %add3A_724] : memref<2x16x1025xf32, #tpu.memory_space<vmem>>[vector<16xi32>, vector<16xi32>, vector<16xi32>], vector<16xf32>,
            %max3A_726 = arith.maximumf %max3A_712, %gather3A_725 : vector<16xf32>
            %min3A_727 = arith.minimumf %max3A_712, %gather3A_725 : vector<16xf32>
            %max3A_728 = arith.maximumf %max3A_714, %min3A_727 : vector<16xf32>
            %min3A_729 = arith.minimumf %max3A_714, %min3A_727 : vector<16xf32>
            %max3A_730 = arith.maximumf %max3A_716, %min3A_729 : vector<16xf32>
            %min3A_731 = arith.minimumf %max3A_716, %min3A_729 : vector<16xf32>
            %max3A_732 = arith.maximumf %max3A_718, %min3A_731 : vector<16xf32>
            %min3A_733 = arith.minimumf %max3A_718, %min3A_731 : vector<16xf32>
            %max3A_734 = arith.maximumf %max3A_720, %min3A_733 : vector<16xf32>
            %min3A_735 = arith.minimumf %max3A_720, %min3A_733 : vector<16xf32>
            %swap3A = arith.constant 0 : i32
            %swap3A_736 = arith.index_cast %swap3A : i32 to index
            %swap3A_737 = arith.constant 0 : index
            %swap3A_738 = tpu.vector_load %arg5[%swap3A_736, %swap3A_737] {strides = array<i32>} : memref<5x16xf32, #tpu.memory_space<vmem>>, vector<16xf32>,
            tpu.vector_store %arg5[%swap3A_736, %swap3A_737], %max3A_726 {strides = array<i32>} : memref<5x16xf32, #tpu.memory_space<vmem>>, vector<16xf32>,
            %swap3A_739 = arith.constant 1 : i32
            %swap3A_740 = arith.index_cast %swap3A_739 : i32 to index
            %swap3A_741 = arith.constant 0 : index
            %swap3A_742 = tpu.vector_load %arg5[%swap3A_740, %swap3A_741] {strides = array<i32>} : memref<5x16xf32, #tpu.memory_space<vmem>>, vector<16xf32>,
            tpu.vector_store %arg5[%swap3A_740, %swap3A_741], %max3A_728 {strides = array<i32>} : memref<5x16xf32, #tpu.memory_space<vmem>>, vector<16xf32>,
            %swap3A_743 = arith.constant 2 : i32
            %swap3A_744 = arith.index_cast %swap3A_743 : i32 to index
            %swap3A_745 = arith.constant 0 : index
            %swap3A_746 = tpu.vector_load %arg5[%swap3A_744, %swap3A_745] {strides = array<i32>} : memref<5x16xf32, #tpu.memory_space<vmem>>, vector<16xf32>,
            tpu.vector_store %arg5[%swap3A_744, %swap3A_745], %max3A_730 {strides = array<i32>} : memref<5x16xf32, #tpu.memory_space<vmem>>, vector<16xf32>,
            %swap3A_747 = arith.constant 3 : i32
            %swap3A_748 = arith.index_cast %swap3A_747 : i32 to index
            %swap3A_749 = arith.constant 0 : index
            %swap3A_750 = tpu.vector_load %arg5[%swap3A_748, %swap3A_749] {strides = array<i32>} : memref<5x16xf32, #tpu.memory_space<vmem>>, vector<16xf32>,
            tpu.vector_store %arg5[%swap3A_748, %swap3A_749], %max3A_732 {strides = array<i32>} : memref<5x16xf32, #tpu.memory_space<vmem>>, vector<16xf32>,
            %swap3A_751 = arith.constant 4 : i32
            %swap3A_752 = arith.index_cast %swap3A_751 : i32 to index
            %swap3A_753 = arith.constant 0 : index
            %swap3A_754 = tpu.vector_load %arg5[%swap3A_752, %swap3A_753] {strides = array<i32>} : memref<5x16xf32, #tpu.memory_space<vmem>>, vector<16xf32>,
            tpu.vector_store %arg5[%swap3A_752, %swap3A_753], %max3A_734 {strides = array<i32>} : memref<5x16xf32, #tpu.memory_space<vmem>>, vector<16xf32>,
          } else {
          }
          %all_reduce_population_count3A_477 = tpu.all_reduce %gt3A_373 {dim = 0 : i64, kind = #tpu.reduction_kind<sum>} : vector<16xi1> -> vector<16xi32>
          %slice3A_478 = vector.extract_strided_slice %all_reduce_population_count3A_477 {offsets = [0], sizes = [1], strides = [1]} : vector<16xi32> to vector<1xi32>
          %squeeze3A_479 = vector.extract %slice3A_478[0] : i32 from vector<1xi32>
          %gt3A_480 = arith.constant 0 : i32
          %gt3A_481 = arith.cmpi sgt, %squeeze3A_479, %gt3A_480 : i32
          %convert_element_type3A_482 = arith.extui %gt3A_481 : i1 to i32
          %cond3A_483 = arith.constant 0 : i32
          %cond3A_484 = arith.cmpi ne, %convert_element_type3A_482, %cond3A_483 : i32
          scf.if %cond3A_484 {
            %get3A_493 = arith.constant 0 : i32
            %get3A_494 = arith.index_cast %get3A_493 : i32 to index
            %get3A_495 = arith.constant 0 : index
            %get3A_496 = tpu.vector_load %arg5[%get3A_494, %get3A_495] {strides = array<i32>} : memref<5x16xf32, #tpu.memory_space<vmem>>, vector<16xf32>,
            %get3A_497 = arith.constant 1 : i32
            %get3A_498 = arith.index_cast %get3A_497 : i32 to index
            %get3A_499 = arith.constant 0 : index
            %get3A_500 = tpu.vector_load %arg5[%get3A_498, %get3A_499] {strides = array<i32>} : memref<5x16xf32, #tpu.memory_space<vmem>>, vector<16xf32>,
            %get3A_501 = arith.constant 2 : i32
            %get3A_502 = arith.index_cast %get3A_501 : i32 to index
            %get3A_503 = arith.constant 0 : index
            %get3A_504 = tpu.vector_load %arg5[%get3A_502, %get3A_503] {strides = array<i32>} : memref<5x16xf32, #tpu.memory_space<vmem>>, vector<16xf32>,
            %get3A_505 = arith.constant 3 : i32
            %get3A_506 = arith.index_cast %get3A_505 : i32 to index
            %get3A_507 = arith.constant 0 : index
            %get3A_508 = tpu.vector_load %arg5[%get3A_506, %get3A_507] {strides = array<i32>} : memref<5x16xf32, #tpu.memory_space<vmem>>, vector<16xf32>,
            %get3A_509 = arith.constant 4 : i32
            %get3A_510 = arith.index_cast %get3A_509 : i32 to index
            %get3A_511 = arith.constant 0 : index
            %get3A_512 = tpu.vector_load %arg5[%get3A_510, %get3A_511] {strides = array<i32>} : memref<5x16xf32, #tpu.memory_space<vmem>>, vector<16xf32>,
            %add3A_513 = arith.constant 32 : i32
            %add3A_514 = vector.broadcast %add3A_513 : i32 to vector<16xi32>
            %add3A_515 = arith.addi %broadcast_in_dim3A_133, %add3A_514 : vector<16xi32>
            %gather3A_516 = tpu.vector_load_idx %arg4[%broadcast_in_dim3A_69, %iota3A, %add3A_515] : memref<2x16x1025xf32, #tpu.memory_space<vmem>>[vector<16xi32>, vector<16xi32>, vector<16xi32>], vector<16xf32>,
            %max3A_517 = arith.maximumf %get3A_496, %gather3A_516 : vector<16xf32>
            %min3A = arith.minimumf %get3A_496, %gather3A_516 : vector<16xf32>
            %max3A_518 = arith.maximumf %get3A_500, %min3A : vector<16xf32>
            %min3A_519 = arith.minimumf %get3A_500, %min3A : vector<16xf32>
            %max3A_520 = arith.maximumf %get3A_504, %min3A_519 : vector<16xf32>
            %min3A_521 = arith.minimumf %get3A_504, %min3A_519 : vector<16xf32>
            %max3A_522 = arith.maximumf %get3A_508, %min3A_521 : vector<16xf32>
            %min3A_523 = arith.minimumf %get3A_508, %min3A_521 : vector<16xf32>
            %max3A_524 = arith.maximumf %get3A_512, %min3A_523 : vector<16xf32>
            %min3A_525 = arith.minimumf %get3A_512, %min3A_523 : vector<16xf32>
            %add3A_526 = arith.constant 33 : i32
            %add3A_527 = vector.broadcast %add3A_526 : i32 to vector<16xi32>
            %add3A_528 = arith.addi %broadcast_in_dim3A_133, %add3A_527 : vector<16xi32>
            %gather3A_529 = tpu.vector_load_idx %arg4[%broadcast_in_dim3A_69, %iota3A, %add3A_528] : memref<2x16x1025xf32, #tpu.memory_space<vmem>>[vector<16xi32>, vector<16xi32>, vector<16xi32>], vector<16xf32>,
            %max3A_530 = arith.maximumf %max3A_517, %gather3A_529 : vector<16xf32>
            %min3A_531 = arith.minimumf %max3A_517, %gather3A_529 : vector<16xf32>
            %max3A_532 = arith.maximumf %max3A_518, %min3A_531 : vector<16xf32>
            %min3A_533 = arith.minimumf %max3A_518, %min3A_531 : vector<16xf32>
            %max3A_534 = arith.maximumf %max3A_520, %min3A_533 : vector<16xf32>
            %min3A_535 = arith.minimumf %max3A_520, %min3A_533 : vector<16xf32>
            %max3A_536 = arith.maximumf %max3A_522, %min3A_535 : vector<16xf32>
            %min3A_537 = arith.minimumf %max3A_522, %min3A_535 : vector<16xf32>
            %max3A_538 = arith.maximumf %max3A_524, %min3A_537 : vector<16xf32>
            %min3A_539 = arith.minimumf %max3A_524, %min3A_537 : vector<16xf32>
            %add3A_540 = arith.constant 34 : i32
            %add3A_541 = vector.broadcast %add3A_540 : i32 to vector<16xi32>
            %add3A_542 = arith.addi %broadcast_in_dim3A_133, %add3A_541 : vector<16xi32>
            %gather3A_543 = tpu.vector_load_idx %arg4[%broadcast_in_dim3A_69, %iota3A, %add3A_542] : memref<2x16x1025xf32, #tpu.memory_space<vmem>>[vector<16xi32>, vector<16xi32>, vector<16xi32>], vector<16xf32>,
            %max3A_544 = arith.maximumf %max3A_530, %gather3A_543 : vector<16xf32>
            %min3A_545 = arith.minimumf %max3A_530, %gather3A_543 : vector<16xf32>
            %max3A_546 = arith.maximumf %max3A_532, %min3A_545 : vector<16xf32>
            %min3A_547 = arith.minimumf %max3A_532, %min3A_545 : vector<16xf32>
            %max3A_548 = arith.maximumf %max3A_534, %min3A_547 : vector<16xf32>
            %min3A_549 = arith.minimumf %max3A_534, %min3A_547 : vector<16xf32>
            %max3A_550 = arith.maximumf %max3A_536, %min3A_549 : vector<16xf32>
            %min3A_551 = arith.minimumf %max3A_536, %min3A_549 : vector<16xf32>
            %max3A_552 = arith.maximumf %max3A_538, %min3A_551 : vector<16xf32>
            %min3A_553 = arith.minimumf %max3A_538, %min3A_551 : vector<16xf32>
            %add3A_554 = arith.constant 35 : i32
            %add3A_555 = vector.broadcast %add3A_554 : i32 to vector<16xi32>
            %add3A_556 = arith.addi %broadcast_in_dim3A_133, %add3A_555 : vector<16xi32>
            %gather3A_557 = tpu.vector_load_idx %arg4[%broadcast_in_dim3A_69, %iota3A, %add3A_556] : memref<2x16x1025xf32, #tpu.memory_space<vmem>>[vector<16xi32>, vector<16xi32>, vector<16xi32>], vector<16xf32>,
            %max3A_558 = arith.maximumf %max3A_544, %gather3A_557 : vector<16xf32>
            %min3A_559 = arith.minimumf %max3A_544, %gather3A_557 : vector<16xf32>
            %max3A_560 = arith.maximumf %max3A_546, %min3A_559 : vector<16xf32>
            %min3A_561 = arith.minimumf %max3A_546, %min3A_559 : vector<16xf32>
            %max3A_562 = arith.maximumf %max3A_548, %min3A_561 : vector<16xf32>
            %min3A_563 = arith.minimumf %max3A_548, %min3A_561 : vector<16xf32>
            %max3A_564 = arith.maximumf %max3A_550, %min3A_563 : vector<16xf32>
            %min3A_565 = arith.minimumf %max3A_550, %min3A_563 : vector<16xf32>
            %max3A_566 = arith.maximumf %max3A_552, %min3A_565 : vector<16xf32>
            %min3A_567 = arith.minimumf %max3A_552, %min3A_565 : vector<16xf32>
            %add3A_568 = arith.constant 36 : i32
            %add3A_569 = vector.broadcast %add3A_568 : i32 to vector<16xi32>
            %add3A_570 = arith.addi %broadcast_in_dim3A_133, %add3A_569 : vector<16xi32>
            %gather3A_571 = tpu.vector_load_idx %arg4[%broadcast_in_dim3A_69, %iota3A, %add3A_570] : memref<2x16x1025xf32, #tpu.memory_space<vmem>>[vector<16xi32>, vector<16xi32>, vector<16xi32>], vector<16xf32>,
            %max3A_572 = arith.maximumf %max3A_558, %gather3A_571 : vector<16xf32>
            %min3A_573 = arith.minimumf %max3A_558, %gather3A_571 : vector<16xf32>
            %max3A_574 = arith.maximumf %max3A_560, %min3A_573 : vector<16xf32>
            %min3A_575 = arith.minimumf %max3A_560, %min3A_573 : vector<16xf32>
            %max3A_576 = arith.maximumf %max3A_562, %min3A_575 : vector<16xf32>
            %min3A_577 = arith.minimumf %max3A_562, %min3A_575 : vector<16xf32>
            %max3A_578 = arith.maximumf %max3A_564, %min3A_577 : vector<16xf32>
            %min3A_579 = arith.minimumf %max3A_564, %min3A_577 : vector<16xf32>
            %max3A_580 = arith.maximumf %max3A_566, %min3A_579 : vector<16xf32>
            %min3A_581 = arith.minimumf %max3A_566, %min3A_579 : vector<16xf32>
            %add3A_582 = arith.constant 37 : i32
            %add3A_583 = vector.broadcast %add3A_582 : i32 to vector<16xi32>
            %add3A_584 = arith.addi %broadcast_in_dim3A_133, %add3A_583 : vector<16xi32>
            %gather3A_585 = tpu.vector_load_idx %arg4[%broadcast_in_dim3A_69, %iota3A, %add3A_584] : memref<2x16x1025xf32, #tpu.memory_space<vmem>>[vector<16xi32>, vector<16xi32>, vector<16xi32>], vector<16xf32>,
            %max3A_586 = arith.maximumf %max3A_572, %gather3A_585 : vector<16xf32>
            %min3A_587 = arith.minimumf %max3A_572, %gather3A_585 : vector<16xf32>
            %max3A_588 = arith.maximumf %max3A_574, %min3A_587 : vector<16xf32>
            %min3A_589 = arith.minimumf %max3A_574, %min3A_587 : vector<16xf32>
            %max3A_590 = arith.maximumf %max3A_576, %min3A_589 : vector<16xf32>
            %min3A_591 = arith.minimumf %max3A_576, %min3A_589 : vector<16xf32>
            %max3A_592 = arith.maximumf %max3A_578, %min3A_591 : vector<16xf32>
            %min3A_593 = arith.minimumf %max3A_578, %min3A_591 : vector<16xf32>
            %max3A_594 = arith.maximumf %max3A_580, %min3A_593 : vector<16xf32>
            %min3A_595 = arith.minimumf %max3A_580, %min3A_593 : vector<16xf32>
            %add3A_596 = arith.constant 38 : i32
            %add3A_597 = vector.broadcast %add3A_596 : i32 to vector<16xi32>
            %add3A_598 = arith.addi %broadcast_in_dim3A_133, %add3A_597 : vector<16xi32>
            %gather3A_599 = tpu.vector_load_idx %arg4[%broadcast_in_dim3A_69, %iota3A, %add3A_598] : memref<2x16x1025xf32, #tpu.memory_space<vmem>>[vector<16xi32>, vector<16xi32>, vector<16xi32>], vector<16xf32>,
            %max3A_600 = arith.maximumf %max3A_586, %gather3A_599 : vector<16xf32>
            %min3A_601 = arith.minimumf %max3A_586, %gather3A_599 : vector<16xf32>
            %max3A_602 = arith.maximumf %max3A_588, %min3A_601 : vector<16xf32>
            %min3A_603 = arith.minimumf %max3A_588, %min3A_601 : vector<16xf32>
            %max3A_604 = arith.maximumf %max3A_590, %min3A_603 : vector<16xf32>
            %min3A_605 = arith.minimumf %max3A_590, %min3A_603 : vector<16xf32>
            %max3A_606 = arith.maximumf %max3A_592, %min3A_605 : vector<16xf32>
            %min3A_607 = arith.minimumf %max3A_592, %min3A_605 : vector<16xf32>
            %max3A_608 = arith.maximumf %max3A_594, %min3A_607 : vector<16xf32>
            %min3A_609 = arith.minimumf %max3A_594, %min3A_607 : vector<16xf32>
            %add3A_610 = arith.constant 39 : i32
            %add3A_611 = vector.broadcast %add3A_610 : i32 to vector<16xi32>
            %add3A_612 = arith.addi %broadcast_in_dim3A_133, %add3A_611 : vector<16xi32>
            %gather3A_613 = tpu.vector_load_idx %arg4[%broadcast_in_dim3A_69, %iota3A, %add3A_612] : memref<2x16x1025xf32, #tpu.memory_space<vmem>>[vector<16xi32>, vector<16xi32>, vector<16xi32>], vector<16xf32>,
            %max3A_614 = arith.maximumf %max3A_600, %gather3A_613 : vector<16xf32>
            %min3A_615 = arith.minimumf %max3A_600, %gather3A_613 : vector<16xf32>
            %max3A_616 = arith.maximumf %max3A_602, %min3A_615 : vector<16xf32>
            %min3A_617 = arith.minimumf %max3A_602, %min3A_615 : vector<16xf32>
            %max3A_618 = arith.maximumf %max3A_604, %min3A_617 : vector<16xf32>
            %min3A_619 = arith.minimumf %max3A_604, %min3A_617 : vector<16xf32>
            %max3A_620 = arith.maximumf %max3A_606, %min3A_619 : vector<16xf32>
            %min3A_621 = arith.minimumf %max3A_606, %min3A_619 : vector<16xf32>
            %max3A_622 = arith.maximumf %max3A_608, %min3A_621 : vector<16xf32>
            %min3A_623 = arith.minimumf %max3A_608, %min3A_621 : vector<16xf32>
            %add3A_624 = arith.constant 40 : i32
            %add3A_625 = vector.broadcast %add3A_624 : i32 to vector<16xi32>
            %add3A_626 = arith.addi %broadcast_in_dim3A_133, %add3A_625 : vector<16xi32>
            %gather3A_627 = tpu.vector_load_idx %arg4[%broadcast_in_dim3A_69, %iota3A, %add3A_626] : memref<2x16x1025xf32, #tpu.memory_space<vmem>>[vector<16xi32>, vector<16xi32>, vector<16xi32>], vector<16xf32>,
            %max3A_628 = arith.maximumf %max3A_614, %gather3A_627 : vector<16xf32>
            %min3A_629 = arith.minimumf %max3A_614, %gather3A_627 : vector<16xf32>
            %max3A_630 = arith.maximumf %max3A_616, %min3A_629 : vector<16xf32>
            %min3A_631 = arith.minimumf %max3A_616, %min3A_629 : vector<16xf32>
            %max3A_632 = arith.maximumf %max3A_618, %min3A_631 : vector<16xf32>
            %min3A_633 = arith.minimumf %max3A_618, %min3A_631 : vector<16xf32>
            %max3A_634 = arith.maximumf %max3A_620, %min3A_633 : vector<16xf32>
            %min3A_635 = arith.minimumf %max3A_620, %min3A_633 : vector<16xf32>
            %max3A_636 = arith.maximumf %max3A_622, %min3A_635 : vector<16xf32>
            %min3A_637 = arith.minimumf %max3A_622, %min3A_635 : vector<16xf32>
            %add3A_638 = arith.constant 41 : i32
            %add3A_639 = vector.broadcast %add3A_638 : i32 to vector<16xi32>
            %add3A_640 = arith.addi %broadcast_in_dim3A_133, %add3A_639 : vector<16xi32>
            %gather3A_641 = tpu.vector_load_idx %arg4[%broadcast_in_dim3A_69, %iota3A, %add3A_640] : memref<2x16x1025xf32, #tpu.memory_space<vmem>>[vector<16xi32>, vector<16xi32>, vector<16xi32>], vector<16xf32>,
            %max3A_642 = arith.maximumf %max3A_628, %gather3A_641 : vector<16xf32>
            %min3A_643 = arith.minimumf %max3A_628, %gather3A_641 : vector<16xf32>
            %max3A_644 = arith.maximumf %max3A_630, %min3A_643 : vector<16xf32>
            %min3A_645 = arith.minimumf %max3A_630, %min3A_643 : vector<16xf32>
            %max3A_646 = arith.maximumf %max3A_632, %min3A_645 : vector<16xf32>
            %min3A_647 = arith.minimumf %max3A_632, %min3A_645 : vector<16xf32>
            %max3A_648 = arith.maximumf %max3A_634, %min3A_647 : vector<16xf32>
            %min3A_649 = arith.minimumf %max3A_634, %min3A_647 : vector<16xf32>
            %max3A_650 = arith.maximumf %max3A_636, %min3A_649 : vector<16xf32>
            %min3A_651 = arith.minimumf %max3A_636, %min3A_649 : vector<16xf32>
            %add3A_652 = arith.constant 42 : i32
            %add3A_653 = vector.broadcast %add3A_652 : i32 to vector<16xi32>
            %add3A_654 = arith.addi %broadcast_in_dim3A_133, %add3A_653 : vector<16xi32>
            %gather3A_655 = tpu.vector_load_idx %arg4[%broadcast_in_dim3A_69, %iota3A, %add3A_654] : memref<2x16x1025xf32, #tpu.memory_space<vmem>>[vector<16xi32>, vector<16xi32>, vector<16xi32>], vector<16xf32>,
            %max3A_656 = arith.maximumf %max3A_642, %gather3A_655 : vector<16xf32>
            %min3A_657 = arith.minimumf %max3A_642, %gather3A_655 : vector<16xf32>
            %max3A_658 = arith.maximumf %max3A_644, %min3A_657 : vector<16xf32>
            %min3A_659 = arith.minimumf %max3A_644, %min3A_657 : vector<16xf32>
            %max3A_660 = arith.maximumf %max3A_646, %min3A_659 : vector<16xf32>
            %min3A_661 = arith.minimumf %max3A_646, %min3A_659 : vector<16xf32>
            %max3A_662 = arith.maximumf %max3A_648, %min3A_661 : vector<16xf32>
            %min3A_663 = arith.minimumf %max3A_648, %min3A_661 : vector<16xf32>
            %max3A_664 = arith.maximumf %max3A_650, %min3A_663 : vector<16xf32>
            %min3A_665 = arith.minimumf %max3A_650, %min3A_663 : vector<16xf32>
            %add3A_666 = arith.constant 43 : i32
            %add3A_667 = vector.broadcast %add3A_666 : i32 to vector<16xi32>
            %add3A_668 = arith.addi %broadcast_in_dim3A_133, %add3A_667 : vector<16xi32>
            %gather3A_669 = tpu.vector_load_idx %arg4[%broadcast_in_dim3A_69, %iota3A, %add3A_668] : memref<2x16x1025xf32, #tpu.memory_space<vmem>>[vector<16xi32>, vector<16xi32>, vector<16xi32>], vector<16xf32>,
            %max3A_670 = arith.maximumf %max3A_656, %gather3A_669 : vector<16xf32>
            %min3A_671 = arith.minimumf %max3A_656, %gather3A_669 : vector<16xf32>
            %max3A_672 = arith.maximumf %max3A_658, %min3A_671 : vector<16xf32>
            %min3A_673 = arith.minimumf %max3A_658, %min3A_671 : vector<16xf32>
            %max3A_674 = arith.maximumf %max3A_660, %min3A_673 : vector<16xf32>
            %min3A_675 = arith.minimumf %max3A_660, %min3A_673 : vector<16xf32>
            %max3A_676 = arith.maximumf %max3A_662, %min3A_675 : vector<16xf32>
            %min3A_677 = arith.minimumf %max3A_662, %min3A_675 : vector<16xf32>
            %max3A_678 = arith.maximumf %max3A_664, %min3A_677 : vector<16xf32>
            %min3A_679 = arith.minimumf %max3A_664, %min3A_677 : vector<16xf32>
            %add3A_680 = arith.constant 44 : i32
            %add3A_681 = vector.broadcast %add3A_680 : i32 to vector<16xi32>
            %add3A_682 = arith.addi %broadcast_in_dim3A_133, %add3A_681 : vector<16xi32>
            %gather3A_683 = tpu.vector_load_idx %arg4[%broadcast_in_dim3A_69, %iota3A, %add3A_682] : memref<2x16x1025xf32, #tpu.memory_space<vmem>>[vector<16xi32>, vector<16xi32>, vector<16xi32>], vector<16xf32>,
            %max3A_684 = arith.maximumf %max3A_670, %gather3A_683 : vector<16xf32>
            %min3A_685 = arith.minimumf %max3A_670, %gather3A_683 : vector<16xf32>
            %max3A_686 = arith.maximumf %max3A_672, %min3A_685 : vector<16xf32>
            %min3A_687 = arith.minimumf %max3A_672, %min3A_685 : vector<16xf32>
            %max3A_688 = arith.maximumf %max3A_674, %min3A_687 : vector<16xf32>
            %min3A_689 = arith.minimumf %max3A_674, %min3A_687 : vector<16xf32>
            %max3A_690 = arith.maximumf %max3A_676, %min3A_689 : vector<16xf32>
            %min3A_691 = arith.minimumf %max3A_676, %min3A_689 : vector<16xf32>
            %max3A_692 = arith.maximumf %max3A_678, %min3A_691 : vector<16xf32>
            %min3A_693 = arith.minimumf %max3A_678, %min3A_691 : vector<16xf32>
            %add3A_694 = arith.constant 45 : i32
            %add3A_695 = vector.broadcast %add3A_694 : i32 to vector<16xi32>
            %add3A_696 = arith.addi %broadcast_in_dim3A_133, %add3A_695 : vector<16xi32>
            %gather3A_697 = tpu.vector_load_idx %arg4[%broadcast_in_dim3A_69, %iota3A, %add3A_696] : memref<2x16x1025xf32, #tpu.memory_space<vmem>>[vector<16xi32>, vector<16xi32>, vector<16xi32>], vector<16xf32>,
            %max3A_698 = arith.maximumf %max3A_684, %gather3A_697 : vector<16xf32>
            %min3A_699 = arith.minimumf %max3A_684, %gather3A_697 : vector<16xf32>
            %max3A_700 = arith.maximumf %max3A_686, %min3A_699 : vector<16xf32>
            %min3A_701 = arith.minimumf %max3A_686, %min3A_699 : vector<16xf32>
            %max3A_702 = arith.maximumf %max3A_688, %min3A_701 : vector<16xf32>
            %min3A_703 = arith.minimumf %max3A_688, %min3A_701 : vector<16xf32>
            %max3A_704 = arith.maximumf %max3A_690, %min3A_703 : vector<16xf32>
            %min3A_705 = arith.minimumf %max3A_690, %min3A_703 : vector<16xf32>
            %max3A_706 = arith.maximumf %max3A_692, %min3A_705 : vector<16xf32>
            %min3A_707 = arith.minimumf %max3A_692, %min3A_705 : vector<16xf32>
            %add3A_708 = arith.constant 46 : i32
            %add3A_709 = vector.broadcast %add3A_708 : i32 to vector<16xi32>
            %add3A_710 = arith.addi %broadcast_in_dim3A_133, %add3A_709 : vector<16xi32>
            %gather3A_711 = tpu.vector_load_idx %arg4[%broadcast_in_dim3A_69, %iota3A, %add3A_710] : memref<2x16x1025xf32, #tpu.memory_space<vmem>>[vector<16xi32>, vector<16xi32>, vector<16xi32>], vector<16xf32>,
            %max3A_712 = arith.maximumf %max3A_698, %gather3A_711 : vector<16xf32>
            %min3A_713 = arith.minimumf %max3A_698, %gather3A_711 : vector<16xf32>
            %max3A_714 = arith.maximumf %max3A_700, %min3A_713 : vector<16xf32>
            %min3A_715 = arith.minimumf %max3A_700, %min3A_713 : vector<16xf32>
            %max3A_716 = arith.maximumf %max3A_702, %min3A_715 : vector<16xf32>
            %min3A_717 = arith.minimumf %max3A_702, %min3A_715 : vector<16xf32>
            %max3A_718 = arith.maximumf %max3A_704, %min3A_717 : vector<16xf32>
            %min3A_719 = arith.minimumf %max3A_704, %min3A_717 : vector<16xf32>
            %max3A_720 = arith.maximumf %max3A_706, %min3A_719 : vector<16xf32>
            %min3A_721 = arith.minimumf %max3A_706, %min3A_719 : vector<16xf32>
            %add3A_722 = arith.constant 47 : i32
            %add3A_723 = vector.broadcast %add3A_722 : i32 to vector<16xi32>
            %add3A_724 = arith.addi %broadcast_in_dim3A_133, %add3A_723 : vector<16xi32>
            %gather3A_725 = tpu.vector_load_idx %arg4[%broadcast_in_dim3A_69, %iota3A, %add3A_724] : memref<2x16x1025xf32, #tpu.memory_space<vmem>>[vector<16xi32>, vector<16xi32>, vector<16xi32>], vector<16xf32>,
            %max3A_726 = arith.maximumf %max3A_712, %gather3A_725 : vector<16xf32>
            %min3A_727 = arith.minimumf %max3A_712, %gather3A_725 : vector<16xf32>
            %max3A_728 = arith.maximumf %max3A_714, %min3A_727 : vector<16xf32>
            %min3A_729 = arith.minimumf %max3A_714, %min3A_727 : vector<16xf32>
            %max3A_730 = arith.maximumf %max3A_716, %min3A_729 : vector<16xf32>
            %min3A_731 = arith.minimumf %max3A_716, %min3A_729 : vector<16xf32>
            %max3A_732 = arith.maximumf %max3A_718, %min3A_731 : vector<16xf32>
            %min3A_733 = arith.minimumf %max3A_718, %min3A_731 : vector<16xf32>
            %max3A_734 = arith.maximumf %max3A_720, %min3A_733 : vector<16xf32>
            %min3A_735 = arith.minimumf %max3A_720, %min3A_733 : vector<16xf32>
            %swap3A = arith.constant 0 : i32
            %swap3A_736 = arith.index_cast %swap3A : i32 to index
            %swap3A_737 = arith.constant 0 : index
            %swap3A_738 = tpu.vector_load %arg5[%swap3A_736, %swap3A_737] {strides = array<i32>} : memref<5x16xf32, #tpu.memory_space<vmem>>, vector<16xf32>,
            tpu.vector_store %arg5[%swap3A_736, %swap3A_737], %max3A_726 {strides = array<i32>} : memref<5x16xf32, #tpu.memory_space<vmem>>, vector<16xf32>,
            %swap3A_739 = arith.constant 1 : i32
            %swap3A_740 = arith.index_cast %swap3A_739 : i32 to index
            %swap3A_741 = arith.constant 0 : index
            %swap3A_742 = tpu.vector_load %arg5[%swap3A_740, %swap3A_741] {strides = array<i32>} : memref<5x16xf32, #tpu.memory_space<vmem>>, vector<16xf32>,
            tpu.vector_store %arg5[%swap3A_740, %swap3A_741], %max3A_728 {strides = array<i32>} : memref<5x16xf32, #tpu.memory_space<vmem>>, vector<16xf32>,
            %swap3A_743 = arith.constant 2 : i32
            %swap3A_744 = arith.index_cast %swap3A_743 : i32 to index
            %swap3A_745 = arith.constant 0 : index
            %swap3A_746 = tpu.vector_load %arg5[%swap3A_744, %swap3A_745] {strides = array<i32>} : memref<5x16xf32, #tpu.memory_space<vmem>>, vector<16xf32>,
            tpu.vector_store %arg5[%swap3A_744, %swap3A_745], %max3A_730 {strides = array<i32>} : memref<5x16xf32, #tpu.memory_space<vmem>>, vector<16xf32>,
            %swap3A_747 = arith.constant 3 : i32
            %swap3A_748 = arith.index_cast %swap3A_747 : i32 to index
            %swap3A_749 = arith.constant 0 : index
            %swap3A_750 = tpu.vector_load %arg5[%swap3A_748, %swap3A_749] {strides = array<i32>} : memref<5x16xf32, #tpu.memory_space<vmem>>, vector<16xf32>,
            tpu.vector_store %arg5[%swap3A_748, %swap3A_749], %max3A_732 {strides = array<i32>} : memref<5x16xf32, #tpu.memory_space<vmem>>, vector<16xf32>,
            %swap3A_751 = arith.constant 4 : i32
            %swap3A_752 = arith.index_cast %swap3A_751 : i32 to index
            %swap3A_753 = arith.constant 0 : index
            %swap3A_754 = tpu.vector_load %arg5[%swap3A_752, %swap3A_753] {strides = array<i32>} : memref<5x16xf32, #tpu.memory_space<vmem>>, vector<16xf32>,
            tpu.vector_store %arg5[%swap3A_752, %swap3A_753], %max3A_734 {strides = array<i32>} : memref<5x16xf32, #tpu.memory_space<vmem>>, vector<16xf32>,
          } else {
          }
          %all_reduce_population_count3A_485 = tpu.all_reduce %gt3A_453 {dim = 0 : i64, kind = #tpu.reduction_kind<sum>} : vector<16xi1> -> vector<16xi32>
          %slice3A_486 = vector.extract_strided_slice %all_reduce_population_count3A_485 {offsets = [0], sizes = [1], strides = [1]} : vector<16xi32> to vector<1xi32>
          %squeeze3A_487 = vector.extract %slice3A_486[0] : i32 from vector<1xi32>
          %gt3A_488 = arith.constant 0 : i32
          %gt3A_489 = arith.cmpi sgt, %squeeze3A_487, %gt3A_488 : i32
          %convert_element_type3A_490 = arith.extui %gt3A_489 : i1 to i32
          %cond3A_491 = arith.constant 0 : i32
          %cond3A_492 = arith.cmpi ne, %convert_element_type3A_490, %cond3A_491 : i32
          scf.if %cond3A_492 {
            %get3A_493 = arith.constant 0 : i32
            %get3A_494 = arith.index_cast %get3A_493 : i32 to index
            %get3A_495 = arith.constant 0 : index
            %get3A_496 = tpu.vector_load %arg5[%get3A_494, %get3A_495] {strides = array<i32>} : memref<5x16xf32, #tpu.memory_space<vmem>>, vector<16xf32>,
            %get3A_497 = arith.constant 1 : i32
            %get3A_498 = arith.index_cast %get3A_497 : i32 to index
            %get3A_499 = arith.constant 0 : index
            %get3A_500 = tpu.vector_load %arg5[%get3A_498, %get3A_499] {strides = array<i32>} : memref<5x16xf32, #tpu.memory_space<vmem>>, vector<16xf32>,
            %get3A_501 = arith.constant 2 : i32
            %get3A_502 = arith.index_cast %get3A_501 : i32 to index
            %get3A_503 = arith.constant 0 : index
            %get3A_504 = tpu.vector_load %arg5[%get3A_502, %get3A_503] {strides = array<i32>} : memref<5x16xf32, #tpu.memory_space<vmem>>, vector<16xf32>,
            %get3A_505 = arith.constant 3 : i32
            %get3A_506 = arith.index_cast %get3A_505 : i32 to index
            %get3A_507 = arith.constant 0 : index
            %get3A_508 = tpu.vector_load %arg5[%get3A_506, %get3A_507] {strides = array<i32>} : memref<5x16xf32, #tpu.memory_space<vmem>>, vector<16xf32>,
            %get3A_509 = arith.constant 4 : i32
            %get3A_510 = arith.index_cast %get3A_509 : i32 to index
            %get3A_511 = arith.constant 0 : index
            %get3A_512 = tpu.vector_load %arg5[%get3A_510, %get3A_511] {strides = array<i32>} : memref<5x16xf32, #tpu.memory_space<vmem>>, vector<16xf32>,
            %add3A_513 = arith.constant 48 : i32
            %add3A_514 = vector.broadcast %add3A_513 : i32 to vector<16xi32>
            %add3A_515 = arith.addi %broadcast_in_dim3A_133, %add3A_514 : vector<16xi32>
            %gather3A_516 = tpu.vector_load_idx %arg4[%broadcast_in_dim3A_69, %iota3A, %add3A_515] : memref<2x16x1025xf32, #tpu.memory_space<vmem>>[vector<16xi32>, vector<16xi32>, vector<16xi32>], vector<16xf32>,
            %max3A_517 = arith.maximumf %get3A_496, %gather3A_516 : vector<16xf32>
            %min3A = arith.minimumf %get3A_496, %gather3A_516 : vector<16xf32>
            %max3A_518 = arith.maximumf %get3A_500, %min3A : vector<16xf32>
            %min3A_519 = arith.minimumf %get3A_500, %min3A : vector<16xf32>
            %max3A_520 = arith.maximumf %get3A_504, %min3A_519 : vector<16xf32>
            %min3A_521 = arith.minimumf %get3A_504, %min3A_519 : vector<16xf32>
            %max3A_522 = arith.maximumf %get3A_508, %min3A_521 : vector<16xf32>
            %min3A_523 = arith.minimumf %get3A_508, %min3A_521 : vector<16xf32>
            %max3A_524 = arith.maximumf %get3A_512, %min3A_523 : vector<16xf32>
            %min3A_525 = arith.minimumf %get3A_512, %min3A_523 : vector<16xf32>
            %add3A_526 = arith.constant 49 : i32
            %add3A_527 = vector.broadcast %add3A_526 : i32 to vector<16xi32>
            %add3A_528 = arith.addi %broadcast_in_dim3A_133, %add3A_527 : vector<16xi32>
            %gather3A_529 = tpu.vector_load_idx %arg4[%broadcast_in_dim3A_69, %iota3A, %add3A_528] : memref<2x16x1025xf32, #tpu.memory_space<vmem>>[vector<16xi32>, vector<16xi32>, vector<16xi32>], vector<16xf32>,
            %max3A_530 = arith.maximumf %max3A_517, %gather3A_529 : vector<16xf32>
            %min3A_531 = arith.minimumf %max3A_517, %gather3A_529 : vector<16xf32>
            %max3A_532 = arith.maximumf %max3A_518, %min3A_531 : vector<16xf32>
            %min3A_533 = arith.minimumf %max3A_518, %min3A_531 : vector<16xf32>
            %max3A_534 = arith.maximumf %max3A_520, %min3A_533 : vector<16xf32>
            %min3A_535 = arith.minimumf %max3A_520, %min3A_533 : vector<16xf32>
            %max3A_536 = arith.maximumf %max3A_522, %min3A_535 : vector<16xf32>
            %min3A_537 = arith.minimumf %max3A_522, %min3A_535 : vector<16xf32>
            %max3A_538 = arith.maximumf %max3A_524, %min3A_537 : vector<16xf32>
            %min3A_539 = arith.minimumf %max3A_524, %min3A_537 : vector<16xf32>
            %add3A_540 = arith.constant 50 : i32
            %add3A_541 = vector.broadcast %add3A_540 : i32 to vector<16xi32>
            %add3A_542 = arith.addi %broadcast_in_dim3A_133, %add3A_541 : vector<16xi32>
            %gather3A_543 = tpu.vector_load_idx %arg4[%broadcast_in_dim3A_69, %iota3A, %add3A_542] : memref<2x16x1025xf32, #tpu.memory_space<vmem>>[vector<16xi32>, vector<16xi32>, vector<16xi32>], vector<16xf32>,
            %max3A_544 = arith.maximumf %max3A_530, %gather3A_543 : vector<16xf32>
            %min3A_545 = arith.minimumf %max3A_530, %gather3A_543 : vector<16xf32>
            %max3A_546 = arith.maximumf %max3A_532, %min3A_545 : vector<16xf32>
            %min3A_547 = arith.minimumf %max3A_532, %min3A_545 : vector<16xf32>
            %max3A_548 = arith.maximumf %max3A_534, %min3A_547 : vector<16xf32>
            %min3A_549 = arith.minimumf %max3A_534, %min3A_547 : vector<16xf32>
            %max3A_550 = arith.maximumf %max3A_536, %min3A_549 : vector<16xf32>
            %min3A_551 = arith.minimumf %max3A_536, %min3A_549 : vector<16xf32>
            %max3A_552 = arith.maximumf %max3A_538, %min3A_551 : vector<16xf32>
            %min3A_553 = arith.minimumf %max3A_538, %min3A_551 : vector<16xf32>
            %add3A_554 = arith.constant 51 : i32
            %add3A_555 = vector.broadcast %add3A_554 : i32 to vector<16xi32>
            %add3A_556 = arith.addi %broadcast_in_dim3A_133, %add3A_555 : vector<16xi32>
            %gather3A_557 = tpu.vector_load_idx %arg4[%broadcast_in_dim3A_69, %iota3A, %add3A_556] : memref<2x16x1025xf32, #tpu.memory_space<vmem>>[vector<16xi32>, vector<16xi32>, vector<16xi32>], vector<16xf32>,
            %max3A_558 = arith.maximumf %max3A_544, %gather3A_557 : vector<16xf32>
            %min3A_559 = arith.minimumf %max3A_544, %gather3A_557 : vector<16xf32>
            %max3A_560 = arith.maximumf %max3A_546, %min3A_559 : vector<16xf32>
            %min3A_561 = arith.minimumf %max3A_546, %min3A_559 : vector<16xf32>
            %max3A_562 = arith.maximumf %max3A_548, %min3A_561 : vector<16xf32>
            %min3A_563 = arith.minimumf %max3A_548, %min3A_561 : vector<16xf32>
            %max3A_564 = arith.maximumf %max3A_550, %min3A_563 : vector<16xf32>
            %min3A_565 = arith.minimumf %max3A_550, %min3A_563 : vector<16xf32>
            %max3A_566 = arith.maximumf %max3A_552, %min3A_565 : vector<16xf32>
            %min3A_567 = arith.minimumf %max3A_552, %min3A_565 : vector<16xf32>
            %add3A_568 = arith.constant 52 : i32
            %add3A_569 = vector.broadcast %add3A_568 : i32 to vector<16xi32>
            %add3A_570 = arith.addi %broadcast_in_dim3A_133, %add3A_569 : vector<16xi32>
            %gather3A_571 = tpu.vector_load_idx %arg4[%broadcast_in_dim3A_69, %iota3A, %add3A_570] : memref<2x16x1025xf32, #tpu.memory_space<vmem>>[vector<16xi32>, vector<16xi32>, vector<16xi32>], vector<16xf32>,
            %max3A_572 = arith.maximumf %max3A_558, %gather3A_571 : vector<16xf32>
            %min3A_573 = arith.minimumf %max3A_558, %gather3A_571 : vector<16xf32>
            %max3A_574 = arith.maximumf %max3A_560, %min3A_573 : vector<16xf32>
            %min3A_575 = arith.minimumf %max3A_560, %min3A_573 : vector<16xf32>
            %max3A_576 = arith.maximumf %max3A_562, %min3A_575 : vector<16xf32>
            %min3A_577 = arith.minimumf %max3A_562, %min3A_575 : vector<16xf32>
            %max3A_578 = arith.maximumf %max3A_564, %min3A_577 : vector<16xf32>
            %min3A_579 = arith.minimumf %max3A_564, %min3A_577 : vector<16xf32>
            %max3A_580 = arith.maximumf %max3A_566, %min3A_579 : vector<16xf32>
            %min3A_581 = arith.minimumf %max3A_566, %min3A_579 : vector<16xf32>
            %add3A_582 = arith.constant 53 : i32
            %add3A_583 = vector.broadcast %add3A_582 : i32 to vector<16xi32>
            %add3A_584 = arith.addi %broadcast_in_dim3A_133, %add3A_583 : vector<16xi32>
            %gather3A_585 = tpu.vector_load_idx %arg4[%broadcast_in_dim3A_69, %iota3A, %add3A_584] : memref<2x16x1025xf32, #tpu.memory_space<vmem>>[vector<16xi32>, vector<16xi32>, vector<16xi32>], vector<16xf32>,
            %max3A_586 = arith.maximumf %max3A_572, %gather3A_585 : vector<16xf32>
            %min3A_587 = arith.minimumf %max3A_572, %gather3A_585 : vector<16xf32>
            %max3A_588 = arith.maximumf %max3A_574, %min3A_587 : vector<16xf32>
            %min3A_589 = arith.minimumf %max3A_574, %min3A_587 : vector<16xf32>
            %max3A_590 = arith.maximumf %max3A_576, %min3A_589 : vector<16xf32>
            %min3A_591 = arith.minimumf %max3A_576, %min3A_589 : vector<16xf32>
            %max3A_592 = arith.maximumf %max3A_578, %min3A_591 : vector<16xf32>
            %min3A_593 = arith.minimumf %max3A_578, %min3A_591 : vector<16xf32>
            %max3A_594 = arith.maximumf %max3A_580, %min3A_593 : vector<16xf32>
            %min3A_595 = arith.minimumf %max3A_580, %min3A_593 : vector<16xf32>
            %add3A_596 = arith.constant 54 : i32
            %add3A_597 = vector.broadcast %add3A_596 : i32 to vector<16xi32>
            %add3A_598 = arith.addi %broadcast_in_dim3A_133, %add3A_597 : vector<16xi32>
            %gather3A_599 = tpu.vector_load_idx %arg4[%broadcast_in_dim3A_69, %iota3A, %add3A_598] : memref<2x16x1025xf32, #tpu.memory_space<vmem>>[vector<16xi32>, vector<16xi32>, vector<16xi32>], vector<16xf32>,
            %max3A_600 = arith.maximumf %max3A_586, %gather3A_599 : vector<16xf32>
            %min3A_601 = arith.minimumf %max3A_586, %gather3A_599 : vector<16xf32>
            %max3A_602 = arith.maximumf %max3A_588, %min3A_601 : vector<16xf32>
            %min3A_603 = arith.minimumf %max3A_588, %min3A_601 : vector<16xf32>
            %max3A_604 = arith.maximumf %max3A_590, %min3A_603 : vector<16xf32>
            %min3A_605 = arith.minimumf %max3A_590, %min3A_603 : vector<16xf32>
            %max3A_606 = arith.maximumf %max3A_592, %min3A_605 : vector<16xf32>
            %min3A_607 = arith.minimumf %max3A_592, %min3A_605 : vector<16xf32>
            %max3A_608 = arith.maximumf %max3A_594, %min3A_607 : vector<16xf32>
            %min3A_609 = arith.minimumf %max3A_594, %min3A_607 : vector<16xf32>
            %add3A_610 = arith.constant 55 : i32
            %add3A_611 = vector.broadcast %add3A_610 : i32 to vector<16xi32>
            %add3A_612 = arith.addi %broadcast_in_dim3A_133, %add3A_611 : vector<16xi32>
            %gather3A_613 = tpu.vector_load_idx %arg4[%broadcast_in_dim3A_69, %iota3A, %add3A_612] : memref<2x16x1025xf32, #tpu.memory_space<vmem>>[vector<16xi32>, vector<16xi32>, vector<16xi32>], vector<16xf32>,
            %max3A_614 = arith.maximumf %max3A_600, %gather3A_613 : vector<16xf32>
            %min3A_615 = arith.minimumf %max3A_600, %gather3A_613 : vector<16xf32>
            %max3A_616 = arith.maximumf %max3A_602, %min3A_615 : vector<16xf32>
            %min3A_617 = arith.minimumf %max3A_602, %min3A_615 : vector<16xf32>
            %max3A_618 = arith.maximumf %max3A_604, %min3A_617 : vector<16xf32>
            %min3A_619 = arith.minimumf %max3A_604, %min3A_617 : vector<16xf32>
            %max3A_620 = arith.maximumf %max3A_606, %min3A_619 : vector<16xf32>
            %min3A_621 = arith.minimumf %max3A_606, %min3A_619 : vector<16xf32>
            %max3A_622 = arith.maximumf %max3A_608, %min3A_621 : vector<16xf32>
            %min3A_623 = arith.minimumf %max3A_608, %min3A_621 : vector<16xf32>
            %add3A_624 = arith.constant 56 : i32
            %add3A_625 = vector.broadcast %add3A_624 : i32 to vector<16xi32>
            %add3A_626 = arith.addi %broadcast_in_dim3A_133, %add3A_625 : vector<16xi32>
            %gather3A_627 = tpu.vector_load_idx %arg4[%broadcast_in_dim3A_69, %iota3A, %add3A_626] : memref<2x16x1025xf32, #tpu.memory_space<vmem>>[vector<16xi32>, vector<16xi32>, vector<16xi32>], vector<16xf32>,
            %max3A_628 = arith.maximumf %max3A_614, %gather3A_627 : vector<16xf32>
            %min3A_629 = arith.minimumf %max3A_614, %gather3A_627 : vector<16xf32>
            %max3A_630 = arith.maximumf %max3A_616, %min3A_629 : vector<16xf32>
            %min3A_631 = arith.minimumf %max3A_616, %min3A_629 : vector<16xf32>
            %max3A_632 = arith.maximumf %max3A_618, %min3A_631 : vector<16xf32>
            %min3A_633 = arith.minimumf %max3A_618, %min3A_631 : vector<16xf32>
            %max3A_634 = arith.maximumf %max3A_620, %min3A_633 : vector<16xf32>
            %min3A_635 = arith.minimumf %max3A_620, %min3A_633 : vector<16xf32>
            %max3A_636 = arith.maximumf %max3A_622, %min3A_635 : vector<16xf32>
            %min3A_637 = arith.minimumf %max3A_622, %min3A_635 : vector<16xf32>
            %add3A_638 = arith.constant 57 : i32
            %add3A_639 = vector.broadcast %add3A_638 : i32 to vector<16xi32>
            %add3A_640 = arith.addi %broadcast_in_dim3A_133, %add3A_639 : vector<16xi32>
            %gather3A_641 = tpu.vector_load_idx %arg4[%broadcast_in_dim3A_69, %iota3A, %add3A_640] : memref<2x16x1025xf32, #tpu.memory_space<vmem>>[vector<16xi32>, vector<16xi32>, vector<16xi32>], vector<16xf32>,
            %max3A_642 = arith.maximumf %max3A_628, %gather3A_641 : vector<16xf32>
            %min3A_643 = arith.minimumf %max3A_628, %gather3A_641 : vector<16xf32>
            %max3A_644 = arith.maximumf %max3A_630, %min3A_643 : vector<16xf32>
            %min3A_645 = arith.minimumf %max3A_630, %min3A_643 : vector<16xf32>
            %max3A_646 = arith.maximumf %max3A_632, %min3A_645 : vector<16xf32>
            %min3A_647 = arith.minimumf %max3A_632, %min3A_645 : vector<16xf32>
            %max3A_648 = arith.maximumf %max3A_634, %min3A_647 : vector<16xf32>
            %min3A_649 = arith.minimumf %max3A_634, %min3A_647 : vector<16xf32>
            %max3A_650 = arith.maximumf %max3A_636, %min3A_649 : vector<16xf32>
            %min3A_651 = arith.minimumf %max3A_636, %min3A_649 : vector<16xf32>
            %add3A_652 = arith.constant 58 : i32
            %add3A_653 = vector.broadcast %add3A_652 : i32 to vector<16xi32>
            %add3A_654 = arith.addi %broadcast_in_dim3A_133, %add3A_653 : vector<16xi32>
            %gather3A_655 = tpu.vector_load_idx %arg4[%broadcast_in_dim3A_69, %iota3A, %add3A_654] : memref<2x16x1025xf32, #tpu.memory_space<vmem>>[vector<16xi32>, vector<16xi32>, vector<16xi32>], vector<16xf32>,
            %max3A_656 = arith.maximumf %max3A_642, %gather3A_655 : vector<16xf32>
            %min3A_657 = arith.minimumf %max3A_642, %gather3A_655 : vector<16xf32>
            %max3A_658 = arith.maximumf %max3A_644, %min3A_657 : vector<16xf32>
            %min3A_659 = arith.minimumf %max3A_644, %min3A_657 : vector<16xf32>
            %max3A_660 = arith.maximumf %max3A_646, %min3A_659 : vector<16xf32>
            %min3A_661 = arith.minimumf %max3A_646, %min3A_659 : vector<16xf32>
            %max3A_662 = arith.maximumf %max3A_648, %min3A_661 : vector<16xf32>
            %min3A_663 = arith.minimumf %max3A_648, %min3A_661 : vector<16xf32>
            %max3A_664 = arith.maximumf %max3A_650, %min3A_663 : vector<16xf32>
            %min3A_665 = arith.minimumf %max3A_650, %min3A_663 : vector<16xf32>
            %add3A_666 = arith.constant 59 : i32
            %add3A_667 = vector.broadcast %add3A_666 : i32 to vector<16xi32>
            %add3A_668 = arith.addi %broadcast_in_dim3A_133, %add3A_667 : vector<16xi32>
            %gather3A_669 = tpu.vector_load_idx %arg4[%broadcast_in_dim3A_69, %iota3A, %add3A_668] : memref<2x16x1025xf32, #tpu.memory_space<vmem>>[vector<16xi32>, vector<16xi32>, vector<16xi32>], vector<16xf32>,
            %max3A_670 = arith.maximumf %max3A_656, %gather3A_669 : vector<16xf32>
            %min3A_671 = arith.minimumf %max3A_656, %gather3A_669 : vector<16xf32>
            %max3A_672 = arith.maximumf %max3A_658, %min3A_671 : vector<16xf32>
            %min3A_673 = arith.minimumf %max3A_658, %min3A_671 : vector<16xf32>
            %max3A_674 = arith.maximumf %max3A_660, %min3A_673 : vector<16xf32>
            %min3A_675 = arith.minimumf %max3A_660, %min3A_673 : vector<16xf32>
            %max3A_676 = arith.maximumf %max3A_662, %min3A_675 : vector<16xf32>
            %min3A_677 = arith.minimumf %max3A_662, %min3A_675 : vector<16xf32>
            %max3A_678 = arith.maximumf %max3A_664, %min3A_677 : vector<16xf32>
            %min3A_679 = arith.minimumf %max3A_664, %min3A_677 : vector<16xf32>
            %add3A_680 = arith.constant 60 : i32
            %add3A_681 = vector.broadcast %add3A_680 : i32 to vector<16xi32>
            %add3A_682 = arith.addi %broadcast_in_dim3A_133, %add3A_681 : vector<16xi32>
            %gather3A_683 = tpu.vector_load_idx %arg4[%broadcast_in_dim3A_69, %iota3A, %add3A_682] : memref<2x16x1025xf32, #tpu.memory_space<vmem>>[vector<16xi32>, vector<16xi32>, vector<16xi32>], vector<16xf32>,
            %max3A_684 = arith.maximumf %max3A_670, %gather3A_683 : vector<16xf32>
            %min3A_685 = arith.minimumf %max3A_670, %gather3A_683 : vector<16xf32>
            %max3A_686 = arith.maximumf %max3A_672, %min3A_685 : vector<16xf32>
            %min3A_687 = arith.minimumf %max3A_672, %min3A_685 : vector<16xf32>
            %max3A_688 = arith.maximumf %max3A_674, %min3A_687 : vector<16xf32>
            %min3A_689 = arith.minimumf %max3A_674, %min3A_687 : vector<16xf32>
            %max3A_690 = arith.maximumf %max3A_676, %min3A_689 : vector<16xf32>
            %min3A_691 = arith.minimumf %max3A_676, %min3A_689 : vector<16xf32>
            %max3A_692 = arith.maximumf %max3A_678, %min3A_691 : vector<16xf32>
            %min3A_693 = arith.minimumf %max3A_678, %min3A_691 : vector<16xf32>
            %add3A_694 = arith.constant 61 : i32
            %add3A_695 = vector.broadcast %add3A_694 : i32 to vector<16xi32>
            %add3A_696 = arith.addi %broadcast_in_dim3A_133, %add3A_695 : vector<16xi32>
            %gather3A_697 = tpu.vector_load_idx %arg4[%broadcast_in_dim3A_69, %iota3A, %add3A_696] : memref<2x16x1025xf32, #tpu.memory_space<vmem>>[vector<16xi32>, vector<16xi32>, vector<16xi32>], vector<16xf32>,
            %max3A_698 = arith.maximumf %max3A_684, %gather3A_697 : vector<16xf32>
            %min3A_699 = arith.minimumf %max3A_684, %gather3A_697 : vector<16xf32>
            %max3A_700 = arith.maximumf %max3A_686, %min3A_699 : vector<16xf32>
            %min3A_701 = arith.minimumf %max3A_686, %min3A_699 : vector<16xf32>
            %max3A_702 = arith.maximumf %max3A_688, %min3A_701 : vector<16xf32>
            %min3A_703 = arith.minimumf %max3A_688, %min3A_701 : vector<16xf32>
            %max3A_704 = arith.maximumf %max3A_690, %min3A_703 : vector<16xf32>
            %min3A_705 = arith.minimumf %max3A_690, %min3A_703 : vector<16xf32>
            %max3A_706 = arith.maximumf %max3A_692, %min3A_705 : vector<16xf32>
            %min3A_707 = arith.minimumf %max3A_692, %min3A_705 : vector<16xf32>
            %add3A_708 = arith.constant 62 : i32
            %add3A_709 = vector.broadcast %add3A_708 : i32 to vector<16xi32>
            %add3A_710 = arith.addi %broadcast_in_dim3A_133, %add3A_709 : vector<16xi32>
            %gather3A_711 = tpu.vector_load_idx %arg4[%broadcast_in_dim3A_69, %iota3A, %add3A_710] : memref<2x16x1025xf32, #tpu.memory_space<vmem>>[vector<16xi32>, vector<16xi32>, vector<16xi32>], vector<16xf32>,
            %max3A_712 = arith.maximumf %max3A_698, %gather3A_711 : vector<16xf32>
            %min3A_713 = arith.minimumf %max3A_698, %gather3A_711 : vector<16xf32>
            %max3A_714 = arith.maximumf %max3A_700, %min3A_713 : vector<16xf32>
            %min3A_715 = arith.minimumf %max3A_700, %min3A_713 : vector<16xf32>
            %max3A_716 = arith.maximumf %max3A_702, %min3A_715 : vector<16xf32>
            %min3A_717 = arith.minimumf %max3A_702, %min3A_715 : vector<16xf32>
            %max3A_718 = arith.maximumf %max3A_704, %min3A_717 : vector<16xf32>
            %min3A_719 = arith.minimumf %max3A_704, %min3A_717 : vector<16xf32>
            %max3A_720 = arith.maximumf %max3A_706, %min3A_719 : vector<16xf32>
            %min3A_721 = arith.minimumf %max3A_706, %min3A_719 : vector<16xf32>
            %add3A_722 = arith.constant 63 : i32
            %add3A_723 = vector.broadcast %add3A_722 : i32 to vector<16xi32>
            %add3A_724 = arith.addi %broadcast_in_dim3A_133, %add3A_723 : vector<16xi32>
            %gather3A_725 = tpu.vector_load_idx %arg4[%broadcast_in_dim3A_69, %iota3A, %add3A_724] : memref<2x16x1025xf32, #tpu.memory_space<vmem>>[vector<16xi32>, vector<16xi32>, vector<16xi32>], vector<16xf32>,
            %max3A_726 = arith.maximumf %max3A_712, %gather3A_725 : vector<16xf32>
            %min3A_727 = arith.minimumf %max3A_712, %gather3A_725 : vector<16xf32>
            %max3A_728 = arith.maximumf %max3A_714, %min3A_727 : vector<16xf32>
            %min3A_729 = arith.minimumf %max3A_714, %min3A_727 : vector<16xf32>
            %max3A_730 = arith.maximumf %max3A_716, %min3A_729 : vector<16xf32>
            %min3A_731 = arith.minimumf %max3A_716, %min3A_729 : vector<16xf32>
            %max3A_732 = arith.maximumf %max3A_718, %min3A_731 : vector<16xf32>
            %min3A_733 = arith.minimumf %max3A_718, %min3A_731 : vector<16xf32>
            %max3A_734 = arith.maximumf %max3A_720, %min3A_733 : vector<16xf32>
            %min3A_735 = arith.minimumf %max3A_720, %min3A_733 : vector<16xf32>
            %swap3A = arith.constant 0 : i32
            %swap3A_736 = arith.index_cast %swap3A : i32 to index
            %swap3A_737 = arith.constant 0 : index
            %swap3A_738 = tpu.vector_load %arg5[%swap3A_736, %swap3A_737] {strides = array<i32>} : memref<5x16xf32, #tpu.memory_space<vmem>>, vector<16xf32>,
            tpu.vector_store %arg5[%swap3A_736, %swap3A_737], %max3A_726 {strides = array<i32>} : memref<5x16xf32, #tpu.memory_space<vmem>>, vector<16xf32>,
            %swap3A_739 = arith.constant 1 : i32
            %swap3A_740 = arith.index_cast %swap3A_739 : i32 to index
            %swap3A_741 = arith.constant 0 : index
            %swap3A_742 = tpu.vector_load %arg5[%swap3A_740, %swap3A_741] {strides = array<i32>} : memref<5x16xf32, #tpu.memory_space<vmem>>, vector<16xf32>,
            tpu.vector_store %arg5[%swap3A_740, %swap3A_741], %max3A_728 {strides = array<i32>} : memref<5x16xf32, #tpu.memory_space<vmem>>, vector<16xf32>,
            %swap3A_743 = arith.constant 2 : i32
            %swap3A_744 = arith.index_cast %swap3A_743 : i32 to index
            %swap3A_745 = arith.constant 0 : index
            %swap3A_746 = tpu.vector_load %arg5[%swap3A_744, %swap3A_745] {strides = array<i32>} : memref<5x16xf32, #tpu.memory_space<vmem>>, vector<16xf32>,
            tpu.vector_store %arg5[%swap3A_744, %swap3A_745], %max3A_730 {strides = array<i32>} : memref<5x16xf32, #tpu.memory_space<vmem>>, vector<16xf32>,
            %swap3A_747 = arith.constant 3 : i32
            %swap3A_748 = arith.index_cast %swap3A_747 : i32 to index
            %swap3A_749 = arith.constant 0 : index
            %swap3A_750 = tpu.vector_load %arg5[%swap3A_748, %swap3A_749] {strides = array<i32>} : memref<5x16xf32, #tpu.memory_space<vmem>>, vector<16xf32>,
            tpu.vector_store %arg5[%swap3A_748, %swap3A_749], %max3A_732 {strides = array<i32>} : memref<5x16xf32, #tpu.memory_space<vmem>>, vector<16xf32>,
            %swap3A_751 = arith.constant 4 : i32
            %swap3A_752 = arith.index_cast %swap3A_751 : i32 to index
            %swap3A_753 = arith.constant 0 : index
            %swap3A_754 = tpu.vector_load %arg5[%swap3A_752, %swap3A_753] {strides = array<i32>} : memref<5x16xf32, #tpu.memory_space<vmem>>, vector<16xf32>,
            tpu.vector_store %arg5[%swap3A_752, %swap3A_753], %max3A_734 {strides = array<i32>} : memref<5x16xf32, #tpu.memory_space<vmem>>, vector<16xf32>,
          } else {
          }
        } else {
        }
      }
      %scan3A_75 = arith.constant 16 : i32
      %and3A_76 = arith.constant 31 : i32
      %and3A_77 = arith.andi %mul3A_26, %and3A_76 : i32
      %eq3A_78 = arith.constant 31 : i32
      %eq3A_79 = arith.cmpi eq, %and3A_77, %eq3A_78 : i32
      %convert_element_type3A_80 = arith.extui %eq3A_79 : i1 to i32
      %cond3A_81 = arith.constant 0 : i32
      %cond3A_82 = arith.cmpi ne, %convert_element_type3A_80, %cond3A_81 : i32
      scf.if %cond3A_82 {
        %shift_right_logical3A_130 = arith.constant 5 : i32
        %shift_right_logical3A_131 = arith.shrui %mul3A_26, %shift_right_logical3A_130 : i32
        %get3A = arith.constant 0 : i32
        %get3A_132 = arith.index_cast %get3A : i32 to index
        %get3A_133 = arith.constant 0 : index
        %get3A_134 = tpu.vector_load %arg5[%get3A_132, %get3A_133] {strides = array<i32>} : memref<5x16xf32, #tpu.memory_space<vmem>>, vector<16xf32>,
        %get3A_135 = arith.constant 1 : i32
        %get3A_136 = arith.index_cast %get3A_135 : i32 to index
        %get3A_137 = arith.constant 0 : index
        %get3A_138 = tpu.vector_load %arg5[%get3A_136, %get3A_137] {strides = array<i32>} : memref<5x16xf32, #tpu.memory_space<vmem>>, vector<16xf32>,
        %add3A_139 = arith.addf %get3A_134, %get3A_138 : vector<16xf32>
        %get3A_140 = arith.constant 2 : i32
        %get3A_141 = arith.index_cast %get3A_140 : i32 to index
        %get3A_142 = arith.constant 0 : index
        %get3A_143 = tpu.vector_load %arg5[%get3A_141, %get3A_142] {strides = array<i32>} : memref<5x16xf32, #tpu.memory_space<vmem>>, vector<16xf32>,
        %add3A_144 = arith.addf %add3A_139, %get3A_143 : vector<16xf32>
        %get3A_145 = arith.constant 3 : i32
        %get3A_146 = arith.index_cast %get3A_145 : i32 to index
        %get3A_147 = arith.constant 0 : index
        %get3A_148 = tpu.vector_load %arg5[%get3A_146, %get3A_147] {strides = array<i32>} : memref<5x16xf32, #tpu.memory_space<vmem>>, vector<16xf32>,
        %add3A_149 = arith.addf %add3A_144, %get3A_148 : vector<16xf32>
        %get3A_150 = arith.constant 4 : i32
        %get3A_151 = arith.index_cast %get3A_150 : i32 to index
        %get3A_152 = arith.constant 0 : index
        %get3A_153 = tpu.vector_load %arg5[%get3A_151, %get3A_152] {strides = array<i32>} : memref<5x16xf32, #tpu.memory_space<vmem>>, vector<16xf32>,
        %add3A_154 = arith.addf %add3A_149, %get3A_153 : vector<16xf32>
        %mul3A_155 = arith.constant 2.000000e-01 : f32
        %mul3A_156 = vector.broadcast %mul3A_155 : f32 to vector<16xf32>
        %mul3A_157 = arith.mulf %add3A_154, %mul3A_156 : vector<16xf32>
        %mul3A_158 = arith.constant 16 : i32
        %mul3A_159 = arith.muli %shift_right_logical3A_131, %mul3A_158 : i32
        %swap3A = arith.index_cast %mul3A_159 : i32 to index
        %swap3A_160 = tpu.vector_load %arg6[%swap3A] {strides = array<i32>} : memref<64xf32, #tpu.memory_space<vmem>>, vector<16xf32>,
        tpu.vector_store %arg6[%swap3A], %mul3A_157 {strides = array<i32>} : memref<64xf32, #tpu.memory_space<vmem>>, vector<16xf32>,
      } else {
      }
      %add3A_83 = arith.constant 2 : i32
      %add3A_84 = arith.addi %mul3A_26, %add3A_83 : i32
      %lt3A = arith.constant 128 : i32
      %lt3A_85 = arith.cmpi slt, %add3A_84, %lt3A : i32
      %convert_element_type3A_86 = arith.extui %lt3A_85 : i1 to i32
      %cond3A_87 = arith.constant 0 : i32
      %cond3A_88 = arith.cmpi ne, %convert_element_type3A_86, %cond3A_87 : i32
      scf.if %cond3A_88 {
        %add3A_130 = arith.constant 2 : i32
        %add3A_131 = arith.addi %mul3A_26, %add3A_130 : i32
        %shift_right_logical3A_132 = arith.constant 5 : i32
        %shift_right_logical3A_133 = arith.shrui %add3A_131, %shift_right_logical3A_132 : i32
        %and3A_134 = arith.constant 31 : i32
        %and3A_135 = arith.andi %add3A_131, %and3A_134 : i32
        %mul3A_136 = arith.constant 1024 : i32
        %mul3A_137 = arith.muli %and3A_135, %mul3A_136 : i32
        %mul3A_138 = arith.constant 16 : i32
        %mul3A_139 = arith.muli %shift_right_logical3A_133, %mul3A_138 : i32
        %dma_start3A_140 = arith.constant 0 : i32
        %dma_start3A_141 = arith.constant 0 : i32
        %dma_start3A_142 = arith.constant 0 : i32
        %dma_start3A_143 = tpu.memref_slice %arg4[%dma_start3A_140, %dma_start3A_141, %dma_start3A_142] : memref<2x16x1025xf32, #tpu.memory_space<vmem>> -> memref<1x16x1024xf32, #tpu.memory_space<vmem>>
        %dma_start3A_144 = tpu.memref_squeeze %dma_start3A_143 : memref<1x16x1024xf32, #tpu.memory_space<vmem>> -> memref<16x1024xf32, #tpu.memory_space<vmem>>
        %dma_start3A_145 = tpu.memref_slice %arg2[%add3A, %mul3A_139, %mul3A_137] : memref<32x64x32768xf32, #tpu.memory_space<hbm>> -> memref<1x16x1024xf32, #tpu.memory_space<hbm>>
        %dma_start3A_146 = tpu.memref_squeeze %dma_start3A_145 : memref<1x16x1024xf32, #tpu.memory_space<hbm>> -> memref<16x1024xf32, #tpu.memory_space<hbm>>
        %dma_start3A_147 = arith.constant 0 : i32
        %dma_start3A_148 = arith.constant 0 : i32
        %dma_start3A_149 = tpu.memref_slice %arg4[%dma_start3A_140, %dma_start3A_147, %dma_start3A_148] : memref<2x16x1025xf32, #tpu.memory_space<vmem>> -> memref<1x16x1024xf32, #tpu.memory_space<vmem>>
        %dma_start3A_150 = tpu.memref_squeeze %dma_start3A_149 : memref<1x16x1024xf32, #tpu.memory_space<vmem>> -> memref<16x1024xf32, #tpu.memory_space<vmem>>
        %dma_start3A_151 = tpu.memref_slice %arg2[%add3A, %mul3A_139, %mul3A_137] : memref<32x64x32768xf32, #tpu.memory_space<hbm>> -> memref<1x16x1024xf32, #tpu.memory_space<hbm>>
        %dma_start3A_152 = tpu.memref_squeeze %dma_start3A_151 : memref<1x16x1024xf32, #tpu.memory_space<hbm>> -> memref<16x1024xf32, #tpu.memory_space<hbm>>
        tpu.enqueue_dma source(%dma_start3A_152 : memref<16x1024xf32, #tpu.memory_space<hbm>>) target(%dma_start3A_150 : memref<16x1024xf32, #tpu.memory_space<vmem>>) target_semaphore(%arg7 : memref<!tpu.dma_semaphore, #tpu.memory_space<semaphore_mem>>)
      } else {
      }
      %add3A_89 = arith.constant 1 : i32
      %add3A_90 = arith.addi %mul3A_26, %add3A_89 : i32
      %and3A_91 = arith.constant 31 : i32
      %and3A_92 = arith.andi %add3A_90, %and3A_91 : i32
      %eq3A_93 = arith.constant 0 : i32
      %eq3A_94 = arith.cmpi eq, %and3A_92, %eq3A_93 : i32
      %convert_element_type3A_95 = arith.extui %eq3A_94 : i1 to i32
      %cond3A_96 = arith.constant 0 : i32
      %cond3A_97 = arith.cmpi ne, %convert_element_type3A_95, %cond3A_96 : i32
      scf.if %cond3A_97 {
        %broadcast_in_dim3A_130 = arith.constant 0xFF800000 : f32
        %broadcast_in_dim3A_131 = vector.broadcast %broadcast_in_dim3A_130 : f32 to vector<16xf32>
        %swap3A = arith.constant 0 : i32
        %swap3A_132 = arith.index_cast %swap3A : i32 to index
        %swap3A_133 = arith.constant 0 : index
        %swap3A_134 = tpu.vector_load %arg5[%swap3A_132, %swap3A_133] {strides = array<i32>} : memref<5x16xf32, #tpu.memory_space<vmem>>, vector<16xf32>,
        tpu.vector_store %arg5[%swap3A_132, %swap3A_133], %broadcast_in_dim3A_131 {strides = array<i32>} : memref<5x16xf32, #tpu.memory_space<vmem>>, vector<16xf32>,
        %broadcast_in_dim3A_135 = arith.constant 0xFF800000 : f32
        %broadcast_in_dim3A_136 = vector.broadcast %broadcast_in_dim3A_135 : f32 to vector<16xf32>
        %swap3A_137 = arith.constant 1 : i32
        %swap3A_138 = arith.index_cast %swap3A_137 : i32 to index
        %swap3A_139 = arith.constant 0 : index
        %swap3A_140 = tpu.vector_load %arg5[%swap3A_138, %swap3A_139] {strides = array<i32>} : memref<5x16xf32, #tpu.memory_space<vmem>>, vector<16xf32>,
        tpu.vector_store %arg5[%swap3A_138, %swap3A_139], %broadcast_in_dim3A_136 {strides = array<i32>} : memref<5x16xf32, #tpu.memory_space<vmem>>, vector<16xf32>,
        %broadcast_in_dim3A_141 = arith.constant 0xFF800000 : f32
        %broadcast_in_dim3A_142 = vector.broadcast %broadcast_in_dim3A_141 : f32 to vector<16xf32>
        %swap3A_143 = arith.constant 2 : i32
        %swap3A_144 = arith.index_cast %swap3A_143 : i32 to index
        %swap3A_145 = arith.constant 0 : index
        %swap3A_146 = tpu.vector_load %arg5[%swap3A_144, %swap3A_145] {strides = array<i32>} : memref<5x16xf32, #tpu.memory_space<vmem>>, vector<16xf32>,
        tpu.vector_store %arg5[%swap3A_144, %swap3A_145], %broadcast_in_dim3A_142 {strides = array<i32>} : memref<5x16xf32, #tpu.memory_space<vmem>>, vector<16xf32>,
        %broadcast_in_dim3A_147 = arith.constant 0xFF800000 : f32
        %broadcast_in_dim3A_148 = vector.broadcast %broadcast_in_dim3A_147 : f32 to vector<16xf32>
        %swap3A_149 = arith.constant 3 : i32
        %swap3A_150 = arith.index_cast %swap3A_149 : i32 to index
        %swap3A_151 = arith.constant 0 : index
        %swap3A_152 = tpu.vector_load %arg5[%swap3A_150, %swap3A_151] {strides = array<i32>} : memref<5x16xf32, #tpu.memory_space<vmem>>, vector<16xf32>,
        tpu.vector_store %arg5[%swap3A_150, %swap3A_151], %broadcast_in_dim3A_148 {strides = array<i32>} : memref<5x16xf32, #tpu.memory_space<vmem>>, vector<16xf32>,
        %broadcast_in_dim3A_153 = arith.constant 0xFF800000 : f32
        %broadcast_in_dim3A_154 = vector.broadcast %broadcast_in_dim3A_153 : f32 to vector<16xf32>
        %swap3A_155 = arith.constant 4 : i32
        %swap3A_156 = arith.index_cast %swap3A_155 : i32 to index
        %swap3A_157 = arith.constant 0 : index
        %swap3A_158 = tpu.vector_load %arg5[%swap3A_156, %swap3A_157] {strides = array<i32>} : memref<5x16xf32, #tpu.memory_space<vmem>>, vector<16xf32>,
        tpu.vector_store %arg5[%swap3A_156, %swap3A_157], %broadcast_in_dim3A_154 {strides = array<i32>} : memref<5x16xf32, #tpu.memory_space<vmem>>, vector<16xf32>,
      } else {
      }
      %dma_wait3A_98 = arith.constant 1 : i32
      %dma_wait3A_99 = arith.constant 0 : i32
      %dma_wait3A_100 = arith.constant 0 : i32
      %dma_wait3A_101 = tpu.memref_slice %arg4[%dma_wait3A_98, %dma_wait3A_99, %dma_wait3A_100] : memref<2x16x1025xf32, #tpu.memory_space<vmem>> -> memref<1x16x1024xf32, #tpu.memory_space<vmem>>
      %dma_wait3A_102 = tpu.memref_squeeze %dma_wait3A_101 : memref<1x16x1024xf32, #tpu.memory_space<vmem>> -> memref<16x1024xf32, #tpu.memory_space<vmem>>
      %dma_wait3A_103 = arith.constant 0 : i32
      %dma_wait3A_104 = arith.constant 0 : i32
      %dma_wait3A_105 = tpu.memref_slice %arg2[%add3A, %dma_wait3A_103, %dma_wait3A_104] : memref<32x64x32768xf32, #tpu.memory_space<hbm>> -> memref<1x16x1024xf32, #tpu.memory_space<hbm>>
      %dma_wait3A_106 = tpu.memref_squeeze %dma_wait3A_105 : memref<1x16x1024xf32, #tpu.memory_space<hbm>> -> memref<16x1024xf32, #tpu.memory_space<hbm>>
      %dma_wait3A_107 = arith.constant 0 : i32
      %dma_wait3A_108 = arith.constant 0 : i32
      %dma_wait3A_109 = tpu.memref_slice %arg4[%dma_wait3A_98, %dma_wait3A_107, %dma_wait3A_108] : memref<2x16x1025xf32, #tpu.memory_space<vmem>> -> memref<1x16x1024xf32, #tpu.memory_space<vmem>>
      %dma_wait3A_110 = tpu.memref_squeeze %dma_wait3A_109 : memref<1x16x1024xf32, #tpu.memory_space<vmem>> -> memref<16x1024xf32, #tpu.memory_space<vmem>>
      %dma_wait3A_111 = arith.constant 0 : i32
      %dma_wait3A_112 = arith.constant 0 : i32
      %dma_wait3A_113 = tpu.memref_slice %arg2[%add3A, %dma_wait3A_111, %dma_wait3A_112] : memref<32x64x32768xf32, #tpu.memory_space<hbm>> -> memref<1x16x1024xf32, #tpu.memory_space<hbm>>
      %dma_wait3A_114 = tpu.memref_squeeze %dma_wait3A_113 : memref<1x16x1024xf32, #tpu.memory_space<hbm>> -> memref<16x1024xf32, #tpu.memory_space<hbm>>
      tpu.wait_dma2 semaphore(%arg8 : memref<!tpu.dma_semaphore, #tpu.memory_space<semaphore_mem>>) src(%dma_wait3A_114 : memref<16x1024xf32, #tpu.memory_space<hbm>>) dst(%dma_wait3A_110 : memref<16x1024xf32, #tpu.memory_space<vmem>>)
      %broadcast_in_dim3A_115 = arith.constant 1 : i32
      %broadcast_in_dim3A_116 = vector.broadcast %broadcast_in_dim3A_115 : i32 to vector<16xi32>
      %scan3A_117 = arith.constant 0 : i32
      %scan3A_118 = arith.constant 0 : i32
      %scan3A_119 = arith.constant 16 : i32
      %scan3A_120 = arith.addi %scan3A_118, %scan3A_119 : i32
      %scan3A_121 = arith.constant 1 : i32
      scf.for %scan3A_130 = %scan3A_118 to %scan3A_120 step %scan3A_121  : i32 {
        %mul3A_131 = arith.constant 64 : i32
        %mul3A_132 = arith.muli %scan3A_130, %mul3A_131 : i32
        %broadcast_in_dim3A_133 = vector.broadcast %mul3A_132 : i32 to vector<16xi32>
        %get3A = arith.constant 4 : i32
        %get3A_134 = arith.index_cast %get3A : i32 to index
        %get3A_135 = arith.constant 0 : index
        %get3A_136 = tpu.vector_load %arg5[%get3A_134, %get3A_135] {strides = array<i32>} : memref<5x16xf32, #tpu.memory_space<vmem>>, vector<16xf32>,
        %add3A_137 = arith.constant 0 : i32
        %add3A_138 = vector.broadcast %add3A_137 : i32 to vector<16xi32>
        %add3A_139 = arith.addi %broadcast_in_dim3A_133, %add3A_138 : vector<16xi32>
        %gather3A = tpu.vector_load_idx %arg4[%broadcast_in_dim3A_116, %iota3A, %add3A_139] : memref<2x16x1025xf32, #tpu.memory_space<vmem>>[vector<16xi32>, vector<16xi32>, vector<16xi32>], vector<16xf32>,
        %add3A_140 = arith.constant 1 : i32
        %add3A_141 = vector.broadcast %add3A_140 : i32 to vector<16xi32>
        %add3A_142 = arith.addi %broadcast_in_dim3A_133, %add3A_141 : vector<16xi32>
        %gather3A_143 = tpu.vector_load_idx %arg4[%broadcast_in_dim3A_116, %iota3A, %add3A_142] : memref<2x16x1025xf32, #tpu.memory_space<vmem>>[vector<16xi32>, vector<16xi32>, vector<16xi32>], vector<16xf32>,
        %add3A_144 = arith.constant 2 : i32
        %add3A_145 = vector.broadcast %add3A_144 : i32 to vector<16xi32>
        %add3A_146 = arith.addi %broadcast_in_dim3A_133, %add3A_145 : vector<16xi32>
        %gather3A_147 = tpu.vector_load_idx %arg4[%broadcast_in_dim3A_116, %iota3A, %add3A_146] : memref<2x16x1025xf32, #tpu.memory_space<vmem>>[vector<16xi32>, vector<16xi32>, vector<16xi32>], vector<16xf32>,
        %add3A_148 = arith.constant 3 : i32
        %add3A_149 = vector.broadcast %add3A_148 : i32 to vector<16xi32>
        %add3A_150 = arith.addi %broadcast_in_dim3A_133, %add3A_149 : vector<16xi32>
        %gather3A_151 = tpu.vector_load_idx %arg4[%broadcast_in_dim3A_116, %iota3A, %add3A_150] : memref<2x16x1025xf32, #tpu.memory_space<vmem>>[vector<16xi32>, vector<16xi32>, vector<16xi32>], vector<16xf32>,
        %add3A_152 = arith.constant 4 : i32
        %add3A_153 = vector.broadcast %add3A_152 : i32 to vector<16xi32>
        %add3A_154 = arith.addi %broadcast_in_dim3A_133, %add3A_153 : vector<16xi32>
        %gather3A_155 = tpu.vector_load_idx %arg4[%broadcast_in_dim3A_116, %iota3A, %add3A_154] : memref<2x16x1025xf32, #tpu.memory_space<vmem>>[vector<16xi32>, vector<16xi32>, vector<16xi32>], vector<16xf32>,
        %add3A_156 = arith.constant 5 : i32
        %add3A_157 = vector.broadcast %add3A_156 : i32 to vector<16xi32>
        %add3A_158 = arith.addi %broadcast_in_dim3A_133, %add3A_157 : vector<16xi32>
        %gather3A_159 = tpu.vector_load_idx %arg4[%broadcast_in_dim3A_116, %iota3A, %add3A_158] : memref<2x16x1025xf32, #tpu.memory_space<vmem>>[vector<16xi32>, vector<16xi32>, vector<16xi32>], vector<16xf32>,
        %add3A_160 = arith.constant 6 : i32
        %add3A_161 = vector.broadcast %add3A_160 : i32 to vector<16xi32>
        %add3A_162 = arith.addi %broadcast_in_dim3A_133, %add3A_161 : vector<16xi32>
        %gather3A_163 = tpu.vector_load_idx %arg4[%broadcast_in_dim3A_116, %iota3A, %add3A_162] : memref<2x16x1025xf32, #tpu.memory_space<vmem>>[vector<16xi32>, vector<16xi32>, vector<16xi32>], vector<16xf32>,
        %add3A_164 = arith.constant 7 : i32
        %add3A_165 = vector.broadcast %add3A_164 : i32 to vector<16xi32>
        %add3A_166 = arith.addi %broadcast_in_dim3A_133, %add3A_165 : vector<16xi32>
        %gather3A_167 = tpu.vector_load_idx %arg4[%broadcast_in_dim3A_116, %iota3A, %add3A_166] : memref<2x16x1025xf32, #tpu.memory_space<vmem>>[vector<16xi32>, vector<16xi32>, vector<16xi32>], vector<16xf32>,
        %add3A_168 = arith.constant 8 : i32
        %add3A_169 = vector.broadcast %add3A_168 : i32 to vector<16xi32>
        %add3A_170 = arith.addi %broadcast_in_dim3A_133, %add3A_169 : vector<16xi32>
        %gather3A_171 = tpu.vector_load_idx %arg4[%broadcast_in_dim3A_116, %iota3A, %add3A_170] : memref<2x16x1025xf32, #tpu.memory_space<vmem>>[vector<16xi32>, vector<16xi32>, vector<16xi32>], vector<16xf32>,
        %add3A_172 = arith.constant 9 : i32
        %add3A_173 = vector.broadcast %add3A_172 : i32 to vector<16xi32>
        %add3A_174 = arith.addi %broadcast_in_dim3A_133, %add3A_173 : vector<16xi32>
        %gather3A_175 = tpu.vector_load_idx %arg4[%broadcast_in_dim3A_116, %iota3A, %add3A_174] : memref<2x16x1025xf32, #tpu.memory_space<vmem>>[vector<16xi32>, vector<16xi32>, vector<16xi32>], vector<16xf32>,
        %add3A_176 = arith.constant 10 : i32
        %add3A_177 = vector.broadcast %add3A_176 : i32 to vector<16xi32>
        %add3A_178 = arith.addi %broadcast_in_dim3A_133, %add3A_177 : vector<16xi32>
        %gather3A_179 = tpu.vector_load_idx %arg4[%broadcast_in_dim3A_116, %iota3A, %add3A_178] : memref<2x16x1025xf32, #tpu.memory_space<vmem>>[vector<16xi32>, vector<16xi32>, vector<16xi32>], vector<16xf32>,
        %add3A_180 = arith.constant 11 : i32
        %add3A_181 = vector.broadcast %add3A_180 : i32 to vector<16xi32>
        %add3A_182 = arith.addi %broadcast_in_dim3A_133, %add3A_181 : vector<16xi32>
        %gather3A_183 = tpu.vector_load_idx %arg4[%broadcast_in_dim3A_116, %iota3A, %add3A_182] : memref<2x16x1025xf32, #tpu.memory_space<vmem>>[vector<16xi32>, vector<16xi32>, vector<16xi32>], vector<16xf32>,
        %add3A_184 = arith.constant 12 : i32
        %add3A_185 = vector.broadcast %add3A_184 : i32 to vector<16xi32>
        %add3A_186 = arith.addi %broadcast_in_dim3A_133, %add3A_185 : vector<16xi32>
        %gather3A_187 = tpu.vector_load_idx %arg4[%broadcast_in_dim3A_116, %iota3A, %add3A_186] : memref<2x16x1025xf32, #tpu.memory_space<vmem>>[vector<16xi32>, vector<16xi32>, vector<16xi32>], vector<16xf32>,
        %add3A_188 = arith.constant 13 : i32
        %add3A_189 = vector.broadcast %add3A_188 : i32 to vector<16xi32>
        %add3A_190 = arith.addi %broadcast_in_dim3A_133, %add3A_189 : vector<16xi32>
        %gather3A_191 = tpu.vector_load_idx %arg4[%broadcast_in_dim3A_116, %iota3A, %add3A_190] : memref<2x16x1025xf32, #tpu.memory_space<vmem>>[vector<16xi32>, vector<16xi32>, vector<16xi32>], vector<16xf32>,
        %add3A_192 = arith.constant 14 : i32
        %add3A_193 = vector.broadcast %add3A_192 : i32 to vector<16xi32>
        %add3A_194 = arith.addi %broadcast_in_dim3A_133, %add3A_193 : vector<16xi32>
        %gather3A_195 = tpu.vector_load_idx %arg4[%broadcast_in_dim3A_116, %iota3A, %add3A_194] : memref<2x16x1025xf32, #tpu.memory_space<vmem>>[vector<16xi32>, vector<16xi32>, vector<16xi32>], vector<16xf32>,
        %add3A_196 = arith.constant 15 : i32
        %add3A_197 = vector.broadcast %add3A_196 : i32 to vector<16xi32>
        %add3A_198 = arith.addi %broadcast_in_dim3A_133, %add3A_197 : vector<16xi32>
        %gather3A_199 = tpu.vector_load_idx %arg4[%broadcast_in_dim3A_116, %iota3A, %add3A_198] : memref<2x16x1025xf32, #tpu.memory_space<vmem>>[vector<16xi32>, vector<16xi32>, vector<16xi32>], vector<16xf32>,
        %max3A = arith.maximumf %gather3A, %gather3A_143 : vector<16xf32>
        %max3A_200 = arith.maximumf %gather3A_147, %gather3A_151 : vector<16xf32>
        %max3A_201 = arith.maximumf %gather3A_155, %gather3A_159 : vector<16xf32>
        %max3A_202 = arith.maximumf %gather3A_163, %gather3A_167 : vector<16xf32>
        %max3A_203 = arith.maximumf %gather3A_171, %gather3A_175 : vector<16xf32>
        %max3A_204 = arith.maximumf %gather3A_179, %gather3A_183 : vector<16xf32>
        %max3A_205 = arith.maximumf %gather3A_187, %gather3A_191 : vector<16xf32>
        %max3A_206 = arith.maximumf %gather3A_195, %gather3A_199 : vector<16xf32>
        %max3A_207 = arith.maximumf %max3A, %max3A_200 : vector<16xf32>
        %max3A_208 = arith.maximumf %max3A_201, %max3A_202 : vector<16xf32>
        %max3A_209 = arith.maximumf %max3A_203, %max3A_204 : vector<16xf32>
        %max3A_210 = arith.maximumf %max3A_205, %max3A_206 : vector<16xf32>
        %max3A_211 = arith.maximumf %max3A_207, %max3A_208 : vector<16xf32>
        %max3A_212 = arith.maximumf %max3A_209, %max3A_210 : vector<16xf32>
        %max3A_213 = arith.maximumf %max3A_211, %max3A_212 : vector<16xf32>
        %gt3A = arith.cmpf ogt, %max3A_213, %get3A_136 : vector<16xf32>
        %add3A_214 = arith.constant 16 : i32
        %add3A_215 = vector.broadcast %add3A_214 : i32 to vector<16xi32>
        %add3A_216 = arith.addi %broadcast_in_dim3A_133, %add3A_215 : vector<16xi32>
        %gather3A_217 = tpu.vector_load_idx %arg4[%broadcast_in_dim3A_116, %iota3A, %add3A_216] : memref<2x16x1025xf32, #tpu.memory_space<vmem>>[vector<16xi32>, vector<16xi32>, vector<16xi32>], vector<16xf32>,
        %add3A_218 = arith.constant 17 : i32
        %add3A_219 = vector.broadcast %add3A_218 : i32 to vector<16xi32>
        %add3A_220 = arith.addi %broadcast_in_dim3A_133, %add3A_219 : vector<16xi32>
        %gather3A_221 = tpu.vector_load_idx %arg4[%broadcast_in_dim3A_116, %iota3A, %add3A_220] : memref<2x16x1025xf32, #tpu.memory_space<vmem>>[vector<16xi32>, vector<16xi32>, vector<16xi32>], vector<16xf32>,
        %add3A_222 = arith.constant 18 : i32
        %add3A_223 = vector.broadcast %add3A_222 : i32 to vector<16xi32>
        %add3A_224 = arith.addi %broadcast_in_dim3A_133, %add3A_223 : vector<16xi32>
        %gather3A_225 = tpu.vector_load_idx %arg4[%broadcast_in_dim3A_116, %iota3A, %add3A_224] : memref<2x16x1025xf32, #tpu.memory_space<vmem>>[vector<16xi32>, vector<16xi32>, vector<16xi32>], vector<16xf32>,
        %add3A_226 = arith.constant 19 : i32
        %add3A_227 = vector.broadcast %add3A_226 : i32 to vector<16xi32>
        %add3A_228 = arith.addi %broadcast_in_dim3A_133, %add3A_227 : vector<16xi32>
        %gather3A_229 = tpu.vector_load_idx %arg4[%broadcast_in_dim3A_116, %iota3A, %add3A_228] : memref<2x16x1025xf32, #tpu.memory_space<vmem>>[vector<16xi32>, vector<16xi32>, vector<16xi32>], vector<16xf32>,
        %add3A_230 = arith.constant 20 : i32
        %add3A_231 = vector.broadcast %add3A_230 : i32 to vector<16xi32>
        %add3A_232 = arith.addi %broadcast_in_dim3A_133, %add3A_231 : vector<16xi32>
        %gather3A_233 = tpu.vector_load_idx %arg4[%broadcast_in_dim3A_116, %iota3A, %add3A_232] : memref<2x16x1025xf32, #tpu.memory_space<vmem>>[vector<16xi32>, vector<16xi32>, vector<16xi32>], vector<16xf32>,
        %add3A_234 = arith.constant 21 : i32
        %add3A_235 = vector.broadcast %add3A_234 : i32 to vector<16xi32>
        %add3A_236 = arith.addi %broadcast_in_dim3A_133, %add3A_235 : vector<16xi32>
        %gather3A_237 = tpu.vector_load_idx %arg4[%broadcast_in_dim3A_116, %iota3A, %add3A_236] : memref<2x16x1025xf32, #tpu.memory_space<vmem>>[vector<16xi32>, vector<16xi32>, vector<16xi32>], vector<16xf32>,
        %add3A_238 = arith.constant 22 : i32
        %add3A_239 = vector.broadcast %add3A_238 : i32 to vector<16xi32>
        %add3A_240 = arith.addi %broadcast_in_dim3A_133, %add3A_239 : vector<16xi32>
        %gather3A_241 = tpu.vector_load_idx %arg4[%broadcast_in_dim3A_116, %iota3A, %add3A_240] : memref<2x16x1025xf32, #tpu.memory_space<vmem>>[vector<16xi32>, vector<16xi32>, vector<16xi32>], vector<16xf32>,
        %add3A_242 = arith.constant 23 : i32
        %add3A_243 = vector.broadcast %add3A_242 : i32 to vector<16xi32>
        %add3A_244 = arith.addi %broadcast_in_dim3A_133, %add3A_243 : vector<16xi32>
        %gather3A_245 = tpu.vector_load_idx %arg4[%broadcast_in_dim3A_116, %iota3A, %add3A_244] : memref<2x16x1025xf32, #tpu.memory_space<vmem>>[vector<16xi32>, vector<16xi32>, vector<16xi32>], vector<16xf32>,
        %add3A_246 = arith.constant 24 : i32
        %add3A_247 = vector.broadcast %add3A_246 : i32 to vector<16xi32>
        %add3A_248 = arith.addi %broadcast_in_dim3A_133, %add3A_247 : vector<16xi32>
        %gather3A_249 = tpu.vector_load_idx %arg4[%broadcast_in_dim3A_116, %iota3A, %add3A_248] : memref<2x16x1025xf32, #tpu.memory_space<vmem>>[vector<16xi32>, vector<16xi32>, vector<16xi32>], vector<16xf32>,
        %add3A_250 = arith.constant 25 : i32
        %add3A_251 = vector.broadcast %add3A_250 : i32 to vector<16xi32>
        %add3A_252 = arith.addi %broadcast_in_dim3A_133, %add3A_251 : vector<16xi32>
        %gather3A_253 = tpu.vector_load_idx %arg4[%broadcast_in_dim3A_116, %iota3A, %add3A_252] : memref<2x16x1025xf32, #tpu.memory_space<vmem>>[vector<16xi32>, vector<16xi32>, vector<16xi32>], vector<16xf32>,
        %add3A_254 = arith.constant 26 : i32
        %add3A_255 = vector.broadcast %add3A_254 : i32 to vector<16xi32>
        %add3A_256 = arith.addi %broadcast_in_dim3A_133, %add3A_255 : vector<16xi32>
        %gather3A_257 = tpu.vector_load_idx %arg4[%broadcast_in_dim3A_116, %iota3A, %add3A_256] : memref<2x16x1025xf32, #tpu.memory_space<vmem>>[vector<16xi32>, vector<16xi32>, vector<16xi32>], vector<16xf32>,
        %add3A_258 = arith.constant 27 : i32
        %add3A_259 = vector.broadcast %add3A_258 : i32 to vector<16xi32>
        %add3A_260 = arith.addi %broadcast_in_dim3A_133, %add3A_259 : vector<16xi32>
        %gather3A_261 = tpu.vector_load_idx %arg4[%broadcast_in_dim3A_116, %iota3A, %add3A_260] : memref<2x16x1025xf32, #tpu.memory_space<vmem>>[vector<16xi32>, vector<16xi32>, vector<16xi32>], vector<16xf32>,
        %add3A_262 = arith.constant 28 : i32
        %add3A_263 = vector.broadcast %add3A_262 : i32 to vector<16xi32>
        %add3A_264 = arith.addi %broadcast_in_dim3A_133, %add3A_263 : vector<16xi32>
        %gather3A_265 = tpu.vector_load_idx %arg4[%broadcast_in_dim3A_116, %iota3A, %add3A_264] : memref<2x16x1025xf32, #tpu.memory_space<vmem>>[vector<16xi32>, vector<16xi32>, vector<16xi32>], vector<16xf32>,
        %add3A_266 = arith.constant 29 : i32
        %add3A_267 = vector.broadcast %add3A_266 : i32 to vector<16xi32>
        %add3A_268 = arith.addi %broadcast_in_dim3A_133, %add3A_267 : vector<16xi32>
        %gather3A_269 = tpu.vector_load_idx %arg4[%broadcast_in_dim3A_116, %iota3A, %add3A_268] : memref<2x16x1025xf32, #tpu.memory_space<vmem>>[vector<16xi32>, vector<16xi32>, vector<16xi32>], vector<16xf32>,
        %add3A_270 = arith.constant 30 : i32
        %add3A_271 = vector.broadcast %add3A_270 : i32 to vector<16xi32>
        %add3A_272 = arith.addi %broadcast_in_dim3A_133, %add3A_271 : vector<16xi32>
        %gather3A_273 = tpu.vector_load_idx %arg4[%broadcast_in_dim3A_116, %iota3A, %add3A_272] : memref<2x16x1025xf32, #tpu.memory_space<vmem>>[vector<16xi32>, vector<16xi32>, vector<16xi32>], vector<16xf32>,
        %add3A_274 = arith.constant 31 : i32
        %add3A_275 = vector.broadcast %add3A_274 : i32 to vector<16xi32>
        %add3A_276 = arith.addi %broadcast_in_dim3A_133, %add3A_275 : vector<16xi32>
        %gather3A_277 = tpu.vector_load_idx %arg4[%broadcast_in_dim3A_116, %iota3A, %add3A_276] : memref<2x16x1025xf32, #tpu.memory_space<vmem>>[vector<16xi32>, vector<16xi32>, vector<16xi32>], vector<16xf32>,
        %max3A_278 = arith.maximumf %gather3A_217, %gather3A_221 : vector<16xf32>
        %max3A_279 = arith.maximumf %gather3A_225, %gather3A_229 : vector<16xf32>
        %max3A_280 = arith.maximumf %gather3A_233, %gather3A_237 : vector<16xf32>
        %max3A_281 = arith.maximumf %gather3A_241, %gather3A_245 : vector<16xf32>
        %max3A_282 = arith.maximumf %gather3A_249, %gather3A_253 : vector<16xf32>
        %max3A_283 = arith.maximumf %gather3A_257, %gather3A_261 : vector<16xf32>
        %max3A_284 = arith.maximumf %gather3A_265, %gather3A_269 : vector<16xf32>
        %max3A_285 = arith.maximumf %gather3A_273, %gather3A_277 : vector<16xf32>
        %max3A_286 = arith.maximumf %max3A_278, %max3A_279 : vector<16xf32>
        %max3A_287 = arith.maximumf %max3A_280, %max3A_281 : vector<16xf32>
        %max3A_288 = arith.maximumf %max3A_282, %max3A_283 : vector<16xf32>
        %max3A_289 = arith.maximumf %max3A_284, %max3A_285 : vector<16xf32>
        %max3A_290 = arith.maximumf %max3A_286, %max3A_287 : vector<16xf32>
        %max3A_291 = arith.maximumf %max3A_288, %max3A_289 : vector<16xf32>
        %max3A_292 = arith.maximumf %max3A_290, %max3A_291 : vector<16xf32>
        %gt3A_293 = arith.cmpf ogt, %max3A_292, %get3A_136 : vector<16xf32>
        %add3A_294 = arith.constant 32 : i32
        %add3A_295 = vector.broadcast %add3A_294 : i32 to vector<16xi32>
        %add3A_296 = arith.addi %broadcast_in_dim3A_133, %add3A_295 : vector<16xi32>
        %gather3A_297 = tpu.vector_load_idx %arg4[%broadcast_in_dim3A_116, %iota3A, %add3A_296] : memref<2x16x1025xf32, #tpu.memory_space<vmem>>[vector<16xi32>, vector<16xi32>, vector<16xi32>], vector<16xf32>,
        %add3A_298 = arith.constant 33 : i32
        %add3A_299 = vector.broadcast %add3A_298 : i32 to vector<16xi32>
        %add3A_300 = arith.addi %broadcast_in_dim3A_133, %add3A_299 : vector<16xi32>
        %gather3A_301 = tpu.vector_load_idx %arg4[%broadcast_in_dim3A_116, %iota3A, %add3A_300] : memref<2x16x1025xf32, #tpu.memory_space<vmem>>[vector<16xi32>, vector<16xi32>, vector<16xi32>], vector<16xf32>,
        %add3A_302 = arith.constant 34 : i32
        %add3A_303 = vector.broadcast %add3A_302 : i32 to vector<16xi32>
        %add3A_304 = arith.addi %broadcast_in_dim3A_133, %add3A_303 : vector<16xi32>
        %gather3A_305 = tpu.vector_load_idx %arg4[%broadcast_in_dim3A_116, %iota3A, %add3A_304] : memref<2x16x1025xf32, #tpu.memory_space<vmem>>[vector<16xi32>, vector<16xi32>, vector<16xi32>], vector<16xf32>,
        %add3A_306 = arith.constant 35 : i32
        %add3A_307 = vector.broadcast %add3A_306 : i32 to vector<16xi32>
        %add3A_308 = arith.addi %broadcast_in_dim3A_133, %add3A_307 : vector<16xi32>
        %gather3A_309 = tpu.vector_load_idx %arg4[%broadcast_in_dim3A_116, %iota3A, %add3A_308] : memref<2x16x1025xf32, #tpu.memory_space<vmem>>[vector<16xi32>, vector<16xi32>, vector<16xi32>], vector<16xf32>,
        %add3A_310 = arith.constant 36 : i32
        %add3A_311 = vector.broadcast %add3A_310 : i32 to vector<16xi32>
        %add3A_312 = arith.addi %broadcast_in_dim3A_133, %add3A_311 : vector<16xi32>
        %gather3A_313 = tpu.vector_load_idx %arg4[%broadcast_in_dim3A_116, %iota3A, %add3A_312] : memref<2x16x1025xf32, #tpu.memory_space<vmem>>[vector<16xi32>, vector<16xi32>, vector<16xi32>], vector<16xf32>,
        %add3A_314 = arith.constant 37 : i32
        %add3A_315 = vector.broadcast %add3A_314 : i32 to vector<16xi32>
        %add3A_316 = arith.addi %broadcast_in_dim3A_133, %add3A_315 : vector<16xi32>
        %gather3A_317 = tpu.vector_load_idx %arg4[%broadcast_in_dim3A_116, %iota3A, %add3A_316] : memref<2x16x1025xf32, #tpu.memory_space<vmem>>[vector<16xi32>, vector<16xi32>, vector<16xi32>], vector<16xf32>,
        %add3A_318 = arith.constant 38 : i32
        %add3A_319 = vector.broadcast %add3A_318 : i32 to vector<16xi32>
        %add3A_320 = arith.addi %broadcast_in_dim3A_133, %add3A_319 : vector<16xi32>
        %gather3A_321 = tpu.vector_load_idx %arg4[%broadcast_in_dim3A_116, %iota3A, %add3A_320] : memref<2x16x1025xf32, #tpu.memory_space<vmem>>[vector<16xi32>, vector<16xi32>, vector<16xi32>], vector<16xf32>,
        %add3A_322 = arith.constant 39 : i32
        %add3A_323 = vector.broadcast %add3A_322 : i32 to vector<16xi32>
        %add3A_324 = arith.addi %broadcast_in_dim3A_133, %add3A_323 : vector<16xi32>
        %gather3A_325 = tpu.vector_load_idx %arg4[%broadcast_in_dim3A_116, %iota3A, %add3A_324] : memref<2x16x1025xf32, #tpu.memory_space<vmem>>[vector<16xi32>, vector<16xi32>, vector<16xi32>], vector<16xf32>,
        %add3A_326 = arith.constant 40 : i32
        %add3A_327 = vector.broadcast %add3A_326 : i32 to vector<16xi32>
        %add3A_328 = arith.addi %broadcast_in_dim3A_133, %add3A_327 : vector<16xi32>
        %gather3A_329 = tpu.vector_load_idx %arg4[%broadcast_in_dim3A_116, %iota3A, %add3A_328] : memref<2x16x1025xf32, #tpu.memory_space<vmem>>[vector<16xi32>, vector<16xi32>, vector<16xi32>], vector<16xf32>,
        %add3A_330 = arith.constant 41 : i32
        %add3A_331 = vector.broadcast %add3A_330 : i32 to vector<16xi32>
        %add3A_332 = arith.addi %broadcast_in_dim3A_133, %add3A_331 : vector<16xi32>
        %gather3A_333 = tpu.vector_load_idx %arg4[%broadcast_in_dim3A_116, %iota3A, %add3A_332] : memref<2x16x1025xf32, #tpu.memory_space<vmem>>[vector<16xi32>, vector<16xi32>, vector<16xi32>], vector<16xf32>,
        %add3A_334 = arith.constant 42 : i32
        %add3A_335 = vector.broadcast %add3A_334 : i32 to vector<16xi32>
        %add3A_336 = arith.addi %broadcast_in_dim3A_133, %add3A_335 : vector<16xi32>
        %gather3A_337 = tpu.vector_load_idx %arg4[%broadcast_in_dim3A_116, %iota3A, %add3A_336] : memref<2x16x1025xf32, #tpu.memory_space<vmem>>[vector<16xi32>, vector<16xi32>, vector<16xi32>], vector<16xf32>,
        %add3A_338 = arith.constant 43 : i32
        %add3A_339 = vector.broadcast %add3A_338 : i32 to vector<16xi32>
        %add3A_340 = arith.addi %broadcast_in_dim3A_133, %add3A_339 : vector<16xi32>
        %gather3A_341 = tpu.vector_load_idx %arg4[%broadcast_in_dim3A_116, %iota3A, %add3A_340] : memref<2x16x1025xf32, #tpu.memory_space<vmem>>[vector<16xi32>, vector<16xi32>, vector<16xi32>], vector<16xf32>,
        %add3A_342 = arith.constant 44 : i32
        %add3A_343 = vector.broadcast %add3A_342 : i32 to vector<16xi32>
        %add3A_344 = arith.addi %broadcast_in_dim3A_133, %add3A_343 : vector<16xi32>
        %gather3A_345 = tpu.vector_load_idx %arg4[%broadcast_in_dim3A_116, %iota3A, %add3A_344] : memref<2x16x1025xf32, #tpu.memory_space<vmem>>[vector<16xi32>, vector<16xi32>, vector<16xi32>], vector<16xf32>,
        %add3A_346 = arith.constant 45 : i32
        %add3A_347 = vector.broadcast %add3A_346 : i32 to vector<16xi32>
        %add3A_348 = arith.addi %broadcast_in_dim3A_133, %add3A_347 : vector<16xi32>
        %gather3A_349 = tpu.vector_load_idx %arg4[%broadcast_in_dim3A_116, %iota3A, %add3A_348] : memref<2x16x1025xf32, #tpu.memory_space<vmem>>[vector<16xi32>, vector<16xi32>, vector<16xi32>], vector<16xf32>,
        %add3A_350 = arith.constant 46 : i32
        %add3A_351 = vector.broadcast %add3A_350 : i32 to vector<16xi32>
        %add3A_352 = arith.addi %broadcast_in_dim3A_133, %add3A_351 : vector<16xi32>
        %gather3A_353 = tpu.vector_load_idx %arg4[%broadcast_in_dim3A_116, %iota3A, %add3A_352] : memref<2x16x1025xf32, #tpu.memory_space<vmem>>[vector<16xi32>, vector<16xi32>, vector<16xi32>], vector<16xf32>,
        %add3A_354 = arith.constant 47 : i32
        %add3A_355 = vector.broadcast %add3A_354 : i32 to vector<16xi32>
        %add3A_356 = arith.addi %broadcast_in_dim3A_133, %add3A_355 : vector<16xi32>
        %gather3A_357 = tpu.vector_load_idx %arg4[%broadcast_in_dim3A_116, %iota3A, %add3A_356] : memref<2x16x1025xf32, #tpu.memory_space<vmem>>[vector<16xi32>, vector<16xi32>, vector<16xi32>], vector<16xf32>,
        %max3A_358 = arith.maximumf %gather3A_297, %gather3A_301 : vector<16xf32>
        %max3A_359 = arith.maximumf %gather3A_305, %gather3A_309 : vector<16xf32>
        %max3A_360 = arith.maximumf %gather3A_313, %gather3A_317 : vector<16xf32>
        %max3A_361 = arith.maximumf %gather3A_321, %gather3A_325 : vector<16xf32>
        %max3A_362 = arith.maximumf %gather3A_329, %gather3A_333 : vector<16xf32>
        %max3A_363 = arith.maximumf %gather3A_337, %gather3A_341 : vector<16xf32>
        %max3A_364 = arith.maximumf %gather3A_345, %gather3A_349 : vector<16xf32>
        %max3A_365 = arith.maximumf %gather3A_353, %gather3A_357 : vector<16xf32>
        %max3A_366 = arith.maximumf %max3A_358, %max3A_359 : vector<16xf32>
        %max3A_367 = arith.maximumf %max3A_360, %max3A_361 : vector<16xf32>
        %max3A_368 = arith.maximumf %max3A_362, %max3A_363 : vector<16xf32>
        %max3A_369 = arith.maximumf %max3A_364, %max3A_365 : vector<16xf32>
        %max3A_370 = arith.maximumf %max3A_366, %max3A_367 : vector<16xf32>
        %max3A_371 = arith.maximumf %max3A_368, %max3A_369 : vector<16xf32>
        %max3A_372 = arith.maximumf %max3A_370, %max3A_371 : vector<16xf32>
        %gt3A_373 = arith.cmpf ogt, %max3A_372, %get3A_136 : vector<16xf32>
        %add3A_374 = arith.constant 48 : i32
        %add3A_375 = vector.broadcast %add3A_374 : i32 to vector<16xi32>
        %add3A_376 = arith.addi %broadcast_in_dim3A_133, %add3A_375 : vector<16xi32>
        %gather3A_377 = tpu.vector_load_idx %arg4[%broadcast_in_dim3A_116, %iota3A, %add3A_376] : memref<2x16x1025xf32, #tpu.memory_space<vmem>>[vector<16xi32>, vector<16xi32>, vector<16xi32>], vector<16xf32>,
        %add3A_378 = arith.constant 49 : i32
        %add3A_379 = vector.broadcast %add3A_378 : i32 to vector<16xi32>
        %add3A_380 = arith.addi %broadcast_in_dim3A_133, %add3A_379 : vector<16xi32>
        %gather3A_381 = tpu.vector_load_idx %arg4[%broadcast_in_dim3A_116, %iota3A, %add3A_380] : memref<2x16x1025xf32, #tpu.memory_space<vmem>>[vector<16xi32>, vector<16xi32>, vector<16xi32>], vector<16xf32>,
        %add3A_382 = arith.constant 50 : i32
        %add3A_383 = vector.broadcast %add3A_382 : i32 to vector<16xi32>
        %add3A_384 = arith.addi %broadcast_in_dim3A_133, %add3A_383 : vector<16xi32>
        %gather3A_385 = tpu.vector_load_idx %arg4[%broadcast_in_dim3A_116, %iota3A, %add3A_384] : memref<2x16x1025xf32, #tpu.memory_space<vmem>>[vector<16xi32>, vector<16xi32>, vector<16xi32>], vector<16xf32>,
        %add3A_386 = arith.constant 51 : i32
        %add3A_387 = vector.broadcast %add3A_386 : i32 to vector<16xi32>
        %add3A_388 = arith.addi %broadcast_in_dim3A_133, %add3A_387 : vector<16xi32>
        %gather3A_389 = tpu.vector_load_idx %arg4[%broadcast_in_dim3A_116, %iota3A, %add3A_388] : memref<2x16x1025xf32, #tpu.memory_space<vmem>>[vector<16xi32>, vector<16xi32>, vector<16xi32>], vector<16xf32>,
        %add3A_390 = arith.constant 52 : i32
        %add3A_391 = vector.broadcast %add3A_390 : i32 to vector<16xi32>
        %add3A_392 = arith.addi %broadcast_in_dim3A_133, %add3A_391 : vector<16xi32>
        %gather3A_393 = tpu.vector_load_idx %arg4[%broadcast_in_dim3A_116, %iota3A, %add3A_392] : memref<2x16x1025xf32, #tpu.memory_space<vmem>>[vector<16xi32>, vector<16xi32>, vector<16xi32>], vector<16xf32>,
        %add3A_394 = arith.constant 53 : i32
        %add3A_395 = vector.broadcast %add3A_394 : i32 to vector<16xi32>
        %add3A_396 = arith.addi %broadcast_in_dim3A_133, %add3A_395 : vector<16xi32>
        %gather3A_397 = tpu.vector_load_idx %arg4[%broadcast_in_dim3A_116, %iota3A, %add3A_396] : memref<2x16x1025xf32, #tpu.memory_space<vmem>>[vector<16xi32>, vector<16xi32>, vector<16xi32>], vector<16xf32>,
        %add3A_398 = arith.constant 54 : i32
        %add3A_399 = vector.broadcast %add3A_398 : i32 to vector<16xi32>
        %add3A_400 = arith.addi %broadcast_in_dim3A_133, %add3A_399 : vector<16xi32>
        %gather3A_401 = tpu.vector_load_idx %arg4[%broadcast_in_dim3A_116, %iota3A, %add3A_400] : memref<2x16x1025xf32, #tpu.memory_space<vmem>>[vector<16xi32>, vector<16xi32>, vector<16xi32>], vector<16xf32>,
        %add3A_402 = arith.constant 55 : i32
        %add3A_403 = vector.broadcast %add3A_402 : i32 to vector<16xi32>
        %add3A_404 = arith.addi %broadcast_in_dim3A_133, %add3A_403 : vector<16xi32>
        %gather3A_405 = tpu.vector_load_idx %arg4[%broadcast_in_dim3A_116, %iota3A, %add3A_404] : memref<2x16x1025xf32, #tpu.memory_space<vmem>>[vector<16xi32>, vector<16xi32>, vector<16xi32>], vector<16xf32>,
        %add3A_406 = arith.constant 56 : i32
        %add3A_407 = vector.broadcast %add3A_406 : i32 to vector<16xi32>
        %add3A_408 = arith.addi %broadcast_in_dim3A_133, %add3A_407 : vector<16xi32>
        %gather3A_409 = tpu.vector_load_idx %arg4[%broadcast_in_dim3A_116, %iota3A, %add3A_408] : memref<2x16x1025xf32, #tpu.memory_space<vmem>>[vector<16xi32>, vector<16xi32>, vector<16xi32>], vector<16xf32>,
        %add3A_410 = arith.constant 57 : i32
        %add3A_411 = vector.broadcast %add3A_410 : i32 to vector<16xi32>
        %add3A_412 = arith.addi %broadcast_in_dim3A_133, %add3A_411 : vector<16xi32>
        %gather3A_413 = tpu.vector_load_idx %arg4[%broadcast_in_dim3A_116, %iota3A, %add3A_412] : memref<2x16x1025xf32, #tpu.memory_space<vmem>>[vector<16xi32>, vector<16xi32>, vector<16xi32>], vector<16xf32>,
        %add3A_414 = arith.constant 58 : i32
        %add3A_415 = vector.broadcast %add3A_414 : i32 to vector<16xi32>
        %add3A_416 = arith.addi %broadcast_in_dim3A_133, %add3A_415 : vector<16xi32>
        %gather3A_417 = tpu.vector_load_idx %arg4[%broadcast_in_dim3A_116, %iota3A, %add3A_416] : memref<2x16x1025xf32, #tpu.memory_space<vmem>>[vector<16xi32>, vector<16xi32>, vector<16xi32>], vector<16xf32>,
        %add3A_418 = arith.constant 59 : i32
        %add3A_419 = vector.broadcast %add3A_418 : i32 to vector<16xi32>
        %add3A_420 = arith.addi %broadcast_in_dim3A_133, %add3A_419 : vector<16xi32>
        %gather3A_421 = tpu.vector_load_idx %arg4[%broadcast_in_dim3A_116, %iota3A, %add3A_420] : memref<2x16x1025xf32, #tpu.memory_space<vmem>>[vector<16xi32>, vector<16xi32>, vector<16xi32>], vector<16xf32>,
        %add3A_422 = arith.constant 60 : i32
        %add3A_423 = vector.broadcast %add3A_422 : i32 to vector<16xi32>
        %add3A_424 = arith.addi %broadcast_in_dim3A_133, %add3A_423 : vector<16xi32>
        %gather3A_425 = tpu.vector_load_idx %arg4[%broadcast_in_dim3A_116, %iota3A, %add3A_424] : memref<2x16x1025xf32, #tpu.memory_space<vmem>>[vector<16xi32>, vector<16xi32>, vector<16xi32>], vector<16xf32>,
        %add3A_426 = arith.constant 61 : i32
        %add3A_427 = vector.broadcast %add3A_426 : i32 to vector<16xi32>
        %add3A_428 = arith.addi %broadcast_in_dim3A_133, %add3A_427 : vector<16xi32>
        %gather3A_429 = tpu.vector_load_idx %arg4[%broadcast_in_dim3A_116, %iota3A, %add3A_428] : memref<2x16x1025xf32, #tpu.memory_space<vmem>>[vector<16xi32>, vector<16xi32>, vector<16xi32>], vector<16xf32>,
        %add3A_430 = arith.constant 62 : i32
        %add3A_431 = vector.broadcast %add3A_430 : i32 to vector<16xi32>
        %add3A_432 = arith.addi %broadcast_in_dim3A_133, %add3A_431 : vector<16xi32>
        %gather3A_433 = tpu.vector_load_idx %arg4[%broadcast_in_dim3A_116, %iota3A, %add3A_432] : memref<2x16x1025xf32, #tpu.memory_space<vmem>>[vector<16xi32>, vector<16xi32>, vector<16xi32>], vector<16xf32>,
        %add3A_434 = arith.constant 63 : i32
        %add3A_435 = vector.broadcast %add3A_434 : i32 to vector<16xi32>
        %add3A_436 = arith.addi %broadcast_in_dim3A_133, %add3A_435 : vector<16xi32>
        %gather3A_437 = tpu.vector_load_idx %arg4[%broadcast_in_dim3A_116, %iota3A, %add3A_436] : memref<2x16x1025xf32, #tpu.memory_space<vmem>>[vector<16xi32>, vector<16xi32>, vector<16xi32>], vector<16xf32>,
        %max3A_438 = arith.maximumf %gather3A_377, %gather3A_381 : vector<16xf32>
        %max3A_439 = arith.maximumf %gather3A_385, %gather3A_389 : vector<16xf32>
        %max3A_440 = arith.maximumf %gather3A_393, %gather3A_397 : vector<16xf32>
        %max3A_441 = arith.maximumf %gather3A_401, %gather3A_405 : vector<16xf32>
        %max3A_442 = arith.maximumf %gather3A_409, %gather3A_413 : vector<16xf32>
        %max3A_443 = arith.maximumf %gather3A_417, %gather3A_421 : vector<16xf32>
        %max3A_444 = arith.maximumf %gather3A_425, %gather3A_429 : vector<16xf32>
        %max3A_445 = arith.maximumf %gather3A_433, %gather3A_437 : vector<16xf32>
        %max3A_446 = arith.maximumf %max3A_438, %max3A_439 : vector<16xf32>
        %max3A_447 = arith.maximumf %max3A_440, %max3A_441 : vector<16xf32>
        %max3A_448 = arith.maximumf %max3A_442, %max3A_443 : vector<16xf32>
        %max3A_449 = arith.maximumf %max3A_444, %max3A_445 : vector<16xf32>
        %max3A_450 = arith.maximumf %max3A_446, %max3A_447 : vector<16xf32>
        %max3A_451 = arith.maximumf %max3A_448, %max3A_449 : vector<16xf32>
        %max3A_452 = arith.maximumf %max3A_450, %max3A_451 : vector<16xf32>
        %gt3A_453 = arith.cmpf ogt, %max3A_452, %get3A_136 : vector<16xf32>
        %or3A = arith.ori %gt3A, %gt3A_293 : vector<16xi1>
        %or3A_454 = arith.ori %gt3A_373, %gt3A_453 : vector<16xi1>
        %or3A_455 = arith.ori %or3A, %or3A_454 : vector<16xi1>
        %all_reduce_population_count3A = tpu.all_reduce %or3A_455 {dim = 0 : i64, kind = #tpu.reduction_kind<sum>} : vector<16xi1> -> vector<16xi32>
        %slice3A = vector.extract_strided_slice %all_reduce_population_count3A {offsets = [0], sizes = [1], strides = [1]} : vector<16xi32> to vector<1xi32>
        %squeeze3A = vector.extract %slice3A[0] : i32 from vector<1xi32>
        %gt3A_456 = arith.constant 0 : i32
        %gt3A_457 = arith.cmpi sgt, %squeeze3A, %gt3A_456 : i32
        %convert_element_type3A_458 = arith.extui %gt3A_457 : i1 to i32
        %cond3A_459 = arith.constant 0 : i32
        %cond3A_460 = arith.cmpi ne, %convert_element_type3A_458, %cond3A_459 : i32
        scf.if %cond3A_460 {
          %all_reduce_population_count3A_461 = tpu.all_reduce %gt3A {dim = 0 : i64, kind = #tpu.reduction_kind<sum>} : vector<16xi1> -> vector<16xi32>
          %slice3A_462 = vector.extract_strided_slice %all_reduce_population_count3A_461 {offsets = [0], sizes = [1], strides = [1]} : vector<16xi32> to vector<1xi32>
          %squeeze3A_463 = vector.extract %slice3A_462[0] : i32 from vector<1xi32>
          %gt3A_464 = arith.constant 0 : i32
          %gt3A_465 = arith.cmpi sgt, %squeeze3A_463, %gt3A_464 : i32
          %convert_element_type3A_466 = arith.extui %gt3A_465 : i1 to i32
          %cond3A_467 = arith.constant 0 : i32
          %cond3A_468 = arith.cmpi ne, %convert_element_type3A_466, %cond3A_467 : i32
          scf.if %cond3A_468 {
            %get3A_493 = arith.constant 0 : i32
            %get3A_494 = arith.index_cast %get3A_493 : i32 to index
            %get3A_495 = arith.constant 0 : index
            %get3A_496 = tpu.vector_load %arg5[%get3A_494, %get3A_495] {strides = array<i32>} : memref<5x16xf32, #tpu.memory_space<vmem>>, vector<16xf32>,
            %get3A_497 = arith.constant 1 : i32
            %get3A_498 = arith.index_cast %get3A_497 : i32 to index
            %get3A_499 = arith.constant 0 : index
            %get3A_500 = tpu.vector_load %arg5[%get3A_498, %get3A_499] {strides = array<i32>} : memref<5x16xf32, #tpu.memory_space<vmem>>, vector<16xf32>,
            %get3A_501 = arith.constant 2 : i32
            %get3A_502 = arith.index_cast %get3A_501 : i32 to index
            %get3A_503 = arith.constant 0 : index
            %get3A_504 = tpu.vector_load %arg5[%get3A_502, %get3A_503] {strides = array<i32>} : memref<5x16xf32, #tpu.memory_space<vmem>>, vector<16xf32>,
            %get3A_505 = arith.constant 3 : i32
            %get3A_506 = arith.index_cast %get3A_505 : i32 to index
            %get3A_507 = arith.constant 0 : index
            %get3A_508 = tpu.vector_load %arg5[%get3A_506, %get3A_507] {strides = array<i32>} : memref<5x16xf32, #tpu.memory_space<vmem>>, vector<16xf32>,
            %get3A_509 = arith.constant 4 : i32
            %get3A_510 = arith.index_cast %get3A_509 : i32 to index
            %get3A_511 = arith.constant 0 : index
            %get3A_512 = tpu.vector_load %arg5[%get3A_510, %get3A_511] {strides = array<i32>} : memref<5x16xf32, #tpu.memory_space<vmem>>, vector<16xf32>,
            %add3A_513 = arith.constant 0 : i32
            %add3A_514 = vector.broadcast %add3A_513 : i32 to vector<16xi32>
            %add3A_515 = arith.addi %broadcast_in_dim3A_133, %add3A_514 : vector<16xi32>
            %gather3A_516 = tpu.vector_load_idx %arg4[%broadcast_in_dim3A_116, %iota3A, %add3A_515] : memref<2x16x1025xf32, #tpu.memory_space<vmem>>[vector<16xi32>, vector<16xi32>, vector<16xi32>], vector<16xf32>,
            %max3A_517 = arith.maximumf %get3A_496, %gather3A_516 : vector<16xf32>
            %min3A = arith.minimumf %get3A_496, %gather3A_516 : vector<16xf32>
            %max3A_518 = arith.maximumf %get3A_500, %min3A : vector<16xf32>
            %min3A_519 = arith.minimumf %get3A_500, %min3A : vector<16xf32>
            %max3A_520 = arith.maximumf %get3A_504, %min3A_519 : vector<16xf32>
            %min3A_521 = arith.minimumf %get3A_504, %min3A_519 : vector<16xf32>
            %max3A_522 = arith.maximumf %get3A_508, %min3A_521 : vector<16xf32>
            %min3A_523 = arith.minimumf %get3A_508, %min3A_521 : vector<16xf32>
            %max3A_524 = arith.maximumf %get3A_512, %min3A_523 : vector<16xf32>
            %min3A_525 = arith.minimumf %get3A_512, %min3A_523 : vector<16xf32>
            %add3A_526 = arith.constant 1 : i32
            %add3A_527 = vector.broadcast %add3A_526 : i32 to vector<16xi32>
            %add3A_528 = arith.addi %broadcast_in_dim3A_133, %add3A_527 : vector<16xi32>
            %gather3A_529 = tpu.vector_load_idx %arg4[%broadcast_in_dim3A_116, %iota3A, %add3A_528] : memref<2x16x1025xf32, #tpu.memory_space<vmem>>[vector<16xi32>, vector<16xi32>, vector<16xi32>], vector<16xf32>,
            %max3A_530 = arith.maximumf %max3A_517, %gather3A_529 : vector<16xf32>
            %min3A_531 = arith.minimumf %max3A_517, %gather3A_529 : vector<16xf32>
            %max3A_532 = arith.maximumf %max3A_518, %min3A_531 : vector<16xf32>
            %min3A_533 = arith.minimumf %max3A_518, %min3A_531 : vector<16xf32>
            %max3A_534 = arith.maximumf %max3A_520, %min3A_533 : vector<16xf32>
            %min3A_535 = arith.minimumf %max3A_520, %min3A_533 : vector<16xf32>
            %max3A_536 = arith.maximumf %max3A_522, %min3A_535 : vector<16xf32>
            %min3A_537 = arith.minimumf %max3A_522, %min3A_535 : vector<16xf32>
            %max3A_538 = arith.maximumf %max3A_524, %min3A_537 : vector<16xf32>
            %min3A_539 = arith.minimumf %max3A_524, %min3A_537 : vector<16xf32>
            %add3A_540 = arith.constant 2 : i32
            %add3A_541 = vector.broadcast %add3A_540 : i32 to vector<16xi32>
            %add3A_542 = arith.addi %broadcast_in_dim3A_133, %add3A_541 : vector<16xi32>
            %gather3A_543 = tpu.vector_load_idx %arg4[%broadcast_in_dim3A_116, %iota3A, %add3A_542] : memref<2x16x1025xf32, #tpu.memory_space<vmem>>[vector<16xi32>, vector<16xi32>, vector<16xi32>], vector<16xf32>,
            %max3A_544 = arith.maximumf %max3A_530, %gather3A_543 : vector<16xf32>
            %min3A_545 = arith.minimumf %max3A_530, %gather3A_543 : vector<16xf32>
            %max3A_546 = arith.maximumf %max3A_532, %min3A_545 : vector<16xf32>
            %min3A_547 = arith.minimumf %max3A_532, %min3A_545 : vector<16xf32>
            %max3A_548 = arith.maximumf %max3A_534, %min3A_547 : vector<16xf32>
            %min3A_549 = arith.minimumf %max3A_534, %min3A_547 : vector<16xf32>
            %max3A_550 = arith.maximumf %max3A_536, %min3A_549 : vector<16xf32>
            %min3A_551 = arith.minimumf %max3A_536, %min3A_549 : vector<16xf32>
            %max3A_552 = arith.maximumf %max3A_538, %min3A_551 : vector<16xf32>
            %min3A_553 = arith.minimumf %max3A_538, %min3A_551 : vector<16xf32>
            %add3A_554 = arith.constant 3 : i32
            %add3A_555 = vector.broadcast %add3A_554 : i32 to vector<16xi32>
            %add3A_556 = arith.addi %broadcast_in_dim3A_133, %add3A_555 : vector<16xi32>
            %gather3A_557 = tpu.vector_load_idx %arg4[%broadcast_in_dim3A_116, %iota3A, %add3A_556] : memref<2x16x1025xf32, #tpu.memory_space<vmem>>[vector<16xi32>, vector<16xi32>, vector<16xi32>], vector<16xf32>,
            %max3A_558 = arith.maximumf %max3A_544, %gather3A_557 : vector<16xf32>
            %min3A_559 = arith.minimumf %max3A_544, %gather3A_557 : vector<16xf32>
            %max3A_560 = arith.maximumf %max3A_546, %min3A_559 : vector<16xf32>
            %min3A_561 = arith.minimumf %max3A_546, %min3A_559 : vector<16xf32>
            %max3A_562 = arith.maximumf %max3A_548, %min3A_561 : vector<16xf32>
            %min3A_563 = arith.minimumf %max3A_548, %min3A_561 : vector<16xf32>
            %max3A_564 = arith.maximumf %max3A_550, %min3A_563 : vector<16xf32>
            %min3A_565 = arith.minimumf %max3A_550, %min3A_563 : vector<16xf32>
            %max3A_566 = arith.maximumf %max3A_552, %min3A_565 : vector<16xf32>
            %min3A_567 = arith.minimumf %max3A_552, %min3A_565 : vector<16xf32>
            %add3A_568 = arith.constant 4 : i32
            %add3A_569 = vector.broadcast %add3A_568 : i32 to vector<16xi32>
            %add3A_570 = arith.addi %broadcast_in_dim3A_133, %add3A_569 : vector<16xi32>
            %gather3A_571 = tpu.vector_load_idx %arg4[%broadcast_in_dim3A_116, %iota3A, %add3A_570] : memref<2x16x1025xf32, #tpu.memory_space<vmem>>[vector<16xi32>, vector<16xi32>, vector<16xi32>], vector<16xf32>,
            %max3A_572 = arith.maximumf %max3A_558, %gather3A_571 : vector<16xf32>
            %min3A_573 = arith.minimumf %max3A_558, %gather3A_571 : vector<16xf32>
            %max3A_574 = arith.maximumf %max3A_560, %min3A_573 : vector<16xf32>
            %min3A_575 = arith.minimumf %max3A_560, %min3A_573 : vector<16xf32>
            %max3A_576 = arith.maximumf %max3A_562, %min3A_575 : vector<16xf32>
            %min3A_577 = arith.minimumf %max3A_562, %min3A_575 : vector<16xf32>
            %max3A_578 = arith.maximumf %max3A_564, %min3A_577 : vector<16xf32>
            %min3A_579 = arith.minimumf %max3A_564, %min3A_577 : vector<16xf32>
            %max3A_580 = arith.maximumf %max3A_566, %min3A_579 : vector<16xf32>
            %min3A_581 = arith.minimumf %max3A_566, %min3A_579 : vector<16xf32>
            %add3A_582 = arith.constant 5 : i32
            %add3A_583 = vector.broadcast %add3A_582 : i32 to vector<16xi32>
            %add3A_584 = arith.addi %broadcast_in_dim3A_133, %add3A_583 : vector<16xi32>
            %gather3A_585 = tpu.vector_load_idx %arg4[%broadcast_in_dim3A_116, %iota3A, %add3A_584] : memref<2x16x1025xf32, #tpu.memory_space<vmem>>[vector<16xi32>, vector<16xi32>, vector<16xi32>], vector<16xf32>,
            %max3A_586 = arith.maximumf %max3A_572, %gather3A_585 : vector<16xf32>
            %min3A_587 = arith.minimumf %max3A_572, %gather3A_585 : vector<16xf32>
            %max3A_588 = arith.maximumf %max3A_574, %min3A_587 : vector<16xf32>
            %min3A_589 = arith.minimumf %max3A_574, %min3A_587 : vector<16xf32>
            %max3A_590 = arith.maximumf %max3A_576, %min3A_589 : vector<16xf32>
            %min3A_591 = arith.minimumf %max3A_576, %min3A_589 : vector<16xf32>
            %max3A_592 = arith.maximumf %max3A_578, %min3A_591 : vector<16xf32>
            %min3A_593 = arith.minimumf %max3A_578, %min3A_591 : vector<16xf32>
            %max3A_594 = arith.maximumf %max3A_580, %min3A_593 : vector<16xf32>
            %min3A_595 = arith.minimumf %max3A_580, %min3A_593 : vector<16xf32>
            %add3A_596 = arith.constant 6 : i32
            %add3A_597 = vector.broadcast %add3A_596 : i32 to vector<16xi32>
            %add3A_598 = arith.addi %broadcast_in_dim3A_133, %add3A_597 : vector<16xi32>
            %gather3A_599 = tpu.vector_load_idx %arg4[%broadcast_in_dim3A_116, %iota3A, %add3A_598] : memref<2x16x1025xf32, #tpu.memory_space<vmem>>[vector<16xi32>, vector<16xi32>, vector<16xi32>], vector<16xf32>,
            %max3A_600 = arith.maximumf %max3A_586, %gather3A_599 : vector<16xf32>
            %min3A_601 = arith.minimumf %max3A_586, %gather3A_599 : vector<16xf32>
            %max3A_602 = arith.maximumf %max3A_588, %min3A_601 : vector<16xf32>
            %min3A_603 = arith.minimumf %max3A_588, %min3A_601 : vector<16xf32>
            %max3A_604 = arith.maximumf %max3A_590, %min3A_603 : vector<16xf32>
            %min3A_605 = arith.minimumf %max3A_590, %min3A_603 : vector<16xf32>
            %max3A_606 = arith.maximumf %max3A_592, %min3A_605 : vector<16xf32>
            %min3A_607 = arith.minimumf %max3A_592, %min3A_605 : vector<16xf32>
            %max3A_608 = arith.maximumf %max3A_594, %min3A_607 : vector<16xf32>
            %min3A_609 = arith.minimumf %max3A_594, %min3A_607 : vector<16xf32>
            %add3A_610 = arith.constant 7 : i32
            %add3A_611 = vector.broadcast %add3A_610 : i32 to vector<16xi32>
            %add3A_612 = arith.addi %broadcast_in_dim3A_133, %add3A_611 : vector<16xi32>
            %gather3A_613 = tpu.vector_load_idx %arg4[%broadcast_in_dim3A_116, %iota3A, %add3A_612] : memref<2x16x1025xf32, #tpu.memory_space<vmem>>[vector<16xi32>, vector<16xi32>, vector<16xi32>], vector<16xf32>,
            %max3A_614 = arith.maximumf %max3A_600, %gather3A_613 : vector<16xf32>
            %min3A_615 = arith.minimumf %max3A_600, %gather3A_613 : vector<16xf32>
            %max3A_616 = arith.maximumf %max3A_602, %min3A_615 : vector<16xf32>
            %min3A_617 = arith.minimumf %max3A_602, %min3A_615 : vector<16xf32>
            %max3A_618 = arith.maximumf %max3A_604, %min3A_617 : vector<16xf32>
            %min3A_619 = arith.minimumf %max3A_604, %min3A_617 : vector<16xf32>
            %max3A_620 = arith.maximumf %max3A_606, %min3A_619 : vector<16xf32>
            %min3A_621 = arith.minimumf %max3A_606, %min3A_619 : vector<16xf32>
            %max3A_622 = arith.maximumf %max3A_608, %min3A_621 : vector<16xf32>
            %min3A_623 = arith.minimumf %max3A_608, %min3A_621 : vector<16xf32>
            %add3A_624 = arith.constant 8 : i32
            %add3A_625 = vector.broadcast %add3A_624 : i32 to vector<16xi32>
            %add3A_626 = arith.addi %broadcast_in_dim3A_133, %add3A_625 : vector<16xi32>
            %gather3A_627 = tpu.vector_load_idx %arg4[%broadcast_in_dim3A_116, %iota3A, %add3A_626] : memref<2x16x1025xf32, #tpu.memory_space<vmem>>[vector<16xi32>, vector<16xi32>, vector<16xi32>], vector<16xf32>,
            %max3A_628 = arith.maximumf %max3A_614, %gather3A_627 : vector<16xf32>
            %min3A_629 = arith.minimumf %max3A_614, %gather3A_627 : vector<16xf32>
            %max3A_630 = arith.maximumf %max3A_616, %min3A_629 : vector<16xf32>
            %min3A_631 = arith.minimumf %max3A_616, %min3A_629 : vector<16xf32>
            %max3A_632 = arith.maximumf %max3A_618, %min3A_631 : vector<16xf32>
            %min3A_633 = arith.minimumf %max3A_618, %min3A_631 : vector<16xf32>
            %max3A_634 = arith.maximumf %max3A_620, %min3A_633 : vector<16xf32>
            %min3A_635 = arith.minimumf %max3A_620, %min3A_633 : vector<16xf32>
            %max3A_636 = arith.maximumf %max3A_622, %min3A_635 : vector<16xf32>
            %min3A_637 = arith.minimumf %max3A_622, %min3A_635 : vector<16xf32>
            %add3A_638 = arith.constant 9 : i32
            %add3A_639 = vector.broadcast %add3A_638 : i32 to vector<16xi32>
            %add3A_640 = arith.addi %broadcast_in_dim3A_133, %add3A_639 : vector<16xi32>
            %gather3A_641 = tpu.vector_load_idx %arg4[%broadcast_in_dim3A_116, %iota3A, %add3A_640] : memref<2x16x1025xf32, #tpu.memory_space<vmem>>[vector<16xi32>, vector<16xi32>, vector<16xi32>], vector<16xf32>,
            %max3A_642 = arith.maximumf %max3A_628, %gather3A_641 : vector<16xf32>
            %min3A_643 = arith.minimumf %max3A_628, %gather3A_641 : vector<16xf32>
            %max3A_644 = arith.maximumf %max3A_630, %min3A_643 : vector<16xf32>
            %min3A_645 = arith.minimumf %max3A_630, %min3A_643 : vector<16xf32>
            %max3A_646 = arith.maximumf %max3A_632, %min3A_645 : vector<16xf32>
            %min3A_647 = arith.minimumf %max3A_632, %min3A_645 : vector<16xf32>
            %max3A_648 = arith.maximumf %max3A_634, %min3A_647 : vector<16xf32>
            %min3A_649 = arith.minimumf %max3A_634, %min3A_647 : vector<16xf32>
            %max3A_650 = arith.maximumf %max3A_636, %min3A_649 : vector<16xf32>
            %min3A_651 = arith.minimumf %max3A_636, %min3A_649 : vector<16xf32>
            %add3A_652 = arith.constant 10 : i32
            %add3A_653 = vector.broadcast %add3A_652 : i32 to vector<16xi32>
            %add3A_654 = arith.addi %broadcast_in_dim3A_133, %add3A_653 : vector<16xi32>
            %gather3A_655 = tpu.vector_load_idx %arg4[%broadcast_in_dim3A_116, %iota3A, %add3A_654] : memref<2x16x1025xf32, #tpu.memory_space<vmem>>[vector<16xi32>, vector<16xi32>, vector<16xi32>], vector<16xf32>,
            %max3A_656 = arith.maximumf %max3A_642, %gather3A_655 : vector<16xf32>
            %min3A_657 = arith.minimumf %max3A_642, %gather3A_655 : vector<16xf32>
            %max3A_658 = arith.maximumf %max3A_644, %min3A_657 : vector<16xf32>
            %min3A_659 = arith.minimumf %max3A_644, %min3A_657 : vector<16xf32>
            %max3A_660 = arith.maximumf %max3A_646, %min3A_659 : vector<16xf32>
            %min3A_661 = arith.minimumf %max3A_646, %min3A_659 : vector<16xf32>
            %max3A_662 = arith.maximumf %max3A_648, %min3A_661 : vector<16xf32>
            %min3A_663 = arith.minimumf %max3A_648, %min3A_661 : vector<16xf32>
            %max3A_664 = arith.maximumf %max3A_650, %min3A_663 : vector<16xf32>
            %min3A_665 = arith.minimumf %max3A_650, %min3A_663 : vector<16xf32>
            %add3A_666 = arith.constant 11 : i32
            %add3A_667 = vector.broadcast %add3A_666 : i32 to vector<16xi32>
            %add3A_668 = arith.addi %broadcast_in_dim3A_133, %add3A_667 : vector<16xi32>
            %gather3A_669 = tpu.vector_load_idx %arg4[%broadcast_in_dim3A_116, %iota3A, %add3A_668] : memref<2x16x1025xf32, #tpu.memory_space<vmem>>[vector<16xi32>, vector<16xi32>, vector<16xi32>], vector<16xf32>,
            %max3A_670 = arith.maximumf %max3A_656, %gather3A_669 : vector<16xf32>
            %min3A_671 = arith.minimumf %max3A_656, %gather3A_669 : vector<16xf32>
            %max3A_672 = arith.maximumf %max3A_658, %min3A_671 : vector<16xf32>
            %min3A_673 = arith.minimumf %max3A_658, %min3A_671 : vector<16xf32>
            %max3A_674 = arith.maximumf %max3A_660, %min3A_673 : vector<16xf32>
            %min3A_675 = arith.minimumf %max3A_660, %min3A_673 : vector<16xf32>
            %max3A_676 = arith.maximumf %max3A_662, %min3A_675 : vector<16xf32>
            %min3A_677 = arith.minimumf %max3A_662, %min3A_675 : vector<16xf32>
            %max3A_678 = arith.maximumf %max3A_664, %min3A_677 : vector<16xf32>
            %min3A_679 = arith.minimumf %max3A_664, %min3A_677 : vector<16xf32>
            %add3A_680 = arith.constant 12 : i32
            %add3A_681 = vector.broadcast %add3A_680 : i32 to vector<16xi32>
            %add3A_682 = arith.addi %broadcast_in_dim3A_133, %add3A_681 : vector<16xi32>
            %gather3A_683 = tpu.vector_load_idx %arg4[%broadcast_in_dim3A_116, %iota3A, %add3A_682] : memref<2x16x1025xf32, #tpu.memory_space<vmem>>[vector<16xi32>, vector<16xi32>, vector<16xi32>], vector<16xf32>,
            %max3A_684 = arith.maximumf %max3A_670, %gather3A_683 : vector<16xf32>
            %min3A_685 = arith.minimumf %max3A_670, %gather3A_683 : vector<16xf32>
            %max3A_686 = arith.maximumf %max3A_672, %min3A_685 : vector<16xf32>
            %min3A_687 = arith.minimumf %max3A_672, %min3A_685 : vector<16xf32>
            %max3A_688 = arith.maximumf %max3A_674, %min3A_687 : vector<16xf32>
            %min3A_689 = arith.minimumf %max3A_674, %min3A_687 : vector<16xf32>
            %max3A_690 = arith.maximumf %max3A_676, %min3A_689 : vector<16xf32>
            %min3A_691 = arith.minimumf %max3A_676, %min3A_689 : vector<16xf32>
            %max3A_692 = arith.maximumf %max3A_678, %min3A_691 : vector<16xf32>
            %min3A_693 = arith.minimumf %max3A_678, %min3A_691 : vector<16xf32>
            %add3A_694 = arith.constant 13 : i32
            %add3A_695 = vector.broadcast %add3A_694 : i32 to vector<16xi32>
            %add3A_696 = arith.addi %broadcast_in_dim3A_133, %add3A_695 : vector<16xi32>
            %gather3A_697 = tpu.vector_load_idx %arg4[%broadcast_in_dim3A_116, %iota3A, %add3A_696] : memref<2x16x1025xf32, #tpu.memory_space<vmem>>[vector<16xi32>, vector<16xi32>, vector<16xi32>], vector<16xf32>,
            %max3A_698 = arith.maximumf %max3A_684, %gather3A_697 : vector<16xf32>
            %min3A_699 = arith.minimumf %max3A_684, %gather3A_697 : vector<16xf32>
            %max3A_700 = arith.maximumf %max3A_686, %min3A_699 : vector<16xf32>
            %min3A_701 = arith.minimumf %max3A_686, %min3A_699 : vector<16xf32>
            %max3A_702 = arith.maximumf %max3A_688, %min3A_701 : vector<16xf32>
            %min3A_703 = arith.minimumf %max3A_688, %min3A_701 : vector<16xf32>
            %max3A_704 = arith.maximumf %max3A_690, %min3A_703 : vector<16xf32>
            %min3A_705 = arith.minimumf %max3A_690, %min3A_703 : vector<16xf32>
            %max3A_706 = arith.maximumf %max3A_692, %min3A_705 : vector<16xf32>
            %min3A_707 = arith.minimumf %max3A_692, %min3A_705 : vector<16xf32>
            %add3A_708 = arith.constant 14 : i32
            %add3A_709 = vector.broadcast %add3A_708 : i32 to vector<16xi32>
            %add3A_710 = arith.addi %broadcast_in_dim3A_133, %add3A_709 : vector<16xi32>
            %gather3A_711 = tpu.vector_load_idx %arg4[%broadcast_in_dim3A_116, %iota3A, %add3A_710] : memref<2x16x1025xf32, #tpu.memory_space<vmem>>[vector<16xi32>, vector<16xi32>, vector<16xi32>], vector<16xf32>,
            %max3A_712 = arith.maximumf %max3A_698, %gather3A_711 : vector<16xf32>
            %min3A_713 = arith.minimumf %max3A_698, %gather3A_711 : vector<16xf32>
            %max3A_714 = arith.maximumf %max3A_700, %min3A_713 : vector<16xf32>
            %min3A_715 = arith.minimumf %max3A_700, %min3A_713 : vector<16xf32>
            %max3A_716 = arith.maximumf %max3A_702, %min3A_715 : vector<16xf32>
            %min3A_717 = arith.minimumf %max3A_702, %min3A_715 : vector<16xf32>
            %max3A_718 = arith.maximumf %max3A_704, %min3A_717 : vector<16xf32>
            %min3A_719 = arith.minimumf %max3A_704, %min3A_717 : vector<16xf32>
            %max3A_720 = arith.maximumf %max3A_706, %min3A_719 : vector<16xf32>
            %min3A_721 = arith.minimumf %max3A_706, %min3A_719 : vector<16xf32>
            %add3A_722 = arith.constant 15 : i32
            %add3A_723 = vector.broadcast %add3A_722 : i32 to vector<16xi32>
            %add3A_724 = arith.addi %broadcast_in_dim3A_133, %add3A_723 : vector<16xi32>
            %gather3A_725 = tpu.vector_load_idx %arg4[%broadcast_in_dim3A_116, %iota3A, %add3A_724] : memref<2x16x1025xf32, #tpu.memory_space<vmem>>[vector<16xi32>, vector<16xi32>, vector<16xi32>], vector<16xf32>,
            %max3A_726 = arith.maximumf %max3A_712, %gather3A_725 : vector<16xf32>
            %min3A_727 = arith.minimumf %max3A_712, %gather3A_725 : vector<16xf32>
            %max3A_728 = arith.maximumf %max3A_714, %min3A_727 : vector<16xf32>
            %min3A_729 = arith.minimumf %max3A_714, %min3A_727 : vector<16xf32>
            %max3A_730 = arith.maximumf %max3A_716, %min3A_729 : vector<16xf32>
            %min3A_731 = arith.minimumf %max3A_716, %min3A_729 : vector<16xf32>
            %max3A_732 = arith.maximumf %max3A_718, %min3A_731 : vector<16xf32>
            %min3A_733 = arith.minimumf %max3A_718, %min3A_731 : vector<16xf32>
            %max3A_734 = arith.maximumf %max3A_720, %min3A_733 : vector<16xf32>
            %min3A_735 = arith.minimumf %max3A_720, %min3A_733 : vector<16xf32>
            %swap3A = arith.constant 0 : i32
            %swap3A_736 = arith.index_cast %swap3A : i32 to index
            %swap3A_737 = arith.constant 0 : index
            %swap3A_738 = tpu.vector_load %arg5[%swap3A_736, %swap3A_737] {strides = array<i32>} : memref<5x16xf32, #tpu.memory_space<vmem>>, vector<16xf32>,
            tpu.vector_store %arg5[%swap3A_736, %swap3A_737], %max3A_726 {strides = array<i32>} : memref<5x16xf32, #tpu.memory_space<vmem>>, vector<16xf32>,
            %swap3A_739 = arith.constant 1 : i32
            %swap3A_740 = arith.index_cast %swap3A_739 : i32 to index
            %swap3A_741 = arith.constant 0 : index
            %swap3A_742 = tpu.vector_load %arg5[%swap3A_740, %swap3A_741] {strides = array<i32>} : memref<5x16xf32, #tpu.memory_space<vmem>>, vector<16xf32>,
            tpu.vector_store %arg5[%swap3A_740, %swap3A_741], %max3A_728 {strides = array<i32>} : memref<5x16xf32, #tpu.memory_space<vmem>>, vector<16xf32>,
            %swap3A_743 = arith.constant 2 : i32
            %swap3A_744 = arith.index_cast %swap3A_743 : i32 to index
            %swap3A_745 = arith.constant 0 : index
            %swap3A_746 = tpu.vector_load %arg5[%swap3A_744, %swap3A_745] {strides = array<i32>} : memref<5x16xf32, #tpu.memory_space<vmem>>, vector<16xf32>,
            tpu.vector_store %arg5[%swap3A_744, %swap3A_745], %max3A_730 {strides = array<i32>} : memref<5x16xf32, #tpu.memory_space<vmem>>, vector<16xf32>,
            %swap3A_747 = arith.constant 3 : i32
            %swap3A_748 = arith.index_cast %swap3A_747 : i32 to index
            %swap3A_749 = arith.constant 0 : index
            %swap3A_750 = tpu.vector_load %arg5[%swap3A_748, %swap3A_749] {strides = array<i32>} : memref<5x16xf32, #tpu.memory_space<vmem>>, vector<16xf32>,
            tpu.vector_store %arg5[%swap3A_748, %swap3A_749], %max3A_732 {strides = array<i32>} : memref<5x16xf32, #tpu.memory_space<vmem>>, vector<16xf32>,
            %swap3A_751 = arith.constant 4 : i32
            %swap3A_752 = arith.index_cast %swap3A_751 : i32 to index
            %swap3A_753 = arith.constant 0 : index
            %swap3A_754 = tpu.vector_load %arg5[%swap3A_752, %swap3A_753] {strides = array<i32>} : memref<5x16xf32, #tpu.memory_space<vmem>>, vector<16xf32>,
            tpu.vector_store %arg5[%swap3A_752, %swap3A_753], %max3A_734 {strides = array<i32>} : memref<5x16xf32, #tpu.memory_space<vmem>>, vector<16xf32>,
          } else {
          }
          %all_reduce_population_count3A_469 = tpu.all_reduce %gt3A_293 {dim = 0 : i64, kind = #tpu.reduction_kind<sum>} : vector<16xi1> -> vector<16xi32>
          %slice3A_470 = vector.extract_strided_slice %all_reduce_population_count3A_469 {offsets = [0], sizes = [1], strides = [1]} : vector<16xi32> to vector<1xi32>
          %squeeze3A_471 = vector.extract %slice3A_470[0] : i32 from vector<1xi32>
          %gt3A_472 = arith.constant 0 : i32
          %gt3A_473 = arith.cmpi sgt, %squeeze3A_471, %gt3A_472 : i32
          %convert_element_type3A_474 = arith.extui %gt3A_473 : i1 to i32
          %cond3A_475 = arith.constant 0 : i32
          %cond3A_476 = arith.cmpi ne, %convert_element_type3A_474, %cond3A_475 : i32
          scf.if %cond3A_476 {
            %get3A_493 = arith.constant 0 : i32
            %get3A_494 = arith.index_cast %get3A_493 : i32 to index
            %get3A_495 = arith.constant 0 : index
            %get3A_496 = tpu.vector_load %arg5[%get3A_494, %get3A_495] {strides = array<i32>} : memref<5x16xf32, #tpu.memory_space<vmem>>, vector<16xf32>,
            %get3A_497 = arith.constant 1 : i32
            %get3A_498 = arith.index_cast %get3A_497 : i32 to index
            %get3A_499 = arith.constant 0 : index
            %get3A_500 = tpu.vector_load %arg5[%get3A_498, %get3A_499] {strides = array<i32>} : memref<5x16xf32, #tpu.memory_space<vmem>>, vector<16xf32>,
            %get3A_501 = arith.constant 2 : i32
            %get3A_502 = arith.index_cast %get3A_501 : i32 to index
            %get3A_503 = arith.constant 0 : index
            %get3A_504 = tpu.vector_load %arg5[%get3A_502, %get3A_503] {strides = array<i32>} : memref<5x16xf32, #tpu.memory_space<vmem>>, vector<16xf32>,
            %get3A_505 = arith.constant 3 : i32
            %get3A_506 = arith.index_cast %get3A_505 : i32 to index
            %get3A_507 = arith.constant 0 : index
            %get3A_508 = tpu.vector_load %arg5[%get3A_506, %get3A_507] {strides = array<i32>} : memref<5x16xf32, #tpu.memory_space<vmem>>, vector<16xf32>,
            %get3A_509 = arith.constant 4 : i32
            %get3A_510 = arith.index_cast %get3A_509 : i32 to index
            %get3A_511 = arith.constant 0 : index
            %get3A_512 = tpu.vector_load %arg5[%get3A_510, %get3A_511] {strides = array<i32>} : memref<5x16xf32, #tpu.memory_space<vmem>>, vector<16xf32>,
            %add3A_513 = arith.constant 16 : i32
            %add3A_514 = vector.broadcast %add3A_513 : i32 to vector<16xi32>
            %add3A_515 = arith.addi %broadcast_in_dim3A_133, %add3A_514 : vector<16xi32>
            %gather3A_516 = tpu.vector_load_idx %arg4[%broadcast_in_dim3A_116, %iota3A, %add3A_515] : memref<2x16x1025xf32, #tpu.memory_space<vmem>>[vector<16xi32>, vector<16xi32>, vector<16xi32>], vector<16xf32>,
            %max3A_517 = arith.maximumf %get3A_496, %gather3A_516 : vector<16xf32>
            %min3A = arith.minimumf %get3A_496, %gather3A_516 : vector<16xf32>
            %max3A_518 = arith.maximumf %get3A_500, %min3A : vector<16xf32>
            %min3A_519 = arith.minimumf %get3A_500, %min3A : vector<16xf32>
            %max3A_520 = arith.maximumf %get3A_504, %min3A_519 : vector<16xf32>
            %min3A_521 = arith.minimumf %get3A_504, %min3A_519 : vector<16xf32>
            %max3A_522 = arith.maximumf %get3A_508, %min3A_521 : vector<16xf32>
            %min3A_523 = arith.minimumf %get3A_508, %min3A_521 : vector<16xf32>
            %max3A_524 = arith.maximumf %get3A_512, %min3A_523 : vector<16xf32>
            %min3A_525 = arith.minimumf %get3A_512, %min3A_523 : vector<16xf32>
            %add3A_526 = arith.constant 17 : i32
            %add3A_527 = vector.broadcast %add3A_526 : i32 to vector<16xi32>
            %add3A_528 = arith.addi %broadcast_in_dim3A_133, %add3A_527 : vector<16xi32>
            %gather3A_529 = tpu.vector_load_idx %arg4[%broadcast_in_dim3A_116, %iota3A, %add3A_528] : memref<2x16x1025xf32, #tpu.memory_space<vmem>>[vector<16xi32>, vector<16xi32>, vector<16xi32>], vector<16xf32>,
            %max3A_530 = arith.maximumf %max3A_517, %gather3A_529 : vector<16xf32>
            %min3A_531 = arith.minimumf %max3A_517, %gather3A_529 : vector<16xf32>
            %max3A_532 = arith.maximumf %max3A_518, %min3A_531 : vector<16xf32>
            %min3A_533 = arith.minimumf %max3A_518, %min3A_531 : vector<16xf32>
            %max3A_534 = arith.maximumf %max3A_520, %min3A_533 : vector<16xf32>
            %min3A_535 = arith.minimumf %max3A_520, %min3A_533 : vector<16xf32>
            %max3A_536 = arith.maximumf %max3A_522, %min3A_535 : vector<16xf32>
            %min3A_537 = arith.minimumf %max3A_522, %min3A_535 : vector<16xf32>
            %max3A_538 = arith.maximumf %max3A_524, %min3A_537 : vector<16xf32>
            %min3A_539 = arith.minimumf %max3A_524, %min3A_537 : vector<16xf32>
            %add3A_540 = arith.constant 18 : i32
            %add3A_541 = vector.broadcast %add3A_540 : i32 to vector<16xi32>
            %add3A_542 = arith.addi %broadcast_in_dim3A_133, %add3A_541 : vector<16xi32>
            %gather3A_543 = tpu.vector_load_idx %arg4[%broadcast_in_dim3A_116, %iota3A, %add3A_542] : memref<2x16x1025xf32, #tpu.memory_space<vmem>>[vector<16xi32>, vector<16xi32>, vector<16xi32>], vector<16xf32>,
            %max3A_544 = arith.maximumf %max3A_530, %gather3A_543 : vector<16xf32>
            %min3A_545 = arith.minimumf %max3A_530, %gather3A_543 : vector<16xf32>
            %max3A_546 = arith.maximumf %max3A_532, %min3A_545 : vector<16xf32>
            %min3A_547 = arith.minimumf %max3A_532, %min3A_545 : vector<16xf32>
            %max3A_548 = arith.maximumf %max3A_534, %min3A_547 : vector<16xf32>
            %min3A_549 = arith.minimumf %max3A_534, %min3A_547 : vector<16xf32>
            %max3A_550 = arith.maximumf %max3A_536, %min3A_549 : vector<16xf32>
            %min3A_551 = arith.minimumf %max3A_536, %min3A_549 : vector<16xf32>
            %max3A_552 = arith.maximumf %max3A_538, %min3A_551 : vector<16xf32>
            %min3A_553 = arith.minimumf %max3A_538, %min3A_551 : vector<16xf32>
            %add3A_554 = arith.constant 19 : i32
            %add3A_555 = vector.broadcast %add3A_554 : i32 to vector<16xi32>
            %add3A_556 = arith.addi %broadcast_in_dim3A_133, %add3A_555 : vector<16xi32>
            %gather3A_557 = tpu.vector_load_idx %arg4[%broadcast_in_dim3A_116, %iota3A, %add3A_556] : memref<2x16x1025xf32, #tpu.memory_space<vmem>>[vector<16xi32>, vector<16xi32>, vector<16xi32>], vector<16xf32>,
            %max3A_558 = arith.maximumf %max3A_544, %gather3A_557 : vector<16xf32>
            %min3A_559 = arith.minimumf %max3A_544, %gather3A_557 : vector<16xf32>
            %max3A_560 = arith.maximumf %max3A_546, %min3A_559 : vector<16xf32>
            %min3A_561 = arith.minimumf %max3A_546, %min3A_559 : vector<16xf32>
            %max3A_562 = arith.maximumf %max3A_548, %min3A_561 : vector<16xf32>
            %min3A_563 = arith.minimumf %max3A_548, %min3A_561 : vector<16xf32>
            %max3A_564 = arith.maximumf %max3A_550, %min3A_563 : vector<16xf32>
            %min3A_565 = arith.minimumf %max3A_550, %min3A_563 : vector<16xf32>
            %max3A_566 = arith.maximumf %max3A_552, %min3A_565 : vector<16xf32>
            %min3A_567 = arith.minimumf %max3A_552, %min3A_565 : vector<16xf32>
            %add3A_568 = arith.constant 20 : i32
            %add3A_569 = vector.broadcast %add3A_568 : i32 to vector<16xi32>
            %add3A_570 = arith.addi %broadcast_in_dim3A_133, %add3A_569 : vector<16xi32>
            %gather3A_571 = tpu.vector_load_idx %arg4[%broadcast_in_dim3A_116, %iota3A, %add3A_570] : memref<2x16x1025xf32, #tpu.memory_space<vmem>>[vector<16xi32>, vector<16xi32>, vector<16xi32>], vector<16xf32>,
            %max3A_572 = arith.maximumf %max3A_558, %gather3A_571 : vector<16xf32>
            %min3A_573 = arith.minimumf %max3A_558, %gather3A_571 : vector<16xf32>
            %max3A_574 = arith.maximumf %max3A_560, %min3A_573 : vector<16xf32>
            %min3A_575 = arith.minimumf %max3A_560, %min3A_573 : vector<16xf32>
            %max3A_576 = arith.maximumf %max3A_562, %min3A_575 : vector<16xf32>
            %min3A_577 = arith.minimumf %max3A_562, %min3A_575 : vector<16xf32>
            %max3A_578 = arith.maximumf %max3A_564, %min3A_577 : vector<16xf32>
            %min3A_579 = arith.minimumf %max3A_564, %min3A_577 : vector<16xf32>
            %max3A_580 = arith.maximumf %max3A_566, %min3A_579 : vector<16xf32>
            %min3A_581 = arith.minimumf %max3A_566, %min3A_579 : vector<16xf32>
            %add3A_582 = arith.constant 21 : i32
            %add3A_583 = vector.broadcast %add3A_582 : i32 to vector<16xi32>
            %add3A_584 = arith.addi %broadcast_in_dim3A_133, %add3A_583 : vector<16xi32>
            %gather3A_585 = tpu.vector_load_idx %arg4[%broadcast_in_dim3A_116, %iota3A, %add3A_584] : memref<2x16x1025xf32, #tpu.memory_space<vmem>>[vector<16xi32>, vector<16xi32>, vector<16xi32>], vector<16xf32>,
            %max3A_586 = arith.maximumf %max3A_572, %gather3A_585 : vector<16xf32>
            %min3A_587 = arith.minimumf %max3A_572, %gather3A_585 : vector<16xf32>
            %max3A_588 = arith.maximumf %max3A_574, %min3A_587 : vector<16xf32>
            %min3A_589 = arith.minimumf %max3A_574, %min3A_587 : vector<16xf32>
            %max3A_590 = arith.maximumf %max3A_576, %min3A_589 : vector<16xf32>
            %min3A_591 = arith.minimumf %max3A_576, %min3A_589 : vector<16xf32>
            %max3A_592 = arith.maximumf %max3A_578, %min3A_591 : vector<16xf32>
            %min3A_593 = arith.minimumf %max3A_578, %min3A_591 : vector<16xf32>
            %max3A_594 = arith.maximumf %max3A_580, %min3A_593 : vector<16xf32>
            %min3A_595 = arith.minimumf %max3A_580, %min3A_593 : vector<16xf32>
            %add3A_596 = arith.constant 22 : i32
            %add3A_597 = vector.broadcast %add3A_596 : i32 to vector<16xi32>
            %add3A_598 = arith.addi %broadcast_in_dim3A_133, %add3A_597 : vector<16xi32>
            %gather3A_599 = tpu.vector_load_idx %arg4[%broadcast_in_dim3A_116, %iota3A, %add3A_598] : memref<2x16x1025xf32, #tpu.memory_space<vmem>>[vector<16xi32>, vector<16xi32>, vector<16xi32>], vector<16xf32>,
            %max3A_600 = arith.maximumf %max3A_586, %gather3A_599 : vector<16xf32>
            %min3A_601 = arith.minimumf %max3A_586, %gather3A_599 : vector<16xf32>
            %max3A_602 = arith.maximumf %max3A_588, %min3A_601 : vector<16xf32>
            %min3A_603 = arith.minimumf %max3A_588, %min3A_601 : vector<16xf32>
            %max3A_604 = arith.maximumf %max3A_590, %min3A_603 : vector<16xf32>
            %min3A_605 = arith.minimumf %max3A_590, %min3A_603 : vector<16xf32>
            %max3A_606 = arith.maximumf %max3A_592, %min3A_605 : vector<16xf32>
            %min3A_607 = arith.minimumf %max3A_592, %min3A_605 : vector<16xf32>
            %max3A_608 = arith.maximumf %max3A_594, %min3A_607 : vector<16xf32>
            %min3A_609 = arith.minimumf %max3A_594, %min3A_607 : vector<16xf32>
            %add3A_610 = arith.constant 23 : i32
            %add3A_611 = vector.broadcast %add3A_610 : i32 to vector<16xi32>
            %add3A_612 = arith.addi %broadcast_in_dim3A_133, %add3A_611 : vector<16xi32>
            %gather3A_613 = tpu.vector_load_idx %arg4[%broadcast_in_dim3A_116, %iota3A, %add3A_612] : memref<2x16x1025xf32, #tpu.memory_space<vmem>>[vector<16xi32>, vector<16xi32>, vector<16xi32>], vector<16xf32>,
            %max3A_614 = arith.maximumf %max3A_600, %gather3A_613 : vector<16xf32>
            %min3A_615 = arith.minimumf %max3A_600, %gather3A_613 : vector<16xf32>
            %max3A_616 = arith.maximumf %max3A_602, %min3A_615 : vector<16xf32>
            %min3A_617 = arith.minimumf %max3A_602, %min3A_615 : vector<16xf32>
            %max3A_618 = arith.maximumf %max3A_604, %min3A_617 : vector<16xf32>
            %min3A_619 = arith.minimumf %max3A_604, %min3A_617 : vector<16xf32>
            %max3A_620 = arith.maximumf %max3A_606, %min3A_619 : vector<16xf32>
            %min3A_621 = arith.minimumf %max3A_606, %min3A_619 : vector<16xf32>
            %max3A_622 = arith.maximumf %max3A_608, %min3A_621 : vector<16xf32>
            %min3A_623 = arith.minimumf %max3A_608, %min3A_621 : vector<16xf32>
            %add3A_624 = arith.constant 24 : i32
            %add3A_625 = vector.broadcast %add3A_624 : i32 to vector<16xi32>
            %add3A_626 = arith.addi %broadcast_in_dim3A_133, %add3A_625 : vector<16xi32>
            %gather3A_627 = tpu.vector_load_idx %arg4[%broadcast_in_dim3A_116, %iota3A, %add3A_626] : memref<2x16x1025xf32, #tpu.memory_space<vmem>>[vector<16xi32>, vector<16xi32>, vector<16xi32>], vector<16xf32>,
            %max3A_628 = arith.maximumf %max3A_614, %gather3A_627 : vector<16xf32>
            %min3A_629 = arith.minimumf %max3A_614, %gather3A_627 : vector<16xf32>
            %max3A_630 = arith.maximumf %max3A_616, %min3A_629 : vector<16xf32>
            %min3A_631 = arith.minimumf %max3A_616, %min3A_629 : vector<16xf32>
            %max3A_632 = arith.maximumf %max3A_618, %min3A_631 : vector<16xf32>
            %min3A_633 = arith.minimumf %max3A_618, %min3A_631 : vector<16xf32>
            %max3A_634 = arith.maximumf %max3A_620, %min3A_633 : vector<16xf32>
            %min3A_635 = arith.minimumf %max3A_620, %min3A_633 : vector<16xf32>
            %max3A_636 = arith.maximumf %max3A_622, %min3A_635 : vector<16xf32>
            %min3A_637 = arith.minimumf %max3A_622, %min3A_635 : vector<16xf32>
            %add3A_638 = arith.constant 25 : i32
            %add3A_639 = vector.broadcast %add3A_638 : i32 to vector<16xi32>
            %add3A_640 = arith.addi %broadcast_in_dim3A_133, %add3A_639 : vector<16xi32>
            %gather3A_641 = tpu.vector_load_idx %arg4[%broadcast_in_dim3A_116, %iota3A, %add3A_640] : memref<2x16x1025xf32, #tpu.memory_space<vmem>>[vector<16xi32>, vector<16xi32>, vector<16xi32>], vector<16xf32>,
            %max3A_642 = arith.maximumf %max3A_628, %gather3A_641 : vector<16xf32>
            %min3A_643 = arith.minimumf %max3A_628, %gather3A_641 : vector<16xf32>
            %max3A_644 = arith.maximumf %max3A_630, %min3A_643 : vector<16xf32>
            %min3A_645 = arith.minimumf %max3A_630, %min3A_643 : vector<16xf32>
            %max3A_646 = arith.maximumf %max3A_632, %min3A_645 : vector<16xf32>
            %min3A_647 = arith.minimumf %max3A_632, %min3A_645 : vector<16xf32>
            %max3A_648 = arith.maximumf %max3A_634, %min3A_647 : vector<16xf32>
            %min3A_649 = arith.minimumf %max3A_634, %min3A_647 : vector<16xf32>
            %max3A_650 = arith.maximumf %max3A_636, %min3A_649 : vector<16xf32>
            %min3A_651 = arith.minimumf %max3A_636, %min3A_649 : vector<16xf32>
            %add3A_652 = arith.constant 26 : i32
            %add3A_653 = vector.broadcast %add3A_652 : i32 to vector<16xi32>
            %add3A_654 = arith.addi %broadcast_in_dim3A_133, %add3A_653 : vector<16xi32>
            %gather3A_655 = tpu.vector_load_idx %arg4[%broadcast_in_dim3A_116, %iota3A, %add3A_654] : memref<2x16x1025xf32, #tpu.memory_space<vmem>>[vector<16xi32>, vector<16xi32>, vector<16xi32>], vector<16xf32>,
            %max3A_656 = arith.maximumf %max3A_642, %gather3A_655 : vector<16xf32>
            %min3A_657 = arith.minimumf %max3A_642, %gather3A_655 : vector<16xf32>
            %max3A_658 = arith.maximumf %max3A_644, %min3A_657 : vector<16xf32>
            %min3A_659 = arith.minimumf %max3A_644, %min3A_657 : vector<16xf32>
            %max3A_660 = arith.maximumf %max3A_646, %min3A_659 : vector<16xf32>
            %min3A_661 = arith.minimumf %max3A_646, %min3A_659 : vector<16xf32>
            %max3A_662 = arith.maximumf %max3A_648, %min3A_661 : vector<16xf32>
            %min3A_663 = arith.minimumf %max3A_648, %min3A_661 : vector<16xf32>
            %max3A_664 = arith.maximumf %max3A_650, %min3A_663 : vector<16xf32>
            %min3A_665 = arith.minimumf %max3A_650, %min3A_663 : vector<16xf32>
            %add3A_666 = arith.constant 27 : i32
            %add3A_667 = vector.broadcast %add3A_666 : i32 to vector<16xi32>
            %add3A_668 = arith.addi %broadcast_in_dim3A_133, %add3A_667 : vector<16xi32>
            %gather3A_669 = tpu.vector_load_idx %arg4[%broadcast_in_dim3A_116, %iota3A, %add3A_668] : memref<2x16x1025xf32, #tpu.memory_space<vmem>>[vector<16xi32>, vector<16xi32>, vector<16xi32>], vector<16xf32>,
            %max3A_670 = arith.maximumf %max3A_656, %gather3A_669 : vector<16xf32>
            %min3A_671 = arith.minimumf %max3A_656, %gather3A_669 : vector<16xf32>
            %max3A_672 = arith.maximumf %max3A_658, %min3A_671 : vector<16xf32>
            %min3A_673 = arith.minimumf %max3A_658, %min3A_671 : vector<16xf32>
            %max3A_674 = arith.maximumf %max3A_660, %min3A_673 : vector<16xf32>
            %min3A_675 = arith.minimumf %max3A_660, %min3A_673 : vector<16xf32>
            %max3A_676 = arith.maximumf %max3A_662, %min3A_675 : vector<16xf32>
            %min3A_677 = arith.minimumf %max3A_662, %min3A_675 : vector<16xf32>
            %max3A_678 = arith.maximumf %max3A_664, %min3A_677 : vector<16xf32>
            %min3A_679 = arith.minimumf %max3A_664, %min3A_677 : vector<16xf32>
            %add3A_680 = arith.constant 28 : i32
            %add3A_681 = vector.broadcast %add3A_680 : i32 to vector<16xi32>
            %add3A_682 = arith.addi %broadcast_in_dim3A_133, %add3A_681 : vector<16xi32>
            %gather3A_683 = tpu.vector_load_idx %arg4[%broadcast_in_dim3A_116, %iota3A, %add3A_682] : memref<2x16x1025xf32, #tpu.memory_space<vmem>>[vector<16xi32>, vector<16xi32>, vector<16xi32>], vector<16xf32>,
            %max3A_684 = arith.maximumf %max3A_670, %gather3A_683 : vector<16xf32>
            %min3A_685 = arith.minimumf %max3A_670, %gather3A_683 : vector<16xf32>
            %max3A_686 = arith.maximumf %max3A_672, %min3A_685 : vector<16xf32>
            %min3A_687 = arith.minimumf %max3A_672, %min3A_685 : vector<16xf32>
            %max3A_688 = arith.maximumf %max3A_674, %min3A_687 : vector<16xf32>
            %min3A_689 = arith.minimumf %max3A_674, %min3A_687 : vector<16xf32>
            %max3A_690 = arith.maximumf %max3A_676, %min3A_689 : vector<16xf32>
            %min3A_691 = arith.minimumf %max3A_676, %min3A_689 : vector<16xf32>
            %max3A_692 = arith.maximumf %max3A_678, %min3A_691 : vector<16xf32>
            %min3A_693 = arith.minimumf %max3A_678, %min3A_691 : vector<16xf32>
            %add3A_694 = arith.constant 29 : i32
            %add3A_695 = vector.broadcast %add3A_694 : i32 to vector<16xi32>
            %add3A_696 = arith.addi %broadcast_in_dim3A_133, %add3A_695 : vector<16xi32>
            %gather3A_697 = tpu.vector_load_idx %arg4[%broadcast_in_dim3A_116, %iota3A, %add3A_696] : memref<2x16x1025xf32, #tpu.memory_space<vmem>>[vector<16xi32>, vector<16xi32>, vector<16xi32>], vector<16xf32>,
            %max3A_698 = arith.maximumf %max3A_684, %gather3A_697 : vector<16xf32>
            %min3A_699 = arith.minimumf %max3A_684, %gather3A_697 : vector<16xf32>
            %max3A_700 = arith.maximumf %max3A_686, %min3A_699 : vector<16xf32>
            %min3A_701 = arith.minimumf %max3A_686, %min3A_699 : vector<16xf32>
            %max3A_702 = arith.maximumf %max3A_688, %min3A_701 : vector<16xf32>
            %min3A_703 = arith.minimumf %max3A_688, %min3A_701 : vector<16xf32>
            %max3A_704 = arith.maximumf %max3A_690, %min3A_703 : vector<16xf32>
            %min3A_705 = arith.minimumf %max3A_690, %min3A_703 : vector<16xf32>
            %max3A_706 = arith.maximumf %max3A_692, %min3A_705 : vector<16xf32>
            %min3A_707 = arith.minimumf %max3A_692, %min3A_705 : vector<16xf32>
            %add3A_708 = arith.constant 30 : i32
            %add3A_709 = vector.broadcast %add3A_708 : i32 to vector<16xi32>
            %add3A_710 = arith.addi %broadcast_in_dim3A_133, %add3A_709 : vector<16xi32>
            %gather3A_711 = tpu.vector_load_idx %arg4[%broadcast_in_dim3A_116, %iota3A, %add3A_710] : memref<2x16x1025xf32, #tpu.memory_space<vmem>>[vector<16xi32>, vector<16xi32>, vector<16xi32>], vector<16xf32>,
            %max3A_712 = arith.maximumf %max3A_698, %gather3A_711 : vector<16xf32>
            %min3A_713 = arith.minimumf %max3A_698, %gather3A_711 : vector<16xf32>
            %max3A_714 = arith.maximumf %max3A_700, %min3A_713 : vector<16xf32>
            %min3A_715 = arith.minimumf %max3A_700, %min3A_713 : vector<16xf32>
            %max3A_716 = arith.maximumf %max3A_702, %min3A_715 : vector<16xf32>
            %min3A_717 = arith.minimumf %max3A_702, %min3A_715 : vector<16xf32>
            %max3A_718 = arith.maximumf %max3A_704, %min3A_717 : vector<16xf32>
            %min3A_719 = arith.minimumf %max3A_704, %min3A_717 : vector<16xf32>
            %max3A_720 = arith.maximumf %max3A_706, %min3A_719 : vector<16xf32>
            %min3A_721 = arith.minimumf %max3A_706, %min3A_719 : vector<16xf32>
            %add3A_722 = arith.constant 31 : i32
            %add3A_723 = vector.broadcast %add3A_722 : i32 to vector<16xi32>
            %add3A_724 = arith.addi %broadcast_in_dim3A_133, %add3A_723 : vector<16xi32>
            %gather3A_725 = tpu.vector_load_idx %arg4[%broadcast_in_dim3A_116, %iota3A, %add3A_724] : memref<2x16x1025xf32, #tpu.memory_space<vmem>>[vector<16xi32>, vector<16xi32>, vector<16xi32>], vector<16xf32>,
            %max3A_726 = arith.maximumf %max3A_712, %gather3A_725 : vector<16xf32>
            %min3A_727 = arith.minimumf %max3A_712, %gather3A_725 : vector<16xf32>
            %max3A_728 = arith.maximumf %max3A_714, %min3A_727 : vector<16xf32>
            %min3A_729 = arith.minimumf %max3A_714, %min3A_727 : vector<16xf32>
            %max3A_730 = arith.maximumf %max3A_716, %min3A_729 : vector<16xf32>
            %min3A_731 = arith.minimumf %max3A_716, %min3A_729 : vector<16xf32>
            %max3A_732 = arith.maximumf %max3A_718, %min3A_731 : vector<16xf32>
            %min3A_733 = arith.minimumf %max3A_718, %min3A_731 : vector<16xf32>
            %max3A_734 = arith.maximumf %max3A_720, %min3A_733 : vector<16xf32>
            %min3A_735 = arith.minimumf %max3A_720, %min3A_733 : vector<16xf32>
            %swap3A = arith.constant 0 : i32
            %swap3A_736 = arith.index_cast %swap3A : i32 to index
            %swap3A_737 = arith.constant 0 : index
            %swap3A_738 = tpu.vector_load %arg5[%swap3A_736, %swap3A_737] {strides = array<i32>} : memref<5x16xf32, #tpu.memory_space<vmem>>, vector<16xf32>,
            tpu.vector_store %arg5[%swap3A_736, %swap3A_737], %max3A_726 {strides = array<i32>} : memref<5x16xf32, #tpu.memory_space<vmem>>, vector<16xf32>,
            %swap3A_739 = arith.constant 1 : i32
            %swap3A_740 = arith.index_cast %swap3A_739 : i32 to index
            %swap3A_741 = arith.constant 0 : index
            %swap3A_742 = tpu.vector_load %arg5[%swap3A_740, %swap3A_741] {strides = array<i32>} : memref<5x16xf32, #tpu.memory_space<vmem>>, vector<16xf32>,
            tpu.vector_store %arg5[%swap3A_740, %swap3A_741], %max3A_728 {strides = array<i32>} : memref<5x16xf32, #tpu.memory_space<vmem>>, vector<16xf32>,
            %swap3A_743 = arith.constant 2 : i32
            %swap3A_744 = arith.index_cast %swap3A_743 : i32 to index
            %swap3A_745 = arith.constant 0 : index
            %swap3A_746 = tpu.vector_load %arg5[%swap3A_744, %swap3A_745] {strides = array<i32>} : memref<5x16xf32, #tpu.memory_space<vmem>>, vector<16xf32>,
            tpu.vector_store %arg5[%swap3A_744, %swap3A_745], %max3A_730 {strides = array<i32>} : memref<5x16xf32, #tpu.memory_space<vmem>>, vector<16xf32>,
            %swap3A_747 = arith.constant 3 : i32
            %swap3A_748 = arith.index_cast %swap3A_747 : i32 to index
            %swap3A_749 = arith.constant 0 : index
            %swap3A_750 = tpu.vector_load %arg5[%swap3A_748, %swap3A_749] {strides = array<i32>} : memref<5x16xf32, #tpu.memory_space<vmem>>, vector<16xf32>,
            tpu.vector_store %arg5[%swap3A_748, %swap3A_749], %max3A_732 {strides = array<i32>} : memref<5x16xf32, #tpu.memory_space<vmem>>, vector<16xf32>,
            %swap3A_751 = arith.constant 4 : i32
            %swap3A_752 = arith.index_cast %swap3A_751 : i32 to index
            %swap3A_753 = arith.constant 0 : index
            %swap3A_754 = tpu.vector_load %arg5[%swap3A_752, %swap3A_753] {strides = array<i32>} : memref<5x16xf32, #tpu.memory_space<vmem>>, vector<16xf32>,
            tpu.vector_store %arg5[%swap3A_752, %swap3A_753], %max3A_734 {strides = array<i32>} : memref<5x16xf32, #tpu.memory_space<vmem>>, vector<16xf32>,
          } else {
          }
          %all_reduce_population_count3A_477 = tpu.all_reduce %gt3A_373 {dim = 0 : i64, kind = #tpu.reduction_kind<sum>} : vector<16xi1> -> vector<16xi32>
          %slice3A_478 = vector.extract_strided_slice %all_reduce_population_count3A_477 {offsets = [0], sizes = [1], strides = [1]} : vector<16xi32> to vector<1xi32>
          %squeeze3A_479 = vector.extract %slice3A_478[0] : i32 from vector<1xi32>
          %gt3A_480 = arith.constant 0 : i32
          %gt3A_481 = arith.cmpi sgt, %squeeze3A_479, %gt3A_480 : i32
          %convert_element_type3A_482 = arith.extui %gt3A_481 : i1 to i32
          %cond3A_483 = arith.constant 0 : i32
          %cond3A_484 = arith.cmpi ne, %convert_element_type3A_482, %cond3A_483 : i32
          scf.if %cond3A_484 {
            %get3A_493 = arith.constant 0 : i32
            %get3A_494 = arith.index_cast %get3A_493 : i32 to index
            %get3A_495 = arith.constant 0 : index
            %get3A_496 = tpu.vector_load %arg5[%get3A_494, %get3A_495] {strides = array<i32>} : memref<5x16xf32, #tpu.memory_space<vmem>>, vector<16xf32>,
            %get3A_497 = arith.constant 1 : i32
            %get3A_498 = arith.index_cast %get3A_497 : i32 to index
            %get3A_499 = arith.constant 0 : index
            %get3A_500 = tpu.vector_load %arg5[%get3A_498, %get3A_499] {strides = array<i32>} : memref<5x16xf32, #tpu.memory_space<vmem>>, vector<16xf32>,
            %get3A_501 = arith.constant 2 : i32
            %get3A_502 = arith.index_cast %get3A_501 : i32 to index
            %get3A_503 = arith.constant 0 : index
            %get3A_504 = tpu.vector_load %arg5[%get3A_502, %get3A_503] {strides = array<i32>} : memref<5x16xf32, #tpu.memory_space<vmem>>, vector<16xf32>,
            %get3A_505 = arith.constant 3 : i32
            %get3A_506 = arith.index_cast %get3A_505 : i32 to index
            %get3A_507 = arith.constant 0 : index
            %get3A_508 = tpu.vector_load %arg5[%get3A_506, %get3A_507] {strides = array<i32>} : memref<5x16xf32, #tpu.memory_space<vmem>>, vector<16xf32>,
            %get3A_509 = arith.constant 4 : i32
            %get3A_510 = arith.index_cast %get3A_509 : i32 to index
            %get3A_511 = arith.constant 0 : index
            %get3A_512 = tpu.vector_load %arg5[%get3A_510, %get3A_511] {strides = array<i32>} : memref<5x16xf32, #tpu.memory_space<vmem>>, vector<16xf32>,
            %add3A_513 = arith.constant 32 : i32
            %add3A_514 = vector.broadcast %add3A_513 : i32 to vector<16xi32>
            %add3A_515 = arith.addi %broadcast_in_dim3A_133, %add3A_514 : vector<16xi32>
            %gather3A_516 = tpu.vector_load_idx %arg4[%broadcast_in_dim3A_116, %iota3A, %add3A_515] : memref<2x16x1025xf32, #tpu.memory_space<vmem>>[vector<16xi32>, vector<16xi32>, vector<16xi32>], vector<16xf32>,
            %max3A_517 = arith.maximumf %get3A_496, %gather3A_516 : vector<16xf32>
            %min3A = arith.minimumf %get3A_496, %gather3A_516 : vector<16xf32>
            %max3A_518 = arith.maximumf %get3A_500, %min3A : vector<16xf32>
            %min3A_519 = arith.minimumf %get3A_500, %min3A : vector<16xf32>
            %max3A_520 = arith.maximumf %get3A_504, %min3A_519 : vector<16xf32>
            %min3A_521 = arith.minimumf %get3A_504, %min3A_519 : vector<16xf32>
            %max3A_522 = arith.maximumf %get3A_508, %min3A_521 : vector<16xf32>
            %min3A_523 = arith.minimumf %get3A_508, %min3A_521 : vector<16xf32>
            %max3A_524 = arith.maximumf %get3A_512, %min3A_523 : vector<16xf32>
            %min3A_525 = arith.minimumf %get3A_512, %min3A_523 : vector<16xf32>
            %add3A_526 = arith.constant 33 : i32
            %add3A_527 = vector.broadcast %add3A_526 : i32 to vector<16xi32>
            %add3A_528 = arith.addi %broadcast_in_dim3A_133, %add3A_527 : vector<16xi32>
            %gather3A_529 = tpu.vector_load_idx %arg4[%broadcast_in_dim3A_116, %iota3A, %add3A_528] : memref<2x16x1025xf32, #tpu.memory_space<vmem>>[vector<16xi32>, vector<16xi32>, vector<16xi32>], vector<16xf32>,
            %max3A_530 = arith.maximumf %max3A_517, %gather3A_529 : vector<16xf32>
            %min3A_531 = arith.minimumf %max3A_517, %gather3A_529 : vector<16xf32>
            %max3A_532 = arith.maximumf %max3A_518, %min3A_531 : vector<16xf32>
            %min3A_533 = arith.minimumf %max3A_518, %min3A_531 : vector<16xf32>
            %max3A_534 = arith.maximumf %max3A_520, %min3A_533 : vector<16xf32>
            %min3A_535 = arith.minimumf %max3A_520, %min3A_533 : vector<16xf32>
            %max3A_536 = arith.maximumf %max3A_522, %min3A_535 : vector<16xf32>
            %min3A_537 = arith.minimumf %max3A_522, %min3A_535 : vector<16xf32>
            %max3A_538 = arith.maximumf %max3A_524, %min3A_537 : vector<16xf32>
            %min3A_539 = arith.minimumf %max3A_524, %min3A_537 : vector<16xf32>
            %add3A_540 = arith.constant 34 : i32
            %add3A_541 = vector.broadcast %add3A_540 : i32 to vector<16xi32>
            %add3A_542 = arith.addi %broadcast_in_dim3A_133, %add3A_541 : vector<16xi32>
            %gather3A_543 = tpu.vector_load_idx %arg4[%broadcast_in_dim3A_116, %iota3A, %add3A_542] : memref<2x16x1025xf32, #tpu.memory_space<vmem>>[vector<16xi32>, vector<16xi32>, vector<16xi32>], vector<16xf32>,
            %max3A_544 = arith.maximumf %max3A_530, %gather3A_543 : vector<16xf32>
            %min3A_545 = arith.minimumf %max3A_530, %gather3A_543 : vector<16xf32>
            %max3A_546 = arith.maximumf %max3A_532, %min3A_545 : vector<16xf32>
            %min3A_547 = arith.minimumf %max3A_532, %min3A_545 : vector<16xf32>
            %max3A_548 = arith.maximumf %max3A_534, %min3A_547 : vector<16xf32>
            %min3A_549 = arith.minimumf %max3A_534, %min3A_547 : vector<16xf32>
            %max3A_550 = arith.maximumf %max3A_536, %min3A_549 : vector<16xf32>
            %min3A_551 = arith.minimumf %max3A_536, %min3A_549 : vector<16xf32>
            %max3A_552 = arith.maximumf %max3A_538, %min3A_551 : vector<16xf32>
            %min3A_553 = arith.minimumf %max3A_538, %min3A_551 : vector<16xf32>
            %add3A_554 = arith.constant 35 : i32
            %add3A_555 = vector.broadcast %add3A_554 : i32 to vector<16xi32>
            %add3A_556 = arith.addi %broadcast_in_dim3A_133, %add3A_555 : vector<16xi32>
            %gather3A_557 = tpu.vector_load_idx %arg4[%broadcast_in_dim3A_116, %iota3A, %add3A_556] : memref<2x16x1025xf32, #tpu.memory_space<vmem>>[vector<16xi32>, vector<16xi32>, vector<16xi32>], vector<16xf32>,
            %max3A_558 = arith.maximumf %max3A_544, %gather3A_557 : vector<16xf32>
            %min3A_559 = arith.minimumf %max3A_544, %gather3A_557 : vector<16xf32>
            %max3A_560 = arith.maximumf %max3A_546, %min3A_559 : vector<16xf32>
            %min3A_561 = arith.minimumf %max3A_546, %min3A_559 : vector<16xf32>
            %max3A_562 = arith.maximumf %max3A_548, %min3A_561 : vector<16xf32>
            %min3A_563 = arith.minimumf %max3A_548, %min3A_561 : vector<16xf32>
            %max3A_564 = arith.maximumf %max3A_550, %min3A_563 : vector<16xf32>
            %min3A_565 = arith.minimumf %max3A_550, %min3A_563 : vector<16xf32>
            %max3A_566 = arith.maximumf %max3A_552, %min3A_565 : vector<16xf32>
            %min3A_567 = arith.minimumf %max3A_552, %min3A_565 : vector<16xf32>
            %add3A_568 = arith.constant 36 : i32
            %add3A_569 = vector.broadcast %add3A_568 : i32 to vector<16xi32>
            %add3A_570 = arith.addi %broadcast_in_dim3A_133, %add3A_569 : vector<16xi32>
            %gather3A_571 = tpu.vector_load_idx %arg4[%broadcast_in_dim3A_116, %iota3A, %add3A_570] : memref<2x16x1025xf32, #tpu.memory_space<vmem>>[vector<16xi32>, vector<16xi32>, vector<16xi32>], vector<16xf32>,
            %max3A_572 = arith.maximumf %max3A_558, %gather3A_571 : vector<16xf32>
            %min3A_573 = arith.minimumf %max3A_558, %gather3A_571 : vector<16xf32>
            %max3A_574 = arith.maximumf %max3A_560, %min3A_573 : vector<16xf32>
            %min3A_575 = arith.minimumf %max3A_560, %min3A_573 : vector<16xf32>
            %max3A_576 = arith.maximumf %max3A_562, %min3A_575 : vector<16xf32>
            %min3A_577 = arith.minimumf %max3A_562, %min3A_575 : vector<16xf32>
            %max3A_578 = arith.maximumf %max3A_564, %min3A_577 : vector<16xf32>
            %min3A_579 = arith.minimumf %max3A_564, %min3A_577 : vector<16xf32>
            %max3A_580 = arith.maximumf %max3A_566, %min3A_579 : vector<16xf32>
            %min3A_581 = arith.minimumf %max3A_566, %min3A_579 : vector<16xf32>
            %add3A_582 = arith.constant 37 : i32
            %add3A_583 = vector.broadcast %add3A_582 : i32 to vector<16xi32>
            %add3A_584 = arith.addi %broadcast_in_dim3A_133, %add3A_583 : vector<16xi32>
            %gather3A_585 = tpu.vector_load_idx %arg4[%broadcast_in_dim3A_116, %iota3A, %add3A_584] : memref<2x16x1025xf32, #tpu.memory_space<vmem>>[vector<16xi32>, vector<16xi32>, vector<16xi32>], vector<16xf32>,
            %max3A_586 = arith.maximumf %max3A_572, %gather3A_585 : vector<16xf32>
            %min3A_587 = arith.minimumf %max3A_572, %gather3A_585 : vector<16xf32>
            %max3A_588 = arith.maximumf %max3A_574, %min3A_587 : vector<16xf32>
            %min3A_589 = arith.minimumf %max3A_574, %min3A_587 : vector<16xf32>
            %max3A_590 = arith.maximumf %max3A_576, %min3A_589 : vector<16xf32>
            %min3A_591 = arith.minimumf %max3A_576, %min3A_589 : vector<16xf32>
            %max3A_592 = arith.maximumf %max3A_578, %min3A_591 : vector<16xf32>
            %min3A_593 = arith.minimumf %max3A_578, %min3A_591 : vector<16xf32>
            %max3A_594 = arith.maximumf %max3A_580, %min3A_593 : vector<16xf32>
            %min3A_595 = arith.minimumf %max3A_580, %min3A_593 : vector<16xf32>
            %add3A_596 = arith.constant 38 : i32
            %add3A_597 = vector.broadcast %add3A_596 : i32 to vector<16xi32>
            %add3A_598 = arith.addi %broadcast_in_dim3A_133, %add3A_597 : vector<16xi32>
            %gather3A_599 = tpu.vector_load_idx %arg4[%broadcast_in_dim3A_116, %iota3A, %add3A_598] : memref<2x16x1025xf32, #tpu.memory_space<vmem>>[vector<16xi32>, vector<16xi32>, vector<16xi32>], vector<16xf32>,
            %max3A_600 = arith.maximumf %max3A_586, %gather3A_599 : vector<16xf32>
            %min3A_601 = arith.minimumf %max3A_586, %gather3A_599 : vector<16xf32>
            %max3A_602 = arith.maximumf %max3A_588, %min3A_601 : vector<16xf32>
            %min3A_603 = arith.minimumf %max3A_588, %min3A_601 : vector<16xf32>
            %max3A_604 = arith.maximumf %max3A_590, %min3A_603 : vector<16xf32>
            %min3A_605 = arith.minimumf %max3A_590, %min3A_603 : vector<16xf32>
            %max3A_606 = arith.maximumf %max3A_592, %min3A_605 : vector<16xf32>
            %min3A_607 = arith.minimumf %max3A_592, %min3A_605 : vector<16xf32>
            %max3A_608 = arith.maximumf %max3A_594, %min3A_607 : vector<16xf32>
            %min3A_609 = arith.minimumf %max3A_594, %min3A_607 : vector<16xf32>
            %add3A_610 = arith.constant 39 : i32
            %add3A_611 = vector.broadcast %add3A_610 : i32 to vector<16xi32>
            %add3A_612 = arith.addi %broadcast_in_dim3A_133, %add3A_611 : vector<16xi32>
            %gather3A_613 = tpu.vector_load_idx %arg4[%broadcast_in_dim3A_116, %iota3A, %add3A_612] : memref<2x16x1025xf32, #tpu.memory_space<vmem>>[vector<16xi32>, vector<16xi32>, vector<16xi32>], vector<16xf32>,
            %max3A_614 = arith.maximumf %max3A_600, %gather3A_613 : vector<16xf32>
            %min3A_615 = arith.minimumf %max3A_600, %gather3A_613 : vector<16xf32>
            %max3A_616 = arith.maximumf %max3A_602, %min3A_615 : vector<16xf32>
            %min3A_617 = arith.minimumf %max3A_602, %min3A_615 : vector<16xf32>
            %max3A_618 = arith.maximumf %max3A_604, %min3A_617 : vector<16xf32>
            %min3A_619 = arith.minimumf %max3A_604, %min3A_617 : vector<16xf32>
            %max3A_620 = arith.maximumf %max3A_606, %min3A_619 : vector<16xf32>
            %min3A_621 = arith.minimumf %max3A_606, %min3A_619 : vector<16xf32>
            %max3A_622 = arith.maximumf %max3A_608, %min3A_621 : vector<16xf32>
            %min3A_623 = arith.minimumf %max3A_608, %min3A_621 : vector<16xf32>
            %add3A_624 = arith.constant 40 : i32
            %add3A_625 = vector.broadcast %add3A_624 : i32 to vector<16xi32>
            %add3A_626 = arith.addi %broadcast_in_dim3A_133, %add3A_625 : vector<16xi32>
            %gather3A_627 = tpu.vector_load_idx %arg4[%broadcast_in_dim3A_116, %iota3A, %add3A_626] : memref<2x16x1025xf32, #tpu.memory_space<vmem>>[vector<16xi32>, vector<16xi32>, vector<16xi32>], vector<16xf32>,
            %max3A_628 = arith.maximumf %max3A_614, %gather3A_627 : vector<16xf32>
            %min3A_629 = arith.minimumf %max3A_614, %gather3A_627 : vector<16xf32>
            %max3A_630 = arith.maximumf %max3A_616, %min3A_629 : vector<16xf32>
            %min3A_631 = arith.minimumf %max3A_616, %min3A_629 : vector<16xf32>
            %max3A_632 = arith.maximumf %max3A_618, %min3A_631 : vector<16xf32>
            %min3A_633 = arith.minimumf %max3A_618, %min3A_631 : vector<16xf32>
            %max3A_634 = arith.maximumf %max3A_620, %min3A_633 : vector<16xf32>
            %min3A_635 = arith.minimumf %max3A_620, %min3A_633 : vector<16xf32>
            %max3A_636 = arith.maximumf %max3A_622, %min3A_635 : vector<16xf32>
            %min3A_637 = arith.minimumf %max3A_622, %min3A_635 : vector<16xf32>
            %add3A_638 = arith.constant 41 : i32
            %add3A_639 = vector.broadcast %add3A_638 : i32 to vector<16xi32>
            %add3A_640 = arith.addi %broadcast_in_dim3A_133, %add3A_639 : vector<16xi32>
            %gather3A_641 = tpu.vector_load_idx %arg4[%broadcast_in_dim3A_116, %iota3A, %add3A_640] : memref<2x16x1025xf32, #tpu.memory_space<vmem>>[vector<16xi32>, vector<16xi32>, vector<16xi32>], vector<16xf32>,
            %max3A_642 = arith.maximumf %max3A_628, %gather3A_641 : vector<16xf32>
            %min3A_643 = arith.minimumf %max3A_628, %gather3A_641 : vector<16xf32>
            %max3A_644 = arith.maximumf %max3A_630, %min3A_643 : vector<16xf32>
            %min3A_645 = arith.minimumf %max3A_630, %min3A_643 : vector<16xf32>
            %max3A_646 = arith.maximumf %max3A_632, %min3A_645 : vector<16xf32>
            %min3A_647 = arith.minimumf %max3A_632, %min3A_645 : vector<16xf32>
            %max3A_648 = arith.maximumf %max3A_634, %min3A_647 : vector<16xf32>
            %min3A_649 = arith.minimumf %max3A_634, %min3A_647 : vector<16xf32>
            %max3A_650 = arith.maximumf %max3A_636, %min3A_649 : vector<16xf32>
            %min3A_651 = arith.minimumf %max3A_636, %min3A_649 : vector<16xf32>
            %add3A_652 = arith.constant 42 : i32
            %add3A_653 = vector.broadcast %add3A_652 : i32 to vector<16xi32>
            %add3A_654 = arith.addi %broadcast_in_dim3A_133, %add3A_653 : vector<16xi32>
            %gather3A_655 = tpu.vector_load_idx %arg4[%broadcast_in_dim3A_116, %iota3A, %add3A_654] : memref<2x16x1025xf32, #tpu.memory_space<vmem>>[vector<16xi32>, vector<16xi32>, vector<16xi32>], vector<16xf32>,
            %max3A_656 = arith.maximumf %max3A_642, %gather3A_655 : vector<16xf32>
            %min3A_657 = arith.minimumf %max3A_642, %gather3A_655 : vector<16xf32>
            %max3A_658 = arith.maximumf %max3A_644, %min3A_657 : vector<16xf32>
            %min3A_659 = arith.minimumf %max3A_644, %min3A_657 : vector<16xf32>
            %max3A_660 = arith.maximumf %max3A_646, %min3A_659 : vector<16xf32>
            %min3A_661 = arith.minimumf %max3A_646, %min3A_659 : vector<16xf32>
            %max3A_662 = arith.maximumf %max3A_648, %min3A_661 : vector<16xf32>
            %min3A_663 = arith.minimumf %max3A_648, %min3A_661 : vector<16xf32>
            %max3A_664 = arith.maximumf %max3A_650, %min3A_663 : vector<16xf32>
            %min3A_665 = arith.minimumf %max3A_650, %min3A_663 : vector<16xf32>
            %add3A_666 = arith.constant 43 : i32
            %add3A_667 = vector.broadcast %add3A_666 : i32 to vector<16xi32>
            %add3A_668 = arith.addi %broadcast_in_dim3A_133, %add3A_667 : vector<16xi32>
            %gather3A_669 = tpu.vector_load_idx %arg4[%broadcast_in_dim3A_116, %iota3A, %add3A_668] : memref<2x16x1025xf32, #tpu.memory_space<vmem>>[vector<16xi32>, vector<16xi32>, vector<16xi32>], vector<16xf32>,
            %max3A_670 = arith.maximumf %max3A_656, %gather3A_669 : vector<16xf32>
            %min3A_671 = arith.minimumf %max3A_656, %gather3A_669 : vector<16xf32>
            %max3A_672 = arith.maximumf %max3A_658, %min3A_671 : vector<16xf32>
            %min3A_673 = arith.minimumf %max3A_658, %min3A_671 : vector<16xf32>
            %max3A_674 = arith.maximumf %max3A_660, %min3A_673 : vector<16xf32>
            %min3A_675 = arith.minimumf %max3A_660, %min3A_673 : vector<16xf32>
            %max3A_676 = arith.maximumf %max3A_662, %min3A_675 : vector<16xf32>
            %min3A_677 = arith.minimumf %max3A_662, %min3A_675 : vector<16xf32>
            %max3A_678 = arith.maximumf %max3A_664, %min3A_677 : vector<16xf32>
            %min3A_679 = arith.minimumf %max3A_664, %min3A_677 : vector<16xf32>
            %add3A_680 = arith.constant 44 : i32
            %add3A_681 = vector.broadcast %add3A_680 : i32 to vector<16xi32>
            %add3A_682 = arith.addi %broadcast_in_dim3A_133, %add3A_681 : vector<16xi32>
            %gather3A_683 = tpu.vector_load_idx %arg4[%broadcast_in_dim3A_116, %iota3A, %add3A_682] : memref<2x16x1025xf32, #tpu.memory_space<vmem>>[vector<16xi32>, vector<16xi32>, vector<16xi32>], vector<16xf32>,
            %max3A_684 = arith.maximumf %max3A_670, %gather3A_683 : vector<16xf32>
            %min3A_685 = arith.minimumf %max3A_670, %gather3A_683 : vector<16xf32>
            %max3A_686 = arith.maximumf %max3A_672, %min3A_685 : vector<16xf32>
            %min3A_687 = arith.minimumf %max3A_672, %min3A_685 : vector<16xf32>
            %max3A_688 = arith.maximumf %max3A_674, %min3A_687 : vector<16xf32>
            %min3A_689 = arith.minimumf %max3A_674, %min3A_687 : vector<16xf32>
            %max3A_690 = arith.maximumf %max3A_676, %min3A_689 : vector<16xf32>
            %min3A_691 = arith.minimumf %max3A_676, %min3A_689 : vector<16xf32>
            %max3A_692 = arith.maximumf %max3A_678, %min3A_691 : vector<16xf32>
            %min3A_693 = arith.minimumf %max3A_678, %min3A_691 : vector<16xf32>
            %add3A_694 = arith.constant 45 : i32
            %add3A_695 = vector.broadcast %add3A_694 : i32 to vector<16xi32>
            %add3A_696 = arith.addi %broadcast_in_dim3A_133, %add3A_695 : vector<16xi32>
            %gather3A_697 = tpu.vector_load_idx %arg4[%broadcast_in_dim3A_116, %iota3A, %add3A_696] : memref<2x16x1025xf32, #tpu.memory_space<vmem>>[vector<16xi32>, vector<16xi32>, vector<16xi32>], vector<16xf32>,
            %max3A_698 = arith.maximumf %max3A_684, %gather3A_697 : vector<16xf32>
            %min3A_699 = arith.minimumf %max3A_684, %gather3A_697 : vector<16xf32>
            %max3A_700 = arith.maximumf %max3A_686, %min3A_699 : vector<16xf32>
            %min3A_701 = arith.minimumf %max3A_686, %min3A_699 : vector<16xf32>
            %max3A_702 = arith.maximumf %max3A_688, %min3A_701 : vector<16xf32>
            %min3A_703 = arith.minimumf %max3A_688, %min3A_701 : vector<16xf32>
            %max3A_704 = arith.maximumf %max3A_690, %min3A_703 : vector<16xf32>
            %min3A_705 = arith.minimumf %max3A_690, %min3A_703 : vector<16xf32>
            %max3A_706 = arith.maximumf %max3A_692, %min3A_705 : vector<16xf32>
            %min3A_707 = arith.minimumf %max3A_692, %min3A_705 : vector<16xf32>
            %add3A_708 = arith.constant 46 : i32
            %add3A_709 = vector.broadcast %add3A_708 : i32 to vector<16xi32>
            %add3A_710 = arith.addi %broadcast_in_dim3A_133, %add3A_709 : vector<16xi32>
            %gather3A_711 = tpu.vector_load_idx %arg4[%broadcast_in_dim3A_116, %iota3A, %add3A_710] : memref<2x16x1025xf32, #tpu.memory_space<vmem>>[vector<16xi32>, vector<16xi32>, vector<16xi32>], vector<16xf32>,
            %max3A_712 = arith.maximumf %max3A_698, %gather3A_711 : vector<16xf32>
            %min3A_713 = arith.minimumf %max3A_698, %gather3A_711 : vector<16xf32>
            %max3A_714 = arith.maximumf %max3A_700, %min3A_713 : vector<16xf32>
            %min3A_715 = arith.minimumf %max3A_700, %min3A_713 : vector<16xf32>
            %max3A_716 = arith.maximumf %max3A_702, %min3A_715 : vector<16xf32>
            %min3A_717 = arith.minimumf %max3A_702, %min3A_715 : vector<16xf32>
            %max3A_718 = arith.maximumf %max3A_704, %min3A_717 : vector<16xf32>
            %min3A_719 = arith.minimumf %max3A_704, %min3A_717 : vector<16xf32>
            %max3A_720 = arith.maximumf %max3A_706, %min3A_719 : vector<16xf32>
            %min3A_721 = arith.minimumf %max3A_706, %min3A_719 : vector<16xf32>
            %add3A_722 = arith.constant 47 : i32
            %add3A_723 = vector.broadcast %add3A_722 : i32 to vector<16xi32>
            %add3A_724 = arith.addi %broadcast_in_dim3A_133, %add3A_723 : vector<16xi32>
            %gather3A_725 = tpu.vector_load_idx %arg4[%broadcast_in_dim3A_116, %iota3A, %add3A_724] : memref<2x16x1025xf32, #tpu.memory_space<vmem>>[vector<16xi32>, vector<16xi32>, vector<16xi32>], vector<16xf32>,
            %max3A_726 = arith.maximumf %max3A_712, %gather3A_725 : vector<16xf32>
            %min3A_727 = arith.minimumf %max3A_712, %gather3A_725 : vector<16xf32>
            %max3A_728 = arith.maximumf %max3A_714, %min3A_727 : vector<16xf32>
            %min3A_729 = arith.minimumf %max3A_714, %min3A_727 : vector<16xf32>
            %max3A_730 = arith.maximumf %max3A_716, %min3A_729 : vector<16xf32>
            %min3A_731 = arith.minimumf %max3A_716, %min3A_729 : vector<16xf32>
            %max3A_732 = arith.maximumf %max3A_718, %min3A_731 : vector<16xf32>
            %min3A_733 = arith.minimumf %max3A_718, %min3A_731 : vector<16xf32>
            %max3A_734 = arith.maximumf %max3A_720, %min3A_733 : vector<16xf32>
            %min3A_735 = arith.minimumf %max3A_720, %min3A_733 : vector<16xf32>
            %swap3A = arith.constant 0 : i32
            %swap3A_736 = arith.index_cast %swap3A : i32 to index
            %swap3A_737 = arith.constant 0 : index
            %swap3A_738 = tpu.vector_load %arg5[%swap3A_736, %swap3A_737] {strides = array<i32>} : memref<5x16xf32, #tpu.memory_space<vmem>>, vector<16xf32>,
            tpu.vector_store %arg5[%swap3A_736, %swap3A_737], %max3A_726 {strides = array<i32>} : memref<5x16xf32, #tpu.memory_space<vmem>>, vector<16xf32>,
            %swap3A_739 = arith.constant 1 : i32
            %swap3A_740 = arith.index_cast %swap3A_739 : i32 to index
            %swap3A_741 = arith.constant 0 : index
            %swap3A_742 = tpu.vector_load %arg5[%swap3A_740, %swap3A_741] {strides = array<i32>} : memref<5x16xf32, #tpu.memory_space<vmem>>, vector<16xf32>,
            tpu.vector_store %arg5[%swap3A_740, %swap3A_741], %max3A_728 {strides = array<i32>} : memref<5x16xf32, #tpu.memory_space<vmem>>, vector<16xf32>,
            %swap3A_743 = arith.constant 2 : i32
            %swap3A_744 = arith.index_cast %swap3A_743 : i32 to index
            %swap3A_745 = arith.constant 0 : index
            %swap3A_746 = tpu.vector_load %arg5[%swap3A_744, %swap3A_745] {strides = array<i32>} : memref<5x16xf32, #tpu.memory_space<vmem>>, vector<16xf32>,
            tpu.vector_store %arg5[%swap3A_744, %swap3A_745], %max3A_730 {strides = array<i32>} : memref<5x16xf32, #tpu.memory_space<vmem>>, vector<16xf32>,
            %swap3A_747 = arith.constant 3 : i32
            %swap3A_748 = arith.index_cast %swap3A_747 : i32 to index
            %swap3A_749 = arith.constant 0 : index
            %swap3A_750 = tpu.vector_load %arg5[%swap3A_748, %swap3A_749] {strides = array<i32>} : memref<5x16xf32, #tpu.memory_space<vmem>>, vector<16xf32>,
            tpu.vector_store %arg5[%swap3A_748, %swap3A_749], %max3A_732 {strides = array<i32>} : memref<5x16xf32, #tpu.memory_space<vmem>>, vector<16xf32>,
            %swap3A_751 = arith.constant 4 : i32
            %swap3A_752 = arith.index_cast %swap3A_751 : i32 to index
            %swap3A_753 = arith.constant 0 : index
            %swap3A_754 = tpu.vector_load %arg5[%swap3A_752, %swap3A_753] {strides = array<i32>} : memref<5x16xf32, #tpu.memory_space<vmem>>, vector<16xf32>,
            tpu.vector_store %arg5[%swap3A_752, %swap3A_753], %max3A_734 {strides = array<i32>} : memref<5x16xf32, #tpu.memory_space<vmem>>, vector<16xf32>,
          } else {
          }
          %all_reduce_population_count3A_485 = tpu.all_reduce %gt3A_453 {dim = 0 : i64, kind = #tpu.reduction_kind<sum>} : vector<16xi1> -> vector<16xi32>
          %slice3A_486 = vector.extract_strided_slice %all_reduce_population_count3A_485 {offsets = [0], sizes = [1], strides = [1]} : vector<16xi32> to vector<1xi32>
          %squeeze3A_487 = vector.extract %slice3A_486[0] : i32 from vector<1xi32>
          %gt3A_488 = arith.constant 0 : i32
          %gt3A_489 = arith.cmpi sgt, %squeeze3A_487, %gt3A_488 : i32
          %convert_element_type3A_490 = arith.extui %gt3A_489 : i1 to i32
          %cond3A_491 = arith.constant 0 : i32
          %cond3A_492 = arith.cmpi ne, %convert_element_type3A_490, %cond3A_491 : i32
          scf.if %cond3A_492 {
            %get3A_493 = arith.constant 0 : i32
            %get3A_494 = arith.index_cast %get3A_493 : i32 to index
            %get3A_495 = arith.constant 0 : index
            %get3A_496 = tpu.vector_load %arg5[%get3A_494, %get3A_495] {strides = array<i32>} : memref<5x16xf32, #tpu.memory_space<vmem>>, vector<16xf32>,
            %get3A_497 = arith.constant 1 : i32
            %get3A_498 = arith.index_cast %get3A_497 : i32 to index
            %get3A_499 = arith.constant 0 : index
            %get3A_500 = tpu.vector_load %arg5[%get3A_498, %get3A_499] {strides = array<i32>} : memref<5x16xf32, #tpu.memory_space<vmem>>, vector<16xf32>,
            %get3A_501 = arith.constant 2 : i32
            %get3A_502 = arith.index_cast %get3A_501 : i32 to index
            %get3A_503 = arith.constant 0 : index
            %get3A_504 = tpu.vector_load %arg5[%get3A_502, %get3A_503] {strides = array<i32>} : memref<5x16xf32, #tpu.memory_space<vmem>>, vector<16xf32>,
            %get3A_505 = arith.constant 3 : i32
            %get3A_506 = arith.index_cast %get3A_505 : i32 to index
            %get3A_507 = arith.constant 0 : index
            %get3A_508 = tpu.vector_load %arg5[%get3A_506, %get3A_507] {strides = array<i32>} : memref<5x16xf32, #tpu.memory_space<vmem>>, vector<16xf32>,
            %get3A_509 = arith.constant 4 : i32
            %get3A_510 = arith.index_cast %get3A_509 : i32 to index
            %get3A_511 = arith.constant 0 : index
            %get3A_512 = tpu.vector_load %arg5[%get3A_510, %get3A_511] {strides = array<i32>} : memref<5x16xf32, #tpu.memory_space<vmem>>, vector<16xf32>,
            %add3A_513 = arith.constant 48 : i32
            %add3A_514 = vector.broadcast %add3A_513 : i32 to vector<16xi32>
            %add3A_515 = arith.addi %broadcast_in_dim3A_133, %add3A_514 : vector<16xi32>
            %gather3A_516 = tpu.vector_load_idx %arg4[%broadcast_in_dim3A_116, %iota3A, %add3A_515] : memref<2x16x1025xf32, #tpu.memory_space<vmem>>[vector<16xi32>, vector<16xi32>, vector<16xi32>], vector<16xf32>,
            %max3A_517 = arith.maximumf %get3A_496, %gather3A_516 : vector<16xf32>
            %min3A = arith.minimumf %get3A_496, %gather3A_516 : vector<16xf32>
            %max3A_518 = arith.maximumf %get3A_500, %min3A : vector<16xf32>
            %min3A_519 = arith.minimumf %get3A_500, %min3A : vector<16xf32>
            %max3A_520 = arith.maximumf %get3A_504, %min3A_519 : vector<16xf32>
            %min3A_521 = arith.minimumf %get3A_504, %min3A_519 : vector<16xf32>
            %max3A_522 = arith.maximumf %get3A_508, %min3A_521 : vector<16xf32>
            %min3A_523 = arith.minimumf %get3A_508, %min3A_521 : vector<16xf32>
            %max3A_524 = arith.maximumf %get3A_512, %min3A_523 : vector<16xf32>
            %min3A_525 = arith.minimumf %get3A_512, %min3A_523 : vector<16xf32>
            %add3A_526 = arith.constant 49 : i32
            %add3A_527 = vector.broadcast %add3A_526 : i32 to vector<16xi32>
            %add3A_528 = arith.addi %broadcast_in_dim3A_133, %add3A_527 : vector<16xi32>
            %gather3A_529 = tpu.vector_load_idx %arg4[%broadcast_in_dim3A_116, %iota3A, %add3A_528] : memref<2x16x1025xf32, #tpu.memory_space<vmem>>[vector<16xi32>, vector<16xi32>, vector<16xi32>], vector<16xf32>,
            %max3A_530 = arith.maximumf %max3A_517, %gather3A_529 : vector<16xf32>
            %min3A_531 = arith.minimumf %max3A_517, %gather3A_529 : vector<16xf32>
            %max3A_532 = arith.maximumf %max3A_518, %min3A_531 : vector<16xf32>
            %min3A_533 = arith.minimumf %max3A_518, %min3A_531 : vector<16xf32>
            %max3A_534 = arith.maximumf %max3A_520, %min3A_533 : vector<16xf32>
            %min3A_535 = arith.minimumf %max3A_520, %min3A_533 : vector<16xf32>
            %max3A_536 = arith.maximumf %max3A_522, %min3A_535 : vector<16xf32>
            %min3A_537 = arith.minimumf %max3A_522, %min3A_535 : vector<16xf32>
            %max3A_538 = arith.maximumf %max3A_524, %min3A_537 : vector<16xf32>
            %min3A_539 = arith.minimumf %max3A_524, %min3A_537 : vector<16xf32>
            %add3A_540 = arith.constant 50 : i32
            %add3A_541 = vector.broadcast %add3A_540 : i32 to vector<16xi32>
            %add3A_542 = arith.addi %broadcast_in_dim3A_133, %add3A_541 : vector<16xi32>
            %gather3A_543 = tpu.vector_load_idx %arg4[%broadcast_in_dim3A_116, %iota3A, %add3A_542] : memref<2x16x1025xf32, #tpu.memory_space<vmem>>[vector<16xi32>, vector<16xi32>, vector<16xi32>], vector<16xf32>,
            %max3A_544 = arith.maximumf %max3A_530, %gather3A_543 : vector<16xf32>
            %min3A_545 = arith.minimumf %max3A_530, %gather3A_543 : vector<16xf32>
            %max3A_546 = arith.maximumf %max3A_532, %min3A_545 : vector<16xf32>
            %min3A_547 = arith.minimumf %max3A_532, %min3A_545 : vector<16xf32>
            %max3A_548 = arith.maximumf %max3A_534, %min3A_547 : vector<16xf32>
            %min3A_549 = arith.minimumf %max3A_534, %min3A_547 : vector<16xf32>
            %max3A_550 = arith.maximumf %max3A_536, %min3A_549 : vector<16xf32>
            %min3A_551 = arith.minimumf %max3A_536, %min3A_549 : vector<16xf32>
            %max3A_552 = arith.maximumf %max3A_538, %min3A_551 : vector<16xf32>
            %min3A_553 = arith.minimumf %max3A_538, %min3A_551 : vector<16xf32>
            %add3A_554 = arith.constant 51 : i32
            %add3A_555 = vector.broadcast %add3A_554 : i32 to vector<16xi32>
            %add3A_556 = arith.addi %broadcast_in_dim3A_133, %add3A_555 : vector<16xi32>
            %gather3A_557 = tpu.vector_load_idx %arg4[%broadcast_in_dim3A_116, %iota3A, %add3A_556] : memref<2x16x1025xf32, #tpu.memory_space<vmem>>[vector<16xi32>, vector<16xi32>, vector<16xi32>], vector<16xf32>,
            %max3A_558 = arith.maximumf %max3A_544, %gather3A_557 : vector<16xf32>
            %min3A_559 = arith.minimumf %max3A_544, %gather3A_557 : vector<16xf32>
            %max3A_560 = arith.maximumf %max3A_546, %min3A_559 : vector<16xf32>
            %min3A_561 = arith.minimumf %max3A_546, %min3A_559 : vector<16xf32>
            %max3A_562 = arith.maximumf %max3A_548, %min3A_561 : vector<16xf32>
            %min3A_563 = arith.minimumf %max3A_548, %min3A_561 : vector<16xf32>
            %max3A_564 = arith.maximumf %max3A_550, %min3A_563 : vector<16xf32>
            %min3A_565 = arith.minimumf %max3A_550, %min3A_563 : vector<16xf32>
            %max3A_566 = arith.maximumf %max3A_552, %min3A_565 : vector<16xf32>
            %min3A_567 = arith.minimumf %max3A_552, %min3A_565 : vector<16xf32>
            %add3A_568 = arith.constant 52 : i32
            %add3A_569 = vector.broadcast %add3A_568 : i32 to vector<16xi32>
            %add3A_570 = arith.addi %broadcast_in_dim3A_133, %add3A_569 : vector<16xi32>
            %gather3A_571 = tpu.vector_load_idx %arg4[%broadcast_in_dim3A_116, %iota3A, %add3A_570] : memref<2x16x1025xf32, #tpu.memory_space<vmem>>[vector<16xi32>, vector<16xi32>, vector<16xi32>], vector<16xf32>,
            %max3A_572 = arith.maximumf %max3A_558, %gather3A_571 : vector<16xf32>
            %min3A_573 = arith.minimumf %max3A_558, %gather3A_571 : vector<16xf32>
            %max3A_574 = arith.maximumf %max3A_560, %min3A_573 : vector<16xf32>
            %min3A_575 = arith.minimumf %max3A_560, %min3A_573 : vector<16xf32>
            %max3A_576 = arith.maximumf %max3A_562, %min3A_575 : vector<16xf32>
            %min3A_577 = arith.minimumf %max3A_562, %min3A_575 : vector<16xf32>
            %max3A_578 = arith.maximumf %max3A_564, %min3A_577 : vector<16xf32>
            %min3A_579 = arith.minimumf %max3A_564, %min3A_577 : vector<16xf32>
            %max3A_580 = arith.maximumf %max3A_566, %min3A_579 : vector<16xf32>
            %min3A_581 = arith.minimumf %max3A_566, %min3A_579 : vector<16xf32>
            %add3A_582 = arith.constant 53 : i32
            %add3A_583 = vector.broadcast %add3A_582 : i32 to vector<16xi32>
            %add3A_584 = arith.addi %broadcast_in_dim3A_133, %add3A_583 : vector<16xi32>
            %gather3A_585 = tpu.vector_load_idx %arg4[%broadcast_in_dim3A_116, %iota3A, %add3A_584] : memref<2x16x1025xf32, #tpu.memory_space<vmem>>[vector<16xi32>, vector<16xi32>, vector<16xi32>], vector<16xf32>,
            %max3A_586 = arith.maximumf %max3A_572, %gather3A_585 : vector<16xf32>
            %min3A_587 = arith.minimumf %max3A_572, %gather3A_585 : vector<16xf32>
            %max3A_588 = arith.maximumf %max3A_574, %min3A_587 : vector<16xf32>
            %min3A_589 = arith.minimumf %max3A_574, %min3A_587 : vector<16xf32>
            %max3A_590 = arith.maximumf %max3A_576, %min3A_589 : vector<16xf32>
            %min3A_591 = arith.minimumf %max3A_576, %min3A_589 : vector<16xf32>
            %max3A_592 = arith.maximumf %max3A_578, %min3A_591 : vector<16xf32>
            %min3A_593 = arith.minimumf %max3A_578, %min3A_591 : vector<16xf32>
            %max3A_594 = arith.maximumf %max3A_580, %min3A_593 : vector<16xf32>
            %min3A_595 = arith.minimumf %max3A_580, %min3A_593 : vector<16xf32>
            %add3A_596 = arith.constant 54 : i32
            %add3A_597 = vector.broadcast %add3A_596 : i32 to vector<16xi32>
            %add3A_598 = arith.addi %broadcast_in_dim3A_133, %add3A_597 : vector<16xi32>
            %gather3A_599 = tpu.vector_load_idx %arg4[%broadcast_in_dim3A_116, %iota3A, %add3A_598] : memref<2x16x1025xf32, #tpu.memory_space<vmem>>[vector<16xi32>, vector<16xi32>, vector<16xi32>], vector<16xf32>,
            %max3A_600 = arith.maximumf %max3A_586, %gather3A_599 : vector<16xf32>
            %min3A_601 = arith.minimumf %max3A_586, %gather3A_599 : vector<16xf32>
            %max3A_602 = arith.maximumf %max3A_588, %min3A_601 : vector<16xf32>
            %min3A_603 = arith.minimumf %max3A_588, %min3A_601 : vector<16xf32>
            %max3A_604 = arith.maximumf %max3A_590, %min3A_603 : vector<16xf32>
            %min3A_605 = arith.minimumf %max3A_590, %min3A_603 : vector<16xf32>
            %max3A_606 = arith.maximumf %max3A_592, %min3A_605 : vector<16xf32>
            %min3A_607 = arith.minimumf %max3A_592, %min3A_605 : vector<16xf32>
            %max3A_608 = arith.maximumf %max3A_594, %min3A_607 : vector<16xf32>
            %min3A_609 = arith.minimumf %max3A_594, %min3A_607 : vector<16xf32>
            %add3A_610 = arith.constant 55 : i32
            %add3A_611 = vector.broadcast %add3A_610 : i32 to vector<16xi32>
            %add3A_612 = arith.addi %broadcast_in_dim3A_133, %add3A_611 : vector<16xi32>
            %gather3A_613 = tpu.vector_load_idx %arg4[%broadcast_in_dim3A_116, %iota3A, %add3A_612] : memref<2x16x1025xf32, #tpu.memory_space<vmem>>[vector<16xi32>, vector<16xi32>, vector<16xi32>], vector<16xf32>,
            %max3A_614 = arith.maximumf %max3A_600, %gather3A_613 : vector<16xf32>
            %min3A_615 = arith.minimumf %max3A_600, %gather3A_613 : vector<16xf32>
            %max3A_616 = arith.maximumf %max3A_602, %min3A_615 : vector<16xf32>
            %min3A_617 = arith.minimumf %max3A_602, %min3A_615 : vector<16xf32>
            %max3A_618 = arith.maximumf %max3A_604, %min3A_617 : vector<16xf32>
            %min3A_619 = arith.minimumf %max3A_604, %min3A_617 : vector<16xf32>
            %max3A_620 = arith.maximumf %max3A_606, %min3A_619 : vector<16xf32>
            %min3A_621 = arith.minimumf %max3A_606, %min3A_619 : vector<16xf32>
            %max3A_622 = arith.maximumf %max3A_608, %min3A_621 : vector<16xf32>
            %min3A_623 = arith.minimumf %max3A_608, %min3A_621 : vector<16xf32>
            %add3A_624 = arith.constant 56 : i32
            %add3A_625 = vector.broadcast %add3A_624 : i32 to vector<16xi32>
            %add3A_626 = arith.addi %broadcast_in_dim3A_133, %add3A_625 : vector<16xi32>
            %gather3A_627 = tpu.vector_load_idx %arg4[%broadcast_in_dim3A_116, %iota3A, %add3A_626] : memref<2x16x1025xf32, #tpu.memory_space<vmem>>[vector<16xi32>, vector<16xi32>, vector<16xi32>], vector<16xf32>,
            %max3A_628 = arith.maximumf %max3A_614, %gather3A_627 : vector<16xf32>
            %min3A_629 = arith.minimumf %max3A_614, %gather3A_627 : vector<16xf32>
            %max3A_630 = arith.maximumf %max3A_616, %min3A_629 : vector<16xf32>
            %min3A_631 = arith.minimumf %max3A_616, %min3A_629 : vector<16xf32>
            %max3A_632 = arith.maximumf %max3A_618, %min3A_631 : vector<16xf32>
            %min3A_633 = arith.minimumf %max3A_618, %min3A_631 : vector<16xf32>
            %max3A_634 = arith.maximumf %max3A_620, %min3A_633 : vector<16xf32>
            %min3A_635 = arith.minimumf %max3A_620, %min3A_633 : vector<16xf32>
            %max3A_636 = arith.maximumf %max3A_622, %min3A_635 : vector<16xf32>
            %min3A_637 = arith.minimumf %max3A_622, %min3A_635 : vector<16xf32>
            %add3A_638 = arith.constant 57 : i32
            %add3A_639 = vector.broadcast %add3A_638 : i32 to vector<16xi32>
            %add3A_640 = arith.addi %broadcast_in_dim3A_133, %add3A_639 : vector<16xi32>
            %gather3A_641 = tpu.vector_load_idx %arg4[%broadcast_in_dim3A_116, %iota3A, %add3A_640] : memref<2x16x1025xf32, #tpu.memory_space<vmem>>[vector<16xi32>, vector<16xi32>, vector<16xi32>], vector<16xf32>,
            %max3A_642 = arith.maximumf %max3A_628, %gather3A_641 : vector<16xf32>
            %min3A_643 = arith.minimumf %max3A_628, %gather3A_641 : vector<16xf32>
            %max3A_644 = arith.maximumf %max3A_630, %min3A_643 : vector<16xf32>
            %min3A_645 = arith.minimumf %max3A_630, %min3A_643 : vector<16xf32>
            %max3A_646 = arith.maximumf %max3A_632, %min3A_645 : vector<16xf32>
            %min3A_647 = arith.minimumf %max3A_632, %min3A_645 : vector<16xf32>
            %max3A_648 = arith.maximumf %max3A_634, %min3A_647 : vector<16xf32>
            %min3A_649 = arith.minimumf %max3A_634, %min3A_647 : vector<16xf32>
            %max3A_650 = arith.maximumf %max3A_636, %min3A_649 : vector<16xf32>
            %min3A_651 = arith.minimumf %max3A_636, %min3A_649 : vector<16xf32>
            %add3A_652 = arith.constant 58 : i32
            %add3A_653 = vector.broadcast %add3A_652 : i32 to vector<16xi32>
            %add3A_654 = arith.addi %broadcast_in_dim3A_133, %add3A_653 : vector<16xi32>
            %gather3A_655 = tpu.vector_load_idx %arg4[%broadcast_in_dim3A_116, %iota3A, %add3A_654] : memref<2x16x1025xf32, #tpu.memory_space<vmem>>[vector<16xi32>, vector<16xi32>, vector<16xi32>], vector<16xf32>,
            %max3A_656 = arith.maximumf %max3A_642, %gather3A_655 : vector<16xf32>
            %min3A_657 = arith.minimumf %max3A_642, %gather3A_655 : vector<16xf32>
            %max3A_658 = arith.maximumf %max3A_644, %min3A_657 : vector<16xf32>
            %min3A_659 = arith.minimumf %max3A_644, %min3A_657 : vector<16xf32>
            %max3A_660 = arith.maximumf %max3A_646, %min3A_659 : vector<16xf32>
            %min3A_661 = arith.minimumf %max3A_646, %min3A_659 : vector<16xf32>
            %max3A_662 = arith.maximumf %max3A_648, %min3A_661 : vector<16xf32>
            %min3A_663 = arith.minimumf %max3A_648, %min3A_661 : vector<16xf32>
            %max3A_664 = arith.maximumf %max3A_650, %min3A_663 : vector<16xf32>
            %min3A_665 = arith.minimumf %max3A_650, %min3A_663 : vector<16xf32>
            %add3A_666 = arith.constant 59 : i32
            %add3A_667 = vector.broadcast %add3A_666 : i32 to vector<16xi32>
            %add3A_668 = arith.addi %broadcast_in_dim3A_133, %add3A_667 : vector<16xi32>
            %gather3A_669 = tpu.vector_load_idx %arg4[%broadcast_in_dim3A_116, %iota3A, %add3A_668] : memref<2x16x1025xf32, #tpu.memory_space<vmem>>[vector<16xi32>, vector<16xi32>, vector<16xi32>], vector<16xf32>,
            %max3A_670 = arith.maximumf %max3A_656, %gather3A_669 : vector<16xf32>
            %min3A_671 = arith.minimumf %max3A_656, %gather3A_669 : vector<16xf32>
            %max3A_672 = arith.maximumf %max3A_658, %min3A_671 : vector<16xf32>
            %min3A_673 = arith.minimumf %max3A_658, %min3A_671 : vector<16xf32>
            %max3A_674 = arith.maximumf %max3A_660, %min3A_673 : vector<16xf32>
            %min3A_675 = arith.minimumf %max3A_660, %min3A_673 : vector<16xf32>
            %max3A_676 = arith.maximumf %max3A_662, %min3A_675 : vector<16xf32>
            %min3A_677 = arith.minimumf %max3A_662, %min3A_675 : vector<16xf32>
            %max3A_678 = arith.maximumf %max3A_664, %min3A_677 : vector<16xf32>
            %min3A_679 = arith.minimumf %max3A_664, %min3A_677 : vector<16xf32>
            %add3A_680 = arith.constant 60 : i32
            %add3A_681 = vector.broadcast %add3A_680 : i32 to vector<16xi32>
            %add3A_682 = arith.addi %broadcast_in_dim3A_133, %add3A_681 : vector<16xi32>
            %gather3A_683 = tpu.vector_load_idx %arg4[%broadcast_in_dim3A_116, %iota3A, %add3A_682] : memref<2x16x1025xf32, #tpu.memory_space<vmem>>[vector<16xi32>, vector<16xi32>, vector<16xi32>], vector<16xf32>,
            %max3A_684 = arith.maximumf %max3A_670, %gather3A_683 : vector<16xf32>
            %min3A_685 = arith.minimumf %max3A_670, %gather3A_683 : vector<16xf32>
            %max3A_686 = arith.maximumf %max3A_672, %min3A_685 : vector<16xf32>
            %min3A_687 = arith.minimumf %max3A_672, %min3A_685 : vector<16xf32>
            %max3A_688 = arith.maximumf %max3A_674, %min3A_687 : vector<16xf32>
            %min3A_689 = arith.minimumf %max3A_674, %min3A_687 : vector<16xf32>
            %max3A_690 = arith.maximumf %max3A_676, %min3A_689 : vector<16xf32>
            %min3A_691 = arith.minimumf %max3A_676, %min3A_689 : vector<16xf32>
            %max3A_692 = arith.maximumf %max3A_678, %min3A_691 : vector<16xf32>
            %min3A_693 = arith.minimumf %max3A_678, %min3A_691 : vector<16xf32>
            %add3A_694 = arith.constant 61 : i32
            %add3A_695 = vector.broadcast %add3A_694 : i32 to vector<16xi32>
            %add3A_696 = arith.addi %broadcast_in_dim3A_133, %add3A_695 : vector<16xi32>
            %gather3A_697 = tpu.vector_load_idx %arg4[%broadcast_in_dim3A_116, %iota3A, %add3A_696] : memref<2x16x1025xf32, #tpu.memory_space<vmem>>[vector<16xi32>, vector<16xi32>, vector<16xi32>], vector<16xf32>,
            %max3A_698 = arith.maximumf %max3A_684, %gather3A_697 : vector<16xf32>
            %min3A_699 = arith.minimumf %max3A_684, %gather3A_697 : vector<16xf32>
            %max3A_700 = arith.maximumf %max3A_686, %min3A_699 : vector<16xf32>
            %min3A_701 = arith.minimumf %max3A_686, %min3A_699 : vector<16xf32>
            %max3A_702 = arith.maximumf %max3A_688, %min3A_701 : vector<16xf32>
            %min3A_703 = arith.minimumf %max3A_688, %min3A_701 : vector<16xf32>
            %max3A_704 = arith.maximumf %max3A_690, %min3A_703 : vector<16xf32>
            %min3A_705 = arith.minimumf %max3A_690, %min3A_703 : vector<16xf32>
            %max3A_706 = arith.maximumf %max3A_692, %min3A_705 : vector<16xf32>
            %min3A_707 = arith.minimumf %max3A_692, %min3A_705 : vector<16xf32>
            %add3A_708 = arith.constant 62 : i32
            %add3A_709 = vector.broadcast %add3A_708 : i32 to vector<16xi32>
            %add3A_710 = arith.addi %broadcast_in_dim3A_133, %add3A_709 : vector<16xi32>
            %gather3A_711 = tpu.vector_load_idx %arg4[%broadcast_in_dim3A_116, %iota3A, %add3A_710] : memref<2x16x1025xf32, #tpu.memory_space<vmem>>[vector<16xi32>, vector<16xi32>, vector<16xi32>], vector<16xf32>,
            %max3A_712 = arith.maximumf %max3A_698, %gather3A_711 : vector<16xf32>
            %min3A_713 = arith.minimumf %max3A_698, %gather3A_711 : vector<16xf32>
            %max3A_714 = arith.maximumf %max3A_700, %min3A_713 : vector<16xf32>
            %min3A_715 = arith.minimumf %max3A_700, %min3A_713 : vector<16xf32>
            %max3A_716 = arith.maximumf %max3A_702, %min3A_715 : vector<16xf32>
            %min3A_717 = arith.minimumf %max3A_702, %min3A_715 : vector<16xf32>
            %max3A_718 = arith.maximumf %max3A_704, %min3A_717 : vector<16xf32>
            %min3A_719 = arith.minimumf %max3A_704, %min3A_717 : vector<16xf32>
            %max3A_720 = arith.maximumf %max3A_706, %min3A_719 : vector<16xf32>
            %min3A_721 = arith.minimumf %max3A_706, %min3A_719 : vector<16xf32>
            %add3A_722 = arith.constant 63 : i32
            %add3A_723 = vector.broadcast %add3A_722 : i32 to vector<16xi32>
            %add3A_724 = arith.addi %broadcast_in_dim3A_133, %add3A_723 : vector<16xi32>
            %gather3A_725 = tpu.vector_load_idx %arg4[%broadcast_in_dim3A_116, %iota3A, %add3A_724] : memref<2x16x1025xf32, #tpu.memory_space<vmem>>[vector<16xi32>, vector<16xi32>, vector<16xi32>], vector<16xf32>,
            %max3A_726 = arith.maximumf %max3A_712, %gather3A_725 : vector<16xf32>
            %min3A_727 = arith.minimumf %max3A_712, %gather3A_725 : vector<16xf32>
            %max3A_728 = arith.maximumf %max3A_714, %min3A_727 : vector<16xf32>
            %min3A_729 = arith.minimumf %max3A_714, %min3A_727 : vector<16xf32>
            %max3A_730 = arith.maximumf %max3A_716, %min3A_729 : vector<16xf32>
            %min3A_731 = arith.minimumf %max3A_716, %min3A_729 : vector<16xf32>
            %max3A_732 = arith.maximumf %max3A_718, %min3A_731 : vector<16xf32>
            %min3A_733 = arith.minimumf %max3A_718, %min3A_731 : vector<16xf32>
            %max3A_734 = arith.maximumf %max3A_720, %min3A_733 : vector<16xf32>
            %min3A_735 = arith.minimumf %max3A_720, %min3A_733 : vector<16xf32>
            %swap3A = arith.constant 0 : i32
            %swap3A_736 = arith.index_cast %swap3A : i32 to index
            %swap3A_737 = arith.constant 0 : index
            %swap3A_738 = tpu.vector_load %arg5[%swap3A_736, %swap3A_737] {strides = array<i32>} : memref<5x16xf32, #tpu.memory_space<vmem>>, vector<16xf32>,
            tpu.vector_store %arg5[%swap3A_736, %swap3A_737], %max3A_726 {strides = array<i32>} : memref<5x16xf32, #tpu.memory_space<vmem>>, vector<16xf32>,
            %swap3A_739 = arith.constant 1 : i32
            %swap3A_740 = arith.index_cast %swap3A_739 : i32 to index
            %swap3A_741 = arith.constant 0 : index
            %swap3A_742 = tpu.vector_load %arg5[%swap3A_740, %swap3A_741] {strides = array<i32>} : memref<5x16xf32, #tpu.memory_space<vmem>>, vector<16xf32>,
            tpu.vector_store %arg5[%swap3A_740, %swap3A_741], %max3A_728 {strides = array<i32>} : memref<5x16xf32, #tpu.memory_space<vmem>>, vector<16xf32>,
            %swap3A_743 = arith.constant 2 : i32
            %swap3A_744 = arith.index_cast %swap3A_743 : i32 to index
            %swap3A_745 = arith.constant 0 : index
            %swap3A_746 = tpu.vector_load %arg5[%swap3A_744, %swap3A_745] {strides = array<i32>} : memref<5x16xf32, #tpu.memory_space<vmem>>, vector<16xf32>,
            tpu.vector_store %arg5[%swap3A_744, %swap3A_745], %max3A_730 {strides = array<i32>} : memref<5x16xf32, #tpu.memory_space<vmem>>, vector<16xf32>,
            %swap3A_747 = arith.constant 3 : i32
            %swap3A_748 = arith.index_cast %swap3A_747 : i32 to index
            %swap3A_749 = arith.constant 0 : index
            %swap3A_750 = tpu.vector_load %arg5[%swap3A_748, %swap3A_749] {strides = array<i32>} : memref<5x16xf32, #tpu.memory_space<vmem>>, vector<16xf32>,
            tpu.vector_store %arg5[%swap3A_748, %swap3A_749], %max3A_732 {strides = array<i32>} : memref<5x16xf32, #tpu.memory_space<vmem>>, vector<16xf32>,
            %swap3A_751 = arith.constant 4 : i32
            %swap3A_752 = arith.index_cast %swap3A_751 : i32 to index
            %swap3A_753 = arith.constant 0 : index
            %swap3A_754 = tpu.vector_load %arg5[%swap3A_752, %swap3A_753] {strides = array<i32>} : memref<5x16xf32, #tpu.memory_space<vmem>>, vector<16xf32>,
            tpu.vector_store %arg5[%swap3A_752, %swap3A_753], %max3A_734 {strides = array<i32>} : memref<5x16xf32, #tpu.memory_space<vmem>>, vector<16xf32>,
          } else {
          }
        } else {
        }
      }
      %scan3A_122 = arith.constant 16 : i32
      %and3A_123 = arith.constant 31 : i32
      %and3A_124 = arith.andi %add3A_90, %and3A_123 : i32
      %eq3A_125 = arith.constant 31 : i32
      %eq3A_126 = arith.cmpi eq, %and3A_124, %eq3A_125 : i32
      %convert_element_type3A_127 = arith.extui %eq3A_126 : i1 to i32
      %cond3A_128 = arith.constant 0 : i32
      %cond3A_129 = arith.cmpi ne, %convert_element_type3A_127, %cond3A_128 : i32
      scf.if %cond3A_129 {
        %shift_right_logical3A_130 = arith.constant 5 : i32
        %shift_right_logical3A_131 = arith.shrui %add3A_90, %shift_right_logical3A_130 : i32
        %get3A = arith.constant 0 : i32
        %get3A_132 = arith.index_cast %get3A : i32 to index
        %get3A_133 = arith.constant 0 : index
        %get3A_134 = tpu.vector_load %arg5[%get3A_132, %get3A_133] {strides = array<i32>} : memref<5x16xf32, #tpu.memory_space<vmem>>, vector<16xf32>,
        %get3A_135 = arith.constant 1 : i32
        %get3A_136 = arith.index_cast %get3A_135 : i32 to index
        %get3A_137 = arith.constant 0 : index
        %get3A_138 = tpu.vector_load %arg5[%get3A_136, %get3A_137] {strides = array<i32>} : memref<5x16xf32, #tpu.memory_space<vmem>>, vector<16xf32>,
        %add3A_139 = arith.addf %get3A_134, %get3A_138 : vector<16xf32>
        %get3A_140 = arith.constant 2 : i32
        %get3A_141 = arith.index_cast %get3A_140 : i32 to index
        %get3A_142 = arith.constant 0 : index
        %get3A_143 = tpu.vector_load %arg5[%get3A_141, %get3A_142] {strides = array<i32>} : memref<5x16xf32, #tpu.memory_space<vmem>>, vector<16xf32>,
        %add3A_144 = arith.addf %add3A_139, %get3A_143 : vector<16xf32>
        %get3A_145 = arith.constant 3 : i32
        %get3A_146 = arith.index_cast %get3A_145 : i32 to index
        %get3A_147 = arith.constant 0 : index
        %get3A_148 = tpu.vector_load %arg5[%get3A_146, %get3A_147] {strides = array<i32>} : memref<5x16xf32, #tpu.memory_space<vmem>>, vector<16xf32>,
        %add3A_149 = arith.addf %add3A_144, %get3A_148 : vector<16xf32>
        %get3A_150 = arith.constant 4 : i32
        %get3A_151 = arith.index_cast %get3A_150 : i32 to index
        %get3A_152 = arith.constant 0 : index
        %get3A_153 = tpu.vector_load %arg5[%get3A_151, %get3A_152] {strides = array<i32>} : memref<5x16xf32, #tpu.memory_space<vmem>>, vector<16xf32>,
        %add3A_154 = arith.addf %add3A_149, %get3A_153 : vector<16xf32>
        %mul3A_155 = arith.constant 2.000000e-01 : f32
        %mul3A_156 = vector.broadcast %mul3A_155 : f32 to vector<16xf32>
        %mul3A_157 = arith.mulf %add3A_154, %mul3A_156 : vector<16xf32>
        %mul3A_158 = arith.constant 16 : i32
        %mul3A_159 = arith.muli %shift_right_logical3A_131, %mul3A_158 : i32
        %swap3A = arith.index_cast %mul3A_159 : i32 to index
        %swap3A_160 = tpu.vector_load %arg6[%swap3A] {strides = array<i32>} : memref<64xf32, #tpu.memory_space<vmem>>, vector<16xf32>,
        tpu.vector_store %arg6[%swap3A], %mul3A_157 {strides = array<i32>} : memref<64xf32, #tpu.memory_space<vmem>>, vector<16xf32>,
      } else {
      }
    }
    %scan3A_23 = arith.constant 64 : i32
    "tpu.region"() ({
      %run_scoped3A = tpu.sem_alloc : memref<!tpu.dma_semaphore, #tpu.memory_space<semaphore_mem>>
      %dma_start3A_24 = arith.constant 0 : i32
      %dma_start3A_25 = tpu.memref_slice %arg3[%add3A, %dma_start3A_24] : memref<32x64xf32, #tpu.memory_space<hbm>> -> memref<1x64xf32, #tpu.memory_space<hbm>>
      %dma_start3A_26 = tpu.memref_squeeze %dma_start3A_25 : memref<1x64xf32, #tpu.memory_space<hbm>> -> memref<64xf32, #tpu.memory_space<hbm>>
      %dma_start3A_27 = arith.constant 0 : i32
      %dma_start3A_28 = tpu.memref_slice %arg3[%add3A, %dma_start3A_27] : memref<32x64xf32, #tpu.memory_space<hbm>> -> memref<1x64xf32, #tpu.memory_space<hbm>>
      %dma_start3A_29 = tpu.memref_squeeze %dma_start3A_28 : memref<1x64xf32, #tpu.memory_space<hbm>> -> memref<64xf32, #tpu.memory_space<hbm>>
      tpu.enqueue_dma source(%arg6 : memref<64xf32, #tpu.memory_space<vmem>>) target(%dma_start3A_29 : memref<64xf32, #tpu.memory_space<hbm>>) target_semaphore(%run_scoped3A : memref<!tpu.dma_semaphore, #tpu.memory_space<semaphore_mem>>)
      %dma_wait3A = arith.constant 0 : i32
      %dma_wait3A_30 = tpu.memref_slice %arg3[%add3A, %dma_wait3A] : memref<32x64xf32, #tpu.memory_space<hbm>> -> memref<1x64xf32, #tpu.memory_space<hbm>>
      %dma_wait3A_31 = tpu.memref_squeeze %dma_wait3A_30 : memref<1x64xf32, #tpu.memory_space<hbm>> -> memref<64xf32, #tpu.memory_space<hbm>>
      %dma_wait3A_32 = arith.constant 0 : i32
      %dma_wait3A_33 = tpu.memref_slice %arg3[%add3A, %dma_wait3A_32] : memref<32x64xf32, #tpu.memory_space<hbm>> -> memref<1x64xf32, #tpu.memory_space<hbm>>
      %dma_wait3A_34 = tpu.memref_squeeze %dma_wait3A_33 : memref<1x64xf32, #tpu.memory_space<hbm>> -> memref<64xf32, #tpu.memory_space<hbm>>
      tpu.wait_dma2 semaphore(%run_scoped3A : memref<!tpu.dma_semaphore, #tpu.memory_space<semaphore_mem>>) src(%arg6 : memref<64xf32, #tpu.memory_space<vmem>>) dst(%dma_wait3A_34 : memref<64xf32, #tpu.memory_space<hbm>>)
      tpu.yield
    }) : () -> ()
    return
  }
}

</mosaic_0001>

<sc_bundles>
// kernel: kernel.3.cloned.1.call-start
scs
__scs_entry_jumppad:
0x0: {  	(pc) =	sbr.rel $0x88, $3  }
0x1: {  	(tag) =	ssettag $0x0;
	lr =	simm.s32 $0x1  }
0x2: {  	[smem:$0x3FA0] =	sst lr;
	_ =	strace $0xD0000000  }
0x3: {  	_ = 	snop  }
0x4: {  	_ = 	snop  }
0x5: {  	_ = 	snop  }
0x6: {  	_ = 	snop  }
0x7: {  	_ = 	snop  }
__scs_overlays_trampoline_lowered:
0x8: {  	[smem:$0x3FAF] =	sst s0  }
0x9: {  	[smem:$0x3FB0] =	sst s1  }
0xa: {  	[smem:$0x3FB1] =	sst s2  }
0xb: {  	[smem:$0x3FB2] =	sst s3  }
0xc: {  	[smem:$0x3FB3] =	sst s4  }
0xd: {  	[smem:$0x3FB4] =	sst s5  }
0xe: {  	[smem:$0x3FB5] =	sst s6  }
0xf: {  	[smem:$0x3FB6] =	sst s7  }
0x10: {  	[smem:$0x3FB7] =	sst s8  }
0x11: {  	[smem:$0x3FB8] =	sst s9;
	s0 =	simm.s32 @!p0 $0x0  }
0x12: {  	s1 =	sld [smem:$0x3F9E];
	s0 =	simm.s32 @p0 $0x1  }
0x13: {  	[smem:$0x3FB9] =	sst s0;
	s0 =	simm.s32 @!p1 $0x0  }
0x14: {  	s2 =	sld [smem:$0x3F9D];
	s0 =	simm.s32 @p1 $0x1  }
0x15: {  	[smem:$0x3FBA] =	sst s0;
	s0 =	simm.s32 @!p2 $0x0  }
0x16: {  	s3 =	sld [smem:$0x3FDB];
	s0 =	simm.s32 @p2 $0x1  }
0x17: {  	s4 =	simm.s32 $0x1BF5;
	[smem:$0x3FBC] =	sst s0  }
0x18: {  	s0 =	sld [smem:$0x3F9F];
	_ =	swait.ge [sflag:s4], $0x0  }
0x19: {  	s7 =	sld [smem:$0x3FA0]  }
0x1a: {  	s8 =	sadd.s32 $0xFFFFE003, lr  }
0x1b: {  	s9 =	sadd.s32 $0xFFFFFEF7, lr;
	s5 =	simm.s32 $0xFFFFFFFF;
	p2 =	slt.u32 s8, $0xFFFFF086  }
0x1c: {  	p1 =	slt.u32 s9, $0xF7A;
	s5 =	simm.s32 @!p2 $0x0  }
0x1d: {  	s5 =	simm.s32 @p1 $0x1;
	p0 =	seq.s32 s7, s2  }
0x1e: {  	s7 =	smul.u32 @!p0 $0xF7A, s2;
	p2 =	seq.s32 @!p0 s5, $0x0  }
0x1f: {  	s9 =	smul.u32 $0xF7A, s1;
	s8 =	simm.s32 @!p0 $0x1BF5;
	p2 =	por !p2, p0  }
0x20: {  	[sflag:s8] =	ssyncset.s32 @!p0 $0xFFFFF086;
	s6 =	sadd.s32 @!p0 s3, s7;
	s7 =	simm.s32 @!p0 $0x108  }
0x21: {  	s3 =	sadd.s32 s3, s9;
	s6 =	sadd.s32 @!p0 $0x88, s6;
	s7 =	simm.s32 @p2 $0x1082  }
0x22: {  	[simem:s7], [sflag:s8] =	dma.local @!p0 [hbm:s6], $0xF7A  }
0x23: {  	s9 =	sor.u32 $0xD0000000, s2;
	s6 =	simm.s32 $0x108;
	_ =	swait.ge @!p0 [sflag:s8], $0x0  }
0x24: {  	s3 =	sadd.s32 $0x88, s3;
	s6 =	simm.s32 @!p1 $0x1082;
	[sflag:s4] =	ssyncset.s32 $0xFFFFF086  }
0x25: {  	[simem:s6], [sflag:s4] =	dma.local [hbm:s3], $0xF7A  }
0x26: {  	[smem:$0x3FA0] =	sst s1;
	(tag) =	ssettag s2;
	_ =	strace s9  }
0x27: {  	s1 =	sld [smem:$0x3FB0]  }
0x28: {  	s2 =	sld [smem:$0x3FB1]  }
0x29: {  	s4 =	sld [smem:$0x3FB3]  }
0x2a: {  	p0 =	seq.s32 s5, $0x0;
	s5 =	sld [smem:$0x3FB4]  }
0x2b: {  	s6 =	sld [smem:$0x3FB5]  }
0x2c: {  	s7 =	sld [smem:$0x3FB6]  }
0x2d: {  	s3 =	simm.s32 $0x108;
	s8 =	sld [smem:$0x3FB7]  }
0x2e: {  	s3 =	simm.s32 @!p0 $0x1082;
	s9 =	sld [smem:$0x3FB8]  }
0x2f: {  	lr =	sadd.s32 s0, s3;
	s0 =	sld [smem:$0x3FAF]  }
0x30: {  	s3 =	sld [smem:$0x3FB2]  }
0x31: {  	[smem:$0x3FBB] =	sst s10  }
0x32: {  	s10 =	sld [smem:$0x3FB9];
	_ =	sdelay $0x3  }
0x33: {  	p0 =	seq.s32 s10, $0x1;
	s10 =	sld [smem:$0x3FBB];
	_ =	sdelay $0x3  }
0x34: {  	[smem:$0x3FBB] =	sst s10  }
0x35: {  	s10 =	sld [smem:$0x3FBA];
	_ =	sdelay $0x3  }
0x36: {  	p1 =	seq.s32 s10, $0x1;
	s10 =	sld [smem:$0x3FBB];
	_ =	sdelay $0x3  }
0x37: {  	[smem:$0x3FBB] =	sst s10  }
0x38: {  	s10 =	sld [smem:$0x3FBC]  }
0x39: {  	_ = 	snop;
	(pc) =	sbr.ind lr, $3  }
0x3a: {  	_ = 	snop  }
0x3b: {  	_ = 	snop  }
0x3c: {  	p2 =	seq.s32 s10, $0x1;
	s10 =	sld [smem:$0x3FBB]  }
0x3d: {  	_ =	shalt  }
0x3e: {  	_ =	shalt  }
0x3f: {  	_ =	shalt  }
0x40: {  	_ =	shalt  }
0x41: {  	_ =	shalt  }
0x42: {  	_ =	shalt  }
0x43: {  	_ =	shalt  }
0x44: {  	_ =	shalt  }
0x45: {  	_ =	shalt  }
0x46: {  	_ =	shalt  }
0x47: {  	_ =	shalt  }
0x48: {  	_ =	shalt  }
0x49: {  	_ =	shalt  }
0x4a: {  	_ =	shalt  }
0x4b: {  	_ =	shalt  }
0x4c: {  	_ =	shalt  }
0x4d: {  	_ =	shalt  }
0x4e: {  	_ =	shalt  }
0x4f: {  	_ =	shalt  }
0x50: {  	_ =	shalt  }
0x51: {  	_ =	shalt  }
0x52: {  	_ =	shalt  }
0x53: {  	_ =	shalt  }
0x54: {  	_ =	shalt  }
0x55: {  	_ =	shalt  }
0x56: {  	_ =	shalt  }
0x57: {  	_ =	shalt  }
0x58: {  	_ =	shalt  }
0x59: {  	_ =	shalt  }
0x5a: {  	_ =	shalt  }
0x5b: {  	_ =	shalt  }
0x5c: {  	_ =	shalt  }
0x5d: {  	_ =	shalt  }
0x5e: {  	_ =	shalt  }
0x5f: {  	_ =	shalt  }
0x60: {  	_ =	shalt  }
0x61: {  	_ =	shalt  }
0x62: {  	_ =	shalt  }
0x63: {  	_ =	shalt  }
0x64: {  	_ =	shalt  }
0x65: {  	_ =	shalt  }
0x66: {  	_ =	shalt  }
0x67: {  	_ =	shalt  }
0x68: {  	_ =	shalt  }
0x69: {  	_ =	shalt  }
0x6a: {  	_ =	shalt  }
0x6b: {  	_ =	shalt  }
0x6c: {  	_ =	shalt  }
0x6d: {  	_ =	shalt  }
0x6e: {  	_ =	shalt  }
0x6f: {  	_ =	shalt  }
0x70: {  	_ =	shalt  }
0x71: {  	_ =	shalt  }
0x72: {  	_ =	shalt  }
0x73: {  	_ =	shalt  }
0x74: {  	_ =	shalt  }
0x75: {  	_ =	shalt  }
0x76: {  	_ =	shalt  }
0x77: {  	_ =	shalt  }
0x78: {  	_ =	shalt  }
0x79: {  	_ =	shalt  }
0x7a: {  	_ =	shalt  }
0x7b: {  	_ =	shalt  }
0x7c: {  	_ =	shalt  }
0x7d: {  	_ =	shalt  }
0x7e: {  	_ =	shalt  }
0x7f: {  	_ =	shalt  }
0x80: {  	_ =	shalt  }
0x81: {  	_ =	shalt  }
0x82: {  	_ =	shalt  }
0x83: {  	_ =	shalt  }
0x84: {  	_ =	shalt  }
0x85: {  	_ =	shalt  }
0x86: {  	_ =	shalt  }
0x87: {  	_ =	shalt  }
.Lfunc_end0:
.L_simem_size_0:
called_computation_lowered:
.L_overlay_start_0:
0x88: {  	s2 =	sld [smem:$0x3FD9]  }
0x89: {  	s3 =	sld [smem:$0x3FFE];
	_ =	sdelay $0x1  }
0x8a: {  	s1 =	srdreg.scid  }
0x8b: {  	s0 =	sand.u32 $0x1, s1  }
0x8c: {  	s18 =	sshll.u32 s0, $0xA;
	s2 =	sadd.s32 s3, s2  }
0x8d: {  	s2 =	sadd.s32 s2, s18  }
0x8e: {  	[smem:$0x3FC7] =	sst s2  }
0x8f: {  	_ = 	snop  }
0x90: {  	s2 =	sld [smem:$0x3FC9]  }
0x91: {  	s19 =	sld [smem:$0x3FD0];
	(tm) =	ssettm $0x1  }
0x92: {  	s4 =	sld [smem:$0x3FFB];
	_ =	sdelay $0x3  }
0x93: {  	_ =	strace s4  }
0x94: {  	s4 =	sld [smem:$0x3FFC];
	_ =	sdelay $0x3  }
0x95: {  	_ =	strace s4  }
0x96: {  	s4 =	sld [smem:$0x3FFD];
	_ =	sdelay $0x3  }
0x97: {  	_ =	strace s4  }
0x98: {  	_ =	strace $0x8FFFFFFF  }
0x99: {  	s20 =	sld [smem:$0x3FDB];
	_ =	sdelay $0x1  }
0x9a: {  	s5 =	simm.s32 $_scs_section_size  }
0x9b: {  	s6 =	simm.s32 $_size__tile_overlayer_lowered;
	s7 =	simm.s32 $_tile_overlayer_lowered  }
0x9c: {  	s23 =	simm.s32 $0x1BFF;
	s22 =	sshll.u32 s7, $0x1;
	s4 =	sadd.s32 s5, s20  }
0x9d: {  	s8 =	simm.s32 $0x0;
	s21 =	sshll.u32 s6, $0x1;
	s6 =	sadd.s32 s22, s4  }
0x9e: {  	[timem:s8], [sflag:s23] =	dma.local [hbm:s6], s21  }
0x9f: {  	_ =	swait.ge [sflag:s23], s21  }
0xa0: {  	s5 =	ssub.s32 $0x0, s21;
	[sflag:s23] =	ssyncset.done $0x0  }
0xa1: {  	[sflag:s23] =	ssyncadd.s32 s5;
	_ =	sdelay $0x1  }
0xa2: {  	s24 =	simm.s32 $0x1B8B  }
0xa3: {  	_ =	swait.ge [sflag:s24], $0x1  }
0xa4: {  	[sflag:s24] =	ssyncset.done $0x0  }
0xa5: {  	s25 =	simm.s32 $0x1B8E;
	[sflag:s24] =	ssyncadd.s32 $0xFFFFFFFF  }
0xa6: {  	s26 =	simm.s32 $execute0_lowered;
	[smem:$0x3FD2] =	sst s25  }
0xa7: {  	s5 =	sshll.u32 s26, $0x1;
	_ =	strace $0x80000046;
	[dreg:$0x1] =	wrdreg $0xFFFFFFFF  }
0xa8: {  	s28 =	simm.s32 $_size_execute0_lowered;
	s4 =	sadd.s32 s4, s5;
	[dreg:$0x0] =	wrdreg $0x0  }
0xa9: {  	s5 =	sshll.u32 s28, $0x1;
	[dreg:$0x2] =	wrdreg s4  }
0xaa: {  	[dreg:$0x3] =	wrdreg s5  }
0xab: {  	[dreg:$0x4] =	wrdreg $0xC0  }
0xac: {  	_ =	task [dreg:s8], $0x5FFFF  }
0xad: {  	[dreg:$0x1] =	wrdreg $0xFFFFFFFF  }
0xae: {  	[dreg:$0x0] =	wrdreg $0x60  }
0xaf: {  	[dreg:$0x2] =	wrdreg s2  }
0xb0: {  	[dreg:$0x3] =	wrdreg s19  }
0xb1: {  	[dreg:$0x4] =	wrdreg $0x9  }
0xb2: {  	_ =	task.clear_ibuf [dreg:s8], $0x5FFFF;
	_ =	strace $0x90000046  }
0xb3: {  	s29 =	simm.s32 $0x9;
	_ =	strace $0x80000048  }
0xb4: {  	_ =	swait.ge [sflag:s29], $0x1  }
0xb5: {  	[sflag:s29] =	ssyncadd.s32 $0xFFFFFFFF  }
0xb6: {  	_ =	strace $0x90000048  }
0xb7: {  	_ =	sfence  }
0xb8: {  	s30 =	sld [smem:$0x0];
	_ =	sdelay $0x2  }
0xb9: {  	s31 =	sshll.u32 s1, $0xD;
	s1 =	sshrl.u32 s1, $0x2  }
0xba: {  	s3 =	sand.u32 $0x4000, s31;
	s1 =	sadd.s32 s1, s30  }
0xbb: {  	s0 =	sor.u32 s3, s0;
	s1 =	sshll.u32 s1, $0x11  }
0xbc: {  	s0 =	sor.u32 s1, s0  }
0xbd: {  	s0 =	sadd.s32 $0x8F2B, s0  }
0xbe: {  	[sflag:s0] =	ssyncadd.remote.s32 $0x1  }
0xbf: {  	_ =	sfence.sel $0xFFFF  }
0xc0: {  	[dreg:$0x0] =	wrdreg $0xFFFFFFFF;
	(pc) =	sbr.abs _section_cstart, $3  }
0xc1: {  	[dreg:$0x1] =	wrdreg $0xFFFFFFFF  }
0xc2: {  	_ =	task.clear_ibuf [dreg:s8], $0x2FFFF;
	_ =	strace $0x9FFFFFFF  }
0xc3: {  	(tm) =	ssettm $0x7FFFFFFF  }
tec
execute0_lowered:
.L_overlay_start_1:
0x0: {  	(tag) =	ssettag $0x1  }
0x1: {  	v0 =	vimm.s32 $0x2780;
	vm14 =	vcmask $0x300  }
0x2: {  	vm13 =	vcmask $0x704;
	v0 =	vsel vm14, $0x0, v0  }
0x3: {  	vm12 =	vcmask $0xB08;
	v0 =	vsel vm13, $0x80, v0  }
0x4: {  	vm11 =	vcmask $0xF0C;
	v0 =	vsel vm12, $0x100, v0  }
0x5: {  	vm10 =	vcmask $0x1310;
	v0 =	vsel vm11, $0x180, v0  }
0x6: {  	vm9 =	vcmask $0x1714;
	v0 =	vsel vm10, $0x200, v0  }
0x7: {  	vm8 =	vcmask $0x1B18;
	v0 =	vsel vm9, $0x280, v0  }
0x8: {  	vm7 =	vcmask $0x1F1C;
	v0 =	vsel vm8, $0x300, v0  }
0x9: {  	vm6 =	vcmask $0x2320;
	v0 =	vsel vm7, $0x380, v0  }
0xa: {  	vm5 =	vcmask $0x2724;
	v0 =	vsel vm6, $0x2400, v0  }
0xb: {  	vm4 =	vcmask $0x2B28;
	v0 =	vsel vm5, $0x2480, v0  }
0xc: {  	vm3 =	vcmask $0x2F2C;
	vm2 =	vcmask $0x3330;
	v0 =	vsel vm4, $0x2500, v0  }
0xd: {  	vm1 =	vcmask $0x3734;
	vm0 =	vcmask $0x3B38;
	v0 =	vsel vm3, $0x2580, v0  }
0xe: {  	v61 =	vimm.s32 $0x2783;
	v1 =	vimm.s32 $0x6F80;
	v0 =	vsel vm2, $0x2600, v0  }
0xf: {  	v2 =	vimm.s32 $0x6F83;
	v1 =	vsel vm14, $0x4800, v1;
	v0 =	vsel vm1, $0x2680, v0  }
0x10: {  	v2 =	vsel vm14, $0x4803, v2;
	v1 =	vsel vm13, $0x4880, v1;
	v0 =	vsel vm0, $0x2700, v0  }
0x11: {  	v2 =	vsel vm13, $0x4883, v2;
	v1 =	vsel vm12, $0x4900, v1;
	[tilespmem:$0x1FFC0] =	vst v0;
	v0 =	vsel vm14, $0x3, v61  }
0x12: {  	v2 =	vsel vm12, $0x4903, v2;
	v1 =	vsel vm11, $0x4980, v1;
	v0 =	vsel vm13, $0x83, v0  }
0x13: {  	v2 =	vsel vm11, $0x4983, v2;
	v1 =	vsel vm10, $0x4A00, v1;
	v0 =	vsel vm12, $0x103, v0  }
0x14: {  	v2 =	vsel vm10, $0x4A03, v2;
	v1 =	vsel vm9, $0x4A80, v1;
	v0 =	vsel vm11, $0x183, v0  }
0x15: {  	v2 =	vsel vm9, $0x4A83, v2;
	v1 =	vsel vm8, $0x4B00, v1;
	v0 =	vsel vm10, $0x203, v0  }
0x16: {  	s0 =	rddreg [dreg:$0x0];
	v2 =	vsel vm8, $0x4B03, v2;
	v1 =	vsel vm7, $0x4B80, v1;
	v0 =	vsel vm9, $0x283, v0  }
0x17: {  	s6 =	rddreg [dreg:$0x1];
	s2 =	srdreg.scid;
	v2 =	vsel vm7, $0x4B83, v2;
	v1 =	vsel vm6, $0x6C00, v1;
	v0 =	vsel vm8, $0x303, v0  }
0x18: {  	s1 =	rddreg [dreg:$0x2];
	s3 =	simm.s32 $0x0;
	s10 =	simm.s32 $0x4800;
	v2 =	vsel vm6, $0x6C03, v2;
	v1 =	vsel vm5, $0x6C80, v1;
	v0 =	vsel vm7, $0x383, v0  }
0x19: {  	s11 =	simm.s32 $0x6C00;
	s12 =	simm.s32 $0x1;
	s13 =	simm.s32 $0x2;
	v2 =	vsel vm5, $0x6C83, v2;
	v1 =	vsel vm4, $0x6D00, v1;
	v0 =	vsel vm6, $0x2403, v0  }
0x1a: {  	s14 =	simm.s32 $0x9400;
	s15 =	simm.s32 $0x3;
	s4 =	sand.u32 $0x1, s2;
	v2 =	vsel vm4, $0x6D03, v2;
	v1 =	vsel vm3, $0x6D80, v1;
	v0 =	vsel vm5, $0x2483, v0  }
0x1b: {  	s16 =	simm.s32 $0x0;
	s2 =	stileid.u32;
	s5 =	ssub.s32 $0x2, s4;
	v2 =	vsel vm3, $0x6D83, v2;
	v1 =	vsel vm2, $0x6E00, v1;
	v0 =	vsel vm4, $0x2503, v0  }
.Ltmp0:
0x1c: {  	s8 =	sshll.u32 s2, $0x1;
	s7 =	sshrl.u32 s5, $0x1;
	v2 =	vsel vm2, $0x6E03, v2;
	v1 =	vsel vm1, $0x6E80, v1;
	v0 =	vsel vm3, $0x2583, v0;
	(pc) =	sbr.rel .LBB2_1-.Ltmp0, $4  }
0x1d: {  	[smem:$0x7FF] =	sst s3;
	s31 =	sor.u32 s4, s8;
	s7 =	ssub.s32 s5, s7;
	v2 =	vsel vm1, $0x6E83, v2;
	v62 =	vsel vm0, $0x6F00, v1;
	v0 =	vsel vm2, $0x2603, v0  }
0x1e: {  	s8 =	sshll.u32 s31, $0x12;
	s9 =	sshll.u32 s31, $0x4;
	v63 =	vsel vm0, $0x6F03, v2;
	_ =	strace $0x80000047;
	[tilespmem:$0x1FFE0] =	vst v62;
	v0 =	vsel vm1, $0x2683, v0  }
0x1f: {  	s4 =	sshll.u32 s31, $0x15;
	s5 =	sadd.s32 s0, s8;
	s6 =	sadd.s32 s6, s9;
	[tilespmem:$0x1FFF0] =	vst v63;
	v0 =	vsel vm0, $0x2703, v0  }
0x20: {  	s7 =	smax.u32 s7, $0x1;
	s9 =	simm.s32 $0x2400;
	s8 =	sadd.s32 $0x8000, s5;
	[tilespmem:$0x1FFD0] =	vst v0  }
.LBB2_25:
0x21: {  	s16 =	sadd.s32 $0x1, s16  }
0x22: {  	p0 =	sne.s32 s16, s7  }
.Ltmp1:
0x23: {  	_ = 	snop;
	(pc) =	sbr.rel @!p0 .LBB2_26-.Ltmp1, $4  }
0x24: {  	[hbm4b:s6+s3] =	stream.linear.scatter [tilespmem:s14], [sflag:$0x3], $0x80, $0x38;
	[tilespmem:$0x9480] =	vst v63  }
0x25: {  	_ =	swait.ge [sflag:s15], $0x80  }
0x26: {  	[sflag:s15] =	ssyncset.done $0x0  }
0x27: {  	[sflag:s15] =	ssyncadd.s32 $0xFFFFFF80  }
.LBB2_1:
.Ltmp2:
0x28: {  	(pc) =	sbr.rel .LBB2_2-.Ltmp2, $4  }
0x29: {  	_ = 	snop  }
0x2a: {  	[tilespmem:s3], [sflag:$0x1] =	stream.linear.gather [hbm4b:s5+s3], $0x2000, $0x38;
	[tilespmem:$0x9480] =	vst v63  }
0x2b: {  	s17 =	simm.s32 $0x0  }
0x2c: {  	[tilespmem:s9], [sflag:$0x1] =	stream.linear.gather [hbm4b:s8+s3], $0x2000, $0x38;
	[tilespmem:$0x9480] =	vst v63  }
.LBB2_24:
0x2d: {  	p0 =	sne.s32 s18, $0x1E  }
0x2e: {  	v0 =	vld @!p0 [tilespmem:$0x9000]  }
0x2f: {  	v1 =	vld @!p0 [tilespmem:$0x9080];
	_ =	sdelay $0x1  }
0x30: {  	v2 =	vld @!p0 [tilespmem:$0x9100];
	_ =	sdelay $0x1  }
0x31: {  	v3 =	vld @!p0 [tilespmem:$0x9180]  }
0x32: {  	v0 =	vadd.f32 @!p0 v1, v0  }
0x33: {  	v1 =	vld @!p0 [tilespmem:$0x9200]  }
0x34: {  	v0 =	vadd.f32 @!p0 v2, v0;
	_ =	sdelay $0x1  }
0x35: {  	s18 =	sand.u32 @!p0 $0x30, s17;
	s17 =	sadd.s32 $0x1, s17;
	v0 =	vadd.f32 @!p0 v3, v0  }
0x36: {  	p1 =	sne.s32 s17, $0x40  }
.Ltmp3:
0x37: {  	v0 =	vadd.f32 @!p0 v1, v0;
	(pc) =	sbr.rel @!p1 .LBB2_25-.Ltmp3, $3  }
0x38: {  	_ = 	snop  }
0x39: {  	v0 =	vmul.f32 @!p0 $2.000000030e-01, v0;
	_ =	sdelay $0x1  }
0x3a: {  	[tilespmem:s18+$0x9400] =	vst @!p0 v0  }
.LBB2_2:
0x3b: {  	s19 =	sshll.u32 s17, $0x1  }
0x3c: {  	s20 =	sshll.u32 s17, $0xF;
	s18 =	sand.u32 $0x1E, s19  }
0x3d: {  	s20 =	sand.u32 $0x180000, s20;
	s21 =	sshll.u32 s18, $0xD  }
0x3e: {  	s20 =	sor.u32 s20, s21  }
0x3f: {  	s20 =	sor.u32 s4, s20  }
0x40: {  	s20 =	sshrl.u32 s20, $0x3  }
0x41: {  	s20 =	sadd.s32 s20, s0  }
0x42: {  	s31 =	sand.u32 $0xF, s17;
	s30 =	sadd.s32 $0x400, s20  }
0x43: {  	[tilespmem:s10], [sflag:$0x2] =	stream.linear.gather [hbm4b:s30+s3], $0x2000, $0x38;
	[tilespmem:$0x9480] =	vst v63  }
0x44: {  	p0 =	sne.s32 s31, $0x0;
	s20 =	sadd.s32 $0x8400, s20  }
0x45: {  	v0 =	vimm.f32 @!p0 $-Inf;
	[tilespmem:s11], [sflag:$0x2] =	stream.linear.gather [hbm4b:s20+s3], $0x2000, $0x38;
	[tilespmem:$0x9480] =	vst v63  }
0x46: {  	[tilespmem:$0x9000] =	vst @!p0 v0  }
0x47: {  	[tilespmem:$0x9080] =	vst @!p0 v0  }
0x48: {  	[tilespmem:$0x9100] =	vst @!p0 v0  }
0x49: {  	[tilespmem:$0x9180] =	vst @!p0 v0  }
.Ltmp4:
0x4a: {  	[tilespmem:$0x9200] =	vst @!p0 v0;
	(pc) =	sbr.rel .LBB2_3-.Ltmp4, $4  }
0x4b: {  	_ =	swait.ge [sflag:s12], $0x4000  }
0x4c: {  	[sflag:s12] =	ssyncset.done $0x0  }
0x4d: {  	[sflag:s12] =	ssyncadd.s32 $0xFFFFC000  }
0x4e: {  	s20 =	simm.s32 $0x0;
	v52 =	vld [tilespmem:$0x9200]  }
.LBB2_12:
0x4f: {  	s20 =	sadd.s32 $0x40, s20  }
0x50: {  	p0 =	sne.s32 s20, $0x400  }
.Ltmp5:
0x51: {  	_ = 	snop;
	(pc) =	sbr.rel @!p0 .LBB2_13-.Ltmp5, $1  }
0x52: {  	_ =	sdelay $0x3  }
.LBB2_3:
0x53: {  	v0 =	vmov s20  }
0x54: {  	v1 =	vshll.u32 v0, $0x3  }
0x55: {  	v0 =	vand.u32 $0x40, v0;
	v1 =	vand.u32 $0x1C00, v1  }
0x56: {  	v0 =	vor.u32 v0, v1;
	v1 =	vld [tilespmem:$0x1FFC0];
	_ =	sdelay $0x2  }
0x57: {  	v3 =	vld [tilespmem:$0x1FFD0];
	_ =	sdelay $0x1  }
0x58: {  	v5 =	vadd.s32 v1, v0  }
0x59: {  	v1 =	vor.u32 $0x1, v5  }
0x5a: {  	v2 =	vor.u32 $0x2, v5  }
0x5b: {  	v0 =	vadd.s32 v3, v0  }
0x5c: {  	v6 =	vor.u32 $0x4, v5  }
0x5d: {  	v7 =	vor.u32 $0x5, v5;
	v4 =	vld.idx.msk [tilespmem:v5+s3+$0x0], $0xffff  }
0x5e: {  	v8 =	vor.u32 $0x6, v5;
	v3 =	vld.idx.msk [tilespmem:v1+s3+$0x0], $0xffff  }
0x5f: {  	v9 =	vor.u32 $0x7, v5;
	v2 =	vld.idx.msk [tilespmem:v2+s3+$0x0], $0xffff  }
0x60: {  	v10 =	vor.u32 $0x8, v5;
	v1 =	vld.idx.msk [tilespmem:v0+s3+$0x0], $0xffff  }
0x61: {  	v42 =	vor.u32 $0xC, v5;
	v0 =	vld.idx.msk [tilespmem:v6+s3+$0x0], $0xffff  }
0x62: {  	v43 =	vor.u32 $0xD, v5;
	v63 =	vld.idx.msk [tilespmem:v7+s3+$0x0], $0xffff  }
0x63: {  	v48 =	vor.u32 $0x13, v5;
	v62 =	vld.idx.msk [tilespmem:v8+s3+$0x0], $0xffff  }
0x64: {  	v49 =	vor.u32 $0x14, v5;
	v61 =	vld.idx.msk [tilespmem:v9+s3+$0x0], $0xffff  }
0x65: {  	v13 =	vor.u32 $0x17, v5;
	v60 =	vld.idx.msk [tilespmem:v10+s3+$0x0], $0xffff  }
0x66: {  	v14 =	vor.u32 $0x18, v5;
	v58 =	vld.idx.msk [tilespmem:v42+s3+$0x0], $0xffff  }
0x67: {  	v15 =	vor.u32 $0x19, v5;
	v57 =	vld.idx.msk [tilespmem:v43+s3+$0x0], $0xffff  }
0x68: {  	v11 =	vor.u32 $0x10, v5;
	v16 =	vor.u32 $0x1A, v5;
	v9 =	vld.idx.msk [tilespmem:v48+s3+$0x0], $0xffff  }
0x69: {  	v17 =	vor.u32 $0x1B, v5;
	[tilespmem:$0x1FCA0] =	vst v11;
	v10 =	vld.idx.msk [tilespmem:v49+s3+$0x0], $0xffff  }
0x6a: {  	v18 =	vor.u32 $0x1C, v5;
	[tilespmem:$0x1FD10] =	vst v13;
	v13 =	vld.idx.msk [tilespmem:v13+s3+$0x0], $0xffff  }
0x6b: {  	v19 =	vor.u32 $0x1D, v5;
	[tilespmem:$0x1FD20] =	vst v14;
	v14 =	vld.idx.msk [tilespmem:v14+s3+$0x0], $0xffff  }
0x6c: {  	v20 =	vor.u32 $0x1E, v5;
	[tilespmem:$0x1FD30] =	vst v15;
	v15 =	vld.idx.msk [tilespmem:v15+s3+$0x0], $0xffff  }
0x6d: {  	v21 =	vor.u32 $0x1F, v5;
	[tilespmem:$0x1FD40] =	vst v16;
	v16 =	vld.idx.msk [tilespmem:v16+s3+$0x0], $0xffff  }
0x6e: {  	v22 =	vor.u32 $0x20, v5;
	[tilespmem:$0x1FD50] =	vst v17;
	v17 =	vld.idx.msk [tilespmem:v17+s3+$0x0], $0xffff  }
0x6f: {  	v23 =	vor.u32 $0x21, v5;
	[tilespmem:$0x1FD60] =	vst v18;
	v18 =	vld.idx.msk [tilespmem:v18+s3+$0x0], $0xffff  }
0x70: {  	v28 =	vor.u32 $0x26, v5;
	[tilespmem:$0x1FD70] =	vst v19;
	v19 =	vld.idx.msk [tilespmem:v19+s3+$0x0], $0xffff  }
0x71: {  	[tilespmem:$0x1FD80] =	vst v20;
	v6 =	vor.u32 $0x9, v5;
	v20 =	vld.idx.msk [tilespmem:v20+s3+$0x0], $0xffff  }
0x72: {  	[tilespmem:$0x1FD90] =	vst v21;
	v7 =	vor.u32 $0xA, v5;
	v21 =	vld.idx.msk [tilespmem:v21+s3+$0x0], $0xffff  }
0x73: {  	v29 =	vor.u32 $0x27, v5;
	[tilespmem:$0x1FDA0] =	vst v22;
	v22 =	vld.idx.msk [tilespmem:v22+s3+$0x0], $0xffff  }
0x74: {  	v30 =	vor.u32 $0x28, v5;
	[tilespmem:$0x1FDB0] =	vst v23;
	v23 =	vld.idx.msk [tilespmem:v23+s3+$0x0], $0xffff  }
0x75: {  	v12 =	vor.u32 $0x11, v5;
	v33 =	vor.u32 $0x2B, v5;
	[tilespmem:$0x1FE00] =	vst v28;
	v28 =	vld.idx.msk [tilespmem:v28+s3+$0x0], $0xffff  }
0x76: {  	[tilespmem:$0x1FCB0] =	vst v12;
	v59 =	vld.idx.msk [tilespmem:v6+s3+$0x0], $0xffff;
	v6 =	vor.u32 $0xE, v5  }
0x77: {  	[tilespmem:$0x1FCD0] =	vst v48;
	v47 =	vld.idx.msk [tilespmem:v7+s3+$0x0], $0xffff;
	v7 =	vor.u32 $0xF, v5  }
0x78: {  	[tilespmem:$0x1FE10] =	vst v29;
	v29 =	vld.idx.msk [tilespmem:v29+s3+$0x0], $0xffff  }
0x79: {  	[tilespmem:$0x1FE20] =	vst v30;
	v30 =	vld.idx.msk [tilespmem:v30+s3+$0x0], $0xffff  }
0x7a: {  	v50 =	vor.u32 $0x15, v5;
	[tilespmem:$0x1FE50] =	vst v33;
	v33 =	vld.idx.msk [tilespmem:v33+s3+$0x0], $0xffff  }
0x7b: {  	v51 =	vor.u32 $0x16, v5;
	[tilespmem:$0x1FCE0] =	vst v49;
	v56 =	vld.idx.msk [tilespmem:v6+s3+$0x0], $0xffff  }
0x7c: {  	v27 =	vor.u32 $0x22, v5;
	[tilespmem:$0x1FCF0] =	vst v50;
	v53 =	vld.idx.msk [tilespmem:v7+s3+$0x0], $0xffff  }
0x7d: {  	v26 =	vor.u32 $0x23, v5;
	[tilespmem:$0x1FD00] =	vst v51;
	v6 =	vld.idx.msk [tilespmem:v11+s3+$0x0], $0xffff  }
0x7e: {  	v24 =	vor.u32 $0x25, v5;
	[tilespmem:$0x1FDC0] =	vst v27;
	v7 =	vld.idx.msk [tilespmem:v12+s3+$0x0], $0xffff  }
0x7f: {  	v25 =	vor.u32 $0x24, v5;
	[tilespmem:$0x1FDD0] =	vst v26;
	v11 =	vld.idx.msk [tilespmem:v50+s3+$0x0], $0xffff  }
0x80: {  	v34 =	vor.u32 $0x2C, v5;
	[tilespmem:$0x1FDE0] =	vst v25;
	v12 =	vld.idx.msk [tilespmem:v51+s3+$0x0], $0xffff  }
0x81: {  	v35 =	vor.u32 $0x2D, v5;
	[tilespmem:$0x1FDF0] =	vst v24;
	v50 =	vld.idx.msk [tilespmem:v27+s3+$0x0], $0xffff  }
0x82: {  	v38 =	vor.u32 $0x30, v5;
	[tilespmem:$0x1FE60] =	vst v34;
	v51 =	vld.idx.msk [tilespmem:v26+s3+$0x0], $0xffff  }
0x83: {  	[tilespmem:$0x1FE70] =	vst v35;
	v27 =	vld.idx.msk [tilespmem:v24+s3+$0x0], $0xffff;
	v24 =	vor.u32 $0x2A, v5  }
0x84: {  	v41 =	vor.u32 $0x31, v5;
	[tilespmem:$0x1FEA0] =	vst v38;
	v26 =	vld.idx.msk [tilespmem:v25+s3+$0x0], $0xffff;
	v25 =	vor.u32 $0x29, v5  }
0x85: {  	v55 =	vor.u32 $0x37, v5;
	[tilespmem:$0x1FEB0] =	vst v41;
	v8 =	vor.u32 $0xB, v5;
	v34 =	vld.idx.msk [tilespmem:v34+s3+$0x0], $0xffff  }
0x86: {  	[tilespmem:$0x1FF60] =	vst v55;
	v35 =	vld.idx.msk [tilespmem:v35+s3+$0x0], $0xffff;
	v42 =	vor.u32 $0x32, v5  }
0x87: {  	v38 =	vld.idx.msk [tilespmem:v38+s3+$0x0], $0xffff;
	v49 =	vor.u32 $0x36, v5;
	[tilespmem:$0x1FEC0] =	vst v42  }
0x88: {  	[tilespmem:$0x1FE40] =	vst v24;
	v32 =	vld.idx.msk [tilespmem:v24+s3+$0x0], $0xffff;
	v24 =	vor.u32 $0x2F, v5  }
0x89: {  	[tilespmem:$0x1FE30] =	vst v25;
	v31 =	vld.idx.msk [tilespmem:v25+s3+$0x0], $0xffff;
	v25 =	vor.u32 $0x2E, v5  }
0x8a: {  	[tilespmem:$0x1FF50] =	vst v49;
	v46 =	vld.idx.msk [tilespmem:v8+s3+$0x0], $0xffff  }
0x8b: {  	v41 =	vld.idx.msk [tilespmem:v41+s3+$0x0], $0xffff;
	v8 =	vor.u32 $0x12, v5;
	[tilespmem:$0x1FF20] =	vst v57  }
0x8c: {  	v49 =	vld.idx.msk [tilespmem:v49+s3+$0x0], $0xffff;
	[tilespmem:$0x1FCC0] =	vst v8  }
0x8d: {  	v39 =	vmax.f32 v4, v3;
	v40 =	vmax.f32 v2, v1;
	[tilespmem:$0x1FE90] =	vst v24;
	v37 =	vld.idx.msk [tilespmem:v24+s3+$0x0], $0xffff;
	v24 =	vor.u32 $0x34, v5  }
0x8e: {  	v54 =	vmax.f32 v0, v63;
	v43 =	vmax.f32 v62, v61;
	[tilespmem:$0x1FE80] =	vst v25;
	v36 =	vld.idx.msk [tilespmem:v25+s3+$0x0], $0xffff;
	v25 =	vor.u32 $0x33, v5  }
0x8f: {  	v39 =	vmax.f32 v39, v40;
	v45 =	vmax.f32 v60, v59;
	[tilespmem:$0x1FEE0] =	vst v46;
	v46 =	vmax.f32 v47, v46  }
0x90: {  	v48 =	vor.u32 $0x35, v5;
	v40 =	vld.idx.msk [tilespmem:v42+s3+$0x0], $0xffff;
	v42 =	vmax.f32 v54, v43;
	[tilespmem:$0x1FEF0] =	vst v47;
	v43 =	vmax.f32 v45, v46  }
0x91: {  	v8 =	vld.idx.msk [tilespmem:v8+s3+$0x0], $0xffff;
	v46 =	vmax.f32 v58, v57;
	[tilespmem:$0x1FF30] =	vst v53;
	v57 =	vmax.f32 v56, v53;
	v53 =	vor.u32 $0x3B, v5  }
0x92: {  	[tilespmem:$0x1FF00] =	vst v24;
	v47 =	vld.idx.msk [tilespmem:v24+s3+$0x0], $0xffff;
	v24 =	vor.u32 $0x39, v5  }
0x93: {  	[tilespmem:$0x1FED0] =	vst v25;
	v44 =	vld.idx.msk [tilespmem:v25+s3+$0x0], $0xffff;
	v25 =	vor.u32 $0x38, v5  }
0x94: {  	[tilespmem:$0x1FF10] =	vst v48;
	v39 =	vmax.f32 v39, v42;
	v42 =	vld.idx.msk [tilespmem:v55+s3+$0x0], $0xffff;
	v7 =	vmax.f32 v6, v7;
	v6 =	vor.u32 $0x3D, v5  }
0x95: {  	v54 =	vor.u32 $0x3A, v5;
	v55 =	vmax.f32 v14, v15;
	v45 =	vld.idx.msk [tilespmem:v48+s3+$0x0], $0xffff;
	[tilespmem:$0x1FF40] =	vst v56  }
0x96: {  	v48 =	vor.u32 $0x3C, v5;
	v8 =	vmax.f32 v8, v9;
	v9 =	vmax.f32 v10, v11;
	[tilespmem:$0x1FFA0] =	vst v53;
	v53 =	vld.idx.msk [tilespmem:v53+s3+$0x0], $0xffff  }
0x97: {  	v11 =	vmax.f32 v12, v13;
	v46 =	vmax.f32 v46, v57;
	[tilespmem:$0x1FF80] =	vst v24;
	v10 =	vld.idx.msk [tilespmem:v24+s3+$0x0], $0xffff;
	v24 =	vor.u32 $0x3E, v5  }
0x98: {  	v56 =	vmax.f32 v16, v17;
	v43 =	vmax.f32 v43, v46;
	[tilespmem:$0x1FF70] =	vst v25;
	v46 =	vld.idx.msk [tilespmem:v25+s3+$0x0], $0xffff;
	v25 =	vor.u32 $0x3F, v5  }
0x99: {  	v7 =	vmax.f32 v7, v8;
	v8 =	vmax.f32 v9, v11;
	v9 =	vmax.f32 v55, v56;
	v55 =	vld.idx.msk [tilespmem:v6+s3+$0x0], $0xffff  }
0x9a: {  	v21 =	vmax.f32 v20, v21;
	v28 =	vmax.f32 v28, v29;
	v41 =	vmax.f32 v38, v41;
	v5 =	vld.idx.msk [tilespmem:v54+s3+$0x0], $0xffff  }
0x9b: {  	[tilespmem:$0x1FF90] =	vst v54;
	v57 =	vmax.f32 v18, v19;
	v56 =	vmax.f32 v50, v51;
	v54 =	vld.idx.msk [tilespmem:v48+s3+$0x0], $0xffff  }
0x9c: {  	v12 =	vmax.f32 v57, v21;
	v7 =	vmax.f32 v7, v8;
	v8 =	vmax.f32 v22, v23;
	v29 =	vld.idx.msk [tilespmem:v24+s3+$0x0], $0xffff  }
0x9d: {  	v57 =	vmax.f32 v26, v27;
	v30 =	vmax.f32 v30, v31;
	v31 =	vmax.f32 v32, v33;
	v33 =	vld.idx.msk [tilespmem:v25+s3+$0x0], $0xffff  }
0x9e: {  	v8 =	vmax.f32 v8, v56;
	v32 =	vmax.f32 v34, v35;
	v35 =	vmax.f32 v57, v28  }
0x9f: {  	v51 =	vmax.f32 v49, v42;
	v8 =	vmax.f32 v8, v35;
	v34 =	vmax.f32 v36, v37  }
0xa0: {  	[tilespmem:$0x1FFB0] =	vst v48;
	v36 =	vmax.f32 v30, v31;
	v37 =	vmax.f32 v32, v34;
	v48 =	vmax.f32 v40, v44  }
0xa1: {  	v50 =	vmax.f32 v47, v45;
	v14 =	vmax.f32 v41, v48;
	v10 =	vmax.f32 v46, v10  }
0xa2: {  	v5 =	vmax.f32 v5, v53;
	v11 =	vmax.f32 v54, v55;
	v53 =	vmax.f32 v29, v33  }
0xa3: {  	v54 =	vmax.f32 v50, v51;
	v5 =	vmax.f32 v10, v5;
	v55 =	vmax.f32 v11, v53  }
0xa4: {  	v56 =	vmax.f32 v36, v37;
	v57 =	vmax.f32 v14, v54;
	v5 =	vmax.f32 v5, v55  }
0xa5: {  	v9 =	vmax.f32 v9, v12;
	v8 =	vmax.f32 v8, v56;
	v5 =	vmax.f32 v57, v5  }
0xa6: {  	v7 =	vmax.f32 v7, v9;
	vm1 =	vgt.f32 v8, v52;
	vm0 =	vgt.f32 v5, v52  }
0xa7: {  	vm2 =	vgt.f32 v7, v52;
	v5 =	vmax.f32 v39, v43;
	vm4 =	vmor vm1, vm0  }
0xa8: {  	vm3 =	vgt.f32 v5, v52;
	vm4 =	vmor vm2, vm4  }
0xa9: {  	vm4 =	vmor vm3, vm4  }
0xaa: {  	v5 =	vmpcnt.ones.xlane vm4;
	_ =	sdelay $0x1  }
0xab: {  	(v2sf) =	vpush v5, $0x0;
	_ =	sdelay $0xe  }
0xac: {  	s21 =	spop (v2sf)  }
0xad: {  	p0 =	slt.s32 s21, $0x1  }
.Ltmp6:
0xae: {  	_ = 	snop;
	(pc) =	sbr.rel @p0 .LBB2_12-.Ltmp6, $1  }
0xaf: {  	_ =	sdelay $0x3  }
0xb0: {  	v5 =	vmpcnt.ones.xlane vm3;
	_ =	sdelay $0x1  }
0xb1: {  	(v2sf) =	vpush v5, $0x0;
	_ =	sdelay $0xe  }
0xb2: {  	s21 =	spop (v2sf)  }
0xb3: {  	p0 =	slt.s32 s21, $0x1  }
.Ltmp7:
0xb4: {  	_ = 	snop;
	(pc) =	sbr.rel @p0 .LBB2_6-.Ltmp7, $1  }
0xb5: {  	_ =	sdelay $0x3  }
0xb6: {  	v5 =	vld [tilespmem:$0x9000]  }
0xb7: {  	v7 =	vld [tilespmem:$0x9080]  }
0xb8: {  	v8 =	vld [tilespmem:$0x9100];
	_ =	sdelay $0x1  }
0xb9: {  	v9 =	vld [tilespmem:$0x9180]  }
0xba: {  	v10 =	vmin.f32 v5, v4;
	v4 =	vmax.f32 v5, v4  }
0xbb: {  	v11 =	vmin.f32 v7, v10;
	v5 =	vmax.f32 v7, v10;
	v37 =	vmin.f32 v4, v3  }
0xbc: {  	v40 =	vmax.f32 v4, v3;
	v7 =	vmin.f32 v8, v11;
	v8 =	vmax.f32 v8, v11  }
0xbd: {  	v39 =	vmin.f32 v5, v37;
	v4 =	vmax.f32 v5, v37;
	v42 =	vmin.f32 v40, v2  }
0xbe: {  	v44 =	vmax.f32 v40, v2;
	v36 =	vmin.f32 v9, v7;
	v7 =	vmax.f32 v9, v7  }
0xbf: {  	v5 =	vmin.f32 v8, v39;
	v8 =	vmax.f32 v8, v39;
	v43 =	vmin.f32 v4, v42  }
0xc0: {  	v45 =	vmax.f32 v4, v42;
	v47 =	vmin.f32 v44, v1;
	v38 =	vmax.f32 v52, v36  }
0xc1: {  	v41 =	vmin.f32 v7, v5;
	v5 =	vmax.f32 v7, v5;
	v4 =	vmin.f32 v8, v43  }
0xc2: {  	v8 =	vmax.f32 v8, v43;
	v7 =	vmax.f32 v38, v41;
	v46 =	vmin.f32 v5, v4  }
0xc3: {  	v4 =	vmax.f32 v5, v4;
	v5 =	vmax.f32 v7, v46;
	v7 =	vmin.f32 v45, v47  }
0xc4: {  	v48 =	vmax.f32 v44, v1;
	v49 =	vmax.f32 v45, v47;
	v50 =	vmin.f32 v8, v7  }
0xc5: {  	v51 =	vmin.f32 v48, v0;
	v7 =	vmax.f32 v8, v7;
	v8 =	vmin.f32 v4, v50  }
0xc6: {  	v3 =	vmax.f32 v4, v50;
	v4 =	vmax.f32 v5, v8;
	v5 =	vmin.f32 v49, v51  }
0xc7: {  	v52 =	vmax.f32 v48, v0;
	v53 =	vmax.f32 v49, v51;
	v54 =	vmin.f32 v7, v5  }
0xc8: {  	v8 =	vmin.f32 v52, v63;
	v5 =	vmax.f32 v7, v5;
	v7 =	vmin.f32 v3, v54  }
0xc9: {  	v0 =	vmax.f32 v52, v63;
	v55 =	vmax.f32 v4, v7;
	v4 =	vmin.f32 v53, v8  }
0xca: {  	v1 =	vmax.f32 v53, v8;
	v2 =	vmax.f32 v3, v54;
	v7 =	vmin.f32 v5, v4  }
0xcb: {  	v8 =	vmin.f32 v0, v62;
	v4 =	vmax.f32 v5, v4;
	v5 =	vmin.f32 v2, v7  }
0xcc: {  	v0 =	vmax.f32 v0, v62;
	v3 =	vmax.f32 v55, v5;
	v5 =	vmin.f32 v1, v8  }
0xcd: {  	v2 =	vmax.f32 v2, v7;
	v1 =	vmax.f32 v1, v8;
	v7 =	vmin.f32 v4, v5  }
0xce: {  	v8 =	vmin.f32 v0, v61;
	v4 =	vmax.f32 v4, v5;
	v5 =	vmin.f32 v2, v7  }
0xcf: {  	v0 =	vmax.f32 v0, v61;
	v3 =	vmax.f32 v3, v5;
	v5 =	vmin.f32 v1, v8  }
0xd0: {  	v2 =	vmax.f32 v2, v7;
	v1 =	vmax.f32 v1, v8;
	v7 =	vmin.f32 v4, v5  }
0xd1: {  	v8 =	vmin.f32 v0, v60;
	v4 =	vmax.f32 v4, v5;
	v5 =	vmin.f32 v2, v7  }
0xd2: {  	v56 =	vld [tilespmem:$0x1FEF0];
	v0 =	vmax.f32 v0, v60;
	v3 =	vmax.f32 v3, v5;
	v5 =	vmin.f32 v1, v8  }
0xd3: {  	v2 =	vmax.f32 v2, v7;
	v1 =	vmax.f32 v1, v8;
	v7 =	vmin.f32 v4, v5  }
0xd4: {  	v8 =	vmin.f32 v0, v59;
	v4 =	vmax.f32 v4, v5;
	v5 =	vmin.f32 v2, v7  }
0xd5: {  	v57 =	vld [tilespmem:$0x1FEE0];
	v0 =	vmax.f32 v0, v59;
	v3 =	vmax.f32 v3, v5;
	v5 =	vmin.f32 v1, v8  }
0xd6: {  	v2 =	vmax.f32 v2, v7;
	v1 =	vmax.f32 v1, v8;
	v7 =	vmin.f32 v4, v5  }
0xd7: {  	v8 =	vmin.f32 v0, v56;
	v4 =	vmax.f32 v4, v5;
	v5 =	vmin.f32 v2, v7  }
0xd8: {  	v0 =	vmax.f32 v0, v56;
	v3 =	vmax.f32 v3, v5;
	v5 =	vmin.f32 v1, v8  }
0xd9: {  	v2 =	vmax.f32 v2, v7;
	v1 =	vmax.f32 v1, v8;
	v7 =	vmin.f32 v4, v5  }
0xda: {  	v8 =	vmin.f32 v0, v57;
	v4 =	vmax.f32 v4, v5;
	v5 =	vmin.f32 v2, v7  }
0xdb: {  	v0 =	vmax.f32 v0, v57;
	v3 =	vmax.f32 v3, v5;
	v5 =	vmin.f32 v1, v8  }
0xdc: {  	v1 =	vmax.f32 v1, v8;
	v8 =	vmin.f32 v0, v58;
	v0 =	vmax.f32 v0, v58;
	v58 =	vld [tilespmem:$0x1FF20]  }
0xdd: {  	v2 =	vmax.f32 v2, v7;
	v7 =	vmin.f32 v4, v5  }
0xde: {  	v4 =	vmax.f32 v4, v5;
	v5 =	vmin.f32 v2, v7  }
0xdf: {  	v59 =	vld [tilespmem:$0x1FF40];
	v3 =	vmax.f32 v3, v5;
	v5 =	vmin.f32 v1, v8  }
0xe0: {  	v2 =	vmax.f32 v2, v7;
	v1 =	vmax.f32 v1, v8;
	v7 =	vmin.f32 v4, v5  }
0xe1: {  	v4 =	vmax.f32 v4, v5;
	v5 =	vmin.f32 v2, v7;
	v8 =	vmin.f32 v0, v58  }
0xe2: {  	v2 =	vmax.f32 v2, v7;
	v3 =	vmax.f32 v3, v5;
	v5 =	vmin.f32 v1, v8  }
0xe3: {  	v0 =	vmax.f32 v0, v58;
	v1 =	vmax.f32 v1, v8;
	v7 =	vmin.f32 v4, v5  }
0xe4: {  	v8 =	vmin.f32 v0, v59;
	v4 =	vmax.f32 v4, v5;
	v5 =	vmin.f32 v2, v7  }
0xe5: {  	v3 =	vmax.f32 v3, v5;
	v5 =	vmin.f32 v1, v8;
	v1 =	vmax.f32 v1, v8;
	v8 =	vld [tilespmem:$0x1FF30];
	_ =	sdelay $0x3  }
0xe6: {  	v0 =	vmax.f32 v0, v59;
	v2 =	vmax.f32 v2, v7;
	v7 =	vmax.f32 v4, v5  }
0xe7: {  	v4 =	vmin.f32 v4, v5;
	v5 =	vmax.f32 v0, v8;
	v0 =	vmin.f32 v0, v8  }
0xe8: {  	v61 =	vmin.f32 v2, v4;
	v60 =	vmax.f32 v1, v0;
	v0 =	vmin.f32 v1, v0;
	[tilespmem:$0x9000] =	vst v5  }
0xe9: {  	v8 =	vmax.f32 v2, v4;
	v62 =	vmax.f32 v7, v0;
	v0 =	vmin.f32 v7, v0;
	[tilespmem:$0x9080] =	vst v60  }
0xea: {  	v1 =	vmax.f32 v3, v61;
	v63 =	vmax.f32 v8, v0;
	v0 =	vmin.f32 v8, v0;
	[tilespmem:$0x9100] =	vst v62  }
0xeb: {  	v52 =	vmax.f32 v1, v0;
	[tilespmem:$0x9180] =	vst v63  }
0xec: {  	[tilespmem:$0x9200] =	vst v52  }
.LBB2_6:
0xed: {  	v0 =	vmpcnt.ones.xlane vm2;
	_ =	sdelay $0x1  }
0xee: {  	(v2sf) =	vpush v0, $0x0;
	_ =	sdelay $0xe  }
0xef: {  	s21 =	spop (v2sf)  }
0xf0: {  	p0 =	slt.s32 s21, $0x1  }
.Ltmp8:
0xf1: {  	_ = 	snop;
	(pc) =	sbr.rel @p0 .LBB2_8-.Ltmp8, $1  }
0xf2: {  	_ =	sdelay $0x3  }
0xf3: {  	v2 =	vld [tilespmem:$0x1FCA0];
	_ =	sdelay $0x2  }
0xf4: {  	v5 =	vld [tilespmem:$0x1FCB0];
	_ =	sdelay $0x1  }
0xf5: {  	v0 =	vld [tilespmem:$0x9000]  }
0xf6: {  	v9 =	vld [tilespmem:$0x1FCC0]  }
0xf7: {  	v1 =	vld [tilespmem:$0x9080]  }
0xf8: {  	v2 =	vld.idx.msk [tilespmem:v2+s3+$0x0], $0xffff  }
0xf9: {  	v3 =	vld [tilespmem:$0x9100]  }
0xfa: {  	v4 =	vld [tilespmem:$0x9180]  }
0xfb: {  	v5 =	vld.idx.msk [tilespmem:v5+s3+$0x0], $0xffff;
	_ =	sdelay $0x1  }
0xfc: {  	v7 =	vmin.f32 v0, v2  }
0xfd: {  	v9 =	vld.idx.msk [tilespmem:v9+s3+$0x0], $0xffff;
	v8 =	vmin.f32 v1, v7  }
0xfe: {  	v0 =	vmax.f32 v0, v2;
	v1 =	vmax.f32 v1, v7;
	v42 =	vmin.f32 v3, v8  }
0xff: {  	v3 =	vmax.f32 v3, v8;
	v8 =	vmin.f32 v0, v5;
	v7 =	vmin.f32 v4, v42  }
0x100: {  	v10 =	vld [tilespmem:$0x1FCD0];
	v2 =	vmax.f32 v4, v42;
	v4 =	vmax.f32 v52, v7;
	v7 =	vmin.f32 v1, v8  }
0x101: {  	v0 =	vmax.f32 v0, v5;
	v1 =	vmax.f32 v1, v8;
	v5 =	vmin.f32 v3, v7  }
0x102: {  	v8 =	vmin.f32 v0, v9;
	v3 =	vmax.f32 v3, v7;
	v7 =	vmin.f32 v2, v5  }
0x103: {  	v2 =	vmax.f32 v2, v5;
	v5 =	vmin.f32 v1, v8;
	v4 =	vmax.f32 v4, v7;
	v7 =	vld [tilespmem:$0x1FCE0]  }
0x104: {  	v1 =	vmax.f32 v1, v8;
	v8 =	vmin.f32 v3, v5  }
0x105: {  	v3 =	vmax.f32 v3, v5;
	v5 =	vmin.f32 v2, v8;
	v2 =	vmax.f32 v2, v8;
	v8 =	vld [tilespmem:$0x1FCF0];
	_ =	sdelay $0x2  }
0x106: {  	v10 =	vld.idx.msk [tilespmem:v10+s3+$0x0], $0xffff;
	_ =	sdelay $0x2  }
0x107: {  	v7 =	vld.idx.msk [tilespmem:v7+s3+$0x0], $0xffff  }
0x108: {  	v0 =	vmax.f32 v0, v9  }
0x109: {  	v9 =	vmin.f32 v0, v10;
	v8 =	vld.idx.msk [tilespmem:v8+s3+$0x0], $0xffff  }
0x10a: {  	v0 =	vmax.f32 v0, v10;
	v4 =	vmax.f32 v4, v5;
	v5 =	vmin.f32 v1, v9  }
0x10b: {  	v1 =	vmax.f32 v1, v9;
	v43 =	vmin.f32 v3, v5;
	v3 =	vmax.f32 v3, v5  }
0x10c: {  	v44 =	vld [tilespmem:$0x1FD00];
	v5 =	vmin.f32 v2, v43;
	v2 =	vmax.f32 v2, v43;
	v10 =	vmin.f32 v0, v7  }
0x10d: {  	v4 =	vmax.f32 v4, v5;
	v0 =	vmax.f32 v0, v7;
	v5 =	vmin.f32 v1, v10  }
0x10e: {  	v1 =	vmax.f32 v1, v10;
	v45 =	vmin.f32 v0, v8;
	v7 =	vmin.f32 v3, v5  }
0x10f: {  	v3 =	vmax.f32 v3, v5;
	v5 =	vmin.f32 v2, v7;
	v2 =	vmax.f32 v2, v7;
	v7 =	vld [tilespmem:$0x1FD10]  }
0x110: {  	v4 =	vmax.f32 v4, v5;
	v5 =	vmin.f32 v1, v45  }
0x111: {  	v0 =	vmax.f32 v0, v8;
	v8 =	vmin.f32 v3, v5  }
0x112: {  	v3 =	vmax.f32 v3, v5;
	v5 =	vmin.f32 v2, v8;
	v2 =	vmax.f32 v2, v8;
	v8 =	vld [tilespmem:$0x1FD20];
	_ =	sdelay $0x1  }
0x113: {  	v9 =	vld.idx.msk [tilespmem:v44+s3+$0x0], $0xffff;
	_ =	sdelay $0x2  }
0x114: {  	v7 =	vld.idx.msk [tilespmem:v7+s3+$0x0], $0xffff;
	_ =	sdelay $0x1  }
0x115: {  	v46 =	vmin.f32 v0, v9;
	v1 =	vmax.f32 v1, v45  }
0x116: {  	v0 =	vmax.f32 v0, v9;
	v4 =	vmax.f32 v4, v5;
	v5 =	vmin.f32 v1, v46;
	v8 =	vld.idx.msk [tilespmem:v8+s3+$0x0], $0xffff  }
0x117: {  	v1 =	vmax.f32 v1, v46;
	v47 =	vmin.f32 v3, v5;
	v3 =	vmax.f32 v3, v5  }
0x118: {  	v49 =	vld [tilespmem:$0x1FD30];
	v5 =	vmin.f32 v2, v47;
	v2 =	vmax.f32 v2, v47;
	v48 =	vmin.f32 v0, v7  }
0x119: {  	v4 =	vmax.f32 v4, v5;
	v0 =	vmax.f32 v0, v7;
	v5 =	vmin.f32 v1, v48  }
0x11a: {  	v1 =	vmax.f32 v1, v48;
	v7 =	vmin.f32 v3, v5;
	v3 =	vmax.f32 v3, v5  }
0x11b: {  	v5 =	vmin.f32 v2, v7;
	v50 =	vmin.f32 v0, v8;
	v2 =	vmax.f32 v2, v7;
	v7 =	vld [tilespmem:$0x1FD40]  }
0x11c: {  	v4 =	vmax.f32 v4, v5;
	v5 =	vmin.f32 v1, v50  }
0x11d: {  	v0 =	vmax.f32 v0, v8;
	v8 =	vmin.f32 v3, v5  }
0x11e: {  	v3 =	vmax.f32 v3, v5;
	v5 =	vmin.f32 v2, v8;
	v2 =	vmax.f32 v2, v8;
	v8 =	vld [tilespmem:$0x1FD50];
	_ =	sdelay $0x1  }
0x11f: {  	v9 =	vld.idx.msk [tilespmem:v49+s3+$0x0], $0xffff;
	_ =	sdelay $0x2  }
0x120: {  	v7 =	vld.idx.msk [tilespmem:v7+s3+$0x0], $0xffff;
	_ =	sdelay $0x1  }
0x121: {  	v1 =	vmax.f32 v1, v50;
	v51 =	vmin.f32 v0, v9  }
0x122: {  	v0 =	vmax.f32 v0, v9;
	v4 =	vmax.f32 v4, v5;
	v5 =	vmin.f32 v1, v51;
	v8 =	vld.idx.msk [tilespmem:v8+s3+$0x0], $0xffff  }
0x123: {  	v1 =	vmax.f32 v1, v51;
	v52 =	vmin.f32 v3, v5;
	v3 =	vmax.f32 v3, v5  }
0x124: {  	v54 =	vld [tilespmem:$0x1FD60];
	v5 =	vmin.f32 v2, v52;
	v2 =	vmax.f32 v2, v52;
	v53 =	vmin.f32 v0, v7  }
0x125: {  	v4 =	vmax.f32 v4, v5;
	v0 =	vmax.f32 v0, v7;
	v5 =	vmin.f32 v1, v53  }
0x126: {  	v1 =	vmax.f32 v1, v53;
	v7 =	vmin.f32 v3, v5;
	v3 =	vmax.f32 v3, v5  }
0x127: {  	v5 =	vmin.f32 v2, v7;
	v55 =	vmin.f32 v0, v8;
	v2 =	vmax.f32 v2, v7;
	v7 =	vld [tilespmem:$0x1FD70]  }
0x128: {  	v4 =	vmax.f32 v4, v5;
	v5 =	vmin.f32 v1, v55  }
0x129: {  	v0 =	vmax.f32 v0, v8;
	v8 =	vmin.f32 v3, v5  }
0x12a: {  	v3 =	vmax.f32 v3, v5;
	v5 =	vmin.f32 v2, v8;
	v2 =	vmax.f32 v2, v8;
	v8 =	vld [tilespmem:$0x1FD80];
	_ =	sdelay $0x1  }
0x12b: {  	v9 =	vld.idx.msk [tilespmem:v54+s3+$0x0], $0xffff  }
0x12c: {  	v59 =	vld [tilespmem:$0x1FD90];
	_ =	sdelay $0x1  }
0x12d: {  	v7 =	vld.idx.msk [tilespmem:v7+s3+$0x0], $0xffff;
	_ =	sdelay $0x1  }
0x12e: {  	v1 =	vmax.f32 v1, v55;
	v56 =	vmin.f32 v0, v9  }
0x12f: {  	v4 =	vmax.f32 v4, v5;
	v5 =	vmin.f32 v1, v56;
	v8 =	vld.idx.msk [tilespmem:v8+s3+$0x0], $0xffff  }
0x130: {  	v0 =	vmax.f32 v0, v9;
	v1 =	vmax.f32 v1, v56;
	v57 =	vmin.f32 v3, v5  }
0x131: {  	v3 =	vmax.f32 v3, v5;
	v5 =	vmin.f32 v2, v57;
	v58 =	vmin.f32 v0, v7  }
0x132: {  	v9 =	vld.idx.msk [tilespmem:v59+s3+$0x0], $0xffff;
	v2 =	vmax.f32 v2, v57;
	v4 =	vmax.f32 v4, v5;
	v5 =	vmin.f32 v1, v58  }
0x133: {  	v0 =	vmax.f32 v0, v7;
	v1 =	vmax.f32 v1, v58;
	v7 =	vmin.f32 v3, v5  }
0x134: {  	v3 =	vmax.f32 v3, v5;
	v5 =	vmin.f32 v2, v7;
	v60 =	vmin.f32 v0, v8  }
0x135: {  	v2 =	vmax.f32 v2, v7;
	v4 =	vmax.f32 v4, v5;
	v5 =	vmin.f32 v1, v60  }
0x136: {  	v0 =	vmax.f32 v0, v8;
	v1 =	vmax.f32 v1, v60;
	v7 =	vmax.f32 v3, v5  }
0x137: {  	v3 =	vmin.f32 v3, v5;
	v5 =	vmax.f32 v0, v9;
	v0 =	vmin.f32 v0, v9  }
0x138: {  	v8 =	vmax.f32 v2, v3;
	v9 =	vmax.f32 v1, v0;
	v0 =	vmin.f32 v1, v0;
	[tilespmem:$0x9000] =	vst v5  }
0x139: {  	v61 =	vmin.f32 v2, v3;
	v62 =	vmax.f32 v7, v0;
	v0 =	vmin.f32 v7, v0;
	[tilespmem:$0x9080] =	vst v9  }
0x13a: {  	v1 =	vmax.f32 v4, v61;
	v63 =	vmax.f32 v8, v0;
	v0 =	vmin.f32 v8, v0;
	[tilespmem:$0x9100] =	vst v62  }
0x13b: {  	v52 =	vmax.f32 v1, v0;
	[tilespmem:$0x9180] =	vst v63  }
0x13c: {  	[tilespmem:$0x9200] =	vst v52  }
.LBB2_8:
0x13d: {  	v0 =	vmpcnt.ones.xlane vm1;
	_ =	sdelay $0x1  }
0x13e: {  	(v2sf) =	vpush v0, $0x0;
	_ =	sdelay $0xe  }
0x13f: {  	s21 =	spop (v2sf)  }
0x140: {  	p0 =	slt.s32 s21, $0x1  }
.Ltmp9:
0x141: {  	_ = 	snop;
	(pc) =	sbr.rel @p0 .LBB2_10-.Ltmp9, $1  }
0x142: {  	_ =	sdelay $0x3  }
0x143: {  	v2 =	vld [tilespmem:$0x1FDA0];
	_ =	sdelay $0x2  }
0x144: {  	v5 =	vld [tilespmem:$0x1FDB0];
	_ =	sdelay $0x1  }
0x145: {  	v0 =	vld [tilespmem:$0x9000]  }
0x146: {  	v9 =	vld [tilespmem:$0x1FDC0]  }
0x147: {  	v1 =	vld [tilespmem:$0x9080]  }
0x148: {  	v2 =	vld.idx.msk [tilespmem:v2+s3+$0x0], $0xffff  }
0x149: {  	v3 =	vld [tilespmem:$0x9100]  }
0x14a: {  	v4 =	vld [tilespmem:$0x9180]  }
0x14b: {  	v5 =	vld.idx.msk [tilespmem:v5+s3+$0x0], $0xffff;
	_ =	sdelay $0x1  }
0x14c: {  	v7 =	vmin.f32 v0, v2  }
0x14d: {  	v9 =	vld.idx.msk [tilespmem:v9+s3+$0x0], $0xffff;
	v8 =	vmin.f32 v1, v7  }
0x14e: {  	v0 =	vmax.f32 v0, v2;
	v1 =	vmax.f32 v1, v7;
	v42 =	vmin.f32 v3, v8  }
0x14f: {  	v3 =	vmax.f32 v3, v8;
	v8 =	vmin.f32 v0, v5;
	v7 =	vmin.f32 v4, v42  }
0x150: {  	v10 =	vld [tilespmem:$0x1FDD0];
	v2 =	vmax.f32 v4, v42;
	v4 =	vmax.f32 v52, v7;
	v7 =	vmin.f32 v1, v8  }
0x151: {  	v0 =	vmax.f32 v0, v5;
	v1 =	vmax.f32 v1, v8;
	v5 =	vmin.f32 v3, v7  }
0x152: {  	v8 =	vmin.f32 v0, v9;
	v3 =	vmax.f32 v3, v7;
	v7 =	vmin.f32 v2, v5  }
0x153: {  	v2 =	vmax.f32 v2, v5;
	v5 =	vmin.f32 v1, v8;
	v4 =	vmax.f32 v4, v7;
	v7 =	vld [tilespmem:$0x1FDE0]  }
0x154: {  	v1 =	vmax.f32 v1, v8;
	v8 =	vmin.f32 v3, v5  }
0x155: {  	v3 =	vmax.f32 v3, v5;
	v5 =	vmin.f32 v2, v8;
	v2 =	vmax.f32 v2, v8;
	v8 =	vld [tilespmem:$0x1FDF0];
	_ =	sdelay $0x2  }
0x156: {  	v10 =	vld.idx.msk [tilespmem:v10+s3+$0x0], $0xffff;
	_ =	sdelay $0x2  }
0x157: {  	v7 =	vld.idx.msk [tilespmem:v7+s3+$0x0], $0xffff  }
0x158: {  	v0 =	vmax.f32 v0, v9  }
0x159: {  	v9 =	vmin.f32 v0, v10;
	v8 =	vld.idx.msk [tilespmem:v8+s3+$0x0], $0xffff  }
0x15a: {  	v0 =	vmax.f32 v0, v10;
	v4 =	vmax.f32 v4, v5;
	v5 =	vmin.f32 v1, v9  }
0x15b: {  	v1 =	vmax.f32 v1, v9;
	v43 =	vmin.f32 v3, v5;
	v3 =	vmax.f32 v3, v5  }
0x15c: {  	v44 =	vld [tilespmem:$0x1FE00];
	v5 =	vmin.f32 v2, v43;
	v2 =	vmax.f32 v2, v43;
	v10 =	vmin.f32 v0, v7  }
0x15d: {  	v4 =	vmax.f32 v4, v5;
	v0 =	vmax.f32 v0, v7;
	v5 =	vmin.f32 v1, v10  }
0x15e: {  	v1 =	vmax.f32 v1, v10;
	v45 =	vmin.f32 v0, v8;
	v7 =	vmin.f32 v3, v5  }
0x15f: {  	v3 =	vmax.f32 v3, v5;
	v5 =	vmin.f32 v2, v7;
	v2 =	vmax.f32 v2, v7;
	v7 =	vld [tilespmem:$0x1FE10]  }
0x160: {  	v4 =	vmax.f32 v4, v5;
	v5 =	vmin.f32 v1, v45  }
0x161: {  	v0 =	vmax.f32 v0, v8;
	v8 =	vmin.f32 v3, v5  }
0x162: {  	v3 =	vmax.f32 v3, v5;
	v5 =	vmin.f32 v2, v8;
	v2 =	vmax.f32 v2, v8;
	v8 =	vld [tilespmem:$0x1FE20];
	_ =	sdelay $0x1  }
0x163: {  	v9 =	vld.idx.msk [tilespmem:v44+s3+$0x0], $0xffff;
	_ =	sdelay $0x2  }
0x164: {  	v7 =	vld.idx.msk [tilespmem:v7+s3+$0x0], $0xffff;
	_ =	sdelay $0x1  }
0x165: {  	v46 =	vmin.f32 v0, v9;
	v1 =	vmax.f32 v1, v45  }
0x166: {  	v0 =	vmax.f32 v0, v9;
	v4 =	vmax.f32 v4, v5;
	v5 =	vmin.f32 v1, v46;
	v8 =	vld.idx.msk [tilespmem:v8+s3+$0x0], $0xffff  }
0x167: {  	v1 =	vmax.f32 v1, v46;
	v47 =	vmin.f32 v3, v5;
	v3 =	vmax.f32 v3, v5  }
0x168: {  	v49 =	vld [tilespmem:$0x1FE30];
	v5 =	vmin.f32 v2, v47;
	v2 =	vmax.f32 v2, v47;
	v48 =	vmin.f32 v0, v7  }
0x169: {  	v4 =	vmax.f32 v4, v5;
	v0 =	vmax.f32 v0, v7;
	v5 =	vmin.f32 v1, v48  }
0x16a: {  	v1 =	vmax.f32 v1, v48;
	v7 =	vmin.f32 v3, v5;
	v3 =	vmax.f32 v3, v5  }
0x16b: {  	v5 =	vmin.f32 v2, v7;
	v50 =	vmin.f32 v0, v8;
	v2 =	vmax.f32 v2, v7;
	v7 =	vld [tilespmem:$0x1FE40]  }
0x16c: {  	v4 =	vmax.f32 v4, v5;
	v5 =	vmin.f32 v1, v50  }
0x16d: {  	v0 =	vmax.f32 v0, v8;
	v8 =	vmin.f32 v3, v5  }
0x16e: {  	v3 =	vmax.f32 v3, v5;
	v5 =	vmin.f32 v2, v8;
	v2 =	vmax.f32 v2, v8;
	v8 =	vld [tilespmem:$0x1FE50];
	_ =	sdelay $0x1  }
0x16f: {  	v9 =	vld.idx.msk [tilespmem:v49+s3+$0x0], $0xffff;
	_ =	sdelay $0x2  }
0x170: {  	v7 =	vld.idx.msk [tilespmem:v7+s3+$0x0], $0xffff;
	_ =	sdelay $0x1  }
0x171: {  	v1 =	vmax.f32 v1, v50;
	v51 =	vmin.f32 v0, v9  }
0x172: {  	v0 =	vmax.f32 v0, v9;
	v4 =	vmax.f32 v4, v5;
	v5 =	vmin.f32 v1, v51;
	v8 =	vld.idx.msk [tilespmem:v8+s3+$0x0], $0xffff  }
0x173: {  	v1 =	vmax.f32 v1, v51;
	v52 =	vmin.f32 v3, v5;
	v3 =	vmax.f32 v3, v5  }
0x174: {  	v54 =	vld [tilespmem:$0x1FE60];
	v5 =	vmin.f32 v2, v52;
	v2 =	vmax.f32 v2, v52;
	v53 =	vmin.f32 v0, v7  }
0x175: {  	v4 =	vmax.f32 v4, v5;
	v0 =	vmax.f32 v0, v7;
	v5 =	vmin.f32 v1, v53  }
0x176: {  	v1 =	vmax.f32 v1, v53;
	v7 =	vmin.f32 v3, v5;
	v3 =	vmax.f32 v3, v5  }
0x177: {  	v5 =	vmin.f32 v2, v7;
	v55 =	vmin.f32 v0, v8;
	v2 =	vmax.f32 v2, v7;
	v7 =	vld [tilespmem:$0x1FE70]  }
0x178: {  	v4 =	vmax.f32 v4, v5;
	v5 =	vmin.f32 v1, v55  }
0x179: {  	v0 =	vmax.f32 v0, v8;
	v8 =	vmin.f32 v3, v5  }
0x17a: {  	v3 =	vmax.f32 v3, v5;
	v5 =	vmin.f32 v2, v8;
	v2 =	vmax.f32 v2, v8;
	v8 =	vld [tilespmem:$0x1FE80];
	_ =	sdelay $0x1  }
0x17b: {  	v9 =	vld.idx.msk [tilespmem:v54+s3+$0x0], $0xffff  }
0x17c: {  	v59 =	vld [tilespmem:$0x1FE90];
	_ =	sdelay $0x1  }
0x17d: {  	v7 =	vld.idx.msk [tilespmem:v7+s3+$0x0], $0xffff;
	_ =	sdelay $0x1  }
0x17e: {  	v1 =	vmax.f32 v1, v55;
	v56 =	vmin.f32 v0, v9  }
0x17f: {  	v4 =	vmax.f32 v4, v5;
	v5 =	vmin.f32 v1, v56;
	v8 =	vld.idx.msk [tilespmem:v8+s3+$0x0], $0xffff  }
0x180: {  	v0 =	vmax.f32 v0, v9;
	v1 =	vmax.f32 v1, v56;
	v57 =	vmin.f32 v3, v5  }
0x181: {  	v3 =	vmax.f32 v3, v5;
	v5 =	vmin.f32 v2, v57;
	v58 =	vmin.f32 v0, v7  }
0x182: {  	v9 =	vld.idx.msk [tilespmem:v59+s3+$0x0], $0xffff;
	v2 =	vmax.f32 v2, v57;
	v4 =	vmax.f32 v4, v5;
	v5 =	vmin.f32 v1, v58  }
0x183: {  	v0 =	vmax.f32 v0, v7;
	v1 =	vmax.f32 v1, v58;
	v7 =	vmin.f32 v3, v5  }
0x184: {  	v3 =	vmax.f32 v3, v5;
	v5 =	vmin.f32 v2, v7;
	v60 =	vmin.f32 v0, v8  }
0x185: {  	v2 =	vmax.f32 v2, v7;
	v4 =	vmax.f32 v4, v5;
	v5 =	vmin.f32 v1, v60  }
0x186: {  	v0 =	vmax.f32 v0, v8;
	v1 =	vmax.f32 v1, v60;
	v7 =	vmax.f32 v3, v5  }
0x187: {  	v3 =	vmin.f32 v3, v5;
	v5 =	vmax.f32 v0, v9;
	v0 =	vmin.f32 v0, v9  }
0x188: {  	v8 =	vmax.f32 v2, v3;
	v9 =	vmax.f32 v1, v0;
	v0 =	vmin.f32 v1, v0;
	[tilespmem:$0x9000] =	vst v5  }
0x189: {  	v61 =	vmin.f32 v2, v3;
	v62 =	vmax.f32 v7, v0;
	v0 =	vmin.f32 v7, v0;
	[tilespmem:$0x9080] =	vst v9  }
0x18a: {  	v1 =	vmax.f32 v4, v61;
	v63 =	vmax.f32 v8, v0;
	v0 =	vmin.f32 v8, v0;
	[tilespmem:$0x9100] =	vst v62  }
0x18b: {  	v52 =	vmax.f32 v1, v0;
	[tilespmem:$0x9180] =	vst v63  }
0x18c: {  	[tilespmem:$0x9200] =	vst v52  }
.LBB2_10:
0x18d: {  	v0 =	vmpcnt.ones.xlane vm0;
	_ =	sdelay $0x1  }
0x18e: {  	(v2sf) =	vpush v0, $0x0;
	_ =	sdelay $0xe  }
0x18f: {  	s21 =	spop (v2sf)  }
0x190: {  	p0 =	slt.s32 s21, $0x1  }
.Ltmp10:
0x191: {  	_ = 	snop;
	(pc) =	sbr.rel @p0 .LBB2_12-.Ltmp10, $1  }
0x192: {  	_ =	sdelay $0x3  }
0x193: {  	v2 =	vld [tilespmem:$0x1FEA0]  }
0x194: {  	v5 =	vld [tilespmem:$0x1FEB0]  }
0x195: {  	v0 =	vld [tilespmem:$0x9000]  }
0x196: {  	v9 =	vld [tilespmem:$0x1FEC0]  }
0x197: {  	v1 =	vld [tilespmem:$0x9080]  }
0x198: {  	v10 =	vld [tilespmem:$0x1FED0]  }
0x199: {  	v3 =	vld [tilespmem:$0x9100]  }
0x19a: {  	v4 =	vld [tilespmem:$0x9180]  }
0x19b: {  	v2 =	vld.idx.msk [tilespmem:v2+s3+$0x0], $0xffff  }
0x19c: {  	v5 =	vld.idx.msk [tilespmem:v5+s3+$0x0], $0xffff  }
0x19d: {  	v53 =	vld [tilespmem:$0x1FF00]  }
0x19e: {  	v9 =	vld.idx.msk [tilespmem:v9+s3+$0x0], $0xffff  }
0x19f: {  	v57 =	vld [tilespmem:$0x1FF10]  }
0x1a0: {  	v10 =	vld.idx.msk [tilespmem:v10+s3+$0x0], $0xffff;
	v7 =	vmin.f32 v0, v2;
	v0 =	vmax.f32 v0, v2  }
0x1a1: {  	v8 =	vmin.f32 v1, v7;
	v1 =	vmax.f32 v1, v7;
	v46 =	vmin.f32 v0, v5  }
0x1a2: {  	v0 =	vmax.f32 v0, v5;
	v44 =	vmin.f32 v3, v8;
	v3 =	vmax.f32 v3, v8  }
0x1a3: {  	v48 =	vmin.f32 v1, v46;
	v1 =	vmax.f32 v1, v46;
	v51 =	vmin.f32 v0, v9  }
0x1a4: {  	v61 =	vld [tilespmem:$0x1FF50];
	v0 =	vmax.f32 v0, v9;
	v45 =	vmin.f32 v4, v44;
	v2 =	vmax.f32 v4, v44  }
0x1a5: {  	v14 =	vld [tilespmem:$0x1FF60];
	v49 =	vmin.f32 v3, v48;
	v3 =	vmax.f32 v3, v48;
	v9 =	vmin.f32 v0, v10  }
0x1a6: {  	v7 =	vld.idx.msk [tilespmem:v53+s3+$0x0], $0xffff;
	v0 =	vmax.f32 v0, v10;
	v47 =	vmax.f32 v52, v45;
	v50 =	vmin.f32 v2, v49  }
0x1a7: {  	v19 =	vld [tilespmem:$0x1FF70];
	v2 =	vmax.f32 v2, v49;
	v52 =	vmin.f32 v1, v51;
	v1 =	vmax.f32 v1, v51  }
0x1a8: {  	v8 =	vld.idx.msk [tilespmem:v57+s3+$0x0], $0xffff;
	v4 =	vmax.f32 v47, v50;
	v54 =	vmin.f32 v3, v52;
	v3 =	vmax.f32 v3, v52  }
0x1a9: {  	v56 =	vmin.f32 v1, v9;
	v1 =	vmax.f32 v1, v9;
	v55 =	vmin.f32 v2, v54  }
0x1aa: {  	v2 =	vmax.f32 v2, v54;
	v58 =	vmin.f32 v3, v56;
	v3 =	vmax.f32 v3, v56  }
0x1ab: {  	v10 =	vmin.f32 v0, v7;
	v0 =	vmax.f32 v0, v7;
	v4 =	vmax.f32 v4, v55  }
0x1ac: {  	v9 =	vld.idx.msk [tilespmem:v61+s3+$0x0], $0xffff;
	v59 =	vmin.f32 v2, v58;
	v2 =	vmax.f32 v2, v58;
	v60 =	vmin.f32 v1, v10  }
0x1ad: {  	v26 =	vld [tilespmem:$0x1FF80];
	v1 =	vmax.f32 v1, v10;
	v12 =	vmin.f32 v0, v8;
	v0 =	vmax.f32 v0, v8  }
0x1ae: {  	v7 =	vld.idx.msk [tilespmem:v14+s3+$0x0], $0xffff;
	v4 =	vmax.f32 v4, v59;
	v62 =	vmin.f32 v3, v60;
	v3 =	vmax.f32 v3, v60  }
0x1af: {  	v31 =	vld [tilespmem:$0x1FF90];
	v13 =	vmin.f32 v1, v12;
	v1 =	vmax.f32 v1, v12;
	v63 =	vmin.f32 v2, v62  }
0x1b0: {  	v8 =	vld.idx.msk [tilespmem:v19+s3+$0x0], $0xffff;
	v2 =	vmax.f32 v2, v62;
	v15 =	vmin.f32 v3, v13;
	v3 =	vmax.f32 v3, v13  }
0x1b1: {  	v36 =	vld [tilespmem:$0x1FFA0];
	v4 =	vmax.f32 v4, v63;
	v16 =	vmin.f32 v2, v15;
	v17 =	vmin.f32 v0, v9  }
0x1b2: {  	v2 =	vmax.f32 v2, v15;
	v0 =	vmax.f32 v0, v9;
	v4 =	vmax.f32 v4, v16  }
0x1b3: {  	v18 =	vmin.f32 v1, v17;
	v1 =	vmax.f32 v1, v17;
	v22 =	vmin.f32 v0, v7  }
0x1b4: {  	v0 =	vmax.f32 v0, v7;
	v20 =	vmin.f32 v3, v18;
	v3 =	vmax.f32 v3, v18  }
0x1b5: {  	v9 =	vld.idx.msk [tilespmem:v26+s3+$0x0], $0xffff;
	v23 =	vmin.f32 v1, v22;
	v1 =	vmax.f32 v1, v22;
	v29 =	vmin.f32 v0, v8  }
0x1b6: {  	v41 =	vld [tilespmem:$0x1FFB0];
	v0 =	vmax.f32 v0, v8;
	v21 =	vmin.f32 v2, v20;
	v2 =	vmax.f32 v2, v20  }
0x1b7: {  	v7 =	vld.idx.msk [tilespmem:v31+s3+$0x0], $0xffff;
	v27 =	vmin.f32 v3, v23;
	v3 =	vmax.f32 v3, v23;
	v30 =	vmin.f32 v1, v29  }
0x1b8: {  	v1 =	vmax.f32 v1, v29;
	v4 =	vmax.f32 v4, v21;
	v28 =	vmin.f32 v2, v27  }
0x1b9: {  	v8 =	vld.idx.msk [tilespmem:v36+s3+$0x0], $0xffff;
	v2 =	vmax.f32 v2, v27;
	v32 =	vmin.f32 v3, v30;
	v3 =	vmax.f32 v3, v30  }
0x1ba: {  	v4 =	vmax.f32 v4, v28;
	v33 =	vmin.f32 v2, v32;
	v34 =	vmin.f32 v0, v9  }
0x1bb: {  	v2 =	vmax.f32 v2, v32;
	v0 =	vmax.f32 v0, v9;
	v4 =	vmax.f32 v4, v33  }
0x1bc: {  	v35 =	vmin.f32 v1, v34;
	v1 =	vmax.f32 v1, v34;
	v39 =	vmin.f32 v0, v7  }
0x1bd: {  	v0 =	vmax.f32 v0, v7;
	v37 =	vmin.f32 v3, v35;
	v3 =	vmax.f32 v3, v35  }
0x1be: {  	v9 =	vld.idx.msk [tilespmem:v41+s3+$0x0], $0xffff;
	v40 =	vmin.f32 v1, v39;
	v1 =	vmax.f32 v1, v39;
	v44 =	vmin.f32 v0, v8  }
0x1bf: {  	v0 =	vmax.f32 v0, v8;
	v38 =	vmin.f32 v2, v37;
	v2 =	vmax.f32 v2, v37  }
0x1c0: {  	v6 =	vld.idx.msk [tilespmem:v6+s3+$0x0], $0xffff;
	v42 =	vmin.f32 v3, v40;
	v3 =	vmax.f32 v3, v40;
	v45 =	vmin.f32 v1, v44  }
0x1c1: {  	v1 =	vmax.f32 v1, v44;
	v4 =	vmax.f32 v4, v38;
	v43 =	vmin.f32 v2, v42  }
0x1c2: {  	v49 =	vld.idx.msk [tilespmem:v24+s3+$0x0], $0xffff;
	v2 =	vmax.f32 v2, v42;
	v46 =	vmin.f32 v3, v45;
	v3 =	vmax.f32 v3, v45  }
0x1c3: {  	v4 =	vmax.f32 v4, v43;
	v47 =	vmin.f32 v2, v46;
	v8 =	vmin.f32 v0, v9  }
0x1c4: {  	v2 =	vmax.f32 v2, v46;
	v0 =	vmax.f32 v0, v9;
	v4 =	vmax.f32 v4, v47  }
0x1c5: {  	v53 =	vld.idx.msk [tilespmem:v25+s3+$0x0], $0xffff;
	v48 =	vmin.f32 v1, v8;
	v1 =	vmax.f32 v1, v8;
	v9 =	vmin.f32 v0, v6  }
0x1c6: {  	v0 =	vmax.f32 v0, v6;
	v50 =	vmin.f32 v3, v48;
	v3 =	vmax.f32 v3, v48  }
0x1c7: {  	v52 =	vmin.f32 v1, v9;
	v1 =	vmax.f32 v1, v9;
	v56 =	vmin.f32 v0, v49  }
0x1c8: {  	v0 =	vmax.f32 v0, v49;
	v51 =	vmin.f32 v2, v50;
	v2 =	vmax.f32 v2, v50  }
0x1c9: {  	v54 =	vmin.f32 v3, v52;
	v3 =	vmax.f32 v3, v52;
	v57 =	vmin.f32 v1, v56  }
0x1ca: {  	v1 =	vmax.f32 v1, v56;
	v59 =	vmax.f32 v0, v53;
	v0 =	vmin.f32 v0, v53  }
0x1cb: {  	v4 =	vmax.f32 v4, v51;
	v55 =	vmin.f32 v2, v54;
	v2 =	vmax.f32 v2, v54  }
0x1cc: {  	v58 =	vmax.f32 v3, v57;
	v3 =	vmin.f32 v3, v57;
	v8 =	vmax.f32 v1, v0  }
.Ltmp11:
0x1cd: {  	v0 =	vmin.f32 v1, v0;
	[tilespmem:$0x9000] =	vst v59;
	v4 =	vmax.f32 v4, v55;
	v60 =	vmax.f32 v2, v3;
	(pc) =	sbr.rel .LBB2_12-.Ltmp11, $4  }
0x1ce: {  	v61 =	vmin.f32 v2, v3;
	v62 =	vmax.f32 v58, v0;
	v0 =	vmin.f32 v58, v0;
	[tilespmem:$0x9080] =	vst v8  }
0x1cf: {  	v1 =	vmax.f32 v4, v61;
	v63 =	vmax.f32 v60, v0;
	v0 =	vmin.f32 v60, v0;
	[tilespmem:$0x9100] =	vst v62  }
0x1d0: {  	v52 =	vmax.f32 v1, v0;
	[tilespmem:$0x9180] =	vst v63  }
0x1d1: {  	[tilespmem:$0x9200] =	vst v52  }
.LBB2_13:
0x1d2: {  	p0 =	seq.s32 s17, $0x3F  }
0x1d3: {  	s19 =	sadd.s32 @!p0 $0x2, s19  }
0x1d4: {  	s20 =	sshll.u32 @!p0 s19, $0xE  }
0x1d5: {  	s19 =	sshll.u32 @!p0 s19, $0xD;
	s20 =	sand.u32 @!p0 $0x380000, s20  }
0x1d6: {  	s19 =	sand.u32 @!p0 $0x3C000, s19;
	s20 =	sadd.s32 @!p0 s4, s20  }
0x1d7: {  	s19 =	sor.u32 @!p0 s19, s20  }
0x1d8: {  	s19 =	sshrl.u32 @!p0 s19, $0x3  }
0x1d9: {  	s20 =	simm.s32 @!p0 $0x0;
	s19 =	sadd.s32 @!p0 s0, s19  }
0x1da: {  	[tilespmem:s20], [sflag:$0x1] =	stream.linear.gather @!p0 [hbm4b:s19+s20], $0x2000, $0x38;
	[tilespmem:$0x9480] =	vst v63  }
0x1db: {  	s21 =	simm.s32 @!p0 $0x2400;
	s19 =	sadd.s32 @!p0 $0x8000, s19  }
0x1dc: {  	[tilespmem:s21], [sflag:$0x1] =	stream.linear.gather @!p0 [hbm4b:s19+s20], $0x2000, $0x38;
	[tilespmem:$0x9480] =	vst v63  }
.Ltmp12:
0x1dd: {  	_ = 	snop;
	(pc) =	sbr.rel .LBB2_14-.Ltmp12, $4  }
0x1de: {  	_ =	swait.ge [sflag:s13], $0x4000  }
0x1df: {  	[sflag:s13] =	ssyncset.done $0x0  }
0x1e0: {  	[sflag:s13] =	ssyncadd.s32 $0xFFFFC000  }
0x1e1: {  	s19 =	simm.s32 $0x0;
	v52 =	vld [tilespmem:$0x9200]  }
.LBB2_23:
0x1e2: {  	s19 =	sadd.s32 $0x40, s19  }
0x1e3: {  	p0 =	sne.s32 s19, $0x400  }
.Ltmp13:
0x1e4: {  	_ = 	snop;
	(pc) =	sbr.rel @!p0 .LBB2_24-.Ltmp13, $1  }
0x1e5: {  	_ =	sdelay $0x3  }
.LBB2_14:
0x1e6: {  	v0 =	vmov s19  }
0x1e7: {  	v1 =	vshll.u32 v0, $0x3  }
0x1e8: {  	v0 =	vand.u32 $0x40, v0;
	v1 =	vand.u32 $0x1C00, v1  }
0x1e9: {  	v0 =	vor.u32 v0, v1;
	v1 =	vld [tilespmem:$0x1FFE0];
	_ =	sdelay $0x2  }
0x1ea: {  	v3 =	vld [tilespmem:$0x1FFF0];
	_ =	sdelay $0x1  }
0x1eb: {  	v5 =	vadd.s32 v1, v0  }
0x1ec: {  	v1 =	vor.u32 $0x1, v5  }
0x1ed: {  	v2 =	vor.u32 $0x2, v5  }
0x1ee: {  	v0 =	vadd.s32 v3, v0  }
0x1ef: {  	v6 =	vor.u32 $0x4, v5  }
0x1f0: {  	v7 =	vor.u32 $0x5, v5;
	v4 =	vld.idx.msk [tilespmem:v5+s3+$0x0], $0xffff  }
0x1f1: {  	v8 =	vor.u32 $0x6, v5;
	v3 =	vld.idx.msk [tilespmem:v1+s3+$0x0], $0xffff  }
0x1f2: {  	v9 =	vor.u32 $0x7, v5;
	v2 =	vld.idx.msk [tilespmem:v2+s3+$0x0], $0xffff  }
0x1f3: {  	v10 =	vor.u32 $0x8, v5;
	v1 =	vld.idx.msk [tilespmem:v0+s3+$0x0], $0xffff  }
0x1f4: {  	v42 =	vor.u32 $0xC, v5;
	v0 =	vld.idx.msk [tilespmem:v6+s3+$0x0], $0xffff  }
0x1f5: {  	v43 =	vor.u32 $0xD, v5;
	v63 =	vld.idx.msk [tilespmem:v7+s3+$0x0], $0xffff  }
0x1f6: {  	v48 =	vor.u32 $0x13, v5;
	v62 =	vld.idx.msk [tilespmem:v8+s3+$0x0], $0xffff  }
0x1f7: {  	v49 =	vor.u32 $0x14, v5;
	v61 =	vld.idx.msk [tilespmem:v9+s3+$0x0], $0xffff  }
0x1f8: {  	v13 =	vor.u32 $0x17, v5;
	v60 =	vld.idx.msk [tilespmem:v10+s3+$0x0], $0xffff  }
0x1f9: {  	v14 =	vor.u32 $0x18, v5;
	v58 =	vld.idx.msk [tilespmem:v42+s3+$0x0], $0xffff  }
0x1fa: {  	v15 =	vor.u32 $0x19, v5;
	v57 =	vld.idx.msk [tilespmem:v43+s3+$0x0], $0xffff  }
0x1fb: {  	v11 =	vor.u32 $0x10, v5;
	v16 =	vor.u32 $0x1A, v5;
	v9 =	vld.idx.msk [tilespmem:v48+s3+$0x0], $0xffff  }
0x1fc: {  	v17 =	vor.u32 $0x1B, v5;
	[tilespmem:$0x1F980] =	vst v11;
	v10 =	vld.idx.msk [tilespmem:v49+s3+$0x0], $0xffff  }
0x1fd: {  	v18 =	vor.u32 $0x1C, v5;
	[tilespmem:$0x1F9F0] =	vst v13;
	v13 =	vld.idx.msk [tilespmem:v13+s3+$0x0], $0xffff  }
0x1fe: {  	v19 =	vor.u32 $0x1D, v5;
	[tilespmem:$0x1FA00] =	vst v14;
	v14 =	vld.idx.msk [tilespmem:v14+s3+$0x0], $0xffff  }
0x1ff: {  	v20 =	vor.u32 $0x1E, v5;
	[tilespmem:$0x1FA10] =	vst v15;
	v15 =	vld.idx.msk [tilespmem:v15+s3+$0x0], $0xffff  }
0x200: {  	v21 =	vor.u32 $0x1F, v5;
	[tilespmem:$0x1FA20] =	vst v16;
	v16 =	vld.idx.msk [tilespmem:v16+s3+$0x0], $0xffff  }
0x201: {  	v22 =	vor.u32 $0x20, v5;
	[tilespmem:$0x1FA30] =	vst v17;
	v17 =	vld.idx.msk [tilespmem:v17+s3+$0x0], $0xffff  }
0x202: {  	v23 =	vor.u32 $0x21, v5;
	[tilespmem:$0x1FA40] =	vst v18;
	v18 =	vld.idx.msk [tilespmem:v18+s3+$0x0], $0xffff  }
0x203: {  	v28 =	vor.u32 $0x26, v5;
	[tilespmem:$0x1FA50] =	vst v19;
	v19 =	vld.idx.msk [tilespmem:v19+s3+$0x0], $0xffff  }
0x204: {  	[tilespmem:$0x1FA60] =	vst v20;
	v6 =	vor.u32 $0x9, v5;
	v20 =	vld.idx.msk [tilespmem:v20+s3+$0x0], $0xffff  }
0x205: {  	[tilespmem:$0x1FA70] =	vst v21;
	v7 =	vor.u32 $0xA, v5;
	v21 =	vld.idx.msk [tilespmem:v21+s3+$0x0], $0xffff  }
0x206: {  	v29 =	vor.u32 $0x27, v5;
	[tilespmem:$0x1FA80] =	vst v22;
	v22 =	vld.idx.msk [tilespmem:v22+s3+$0x0], $0xffff  }
0x207: {  	v30 =	vor.u32 $0x28, v5;
	[tilespmem:$0x1FA90] =	vst v23;
	v23 =	vld.idx.msk [tilespmem:v23+s3+$0x0], $0xffff  }
0x208: {  	v12 =	vor.u32 $0x11, v5;
	v33 =	vor.u32 $0x2B, v5;
	[tilespmem:$0x1FAE0] =	vst v28;
	v28 =	vld.idx.msk [tilespmem:v28+s3+$0x0], $0xffff  }
0x209: {  	[tilespmem:$0x1F990] =	vst v12;
	v59 =	vld.idx.msk [tilespmem:v6+s3+$0x0], $0xffff;
	v6 =	vor.u32 $0xE, v5  }
0x20a: {  	[tilespmem:$0x1F9B0] =	vst v48;
	v47 =	vld.idx.msk [tilespmem:v7+s3+$0x0], $0xffff;
	v7 =	vor.u32 $0xF, v5  }
0x20b: {  	[tilespmem:$0x1FAF0] =	vst v29;
	v29 =	vld.idx.msk [tilespmem:v29+s3+$0x0], $0xffff  }
0x20c: {  	[tilespmem:$0x1FB00] =	vst v30;
	v30 =	vld.idx.msk [tilespmem:v30+s3+$0x0], $0xffff  }
0x20d: {  	v50 =	vor.u32 $0x15, v5;
	[tilespmem:$0x1FB30] =	vst v33;
	v33 =	vld.idx.msk [tilespmem:v33+s3+$0x0], $0xffff  }
0x20e: {  	v51 =	vor.u32 $0x16, v5;
	[tilespmem:$0x1F9C0] =	vst v49;
	v56 =	vld.idx.msk [tilespmem:v6+s3+$0x0], $0xffff  }
0x20f: {  	v27 =	vor.u32 $0x22, v5;
	[tilespmem:$0x1F9D0] =	vst v50;
	v53 =	vld.idx.msk [tilespmem:v7+s3+$0x0], $0xffff  }
0x210: {  	v26 =	vor.u32 $0x23, v5;
	[tilespmem:$0x1F9E0] =	vst v51;
	v6 =	vld.idx.msk [tilespmem:v11+s3+$0x0], $0xffff  }
0x211: {  	v24 =	vor.u32 $0x25, v5;
	[tilespmem:$0x1FAA0] =	vst v27;
	v7 =	vld.idx.msk [tilespmem:v12+s3+$0x0], $0xffff  }
0x212: {  	v25 =	vor.u32 $0x24, v5;
	[tilespmem:$0x1FAB0] =	vst v26;
	v11 =	vld.idx.msk [tilespmem:v50+s3+$0x0], $0xffff  }
0x213: {  	v34 =	vor.u32 $0x2C, v5;
	[tilespmem:$0x1FAC0] =	vst v25;
	v12 =	vld.idx.msk [tilespmem:v51+s3+$0x0], $0xffff  }
0x214: {  	v35 =	vor.u32 $0x2D, v5;
	[tilespmem:$0x1FAD0] =	vst v24;
	v50 =	vld.idx.msk [tilespmem:v27+s3+$0x0], $0xffff  }
0x215: {  	v38 =	vor.u32 $0x30, v5;
	[tilespmem:$0x1FB40] =	vst v34;
	v51 =	vld.idx.msk [tilespmem:v26+s3+$0x0], $0xffff  }
0x216: {  	[tilespmem:$0x1FB50] =	vst v35;
	v27 =	vld.idx.msk [tilespmem:v24+s3+$0x0], $0xffff;
	v24 =	vor.u32 $0x2A, v5  }
0x217: {  	v41 =	vor.u32 $0x31, v5;
	[tilespmem:$0x1FB80] =	vst v38;
	v26 =	vld.idx.msk [tilespmem:v25+s3+$0x0], $0xffff;
	v25 =	vor.u32 $0x29, v5  }
0x218: {  	v55 =	vor.u32 $0x37, v5;
	[tilespmem:$0x1FB90] =	vst v41;
	v8 =	vor.u32 $0xB, v5;
	v34 =	vld.idx.msk [tilespmem:v34+s3+$0x0], $0xffff  }
0x219: {  	[tilespmem:$0x1FC40] =	vst v55;
	v35 =	vld.idx.msk [tilespmem:v35+s3+$0x0], $0xffff;
	v42 =	vor.u32 $0x32, v5  }
0x21a: {  	v38 =	vld.idx.msk [tilespmem:v38+s3+$0x0], $0xffff;
	v49 =	vor.u32 $0x36, v5;
	[tilespmem:$0x1FBA0] =	vst v42  }
0x21b: {  	[tilespmem:$0x1FB20] =	vst v24;
	v32 =	vld.idx.msk [tilespmem:v24+s3+$0x0], $0xffff;
	v24 =	vor.u32 $0x2F, v5  }
0x21c: {  	[tilespmem:$0x1FB10] =	vst v25;
	v31 =	vld.idx.msk [tilespmem:v25+s3+$0x0], $0xffff;
	v25 =	vor.u32 $0x2E, v5  }
0x21d: {  	[tilespmem:$0x1FC30] =	vst v49;
	v46 =	vld.idx.msk [tilespmem:v8+s3+$0x0], $0xffff  }
0x21e: {  	v41 =	vld.idx.msk [tilespmem:v41+s3+$0x0], $0xffff;
	v8 =	vor.u32 $0x12, v5;
	[tilespmem:$0x1FC00] =	vst v57  }
0x21f: {  	v49 =	vld.idx.msk [tilespmem:v49+s3+$0x0], $0xffff;
	[tilespmem:$0x1F9A0] =	vst v8  }
0x220: {  	v39 =	vmax.f32 v4, v3;
	v40 =	vmax.f32 v2, v1;
	[tilespmem:$0x1FB70] =	vst v24;
	v37 =	vld.idx.msk [tilespmem:v24+s3+$0x0], $0xffff;
	v24 =	vor.u32 $0x34, v5  }
0x221: {  	v54 =	vmax.f32 v0, v63;
	v43 =	vmax.f32 v62, v61;
	[tilespmem:$0x1FB60] =	vst v25;
	v36 =	vld.idx.msk [tilespmem:v25+s3+$0x0], $0xffff;
	v25 =	vor.u32 $0x33, v5  }
0x222: {  	v39 =	vmax.f32 v39, v40;
	v45 =	vmax.f32 v60, v59;
	[tilespmem:$0x1FBC0] =	vst v46;
	v46 =	vmax.f32 v47, v46  }
0x223: {  	v48 =	vor.u32 $0x35, v5;
	v40 =	vld.idx.msk [tilespmem:v42+s3+$0x0], $0xffff;
	v42 =	vmax.f32 v54, v43;
	[tilespmem:$0x1FBD0] =	vst v47;
	v43 =	vmax.f32 v45, v46  }
0x224: {  	v8 =	vld.idx.msk [tilespmem:v8+s3+$0x0], $0xffff;
	v46 =	vmax.f32 v58, v57;
	[tilespmem:$0x1FC10] =	vst v53;
	v57 =	vmax.f32 v56, v53;
	v53 =	vor.u32 $0x3B, v5  }
0x225: {  	[tilespmem:$0x1FBE0] =	vst v24;
	v47 =	vld.idx.msk [tilespmem:v24+s3+$0x0], $0xffff;
	v24 =	vor.u32 $0x39, v5  }
0x226: {  	[tilespmem:$0x1FBB0] =	vst v25;
	v44 =	vld.idx.msk [tilespmem:v25+s3+$0x0], $0xffff;
	v25 =	vor.u32 $0x38, v5  }
0x227: {  	[tilespmem:$0x1FBF0] =	vst v48;
	v39 =	vmax.f32 v39, v42;
	v42 =	vld.idx.msk [tilespmem:v55+s3+$0x0], $0xffff;
	v7 =	vmax.f32 v6, v7;
	v6 =	vor.u32 $0x3D, v5  }
0x228: {  	v54 =	vor.u32 $0x3A, v5;
	v55 =	vmax.f32 v14, v15;
	v45 =	vld.idx.msk [tilespmem:v48+s3+$0x0], $0xffff;
	[tilespmem:$0x1FC20] =	vst v56  }
0x229: {  	v48 =	vor.u32 $0x3C, v5;
	v8 =	vmax.f32 v8, v9;
	v9 =	vmax.f32 v10, v11;
	[tilespmem:$0x1FC80] =	vst v53;
	v53 =	vld.idx.msk [tilespmem:v53+s3+$0x0], $0xffff  }
0x22a: {  	v11 =	vmax.f32 v12, v13;
	v46 =	vmax.f32 v46, v57;
	[tilespmem:$0x1FC60] =	vst v24;
	v10 =	vld.idx.msk [tilespmem:v24+s3+$0x0], $0xffff;
	v24 =	vor.u32 $0x3E, v5  }
0x22b: {  	v56 =	vmax.f32 v16, v17;
	v43 =	vmax.f32 v43, v46;
	[tilespmem:$0x1FC50] =	vst v25;
	v46 =	vld.idx.msk [tilespmem:v25+s3+$0x0], $0xffff;
	v25 =	vor.u32 $0x3F, v5  }
0x22c: {  	v7 =	vmax.f32 v7, v8;
	v8 =	vmax.f32 v9, v11;
	v9 =	vmax.f32 v55, v56;
	v55 =	vld.idx.msk [tilespmem:v6+s3+$0x0], $0xffff  }
0x22d: {  	v21 =	vmax.f32 v20, v21;
	v28 =	vmax.f32 v28, v29;
	v41 =	vmax.f32 v38, v41;
	v5 =	vld.idx.msk [tilespmem:v54+s3+$0x0], $0xffff  }
0x22e: {  	[tilespmem:$0x1FC70] =	vst v54;
	v57 =	vmax.f32 v18, v19;
	v56 =	vmax.f32 v50, v51;
	v54 =	vld.idx.msk [tilespmem:v48+s3+$0x0], $0xffff  }
0x22f: {  	v12 =	vmax.f32 v57, v21;
	v7 =	vmax.f32 v7, v8;
	v8 =	vmax.f32 v22, v23;
	v29 =	vld.idx.msk [tilespmem:v24+s3+$0x0], $0xffff  }
0x230: {  	v57 =	vmax.f32 v26, v27;
	v30 =	vmax.f32 v30, v31;
	v31 =	vmax.f32 v32, v33;
	v33 =	vld.idx.msk [tilespmem:v25+s3+$0x0], $0xffff  }
0x231: {  	v8 =	vmax.f32 v8, v56;
	v32 =	vmax.f32 v34, v35;
	v35 =	vmax.f32 v57, v28  }
0x232: {  	v51 =	vmax.f32 v49, v42;
	v8 =	vmax.f32 v8, v35;
	v34 =	vmax.f32 v36, v37  }
0x233: {  	[tilespmem:$0x1FC90] =	vst v48;
	v36 =	vmax.f32 v30, v31;
	v37 =	vmax.f32 v32, v34;
	v48 =	vmax.f32 v40, v44  }
0x234: {  	v50 =	vmax.f32 v47, v45;
	v14 =	vmax.f32 v41, v48;
	v10 =	vmax.f32 v46, v10  }
0x235: {  	v5 =	vmax.f32 v5, v53;
	v11 =	vmax.f32 v54, v55;
	v53 =	vmax.f32 v29, v33  }
0x236: {  	v54 =	vmax.f32 v50, v51;
	v5 =	vmax.f32 v10, v5;
	v55 =	vmax.f32 v11, v53  }
0x237: {  	v56 =	vmax.f32 v36, v37;
	v57 =	vmax.f32 v14, v54;
	v5 =	vmax.f32 v5, v55  }
0x238: {  	v9 =	vmax.f32 v9, v12;
	v8 =	vmax.f32 v8, v56;
	v5 =	vmax.f32 v57, v5  }
0x239: {  	v7 =	vmax.f32 v7, v9;
	vm1 =	vgt.f32 v8, v52;
	vm0 =	vgt.f32 v5, v52  }
0x23a: {  	vm2 =	vgt.f32 v7, v52;
	v5 =	vmax.f32 v39, v43;
	vm4 =	vmor vm1, vm0  }
0x23b: {  	vm3 =	vgt.f32 v5, v52;
	vm4 =	vmor vm2, vm4  }
0x23c: {  	vm4 =	vmor vm3, vm4  }
0x23d: {  	v5 =	vmpcnt.ones.xlane vm4;
	_ =	sdelay $0x1  }
0x23e: {  	(v2sf) =	vpush v5, $0x0;
	_ =	sdelay $0xe  }
0x23f: {  	s20 =	spop (v2sf)  }
0x240: {  	p0 =	slt.s32 s20, $0x1  }
.Ltmp14:
0x241: {  	_ = 	snop;
	(pc) =	sbr.rel @p0 .LBB2_23-.Ltmp14, $1  }
0x242: {  	_ =	sdelay $0x3  }
0x243: {  	v5 =	vmpcnt.ones.xlane vm3;
	_ =	sdelay $0x1  }
0x244: {  	(v2sf) =	vpush v5, $0x0;
	_ =	sdelay $0xe  }
0x245: {  	s20 =	spop (v2sf)  }
0x246: {  	p0 =	slt.s32 s20, $0x1  }
.Ltmp15:
0x247: {  	_ = 	snop;
	(pc) =	sbr.rel @p0 .LBB2_17-.Ltmp15, $1  }
0x248: {  	_ =	sdelay $0x3  }
0x249: {  	v5 =	vld [tilespmem:$0x9000]  }
0x24a: {  	v7 =	vld [tilespmem:$0x9080]  }
0x24b: {  	v8 =	vld [tilespmem:$0x9100];
	_ =	sdelay $0x1  }
0x24c: {  	v9 =	vld [tilespmem:$0x9180]  }
0x24d: {  	v10 =	vmin.f32 v5, v4;
	v4 =	vmax.f32 v5, v4  }
0x24e: {  	v11 =	vmin.f32 v7, v10;
	v5 =	vmax.f32 v7, v10;
	v37 =	vmin.f32 v4, v3  }
0x24f: {  	v40 =	vmax.f32 v4, v3;
	v7 =	vmin.f32 v8, v11;
	v8 =	vmax.f32 v8, v11  }
0x250: {  	v39 =	vmin.f32 v5, v37;
	v4 =	vmax.f32 v5, v37;
	v42 =	vmin.f32 v40, v2  }
0x251: {  	v44 =	vmax.f32 v40, v2;
	v36 =	vmin.f32 v9, v7;
	v7 =	vmax.f32 v9, v7  }
0x252: {  	v5 =	vmin.f32 v8, v39;
	v8 =	vmax.f32 v8, v39;
	v43 =	vmin.f32 v4, v42  }
0x253: {  	v45 =	vmax.f32 v4, v42;
	v47 =	vmin.f32 v44, v1;
	v38 =	vmax.f32 v52, v36  }
0x254: {  	v41 =	vmin.f32 v7, v5;
	v5 =	vmax.f32 v7, v5;
	v4 =	vmin.f32 v8, v43  }
0x255: {  	v8 =	vmax.f32 v8, v43;
	v7 =	vmax.f32 v38, v41;
	v46 =	vmin.f32 v5, v4  }
0x256: {  	v4 =	vmax.f32 v5, v4;
	v5 =	vmax.f32 v7, v46;
	v7 =	vmin.f32 v45, v47  }
0x257: {  	v48 =	vmax.f32 v44, v1;
	v49 =	vmax.f32 v45, v47;
	v50 =	vmin.f32 v8, v7  }
0x258: {  	v51 =	vmin.f32 v48, v0;
	v7 =	vmax.f32 v8, v7;
	v8 =	vmin.f32 v4, v50  }
0x259: {  	v3 =	vmax.f32 v4, v50;
	v4 =	vmax.f32 v5, v8;
	v5 =	vmin.f32 v49, v51  }
0x25a: {  	v52 =	vmax.f32 v48, v0;
	v53 =	vmax.f32 v49, v51;
	v54 =	vmin.f32 v7, v5  }
0x25b: {  	v8 =	vmin.f32 v52, v63;
	v5 =	vmax.f32 v7, v5;
	v7 =	vmin.f32 v3, v54  }
0x25c: {  	v0 =	vmax.f32 v52, v63;
	v55 =	vmax.f32 v4, v7;
	v4 =	vmin.f32 v53, v8  }
0x25d: {  	v1 =	vmax.f32 v53, v8;
	v2 =	vmax.f32 v3, v54;
	v7 =	vmin.f32 v5, v4  }
0x25e: {  	v8 =	vmin.f32 v0, v62;
	v4 =	vmax.f32 v5, v4;
	v5 =	vmin.f32 v2, v7  }
0x25f: {  	v0 =	vmax.f32 v0, v62;
	v3 =	vmax.f32 v55, v5;
	v5 =	vmin.f32 v1, v8  }
0x260: {  	v2 =	vmax.f32 v2, v7;
	v1 =	vmax.f32 v1, v8;
	v7 =	vmin.f32 v4, v5  }
0x261: {  	v8 =	vmin.f32 v0, v61;
	v4 =	vmax.f32 v4, v5;
	v5 =	vmin.f32 v2, v7  }
0x262: {  	v0 =	vmax.f32 v0, v61;
	v3 =	vmax.f32 v3, v5;
	v5 =	vmin.f32 v1, v8  }
0x263: {  	v2 =	vmax.f32 v2, v7;
	v1 =	vmax.f32 v1, v8;
	v7 =	vmin.f32 v4, v5  }
0x264: {  	v8 =	vmin.f32 v0, v60;
	v4 =	vmax.f32 v4, v5;
	v5 =	vmin.f32 v2, v7  }
0x265: {  	v56 =	vld [tilespmem:$0x1FBD0];
	v0 =	vmax.f32 v0, v60;
	v3 =	vmax.f32 v3, v5;
	v5 =	vmin.f32 v1, v8  }
0x266: {  	v2 =	vmax.f32 v2, v7;
	v1 =	vmax.f32 v1, v8;
	v7 =	vmin.f32 v4, v5  }
0x267: {  	v8 =	vmin.f32 v0, v59;
	v4 =	vmax.f32 v4, v5;
	v5 =	vmin.f32 v2, v7  }
0x268: {  	v57 =	vld [tilespmem:$0x1FBC0];
	v0 =	vmax.f32 v0, v59;
	v3 =	vmax.f32 v3, v5;
	v5 =	vmin.f32 v1, v8  }
0x269: {  	v2 =	vmax.f32 v2, v7;
	v1 =	vmax.f32 v1, v8;
	v7 =	vmin.f32 v4, v5  }
0x26a: {  	v8 =	vmin.f32 v0, v56;
	v4 =	vmax.f32 v4, v5;
	v5 =	vmin.f32 v2, v7  }
0x26b: {  	v0 =	vmax.f32 v0, v56;
	v3 =	vmax.f32 v3, v5;
	v5 =	vmin.f32 v1, v8  }
0x26c: {  	v2 =	vmax.f32 v2, v7;
	v1 =	vmax.f32 v1, v8;
	v7 =	vmin.f32 v4, v5  }
0x26d: {  	v8 =	vmin.f32 v0, v57;
	v4 =	vmax.f32 v4, v5;
	v5 =	vmin.f32 v2, v7  }
0x26e: {  	v0 =	vmax.f32 v0, v57;
	v3 =	vmax.f32 v3, v5;
	v5 =	vmin.f32 v1, v8  }
0x26f: {  	v1 =	vmax.f32 v1, v8;
	v8 =	vmin.f32 v0, v58;
	v0 =	vmax.f32 v0, v58;
	v58 =	vld [tilespmem:$0x1FC00]  }
0x270: {  	v2 =	vmax.f32 v2, v7;
	v7 =	vmin.f32 v4, v5  }
0x271: {  	v4 =	vmax.f32 v4, v5;
	v5 =	vmin.f32 v2, v7  }
0x272: {  	v59 =	vld [tilespmem:$0x1FC20];
	v3 =	vmax.f32 v3, v5;
	v5 =	vmin.f32 v1, v8  }
0x273: {  	v2 =	vmax.f32 v2, v7;
	v1 =	vmax.f32 v1, v8;
	v7 =	vmin.f32 v4, v5  }
0x274: {  	v4 =	vmax.f32 v4, v5;
	v5 =	vmin.f32 v2, v7;
	v8 =	vmin.f32 v0, v58  }
0x275: {  	v2 =	vmax.f32 v2, v7;
	v3 =	vmax.f32 v3, v5;
	v5 =	vmin.f32 v1, v8  }
0x276: {  	v0 =	vmax.f32 v0, v58;
	v1 =	vmax.f32 v1, v8;
	v7 =	vmin.f32 v4, v5  }
0x277: {  	v8 =	vmin.f32 v0, v59;
	v4 =	vmax.f32 v4, v5;
	v5 =	vmin.f32 v2, v7  }
0x278: {  	v3 =	vmax.f32 v3, v5;
	v5 =	vmin.f32 v1, v8;
	v1 =	vmax.f32 v1, v8;
	v8 =	vld [tilespmem:$0x1FC10];
	_ =	sdelay $0x3  }
0x279: {  	v0 =	vmax.f32 v0, v59;
	v2 =	vmax.f32 v2, v7;
	v7 =	vmax.f32 v4, v5  }
0x27a: {  	v4 =	vmin.f32 v4, v5;
	v5 =	vmax.f32 v0, v8;
	v0 =	vmin.f32 v0, v8  }
0x27b: {  	v61 =	vmin.f32 v2, v4;
	v60 =	vmax.f32 v1, v0;
	v0 =	vmin.f32 v1, v0;
	[tilespmem:$0x9000] =	vst v5  }
0x27c: {  	v8 =	vmax.f32 v2, v4;
	v62 =	vmax.f32 v7, v0;
	v0 =	vmin.f32 v7, v0;
	[tilespmem:$0x9080] =	vst v60  }
0x27d: {  	v1 =	vmax.f32 v3, v61;
	v63 =	vmax.f32 v8, v0;
	v0 =	vmin.f32 v8, v0;
	[tilespmem:$0x9100] =	vst v62  }
0x27e: {  	v52 =	vmax.f32 v1, v0;
	[tilespmem:$0x9180] =	vst v63  }
0x27f: {  	[tilespmem:$0x9200] =	vst v52  }
.LBB2_17:
0x280: {  	v0 =	vmpcnt.ones.xlane vm2;
	_ =	sdelay $0x1  }
0x281: {  	(v2sf) =	vpush v0, $0x0;
	_ =	sdelay $0xe  }
0x282: {  	s20 =	spop (v2sf)  }
0x283: {  	p0 =	slt.s32 s20, $0x1  }
.Ltmp16:
0x284: {  	_ = 	snop;
	(pc) =	sbr.rel @p0 .LBB2_19-.Ltmp16, $1  }
0x285: {  	_ =	sdelay $0x3  }
0x286: {  	v2 =	vld [tilespmem:$0x1F980];
	_ =	sdelay $0x2  }
0x287: {  	v5 =	vld [tilespmem:$0x1F990];
	_ =	sdelay $0x1  }
0x288: {  	v0 =	vld [tilespmem:$0x9000]  }
0x289: {  	v9 =	vld [tilespmem:$0x1F9A0]  }
0x28a: {  	v1 =	vld [tilespmem:$0x9080]  }
0x28b: {  	v2 =	vld.idx.msk [tilespmem:v2+s3+$0x0], $0xffff  }
0x28c: {  	v3 =	vld [tilespmem:$0x9100]  }
0x28d: {  	v4 =	vld [tilespmem:$0x9180]  }
0x28e: {  	v5 =	vld.idx.msk [tilespmem:v5+s3+$0x0], $0xffff;
	_ =	sdelay $0x1  }
0x28f: {  	v7 =	vmin.f32 v0, v2  }
0x290: {  	v9 =	vld.idx.msk [tilespmem:v9+s3+$0x0], $0xffff;
	v8 =	vmin.f32 v1, v7  }
0x291: {  	v0 =	vmax.f32 v0, v2;
	v1 =	vmax.f32 v1, v7;
	v42 =	vmin.f32 v3, v8  }
0x292: {  	v3 =	vmax.f32 v3, v8;
	v8 =	vmin.f32 v0, v5;
	v7 =	vmin.f32 v4, v42  }
0x293: {  	v10 =	vld [tilespmem:$0x1F9B0];
	v2 =	vmax.f32 v4, v42;
	v4 =	vmax.f32 v52, v7;
	v7 =	vmin.f32 v1, v8  }
0x294: {  	v0 =	vmax.f32 v0, v5;
	v1 =	vmax.f32 v1, v8;
	v5 =	vmin.f32 v3, v7  }
0x295: {  	v8 =	vmin.f32 v0, v9;
	v3 =	vmax.f32 v3, v7;
	v7 =	vmin.f32 v2, v5  }
0x296: {  	v2 =	vmax.f32 v2, v5;
	v5 =	vmin.f32 v1, v8;
	v4 =	vmax.f32 v4, v7;
	v7 =	vld [tilespmem:$0x1F9C0]  }
0x297: {  	v1 =	vmax.f32 v1, v8;
	v8 =	vmin.f32 v3, v5  }
0x298: {  	v3 =	vmax.f32 v3, v5;
	v5 =	vmin.f32 v2, v8;
	v2 =	vmax.f32 v2, v8;
	v8 =	vld [tilespmem:$0x1F9D0];
	_ =	sdelay $0x2  }
0x299: {  	v10 =	vld.idx.msk [tilespmem:v10+s3+$0x0], $0xffff;
	_ =	sdelay $0x2  }
0x29a: {  	v7 =	vld.idx.msk [tilespmem:v7+s3+$0x0], $0xffff  }
0x29b: {  	v0 =	vmax.f32 v0, v9  }
0x29c: {  	v9 =	vmin.f32 v0, v10;
	v8 =	vld.idx.msk [tilespmem:v8+s3+$0x0], $0xffff  }
0x29d: {  	v0 =	vmax.f32 v0, v10;
	v4 =	vmax.f32 v4, v5;
	v5 =	vmin.f32 v1, v9  }
0x29e: {  	v1 =	vmax.f32 v1, v9;
	v43 =	vmin.f32 v3, v5;
	v3 =	vmax.f32 v3, v5  }
0x29f: {  	v44 =	vld [tilespmem:$0x1F9E0];
	v5 =	vmin.f32 v2, v43;
	v2 =	vmax.f32 v2, v43;
	v10 =	vmin.f32 v0, v7  }
0x2a0: {  	v4 =	vmax.f32 v4, v5;
	v0 =	vmax.f32 v0, v7;
	v5 =	vmin.f32 v1, v10  }
0x2a1: {  	v1 =	vmax.f32 v1, v10;
	v45 =	vmin.f32 v0, v8;
	v7 =	vmin.f32 v3, v5  }
0x2a2: {  	v3 =	vmax.f32 v3, v5;
	v5 =	vmin.f32 v2, v7;
	v2 =	vmax.f32 v2, v7;
	v7 =	vld [tilespmem:$0x1F9F0]  }
0x2a3: {  	v4 =	vmax.f32 v4, v5;
	v5 =	vmin.f32 v1, v45  }
0x2a4: {  	v0 =	vmax.f32 v0, v8;
	v8 =	vmin.f32 v3, v5  }
0x2a5: {  	v3 =	vmax.f32 v3, v5;
	v5 =	vmin.f32 v2, v8;
	v2 =	vmax.f32 v2, v8;
	v8 =	vld [tilespmem:$0x1FA00];
	_ =	sdelay $0x1  }
0x2a6: {  	v9 =	vld.idx.msk [tilespmem:v44+s3+$0x0], $0xffff;
	_ =	sdelay $0x2  }
0x2a7: {  	v7 =	vld.idx.msk [tilespmem:v7+s3+$0x0], $0xffff;
	_ =	sdelay $0x1  }
0x2a8: {  	v46 =	vmin.f32 v0, v9;
	v1 =	vmax.f32 v1, v45  }
0x2a9: {  	v0 =	vmax.f32 v0, v9;
	v4 =	vmax.f32 v4, v5;
	v5 =	vmin.f32 v1, v46;
	v8 =	vld.idx.msk [tilespmem:v8+s3+$0x0], $0xffff  }
0x2aa: {  	v1 =	vmax.f32 v1, v46;
	v47 =	vmin.f32 v3, v5;
	v3 =	vmax.f32 v3, v5  }
0x2ab: {  	v49 =	vld [tilespmem:$0x1FA10];
	v5 =	vmin.f32 v2, v47;
	v2 =	vmax.f32 v2, v47;
	v48 =	vmin.f32 v0, v7  }
0x2ac: {  	v4 =	vmax.f32 v4, v5;
	v0 =	vmax.f32 v0, v7;
	v5 =	vmin.f32 v1, v48  }
0x2ad: {  	v1 =	vmax.f32 v1, v48;
	v7 =	vmin.f32 v3, v5;
	v3 =	vmax.f32 v3, v5  }
0x2ae: {  	v5 =	vmin.f32 v2, v7;
	v50 =	vmin.f32 v0, v8;
	v2 =	vmax.f32 v2, v7;
	v7 =	vld [tilespmem:$0x1FA20]  }
0x2af: {  	v4 =	vmax.f32 v4, v5;
	v5 =	vmin.f32 v1, v50  }
0x2b0: {  	v0 =	vmax.f32 v0, v8;
	v8 =	vmin.f32 v3, v5  }
0x2b1: {  	v3 =	vmax.f32 v3, v5;
	v5 =	vmin.f32 v2, v8;
	v2 =	vmax.f32 v2, v8;
	v8 =	vld [tilespmem:$0x1FA30];
	_ =	sdelay $0x1  }
0x2b2: {  	v9 =	vld.idx.msk [tilespmem:v49+s3+$0x0], $0xffff;
	_ =	sdelay $0x2  }
0x2b3: {  	v7 =	vld.idx.msk [tilespmem:v7+s3+$0x0], $0xffff;
	_ =	sdelay $0x1  }
0x2b4: {  	v1 =	vmax.f32 v1, v50;
	v51 =	vmin.f32 v0, v9  }
0x2b5: {  	v0 =	vmax.f32 v0, v9;
	v4 =	vmax.f32 v4, v5;
	v5 =	vmin.f32 v1, v51;
	v8 =	vld.idx.msk [tilespmem:v8+s3+$0x0], $0xffff  }
0x2b6: {  	v1 =	vmax.f32 v1, v51;
	v52 =	vmin.f32 v3, v5;
	v3 =	vmax.f32 v3, v5  }
0x2b7: {  	v54 =	vld [tilespmem:$0x1FA40];
	v5 =	vmin.f32 v2, v52;
	v2 =	vmax.f32 v2, v52;
	v53 =	vmin.f32 v0, v7  }
0x2b8: {  	v4 =	vmax.f32 v4, v5;
	v0 =	vmax.f32 v0, v7;
	v5 =	vmin.f32 v1, v53  }
0x2b9: {  	v1 =	vmax.f32 v1, v53;
	v7 =	vmin.f32 v3, v5;
	v3 =	vmax.f32 v3, v5  }
0x2ba: {  	v5 =	vmin.f32 v2, v7;
	v55 =	vmin.f32 v0, v8;
	v2 =	vmax.f32 v2, v7;
	v7 =	vld [tilespmem:$0x1FA50]  }
0x2bb: {  	v4 =	vmax.f32 v4, v5;
	v5 =	vmin.f32 v1, v55  }
0x2bc: {  	v0 =	vmax.f32 v0, v8;
	v8 =	vmin.f32 v3, v5  }
0x2bd: {  	v3 =	vmax.f32 v3, v5;
	v5 =	vmin.f32 v2, v8;
	v2 =	vmax.f32 v2, v8;
	v8 =	vld [tilespmem:$0x1FA60];
	_ =	sdelay $0x1  }
0x2be: {  	v9 =	vld.idx.msk [tilespmem:v54+s3+$0x0], $0xffff  }
0x2bf: {  	v59 =	vld [tilespmem:$0x1FA70];
	_ =	sdelay $0x1  }
0x2c0: {  	v7 =	vld.idx.msk [tilespmem:v7+s3+$0x0], $0xffff;
	_ =	sdelay $0x1  }
0x2c1: {  	v1 =	vmax.f32 v1, v55;
	v56 =	vmin.f32 v0, v9  }
0x2c2: {  	v4 =	vmax.f32 v4, v5;
	v5 =	vmin.f32 v1, v56;
	v8 =	vld.idx.msk [tilespmem:v8+s3+$0x0], $0xffff  }
0x2c3: {  	v0 =	vmax.f32 v0, v9;
	v1 =	vmax.f32 v1, v56;
	v57 =	vmin.f32 v3, v5  }
0x2c4: {  	v3 =	vmax.f32 v3, v5;
	v5 =	vmin.f32 v2, v57;
	v58 =	vmin.f32 v0, v7  }
0x2c5: {  	v9 =	vld.idx.msk [tilespmem:v59+s3+$0x0], $0xffff;
	v2 =	vmax.f32 v2, v57;
	v4 =	vmax.f32 v4, v5;
	v5 =	vmin.f32 v1, v58  }
0x2c6: {  	v0 =	vmax.f32 v0, v7;
	v1 =	vmax.f32 v1, v58;
	v7 =	vmin.f32 v3, v5  }
0x2c7: {  	v3 =	vmax.f32 v3, v5;
	v5 =	vmin.f32 v2, v7;
	v60 =	vmin.f32 v0, v8  }
0x2c8: {  	v2 =	vmax.f32 v2, v7;
	v4 =	vmax.f32 v4, v5;
	v5 =	vmin.f32 v1, v60  }
0x2c9: {  	v0 =	vmax.f32 v0, v8;
	v1 =	vmax.f32 v1, v60;
	v7 =	vmax.f32 v3, v5  }
0x2ca: {  	v3 =	vmin.f32 v3, v5;
	v5 =	vmax.f32 v0, v9;
	v0 =	vmin.f32 v0, v9  }
0x2cb: {  	v8 =	vmax.f32 v2, v3;
	v9 =	vmax.f32 v1, v0;
	v0 =	vmin.f32 v1, v0;
	[tilespmem:$0x9000] =	vst v5  }
0x2cc: {  	v61 =	vmin.f32 v2, v3;
	v62 =	vmax.f32 v7, v0;
	v0 =	vmin.f32 v7, v0;
	[tilespmem:$0x9080] =	vst v9  }
0x2cd: {  	v1 =	vmax.f32 v4, v61;
	v63 =	vmax.f32 v8, v0;
	v0 =	vmin.f32 v8, v0;
	[tilespmem:$0x9100] =	vst v62  }
0x2ce: {  	v52 =	vmax.f32 v1, v0;
	[tilespmem:$0x9180] =	vst v63  }
0x2cf: {  	[tilespmem:$0x9200] =	vst v52  }
.LBB2_19:
0x2d0: {  	v0 =	vmpcnt.ones.xlane vm1;
	_ =	sdelay $0x1  }
0x2d1: {  	(v2sf) =	vpush v0, $0x0;
	_ =	sdelay $0xe  }
0x2d2: {  	s20 =	spop (v2sf)  }
0x2d3: {  	p0 =	slt.s32 s20, $0x1  }
.Ltmp17:
0x2d4: {  	_ = 	snop;
	(pc) =	sbr.rel @p0 .LBB2_21-.Ltmp17, $1  }
0x2d5: {  	_ =	sdelay $0x3  }
0x2d6: {  	v2 =	vld [tilespmem:$0x1FA80];
	_ =	sdelay $0x2  }
0x2d7: {  	v5 =	vld [tilespmem:$0x1FA90];
	_ =	sdelay $0x1  }
0x2d8: {  	v0 =	vld [tilespmem:$0x9000]  }
0x2d9: {  	v9 =	vld [tilespmem:$0x1FAA0]  }
0x2da: {  	v1 =	vld [tilespmem:$0x9080]  }
0x2db: {  	v2 =	vld.idx.msk [tilespmem:v2+s3+$0x0], $0xffff  }
0x2dc: {  	v3 =	vld [tilespmem:$0x9100]  }
0x2dd: {  	v4 =	vld [tilespmem:$0x9180]  }
0x2de: {  	v5 =	vld.idx.msk [tilespmem:v5+s3+$0x0], $0xffff;
	_ =	sdelay $0x1  }
0x2df: {  	v7 =	vmin.f32 v0, v2  }
0x2e0: {  	v9 =	vld.idx.msk [tilespmem:v9+s3+$0x0], $0xffff;
	v8 =	vmin.f32 v1, v7  }
0x2e1: {  	v0 =	vmax.f32 v0, v2;
	v1 =	vmax.f32 v1, v7;
	v42 =	vmin.f32 v3, v8  }
0x2e2: {  	v3 =	vmax.f32 v3, v8;
	v8 =	vmin.f32 v0, v5;
	v7 =	vmin.f32 v4, v42  }
0x2e3: {  	v10 =	vld [tilespmem:$0x1FAB0];
	v2 =	vmax.f32 v4, v42;
	v4 =	vmax.f32 v52, v7;
	v7 =	vmin.f32 v1, v8  }
0x2e4: {  	v0 =	vmax.f32 v0, v5;
	v1 =	vmax.f32 v1, v8;
	v5 =	vmin.f32 v3, v7  }
0x2e5: {  	v8 =	vmin.f32 v0, v9;
	v3 =	vmax.f32 v3, v7;
	v7 =	vmin.f32 v2, v5  }
0x2e6: {  	v2 =	vmax.f32 v2, v5;
	v5 =	vmin.f32 v1, v8;
	v4 =	vmax.f32 v4, v7;
	v7 =	vld [tilespmem:$0x1FAC0]  }
0x2e7: {  	v1 =	vmax.f32 v1, v8;
	v8 =	vmin.f32 v3, v5  }
0x2e8: {  	v3 =	vmax.f32 v3, v5;
	v5 =	vmin.f32 v2, v8;
	v2 =	vmax.f32 v2, v8;
	v8 =	vld [tilespmem:$0x1FAD0];
	_ =	sdelay $0x2  }
0x2e9: {  	v10 =	vld.idx.msk [tilespmem:v10+s3+$0x0], $0xffff;
	_ =	sdelay $0x2  }
0x2ea: {  	v7 =	vld.idx.msk [tilespmem:v7+s3+$0x0], $0xffff  }
0x2eb: {  	v0 =	vmax.f32 v0, v9  }
0x2ec: {  	v9 =	vmin.f32 v0, v10;
	v8 =	vld.idx.msk [tilespmem:v8+s3+$0x0], $0xffff  }
0x2ed: {  	v0 =	vmax.f32 v0, v10;
	v4 =	vmax.f32 v4, v5;
	v5 =	vmin.f32 v1, v9  }
0x2ee: {  	v1 =	vmax.f32 v1, v9;
	v43 =	vmin.f32 v3, v5;
	v3 =	vmax.f32 v3, v5  }
0x2ef: {  	v44 =	vld [tilespmem:$0x1FAE0];
	v5 =	vmin.f32 v2, v43;
	v2 =	vmax.f32 v2, v43;
	v10 =	vmin.f32 v0, v7  }
0x2f0: {  	v4 =	vmax.f32 v4, v5;
	v0 =	vmax.f32 v0, v7;
	v5 =	vmin.f32 v1, v10  }
0x2f1: {  	v1 =	vmax.f32 v1, v10;
	v45 =	vmin.f32 v0, v8;
	v7 =	vmin.f32 v3, v5  }
0x2f2: {  	v3 =	vmax.f32 v3, v5;
	v5 =	vmin.f32 v2, v7;
	v2 =	vmax.f32 v2, v7;
	v7 =	vld [tilespmem:$0x1FAF0]  }
0x2f3: {  	v4 =	vmax.f32 v4, v5;
	v5 =	vmin.f32 v1, v45  }
0x2f4: {  	v0 =	vmax.f32 v0, v8;
	v8 =	vmin.f32 v3, v5  }
0x2f5: {  	v3 =	vmax.f32 v3, v5;
	v5 =	vmin.f32 v2, v8;
	v2 =	vmax.f32 v2, v8;
	v8 =	vld [tilespmem:$0x1FB00];
	_ =	sdelay $0x1  }
0x2f6: {  	v9 =	vld.idx.msk [tilespmem:v44+s3+$0x0], $0xffff;
	_ =	sdelay $0x2  }
0x2f7: {  	v7 =	vld.idx.msk [tilespmem:v7+s3+$0x0], $0xffff;
	_ =	sdelay $0x1  }
0x2f8: {  	v46 =	vmin.f32 v0, v9;
	v1 =	vmax.f32 v1, v45  }
0x2f9: {  	v0 =	vmax.f32 v0, v9;
	v4 =	vmax.f32 v4, v5;
	v5 =	vmin.f32 v1, v46;
	v8 =	vld.idx.msk [tilespmem:v8+s3+$0x0], $0xffff  }
0x2fa: {  	v1 =	vmax.f32 v1, v46;
	v47 =	vmin.f32 v3, v5;
	v3 =	vmax.f32 v3, v5  }
0x2fb: {  	v49 =	vld [tilespmem:$0x1FB10];
	v5 =	vmin.f32 v2, v47;
	v2 =	vmax.f32 v2, v47;
	v48 =	vmin.f32 v0, v7  }
0x2fc: {  	v4 =	vmax.f32 v4, v5;
	v0 =	vmax.f32 v0, v7;
	v5 =	vmin.f32 v1, v48  }
0x2fd: {  	v1 =	vmax.f32 v1, v48;
	v7 =	vmin.f32 v3, v5;
	v3 =	vmax.f32 v3, v5  }
0x2fe: {  	v5 =	vmin.f32 v2, v7;
	v50 =	vmin.f32 v0, v8;
	v2 =	vmax.f32 v2, v7;
	v7 =	vld [tilespmem:$0x1FB20]  }
0x2ff: {  	v4 =	vmax.f32 v4, v5;
	v5 =	vmin.f32 v1, v50  }
0x300: {  	v0 =	vmax.f32 v0, v8;
	v8 =	vmin.f32 v3, v5  }
0x301: {  	v3 =	vmax.f32 v3, v5;
	v5 =	vmin.f32 v2, v8;
	v2 =	vmax.f32 v2, v8;
	v8 =	vld [tilespmem:$0x1FB30];
	_ =	sdelay $0x1  }
0x302: {  	v9 =	vld.idx.msk [tilespmem:v49+s3+$0x0], $0xffff;
	_ =	sdelay $0x2  }
0x303: {  	v7 =	vld.idx.msk [tilespmem:v7+s3+$0x0], $0xffff;
	_ =	sdelay $0x1  }
0x304: {  	v1 =	vmax.f32 v1, v50;
	v51 =	vmin.f32 v0, v9  }
0x305: {  	v0 =	vmax.f32 v0, v9;
	v4 =	vmax.f32 v4, v5;
	v5 =	vmin.f32 v1, v51;
	v8 =	vld.idx.msk [tilespmem:v8+s3+$0x0], $0xffff  }
0x306: {  	v1 =	vmax.f32 v1, v51;
	v52 =	vmin.f32 v3, v5;
	v3 =	vmax.f32 v3, v5  }
0x307: {  	v54 =	vld [tilespmem:$0x1FB40];
	v5 =	vmin.f32 v2, v52;
	v2 =	vmax.f32 v2, v52;
	v53 =	vmin.f32 v0, v7  }
0x308: {  	v4 =	vmax.f32 v4, v5;
	v0 =	vmax.f32 v0, v7;
	v5 =	vmin.f32 v1, v53  }
0x309: {  	v1 =	vmax.f32 v1, v53;
	v7 =	vmin.f32 v3, v5;
	v3 =	vmax.f32 v3, v5  }
0x30a: {  	v5 =	vmin.f32 v2, v7;
	v55 =	vmin.f32 v0, v8;
	v2 =	vmax.f32 v2, v7;
	v7 =	vld [tilespmem:$0x1FB50]  }
0x30b: {  	v4 =	vmax.f32 v4, v5;
	v5 =	vmin.f32 v1, v55  }
0x30c: {  	v0 =	vmax.f32 v0, v8;
	v8 =	vmin.f32 v3, v5  }
0x30d: {  	v3 =	vmax.f32 v3, v5;
	v5 =	vmin.f32 v2, v8;
	v2 =	vmax.f32 v2, v8;
	v8 =	vld [tilespmem:$0x1FB60];
	_ =	sdelay $0x1  }
0x30e: {  	v9 =	vld.idx.msk [tilespmem:v54+s3+$0x0], $0xffff  }
0x30f: {  	v59 =	vld [tilespmem:$0x1FB70];
	_ =	sdelay $0x1  }
0x310: {  	v7 =	vld.idx.msk [tilespmem:v7+s3+$0x0], $0xffff;
	_ =	sdelay $0x1  }
0x311: {  	v1 =	vmax.f32 v1, v55;
	v56 =	vmin.f32 v0, v9  }
0x312: {  	v4 =	vmax.f32 v4, v5;
	v5 =	vmin.f32 v1, v56;
	v8 =	vld.idx.msk [tilespmem:v8+s3+$0x0], $0xffff  }
0x313: {  	v0 =	vmax.f32 v0, v9;
	v1 =	vmax.f32 v1, v56;
	v57 =	vmin.f32 v3, v5  }
0x314: {  	v3 =	vmax.f32 v3, v5;
	v5 =	vmin.f32 v2, v57;
	v58 =	vmin.f32 v0, v7  }
0x315: {  	v9 =	vld.idx.msk [tilespmem:v59+s3+$0x0], $0xffff;
	v2 =	vmax.f32 v2, v57;
	v4 =	vmax.f32 v4, v5;
	v5 =	vmin.f32 v1, v58  }
0x316: {  	v0 =	vmax.f32 v0, v7;
	v1 =	vmax.f32 v1, v58;
	v7 =	vmin.f32 v3, v5  }
0x317: {  	v3 =	vmax.f32 v3, v5;
	v5 =	vmin.f32 v2, v7;
	v60 =	vmin.f32 v0, v8  }
0x318: {  	v2 =	vmax.f32 v2, v7;
	v4 =	vmax.f32 v4, v5;
	v5 =	vmin.f32 v1, v60  }
0x319: {  	v0 =	vmax.f32 v0, v8;
	v1 =	vmax.f32 v1, v60;
	v7 =	vmax.f32 v3, v5  }
0x31a: {  	v3 =	vmin.f32 v3, v5;
	v5 =	vmax.f32 v0, v9;
	v0 =	vmin.f32 v0, v9  }
0x31b: {  	v8 =	vmax.f32 v2, v3;
	v9 =	vmax.f32 v1, v0;
	v0 =	vmin.f32 v1, v0;
	[tilespmem:$0x9000] =	vst v5  }
0x31c: {  	v61 =	vmin.f32 v2, v3;
	v62 =	vmax.f32 v7, v0;
	v0 =	vmin.f32 v7, v0;
	[tilespmem:$0x9080] =	vst v9  }
0x31d: {  	v1 =	vmax.f32 v4, v61;
	v63 =	vmax.f32 v8, v0;
	v0 =	vmin.f32 v8, v0;
	[tilespmem:$0x9100] =	vst v62  }
0x31e: {  	v52 =	vmax.f32 v1, v0;
	[tilespmem:$0x9180] =	vst v63  }
0x31f: {  	[tilespmem:$0x9200] =	vst v52  }
.LBB2_21:
0x320: {  	v0 =	vmpcnt.ones.xlane vm0;
	_ =	sdelay $0x1  }
0x321: {  	(v2sf) =	vpush v0, $0x0;
	_ =	sdelay $0xe  }
0x322: {  	s20 =	spop (v2sf)  }
0x323: {  	p0 =	slt.s32 s20, $0x1  }
.Ltmp18:
0x324: {  	_ = 	snop;
	(pc) =	sbr.rel @p0 .LBB2_23-.Ltmp18, $1  }
0x325: {  	_ =	sdelay $0x3  }
0x326: {  	v2 =	vld [tilespmem:$0x1FB80]  }
0x327: {  	v5 =	vld [tilespmem:$0x1FB90]  }
0x328: {  	v0 =	vld [tilespmem:$0x9000]  }
0x329: {  	v9 =	vld [tilespmem:$0x1FBA0]  }
0x32a: {  	v1 =	vld [tilespmem:$0x9080]  }
0x32b: {  	v10 =	vld [tilespmem:$0x1FBB0]  }
0x32c: {  	v3 =	vld [tilespmem:$0x9100]  }
0x32d: {  	v4 =	vld [tilespmem:$0x9180]  }
0x32e: {  	v2 =	vld.idx.msk [tilespmem:v2+s3+$0x0], $0xffff  }
0x32f: {  	v5 =	vld.idx.msk [tilespmem:v5+s3+$0x0], $0xffff  }
0x330: {  	v53 =	vld [tilespmem:$0x1FBE0]  }
0x331: {  	v9 =	vld.idx.msk [tilespmem:v9+s3+$0x0], $0xffff  }
0x332: {  	v57 =	vld [tilespmem:$0x1FBF0]  }
0x333: {  	v10 =	vld.idx.msk [tilespmem:v10+s3+$0x0], $0xffff;
	v7 =	vmin.f32 v0, v2;
	v0 =	vmax.f32 v0, v2  }
0x334: {  	v8 =	vmin.f32 v1, v7;
	v1 =	vmax.f32 v1, v7;
	v46 =	vmin.f32 v0, v5  }
0x335: {  	v0 =	vmax.f32 v0, v5;
	v44 =	vmin.f32 v3, v8;
	v3 =	vmax.f32 v3, v8  }
0x336: {  	v48 =	vmin.f32 v1, v46;
	v1 =	vmax.f32 v1, v46;
	v51 =	vmin.f32 v0, v9  }
0x337: {  	v61 =	vld [tilespmem:$0x1FC30];
	v0 =	vmax.f32 v0, v9;
	v45 =	vmin.f32 v4, v44;
	v2 =	vmax.f32 v4, v44  }
0x338: {  	v14 =	vld [tilespmem:$0x1FC40];
	v49 =	vmin.f32 v3, v48;
	v3 =	vmax.f32 v3, v48;
	v9 =	vmin.f32 v0, v10  }
0x339: {  	v7 =	vld.idx.msk [tilespmem:v53+s3+$0x0], $0xffff;
	v0 =	vmax.f32 v0, v10;
	v47 =	vmax.f32 v52, v45;
	v50 =	vmin.f32 v2, v49  }
0x33a: {  	v19 =	vld [tilespmem:$0x1FC50];
	v2 =	vmax.f32 v2, v49;
	v52 =	vmin.f32 v1, v51;
	v1 =	vmax.f32 v1, v51  }
0x33b: {  	v8 =	vld.idx.msk [tilespmem:v57+s3+$0x0], $0xffff;
	v4 =	vmax.f32 v47, v50;
	v54 =	vmin.f32 v3, v52;
	v3 =	vmax.f32 v3, v52  }
0x33c: {  	v56 =	vmin.f32 v1, v9;
	v1 =	vmax.f32 v1, v9;
	v55 =	vmin.f32 v2, v54  }
0x33d: {  	v2 =	vmax.f32 v2, v54;
	v58 =	vmin.f32 v3, v56;
	v3 =	vmax.f32 v3, v56  }
0x33e: {  	v10 =	vmin.f32 v0, v7;
	v0 =	vmax.f32 v0, v7;
	v4 =	vmax.f32 v4, v55  }
0x33f: {  	v9 =	vld.idx.msk [tilespmem:v61+s3+$0x0], $0xffff;
	v59 =	vmin.f32 v2, v58;
	v2 =	vmax.f32 v2, v58;
	v60 =	vmin.f32 v1, v10  }
0x340: {  	v26 =	vld [tilespmem:$0x1FC60];
	v1 =	vmax.f32 v1, v10;
	v12 =	vmin.f32 v0, v8;
	v0 =	vmax.f32 v0, v8  }
0x341: {  	v7 =	vld.idx.msk [tilespmem:v14+s3+$0x0], $0xffff;
	v4 =	vmax.f32 v4, v59;
	v62 =	vmin.f32 v3, v60;
	v3 =	vmax.f32 v3, v60  }
0x342: {  	v31 =	vld [tilespmem:$0x1FC70];
	v13 =	vmin.f32 v1, v12;
	v1 =	vmax.f32 v1, v12;
	v63 =	vmin.f32 v2, v62  }
0x343: {  	v8 =	vld.idx.msk [tilespmem:v19+s3+$0x0], $0xffff;
	v2 =	vmax.f32 v2, v62;
	v15 =	vmin.f32 v3, v13;
	v3 =	vmax.f32 v3, v13  }
0x344: {  	v36 =	vld [tilespmem:$0x1FC80];
	v4 =	vmax.f32 v4, v63;
	v16 =	vmin.f32 v2, v15;
	v17 =	vmin.f32 v0, v9  }
0x345: {  	v2 =	vmax.f32 v2, v15;
	v0 =	vmax.f32 v0, v9;
	v4 =	vmax.f32 v4, v16  }
0x346: {  	v18 =	vmin.f32 v1, v17;
	v1 =	vmax.f32 v1, v17;
	v22 =	vmin.f32 v0, v7  }
0x347: {  	v0 =	vmax.f32 v0, v7;
	v20 =	vmin.f32 v3, v18;
	v3 =	vmax.f32 v3, v18  }
0x348: {  	v9 =	vld.idx.msk [tilespmem:v26+s3+$0x0], $0xffff;
	v23 =	vmin.f32 v1, v22;
	v1 =	vmax.f32 v1, v22;
	v29 =	vmin.f32 v0, v8  }
0x349: {  	v41 =	vld [tilespmem:$0x1FC90];
	v0 =	vmax.f32 v0, v8;
	v21 =	vmin.f32 v2, v20;
	v2 =	vmax.f32 v2, v20  }
0x34a: {  	v7 =	vld.idx.msk [tilespmem:v31+s3+$0x0], $0xffff;
	v27 =	vmin.f32 v3, v23;
	v3 =	vmax.f32 v3, v23;
	v30 =	vmin.f32 v1, v29  }
0x34b: {  	v1 =	vmax.f32 v1, v29;
	v4 =	vmax.f32 v4, v21;
	v28 =	vmin.f32 v2, v27  }
0x34c: {  	v8 =	vld.idx.msk [tilespmem:v36+s3+$0x0], $0xffff;
	v2 =	vmax.f32 v2, v27;
	v32 =	vmin.f32 v3, v30;
	v3 =	vmax.f32 v3, v30  }
0x34d: {  	v4 =	vmax.f32 v4, v28;
	v33 =	vmin.f32 v2, v32;
	v34 =	vmin.f32 v0, v9  }
0x34e: {  	v2 =	vmax.f32 v2, v32;
	v0 =	vmax.f32 v0, v9;
	v4 =	vmax.f32 v4, v33  }
0x34f: {  	v35 =	vmin.f32 v1, v34;
	v1 =	vmax.f32 v1, v34;
	v39 =	vmin.f32 v0, v7  }
0x350: {  	v0 =	vmax.f32 v0, v7;
	v37 =	vmin.f32 v3, v35;
	v3 =	vmax.f32 v3, v35  }
0x351: {  	v9 =	vld.idx.msk [tilespmem:v41+s3+$0x0], $0xffff;
	v40 =	vmin.f32 v1, v39;
	v1 =	vmax.f32 v1, v39;
	v44 =	vmin.f32 v0, v8  }
0x352: {  	v0 =	vmax.f32 v0, v8;
	v38 =	vmin.f32 v2, v37;
	v2 =	vmax.f32 v2, v37  }
0x353: {  	v6 =	vld.idx.msk [tilespmem:v6+s3+$0x0], $0xffff;
	v42 =	vmin.f32 v3, v40;
	v3 =	vmax.f32 v3, v40;
	v45 =	vmin.f32 v1, v44  }
0x354: {  	v1 =	vmax.f32 v1, v44;
	v4 =	vmax.f32 v4, v38;
	v43 =	vmin.f32 v2, v42  }
0x355: {  	v49 =	vld.idx.msk [tilespmem:v24+s3+$0x0], $0xffff;
	v2 =	vmax.f32 v2, v42;
	v46 =	vmin.f32 v3, v45;
	v3 =	vmax.f32 v3, v45  }
0x356: {  	v4 =	vmax.f32 v4, v43;
	v47 =	vmin.f32 v2, v46;
	v8 =	vmin.f32 v0, v9  }
0x357: {  	v2 =	vmax.f32 v2, v46;
	v0 =	vmax.f32 v0, v9;
	v4 =	vmax.f32 v4, v47  }
0x358: {  	v53 =	vld.idx.msk [tilespmem:v25+s3+$0x0], $0xffff;
	v48 =	vmin.f32 v1, v8;
	v1 =	vmax.f32 v1, v8;
	v9 =	vmin.f32 v0, v6  }
0x359: {  	v0 =	vmax.f32 v0, v6;
	v50 =	vmin.f32 v3, v48;
	v3 =	vmax.f32 v3, v48  }
0x35a: {  	v52 =	vmin.f32 v1, v9;
	v1 =	vmax.f32 v1, v9;
	v56 =	vmin.f32 v0, v49  }
0x35b: {  	v0 =	vmax.f32 v0, v49;
	v51 =	vmin.f32 v2, v50;
	v2 =	vmax.f32 v2, v50  }
0x35c: {  	v54 =	vmin.f32 v3, v52;
	v3 =	vmax.f32 v3, v52;
	v57 =	vmin.f32 v1, v56  }
0x35d: {  	v1 =	vmax.f32 v1, v56;
	v59 =	vmax.f32 v0, v53;
	v0 =	vmin.f32 v0, v53  }
0x35e: {  	v4 =	vmax.f32 v4, v51;
	v55 =	vmin.f32 v2, v54;
	v2 =	vmax.f32 v2, v54  }
0x35f: {  	v58 =	vmax.f32 v3, v57;
	v3 =	vmin.f32 v3, v57;
	v8 =	vmax.f32 v1, v0  }
.Ltmp19:
0x360: {  	v0 =	vmin.f32 v1, v0;
	[tilespmem:$0x9000] =	vst v59;
	v4 =	vmax.f32 v4, v55;
	v60 =	vmax.f32 v2, v3;
	(pc) =	sbr.rel .LBB2_23-.Ltmp19, $4  }
0x361: {  	v61 =	vmin.f32 v2, v3;
	v62 =	vmax.f32 v58, v0;
	v0 =	vmin.f32 v58, v0;
	[tilespmem:$0x9080] =	vst v8  }
0x362: {  	v1 =	vmax.f32 v4, v61;
	v63 =	vmax.f32 v60, v0;
	v0 =	vmin.f32 v60, v0;
	[tilespmem:$0x9100] =	vst v62  }
0x363: {  	v52 =	vmax.f32 v1, v0;
	[tilespmem:$0x9180] =	vst v63  }
0x364: {  	[tilespmem:$0x9200] =	vst v52  }
.LBB2_26:
0x365: {  	_ =	sfence.sel $0x180000  }
0x366: {  	[bflag:$0x0] =	sbarrier.arrive $0xFFFF  }
0x367: {  	p0 =	sne.s32 s2, $0x0;
	_ =	strace $0x90000047  }
0x368: {  	s0 =	sadd.s32 @!p0 $0x100000, s1;
	[bflag:$0x2] =	sbarrier.arrive $0xFFFF  }
0x369: {  	[sflag:s0] =	ssyncadd.tile.s32 @!p0 $0x1;
	_ =	shalt  }
.Lfunc_end2:
_tile_overlayer_lowered:
.L_overlay_start_2:
0x36a: {  	(tag) =	ssettag $0x2  }
0x36b: {  	s0 =	rddreg [dreg:$0x0];
	s2 =	stileid.u32  }
0x36c: {  	s1 =	rddreg [dreg:$0x1];
	p0 =	sne.s32 s2, $0x0  }
0x36d: {  	s3 =	rddreg [dreg:$0x2];
	[bflag:$0x3] =	sbarrier.arrive $0xFFFF;
	s2 =	simm.s32 @!p0 $0x1C03  }
0x36e: {  	[timem:s3], [sflag:s2] =	dma.local @!p0 [hbm:s0], s1  }
0x36f: {  	s0 =	simm.s32 @!p0 $0x3  }
0x370: {  	_ =	swait.ge @!p0 [sflag:s0], s1  }
0x371: {  	s1 =	ssub.s32 @!p0 $0x0, s1;
	[sflag:s0] =	ssyncset.done @!p0 $0x0  }
0x372: {  	[sflag:s0] =	ssyncadd.s32 @!p0 s1  }
0x373: {  	[bflag:$0x3] =	sbarrier.arrive $0xFFFF  }
0x374: {  	_ =	shalt  }

</sc_bundles>
